<compile_context>
chip_gen: v7x
topology: tpu7x:2x2x1
jax: 0.10.2.dev20260603
libtpu: 0.0.44.dev20260713+nightly
codegen_flags: <defaults>
</compile_context>

<pallas_src>
import jax
import jax.numpy as jnp
from jax import lax
from jax.experimental import pallas as pl
from jax.experimental.pallas import tpu as pltpu
from jax.experimental.pallas import tpu_sc as plsc

B = 1024
L = 50
CLIP = 256
HIDDEN = 32
PAIRS = L * L
NLANE = 16
NSTEP = 160
PAD_PAIRS = NSTEP * NLANE
NW = 32
B_PER_W = B // NW
LPAD = 64
SENT = 2147483647
CHUNK = 128
NCHUNK = 20
NHALF = 2
HROWS = PAD_PAIRS // NHALF
CPH = NCHUNK // NHALF
HSTEPS = HROWS // NLANE


def _sc_body(ts_hbm, emb_hbm, out_hbm, ts_v, d_v, table_v, pos_v,
             buf0, buf1, sem):
    wid = lax.axis_index("s") * 2 + lax.axis_index("c")
    bufs = (buf0, buf1)
    pltpu.sync_copy(emb_hbm, table_v)
    pltpu.sync_copy(ts_hbm.at[pl.ds(wid * B_PER_W, B_PER_W)], ts_v)

    lanes = lax.iota(jnp.int32, NLANE)
    lv = jnp.full((NLANE,), L, jnp.int32)
    pairsv = jnp.full((NLANE,), PAIRS, jnp.int32)
    lastv = jnp.full((NLANE,), PAIRS - 1, jnp.int32)
    zerov = jnp.full((NLANE,), 0, jnp.int32)
    onev = jnp.full((NLANE,), 1, jnp.int32)
    sentv = jnp.full((NLANE,), SENT, jnp.int32)
    clipv = jnp.full((NLANE,), CLIP, jnp.int32)
    clip1v = jnp.full((NLANE,), CLIP + 1, jnp.int32)
    onefv = jnp.full((NLANE,), 1.0, jnp.float32)

    def pinit(s, _):
        vals = jnp.minimum(lanes + jnp.full((NLANE,), s * NLANE, jnp.int32),
                           lastv)
        pos_v[s // 8, pl.ds((s % 8) * NLANE, NLANE)] = vals
        return jnp.int32(0)

    lax.fori_loop(jnp.int32(0), jnp.int32(NSTEP), pinit, jnp.int32(0))

    def per_b(bi, carry):
        b = wid * B_PER_W + bi
        biv = jnp.full((NLANE,), bi, jnp.int32)

        def p1(s, macc):
            k = lanes + jnp.full((NLANE,), s * NLANE, jnp.int32)
            kc = jnp.minimum(k, lastv)
            i = lax.div(kc, lv)
            j = kc - i * lv
            ti = plsc.load_gather(ts_v, [biv, i])
            tj = plsc.load_gather(ts_v, [biv, j])
            diff = ti - tj
            d = jnp.maximum(diff, zerov - diff)
            q = jnp.where((k < pairsv) & (d != zerov), d, sentv)
            d_v[pl.ds(s * NLANE, NLANE)] = d
            return jnp.minimum(macc, q)

        macc = lax.fori_loop(
            jnp.int32(0), jnp.int32(NSTEP), p1,
            jnp.full((NLANE,), SENT, jnp.int32),
        )
        tmin = jnp.min(macc)
        tminv = jnp.full((NLANE,), tmin, jnp.int32)
        rcpv = onefv / tminv.astype(jnp.float32)

        for h in range(NHALF):
            buf = bufs[h]

            @pl.when(bi > 0)
            def _drain(buf=buf):
                pltpu.make_async_copy(
                    buf, out_hbm.at[b, pl.ds(jnp.int32(0), HROWS)], sem,
                ).wait()

            @plsc.parallel_loop(jnp.int32(0), jnp.int32(HSTEPS),
                                step=jnp.int32(1))
            def p2(t, h=h, buf=buf):
                d = d_v[pl.ds(jnp.int32(h * HROWS) + t * NLANE, NLANE)]
                qi = (d.astype(jnp.float32) * rcpv).astype(jnp.int32)
                qc = jnp.minimum(qi, clip1v)
                qc = qc + jnp.where((qc + onev) * tminv <= d, onev, zerov)
                qc = qc - jnp.where(qc * tminv > d, onev, zerov)
                q = jnp.minimum(qc, clipv)
                base = t * NLANE
                for r in range(NLANE):
                    sidx = q[r]
                    row = base + r
                    buf[row, pl.ds(0, NLANE)] = table_v[sidx, pl.ds(0, NLANE)]
                    buf[row, pl.ds(NLANE, NLANE)] = (
                        table_v[sidx, pl.ds(NLANE, NLANE)])
            for j in range(CPH):
                pltpu.async_copy(
                    buf.at[pl.ds(jnp.int32(j * CHUNK), CHUNK)],
                    out_hbm.at[b].at[pos_v.at[jnp.int32(h * CPH + j)]],
                    sem,
                )
        return carry

    lax.fori_loop(jnp.int32(0), jnp.int32(B_PER_W), per_b, jnp.int32(0))

    for h in range(NHALF):
        pltpu.make_async_copy(
            bufs[h], out_hbm.at[jnp.int32(0), pl.ds(jnp.int32(0), HROWS)],
            sem,
        ).wait()


@jax.jit
def _run(ts_pad, time_emb):
    mesh = plsc.VectorSubcoreMesh(core_axis_name="c", subcore_axis_name="s")
    f = pl.kernel(
        _sc_body,
        out_type=jax.ShapeDtypeStruct((B, PAIRS, HIDDEN), jnp.float32),
        mesh=mesh,
        scratch_types=[
            pltpu.VMEM((B_PER_W, LPAD), jnp.int32),
            pltpu.VMEM((PAD_PAIRS,), jnp.int32),
            pltpu.VMEM((CLIP + 1, HIDDEN), jnp.float32),
            pltpu.VMEM((NCHUNK, CHUNK), jnp.int32),
            pltpu.VMEM((HROWS, HIDDEN), jnp.float32),
            pltpu.VMEM((HROWS, HIDDEN), jnp.float32),
            pltpu.SemaphoreType.DMA,
        ],
        compiler_params=pltpu.CompilerParams(
            needs_layout_passes=False, use_tc_tiling_on_sc=False,
        ),
    )
    return f(ts_pad, time_emb)


def kernel(timestamps, time_emb):
    ts32 = timestamps.astype(jnp.int32)
    ts_pad = jnp.zeros((B, LPAD), jnp.int32).at[:, :L].set(ts32)
    out = _run(ts_pad, time_emb.astype(jnp.float32))
    return out.reshape(B, L, L, HIDDEN)

# --- scband reference (transcript-rebuilt; emitter-appended) ---
"""Pipeline reference for scband-exponential-time-diff-embedding-30262339567984 (READ-ONLY COPY).

The authoritative reference and input builder live on the scoring server;
editing this copy changes nothing except your own understanding.
"""

import jax
jax.config.update('jax_enable_x64', True)
import jax.numpy as jnp
import numpy as np

B = 1024
L = 50
CLIP = 256
HIDDEN = 32


def setup_inputs(seed: int = 0) -> dict:
    key = jax.random.key(seed)
    k1, k2 = jax.random.split(key)
    timestamps = jax.random.randint(k1, (B, L), 0, 1000000, dtype=jnp.int64)
    time_emb = jax.random.normal(k2, (CLIP + 1, HIDDEN), dtype=jnp.float32) * 0.02
    return {"timestamps": timestamps, "time_emb": time_emb}


def reference(timestamps, time_emb):
    t = timestamps
    # pairwise absolute time differences: [B, L, L]
    time_diff = jnp.abs(t[:, :, None] - t[:, None, :])
    # per-example minimum nonzero difference (zeros replaced by a huge sentinel)
    sentinel = jnp.asarray(99999999999, dtype=time_diff.dtype)
    q = jnp.where(time_diff == 0, sentinel, time_diff)
    t_mins = jnp.min(q.reshape(q.shape[0], -1), axis=1)  # [B]
    aa = t_mins[:, None, None]  # broadcast like the repeat/unsqueeze dance
    # integer floor division then abs, clamp to max interval
    time_diff = jnp.abs(time_diff // aa)
    time_diff = jnp.minimum(time_diff, CLIP)
    # embedding lookup: [B, L, L, HIDDEN]
    return jnp.take(time_emb, time_diff, axis=0)

if __name__ == "__main__":
    import jax
    _d = setup_inputs()
    print(jax.jit(kernel)(*tuple(_d.values())))

</pallas_src>

<mosaic_0001>
#map = affine_map<(d0, d1) -> (0, 0)>
#map1 = affine_map<(d0, d1) -> (0, 0, 0)>
module attributes {stable_mosaic.version = 14 : i64} {
  func.func @_sc_body(%arg0: i32, %arg1: i32, %arg2: memref<1024x64xi32, #tpu.memory_space<hbm>>, %arg3: memref<257x32xf32, #tpu.memory_space<hbm>>, %arg4: memref<1024x2500x32xf32, #tpu.memory_space<hbm>>, %arg5: memref<32x64xi32, #tpu.memory_space<vmem>>, %arg6: memref<2560xi32, #tpu.memory_space<vmem>>, %arg7: memref<257x32xf32, #tpu.memory_space<vmem>>, %arg8: memref<20x128xi32, #tpu.memory_space<vmem>>, %arg9: memref<1280x32xf32, #tpu.memory_space<vmem>>, %arg10: memref<1280x32xf32, #tpu.memory_space<vmem>>, %arg11: memref<!tpu.dma_semaphore, #tpu.memory_space<semaphore_mem>>) attributes {dimension_semantics = [#tpu.dimension_semantics<core_parallel>, #tpu.dimension_semantics<subcore_parallel>], iteration_bounds = array<i64: 2, 16>, scalar_prefetch = 0 : i64, scratch_operands = 7 : i64, tpu.core_type = #tpu.core_type<sc_vector_subcore>, window_params = [{transform_indices = #map}, {transform_indices = #map}, {transform_indices = #map1}]} {
    %mul3A = arith.constant 2 : i32
    %mul3A_0 = arith.muli %arg1, %mul3A : i32
    %add3A = arith.addi %mul3A_0, %arg0 : i32
    "tpu.region"() ({
      %run_scoped3A = tpu.sem_alloc : memref<!tpu.dma_semaphore, #tpu.memory_space<semaphore_mem>>
      tpu.enqueue_dma source(%arg3 : memref<257x32xf32, #tpu.memory_space<hbm>>) target(%arg7 : memref<257x32xf32, #tpu.memory_space<vmem>>) target_semaphore(%run_scoped3A : memref<!tpu.dma_semaphore, #tpu.memory_space<semaphore_mem>>)
      tpu.wait_dma2 semaphore(%run_scoped3A : memref<!tpu.dma_semaphore, #tpu.memory_space<semaphore_mem>>) src(%arg3 : memref<257x32xf32, #tpu.memory_space<hbm>>) dst(%arg7 : memref<257x32xf32, #tpu.memory_space<vmem>>)
      tpu.yield
    }) : () -> ()
    %mul3A_1 = arith.constant 32 : i32
    %mul3A_2 = arith.muli %add3A, %mul3A_1 : i32
    "tpu.region"() ({
      %run_scoped3A = tpu.sem_alloc : memref<!tpu.dma_semaphore, #tpu.memory_space<semaphore_mem>>
      %dma_start3A = arith.constant 0 : i32
      %dma_start3A_58 = tpu.memref_slice %arg2[%mul3A_2, %dma_start3A] : memref<1024x64xi32, #tpu.memory_space<hbm>> -> memref<32x64xi32, #tpu.memory_space<hbm>>
      %dma_start3A_59 = arith.constant 0 : i32
      %dma_start3A_60 = tpu.memref_slice %arg2[%mul3A_2, %dma_start3A_59] : memref<1024x64xi32, #tpu.memory_space<hbm>> -> memref<32x64xi32, #tpu.memory_space<hbm>>
      tpu.enqueue_dma source(%dma_start3A_60 : memref<32x64xi32, #tpu.memory_space<hbm>>) target(%arg5 : memref<32x64xi32, #tpu.memory_space<vmem>>) target_semaphore(%run_scoped3A : memref<!tpu.dma_semaphore, #tpu.memory_space<semaphore_mem>>)
      %dma_wait3A_61 = arith.constant 0 : i32
      %dma_wait3A_62 = tpu.memref_slice %arg2[%mul3A_2, %dma_wait3A_61] : memref<1024x64xi32, #tpu.memory_space<hbm>> -> memref<32x64xi32, #tpu.memory_space<hbm>>
      %dma_wait3A_63 = arith.constant 0 : i32
      %dma_wait3A_64 = tpu.memref_slice %arg2[%mul3A_2, %dma_wait3A_63] : memref<1024x64xi32, #tpu.memory_space<hbm>> -> memref<32x64xi32, #tpu.memory_space<hbm>>
      tpu.wait_dma2 semaphore(%run_scoped3A : memref<!tpu.dma_semaphore, #tpu.memory_space<semaphore_mem>>) src(%dma_wait3A_64 : memref<32x64xi32, #tpu.memory_space<hbm>>) dst(%arg5 : memref<32x64xi32, #tpu.memory_space<vmem>>)
      tpu.yield
    }) : () -> ()
    %iota3A = tpu.iota {dimensions = array<i32: 0>} : vector<16xi32>
    %broadcast_in_dim3A = arith.constant 50 : i32
    %broadcast_in_dim3A_3 = vector.broadcast %broadcast_in_dim3A : i32 to vector<16xi32>
    %broadcast_in_dim3A_4 = arith.constant 2500 : i32
    %broadcast_in_dim3A_5 = vector.broadcast %broadcast_in_dim3A_4 : i32 to vector<16xi32>
    %broadcast_in_dim3A_6 = arith.constant 2499 : i32
    %broadcast_in_dim3A_7 = vector.broadcast %broadcast_in_dim3A_6 : i32 to vector<16xi32>
    %broadcast_in_dim3A_8 = arith.constant 0 : i32
    %broadcast_in_dim3A_9 = vector.broadcast %broadcast_in_dim3A_8 : i32 to vector<16xi32>
    %broadcast_in_dim3A_10 = arith.constant 1 : i32
    %broadcast_in_dim3A_11 = vector.broadcast %broadcast_in_dim3A_10 : i32 to vector<16xi32>
    %broadcast_in_dim3A_12 = arith.constant 2147483647 : i32
    %broadcast_in_dim3A_13 = vector.broadcast %broadcast_in_dim3A_12 : i32 to vector<16xi32>
    %broadcast_in_dim3A_14 = arith.constant 256 : i32
    %broadcast_in_dim3A_15 = vector.broadcast %broadcast_in_dim3A_14 : i32 to vector<16xi32>
    %broadcast_in_dim3A_16 = arith.constant 257 : i32
    %broadcast_in_dim3A_17 = vector.broadcast %broadcast_in_dim3A_16 : i32 to vector<16xi32>
    %broadcast_in_dim3A_18 = arith.constant 1.000000e+00 : f32
    %broadcast_in_dim3A_19 = vector.broadcast %broadcast_in_dim3A_18 : f32 to vector<16xf32>
    %while3A = arith.constant 0 : i32
    %while3A_20 = arith.constant 160 : i32
    %while3A_21 = arith.constant 0 : i32
    %while3A_22 = arith.subi %while3A_20, %while3A : i32
    %while3A_23 = arith.addi %while3A, %while3A_22 : i32
    %while3A_24 = arith.constant 1 : i32
    %while3A_25 = arith.divsi %while3A_22, %while3A_24 : i32
    %while3A_26 = arith.muli %while3A_25, %while3A_24 : i32
    %while3A_27 = arith.addi %while3A, %while3A_26 : i32
    %while3A_28 = arith.constant 1 : i32
    %while3A_29 = scf.for %while3A_58 = %while3A to %while3A_27 step %while3A_28 iter_args(%while3A_59 = %while3A_21) -> (i32)  : i32 {
      %mul3A_60 = arith.constant 16 : i32
      %mul3A_61 = arith.muli %while3A_58, %mul3A_60 : i32
      %broadcast_in_dim3A_62 = vector.broadcast %mul3A_61 : i32 to vector<16xi32>
      %add3A_63 = arith.addi %iota3A, %broadcast_in_dim3A_62 : vector<16xi32>
      %min3A = arith.minsi %add3A_63, %broadcast_in_dim3A_7 : vector<16xi32>
      %jit3A = arith.constant 8 : i64
      %convert_element_type3A = arith.trunci %jit3A : i64 to i32
      %div3A = arith.divsi %while3A_58, %convert_element_type3A : i32
      %sign3A = arith.constant 0 : i32
      %sign3A_64 = arith.cmpi sgt, %while3A_58, %sign3A : i32
      %sign3A_65 = arith.extui %sign3A_64 : i1 to i32
      %sign3A_66 = arith.constant 0 : i32
      %sign3A_67 = arith.cmpi slt, %while3A_58, %sign3A_66 : i32
      %sign3A_68 = arith.extui %sign3A_67 : i1 to i32
      %sign3A_69 = arith.subi %sign3A_65, %sign3A_68 : i32
      %sign3A_70 = arith.constant 0 : i32
      %sign3A_71 = arith.cmpi sgt, %convert_element_type3A, %sign3A_70 : i32
      %sign3A_72 = arith.extui %sign3A_71 : i1 to i32
      %sign3A_73 = arith.constant 0 : i32
      %sign3A_74 = arith.cmpi slt, %convert_element_type3A, %sign3A_73 : i32
      %sign3A_75 = arith.extui %sign3A_74 : i1 to i32
      %sign3A_76 = arith.subi %sign3A_72, %sign3A_75 : i32
      %ne3A = arith.cmpi ne, %sign3A_69, %sign3A_76 : i32
      %rem3A = arith.remsi %while3A_58, %convert_element_type3A : i32
      %ne3A_77 = arith.constant 0 : i32
      %ne3A_78 = arith.cmpi ne, %rem3A, %ne3A_77 : i32
      %and3A = arith.andi %ne3A, %ne3A_78 : i1
      %sub3A = arith.constant 1 : i32
      %sub3A_79 = arith.subi %div3A, %sub3A : i32
      %select_n3A = arith.select %and3A, %sub3A_79, %div3A : i32
      %jit3A_80 = arith.constant 8 : i64
      %convert_element_type3A_81 = arith.trunci %jit3A_80 : i64 to i32
      %eq3A = arith.constant 0 : i32
      %eq3A_82 = arith.cmpi eq, %convert_element_type3A_81, %eq3A : i32
      %jit3A_83 = arith.constant 1 : i32
      %select_n3A_84 = arith.select %eq3A_82, %jit3A_83, %convert_element_type3A_81 : i32
      %rem3A_85 = arith.remsi %while3A_58, %select_n3A_84 : i32
      %ne3A_86 = arith.constant 0 : i32
      %ne3A_87 = arith.cmpi ne, %rem3A_85, %ne3A_86 : i32
      %lt3A = arith.constant 0 : i32
      %lt3A_88 = arith.cmpi slt, %rem3A_85, %lt3A : i32
      %lt3A_89 = arith.constant 0 : i32
      %lt3A_90 = arith.cmpi slt, %select_n3A_84, %lt3A_89 : i32
      %ne3A_91 = arith.xori %lt3A_88, %lt3A_90 : i1
      %and3A_92 = arith.andi %ne3A_91, %ne3A_87 : i1
      %add3A_93 = arith.addi %rem3A_85, %select_n3A_84 : i32
      %select_n3A_94 = arith.select %and3A_92, %add3A_93, %rem3A_85 : i32
      %mul3A_95 = arith.constant 16 : i32
      %mul3A_96 = arith.muli %select_n3A_94, %mul3A_95 : i32
      %swap3A = arith.index_cast %select_n3A : i32 to index
      %swap3A_97 = arith.index_cast %mul3A_96 : i32 to index
      %swap3A_98 = tpu.vector_load %arg8[%swap3A, %swap3A_97] {strides = array<i32>} : memref<20x128xi32, #tpu.memory_space<vmem>>, vector<16xi32>,
      tpu.vector_store %arg8[%swap3A, %swap3A_97], %min3A {strides = array<i32>} : memref<20x128xi32, #tpu.memory_space<vmem>>, vector<16xi32>,
      %while3A_99 = arith.constant 0 : i32
      scf.yield %while3A_99 : i32
    }
    %while3A_30 = arith.constant 1 : i32
    %while3A_31 = scf.for %while3A_58 = %while3A_27 to %while3A_23 step %while3A_30 iter_args(%while3A_59 = %while3A_29) -> (i32)  : i32 {
      %mul3A_60 = arith.constant 16 : i32
      %mul3A_61 = arith.muli %while3A_58, %mul3A_60 : i32
      %broadcast_in_dim3A_62 = vector.broadcast %mul3A_61 : i32 to vector<16xi32>
      %add3A_63 = arith.addi %iota3A, %broadcast_in_dim3A_62 : vector<16xi32>
      %min3A = arith.minsi %add3A_63, %broadcast_in_dim3A_7 : vector<16xi32>
      %jit3A = arith.constant 8 : i64
      %convert_element_type3A = arith.trunci %jit3A : i64 to i32
      %div3A = arith.divsi %while3A_58, %convert_element_type3A : i32
      %sign3A = arith.constant 0 : i32
      %sign3A_64 = arith.cmpi sgt, %while3A_58, %sign3A : i32
      %sign3A_65 = arith.extui %sign3A_64 : i1 to i32
      %sign3A_66 = arith.constant 0 : i32
      %sign3A_67 = arith.cmpi slt, %while3A_58, %sign3A_66 : i32
      %sign3A_68 = arith.extui %sign3A_67 : i1 to i32
      %sign3A_69 = arith.subi %sign3A_65, %sign3A_68 : i32
      %sign3A_70 = arith.constant 0 : i32
      %sign3A_71 = arith.cmpi sgt, %convert_element_type3A, %sign3A_70 : i32
      %sign3A_72 = arith.extui %sign3A_71 : i1 to i32
      %sign3A_73 = arith.constant 0 : i32
      %sign3A_74 = arith.cmpi slt, %convert_element_type3A, %sign3A_73 : i32
      %sign3A_75 = arith.extui %sign3A_74 : i1 to i32
      %sign3A_76 = arith.subi %sign3A_72, %sign3A_75 : i32
      %ne3A = arith.cmpi ne, %sign3A_69, %sign3A_76 : i32
      %rem3A = arith.remsi %while3A_58, %convert_element_type3A : i32
      %ne3A_77 = arith.constant 0 : i32
      %ne3A_78 = arith.cmpi ne, %rem3A, %ne3A_77 : i32
      %and3A = arith.andi %ne3A, %ne3A_78 : i1
      %sub3A = arith.constant 1 : i32
      %sub3A_79 = arith.subi %div3A, %sub3A : i32
      %select_n3A = arith.select %and3A, %sub3A_79, %div3A : i32
      %jit3A_80 = arith.constant 8 : i64
      %convert_element_type3A_81 = arith.trunci %jit3A_80 : i64 to i32
      %eq3A = arith.constant 0 : i32
      %eq3A_82 = arith.cmpi eq, %convert_element_type3A_81, %eq3A : i32
      %jit3A_83 = arith.constant 1 : i32
      %select_n3A_84 = arith.select %eq3A_82, %jit3A_83, %convert_element_type3A_81 : i32
      %rem3A_85 = arith.remsi %while3A_58, %select_n3A_84 : i32
      %ne3A_86 = arith.constant 0 : i32
      %ne3A_87 = arith.cmpi ne, %rem3A_85, %ne3A_86 : i32
      %lt3A = arith.constant 0 : i32
      %lt3A_88 = arith.cmpi slt, %rem3A_85, %lt3A : i32
      %lt3A_89 = arith.constant 0 : i32
      %lt3A_90 = arith.cmpi slt, %select_n3A_84, %lt3A_89 : i32
      %ne3A_91 = arith.xori %lt3A_88, %lt3A_90 : i1
      %and3A_92 = arith.andi %ne3A_91, %ne3A_87 : i1
      %add3A_93 = arith.addi %rem3A_85, %select_n3A_84 : i32
      %select_n3A_94 = arith.select %and3A_92, %add3A_93, %rem3A_85 : i32
      %mul3A_95 = arith.constant 16 : i32
      %mul3A_96 = arith.muli %select_n3A_94, %mul3A_95 : i32
      %swap3A = arith.index_cast %select_n3A : i32 to index
      %swap3A_97 = arith.index_cast %mul3A_96 : i32 to index
      %swap3A_98 = tpu.vector_load %arg8[%swap3A, %swap3A_97] {strides = array<i32>} : memref<20x128xi32, #tpu.memory_space<vmem>>, vector<16xi32>,
      tpu.vector_store %arg8[%swap3A, %swap3A_97], %min3A {strides = array<i32>} : memref<20x128xi32, #tpu.memory_space<vmem>>, vector<16xi32>,
      %while3A_99 = arith.constant 0 : i32
      scf.yield %while3A_99 : i32
    }
    %while3A_32 = arith.constant 0 : i32
    %while3A_33 = arith.constant 0 : i32
    %while3A_34 = arith.constant 32 : i32
    %while3A_35 = arith.subi %while3A_34, %while3A_33 : i32
    %while3A_36 = arith.addi %while3A_33, %while3A_35 : i32
    %while3A_37 = arith.constant 1 : i32
    %while3A_38 = arith.divsi %while3A_35, %while3A_37 : i32
    %while3A_39 = arith.muli %while3A_38, %while3A_37 : i32
    %while3A_40 = arith.addi %while3A_33, %while3A_39 : i32
    %while3A_41 = arith.constant 1 : i32
    scf.for %while3A_58 = %while3A_33 to %while3A_40 step %while3A_41  : i32 {
      %mul3A_59 = arith.constant 32 : i32
      %mul3A_60 = arith.muli %add3A, %mul3A_59 : i32
      %add3A_61 = arith.addi %mul3A_60, %while3A_58 : i32
      %broadcast_in_dim3A_62 = vector.broadcast %while3A_58 : i32 to vector<16xi32>
      %broadcast_in_dim3A_63 = arith.constant 2147483647 : i32
      %broadcast_in_dim3A_64 = vector.broadcast %broadcast_in_dim3A_63 : i32 to vector<16xi32>
      %while3A_65 = arith.constant 0 : i32
      %while3A_66 = arith.constant 160 : i32
      %while3A_67 = arith.subi %while3A_66, %while3A_65 : i32
      %while3A_68 = arith.addi %while3A_65, %while3A_67 : i32
      %while3A_69 = arith.constant 1 : i32
      %while3A_70 = arith.divsi %while3A_67, %while3A_69 : i32
      %while3A_71 = arith.muli %while3A_70, %while3A_69 : i32
      %while3A_72 = arith.addi %while3A_65, %while3A_71 : i32
      %while3A_73 = arith.constant 1 : i32
      %while3A_74 = scf.for %while3A_377 = %while3A_65 to %while3A_72 step %while3A_73 iter_args(%while3A_378 = %broadcast_in_dim3A_64) -> (vector<16xi32>)  : i32 {
        %mul3A_379 = arith.constant 16 : i32
        %mul3A_380 = arith.muli %while3A_377, %mul3A_379 : i32
        %broadcast_in_dim3A_381 = vector.broadcast %mul3A_380 : i32 to vector<16xi32>
        %add3A_382 = arith.addi %iota3A, %broadcast_in_dim3A_381 : vector<16xi32>
        %min3A = arith.minsi %add3A_382, %broadcast_in_dim3A_7 : vector<16xi32>
        %div3A_383 = arith.divsi %min3A, %broadcast_in_dim3A_3 : vector<16xi32>
        %mul3A_384 = arith.muli %div3A_383, %broadcast_in_dim3A_3 : vector<16xi32>
        %sub3A = arith.subi %min3A, %mul3A_384 : vector<16xi32>
        %gather3A = tpu.vector_load_idx %arg5[%broadcast_in_dim3A_62, %div3A_383] : memref<32x64xi32, #tpu.memory_space<vmem>>[vector<16xi32>, vector<16xi32>], vector<16xi32>,
        %gather3A_385 = tpu.vector_load_idx %arg5[%broadcast_in_dim3A_62, %sub3A] : memref<32x64xi32, #tpu.memory_space<vmem>>[vector<16xi32>, vector<16xi32>], vector<16xi32>,
        %sub3A_386 = arith.subi %gather3A, %gather3A_385 : vector<16xi32>
        %sub3A_387 = arith.subi %broadcast_in_dim3A_9, %sub3A_386 : vector<16xi32>
        %max3A = arith.maxsi %sub3A_386, %sub3A_387 : vector<16xi32>
        %lt3A = arith.cmpi slt, %add3A_382, %broadcast_in_dim3A_5 : vector<16xi32>
        %ne3A = arith.cmpi ne, %max3A, %broadcast_in_dim3A_9 : vector<16xi32>
        %and3A = arith.andi %lt3A, %ne3A : vector<16xi1>
        %select_n3A = arith.select %and3A, %max3A, %broadcast_in_dim3A_13 : vector<16xi1>, vector<16xi32>
        %mul3A_388 = arith.constant 16 : i32
        %mul3A_389 = arith.muli %while3A_377, %mul3A_388 : i32
        %swap3A = arith.index_cast %mul3A_389 : i32 to index
        %swap3A_390 = tpu.vector_load %arg6[%swap3A] {strides = array<i32>} : memref<2560xi32, #tpu.memory_space<vmem>>, vector<16xi32>,
        tpu.vector_store %arg6[%swap3A], %max3A {strides = array<i32>} : memref<2560xi32, #tpu.memory_space<vmem>>, vector<16xi32>,
        %min3A_391 = arith.minsi %while3A_378, %select_n3A : vector<16xi32>
        scf.yield %min3A_391 : vector<16xi32>
      }
      %while3A_75 = arith.constant 1 : i32
      %while3A_76 = scf.for %while3A_377 = %while3A_72 to %while3A_68 step %while3A_75 iter_args(%while3A_378 = %while3A_74) -> (vector<16xi32>)  : i32 {
        %mul3A_379 = arith.constant 16 : i32
        %mul3A_380 = arith.muli %while3A_377, %mul3A_379 : i32
        %broadcast_in_dim3A_381 = vector.broadcast %mul3A_380 : i32 to vector<16xi32>
        %add3A_382 = arith.addi %iota3A, %broadcast_in_dim3A_381 : vector<16xi32>
        %min3A = arith.minsi %add3A_382, %broadcast_in_dim3A_7 : vector<16xi32>
        %div3A_383 = arith.divsi %min3A, %broadcast_in_dim3A_3 : vector<16xi32>
        %mul3A_384 = arith.muli %div3A_383, %broadcast_in_dim3A_3 : vector<16xi32>
        %sub3A = arith.subi %min3A, %mul3A_384 : vector<16xi32>
        %gather3A = tpu.vector_load_idx %arg5[%broadcast_in_dim3A_62, %div3A_383] : memref<32x64xi32, #tpu.memory_space<vmem>>[vector<16xi32>, vector<16xi32>], vector<16xi32>,
        %gather3A_385 = tpu.vector_load_idx %arg5[%broadcast_in_dim3A_62, %sub3A] : memref<32x64xi32, #tpu.memory_space<vmem>>[vector<16xi32>, vector<16xi32>], vector<16xi32>,
        %sub3A_386 = arith.subi %gather3A, %gather3A_385 : vector<16xi32>
        %sub3A_387 = arith.subi %broadcast_in_dim3A_9, %sub3A_386 : vector<16xi32>
        %max3A = arith.maxsi %sub3A_386, %sub3A_387 : vector<16xi32>
        %lt3A = arith.cmpi slt, %add3A_382, %broadcast_in_dim3A_5 : vector<16xi32>
        %ne3A = arith.cmpi ne, %max3A, %broadcast_in_dim3A_9 : vector<16xi32>
        %and3A = arith.andi %lt3A, %ne3A : vector<16xi1>
        %select_n3A = arith.select %and3A, %max3A, %broadcast_in_dim3A_13 : vector<16xi1>, vector<16xi32>
        %mul3A_388 = arith.constant 16 : i32
        %mul3A_389 = arith.muli %while3A_377, %mul3A_388 : i32
        %swap3A = arith.index_cast %mul3A_389 : i32 to index
        %swap3A_390 = tpu.vector_load %arg6[%swap3A] {strides = array<i32>} : memref<2560xi32, #tpu.memory_space<vmem>>, vector<16xi32>,
        tpu.vector_store %arg6[%swap3A], %max3A {strides = array<i32>} : memref<2560xi32, #tpu.memory_space<vmem>>, vector<16xi32>,
        %min3A_391 = arith.minsi %while3A_378, %select_n3A : vector<16xi32>
        scf.yield %min3A_391 : vector<16xi32>
      }
      %reduce_min3A = arith.constant true
      %reduce_min3A_77 = vector.broadcast %reduce_min3A : i1 to vector<16xi1>
      %reduce_min3A_78 = arith.constant -2147483648 : i32
      %reduce_min3A_79 = vector.broadcast %reduce_min3A_78 : i32 to vector<16xi32>
      %reduce_min3A_80 = arith.xori %while3A_76, %reduce_min3A_79 : vector<16xi32>
      %reduce_min3A_81 = tpu.scan <min>, %reduce_min3A_80 masked %reduce_min3A_77 : vector<16xi32>, vector<16xi1> -> vector<16xi32>
      %reduce_min3A_82 = arith.xori %reduce_min3A_81, %reduce_min3A_79 : vector<16xi32>
      %reduce_min3A_83 = vector.extract %reduce_min3A_82[15] : i32 from vector<16xi32>
      %broadcast_in_dim3A_84 = vector.broadcast %reduce_min3A_83 : i32 to vector<16xi32>
      %convert_element_type3A = arith.sitofp %broadcast_in_dim3A_84 : vector<16xi32> to vector<16xf32>
      %div3A = arith.divf %broadcast_in_dim3A_19, %convert_element_type3A : vector<16xf32>
      %gt3A = arith.constant 0 : i32
      %gt3A_85 = arith.cmpi sgt, %while3A_58, %gt3A : i32
      %convert_element_type3A_86 = arith.extui %gt3A_85 : i1 to i32
      %cond3A = arith.constant 0 : i32
      %cond3A_87 = arith.cmpi ne, %convert_element_type3A_86, %cond3A : i32
      scf.if %cond3A_87 {
        %dma_wait3A_377 = arith.constant 0 : i32
        %dma_wait3A_378 = arith.constant 0 : i32
        %dma_wait3A_379 = tpu.memref_slice %arg4[%add3A_61, %dma_wait3A_377, %dma_wait3A_378] : memref<1024x2500x32xf32, #tpu.memory_space<hbm>> -> memref<1x1280x32xf32, #tpu.memory_space<hbm>>
        %dma_wait3A_380 = tpu.memref_squeeze %dma_wait3A_379 : memref<1x1280x32xf32, #tpu.memory_space<hbm>> -> memref<1280x32xf32, #tpu.memory_space<hbm>>
        %dma_wait3A_381 = arith.constant 0 : i32
        %dma_wait3A_382 = tpu.memref_slice %arg4[%add3A_61, %dma_wait3A_377, %dma_wait3A_381] : memref<1024x2500x32xf32, #tpu.memory_space<hbm>> -> memref<1x1280x32xf32, #tpu.memory_space<hbm>>
        %dma_wait3A_383 = tpu.memref_squeeze %dma_wait3A_382 : memref<1x1280x32xf32, #tpu.memory_space<hbm>> -> memref<1280x32xf32, #tpu.memory_space<hbm>>
        tpu.wait_dma2 semaphore(%arg11 : memref<!tpu.dma_semaphore, #tpu.memory_space<semaphore_mem>>) src(%arg9 : memref<1280x32xf32, #tpu.memory_space<vmem>>) dst(%dma_wait3A_383 : memref<1280x32xf32, #tpu.memory_space<hbm>>)
      } else {
      }
      %parallel_loop3A = arith.constant 0 : i32
      %parallel_loop3A_88 = arith.constant 80 : i32
      %parallel_loop3A_89 = arith.constant 1 : i32
      scf.for %parallel_loop3A_377 = %parallel_loop3A to %parallel_loop3A_88 step %parallel_loop3A_89  : i32 {
        %parallel_loop3A_378 = arith.constant 16 : i32
        %parallel_loop3A_379 = arith.muli %parallel_loop3A_377, %parallel_loop3A_378 : i32
        %parallel_loop3A_380 = arith.constant 0 : i32
        %parallel_loop3A_381 = arith.addi %parallel_loop3A_380, %parallel_loop3A_379 : i32
        %parallel_loop3A_382 = arith.index_cast %parallel_loop3A_381 : i32 to index
        %parallel_loop3A_383 = tpu.vector_load %arg6[%parallel_loop3A_382] {strides = array<i32>} : memref<2560xi32, #tpu.memory_space<vmem>>, vector<16xi32>,
        %parallel_loop3A_384 = arith.sitofp %parallel_loop3A_383 : vector<16xi32> to vector<16xf32>
        %parallel_loop3A_385 = arith.mulf %parallel_loop3A_384, %div3A : vector<16xf32>
        %parallel_loop3A_386 = arith.fptosi %parallel_loop3A_385 : vector<16xf32> to vector<16xi32>
        %parallel_loop3A_387 = arith.minsi %parallel_loop3A_386, %broadcast_in_dim3A_17 : vector<16xi32>
        %parallel_loop3A_388 = arith.addi %parallel_loop3A_387, %broadcast_in_dim3A_11 : vector<16xi32>
        %parallel_loop3A_389 = arith.muli %parallel_loop3A_388, %broadcast_in_dim3A_84 : vector<16xi32>
        %parallel_loop3A_390 = arith.cmpi sle, %parallel_loop3A_389, %parallel_loop3A_383 : vector<16xi32>
        %parallel_loop3A_391 = arith.select %parallel_loop3A_390, %broadcast_in_dim3A_11, %broadcast_in_dim3A_9 : vector<16xi1>, vector<16xi32>
        %parallel_loop3A_392 = arith.addi %parallel_loop3A_387, %parallel_loop3A_391 : vector<16xi32>
        %parallel_loop3A_393 = arith.muli %parallel_loop3A_392, %broadcast_in_dim3A_84 : vector<16xi32>
        %parallel_loop3A_394 = arith.cmpi sgt, %parallel_loop3A_393, %parallel_loop3A_383 : vector<16xi32>
        %parallel_loop3A_395 = arith.select %parallel_loop3A_394, %broadcast_in_dim3A_11, %broadcast_in_dim3A_9 : vector<16xi1>, vector<16xi32>
        %parallel_loop3A_396 = arith.subi %parallel_loop3A_392, %parallel_loop3A_395 : vector<16xi32>
        %parallel_loop3A_397 = arith.minsi %parallel_loop3A_396, %broadcast_in_dim3A_15 : vector<16xi32>
        %parallel_loop3A_398 = arith.constant 16 : i32
        %parallel_loop3A_399 = arith.muli %parallel_loop3A_377, %parallel_loop3A_398 : i32
        %parallel_loop3A_400 = vector.extract_strided_slice %parallel_loop3A_397 {offsets = [0], sizes = [1], strides = [1]} : vector<16xi32> to vector<1xi32>
        %parallel_loop3A_401 = vector.extract %parallel_loop3A_400[0] : i32 from vector<1xi32>
        %parallel_loop3A_402 = arith.constant 0 : i32
        %parallel_loop3A_403 = arith.addi %parallel_loop3A_399, %parallel_loop3A_402 : i32
        %parallel_loop3A_404 = arith.index_cast %parallel_loop3A_401 : i32 to index
        %parallel_loop3A_405 = arith.constant 0 : index
        %parallel_loop3A_406 = tpu.vector_load %arg7[%parallel_loop3A_404, %parallel_loop3A_405] {strides = array<i32>} : memref<257x32xf32, #tpu.memory_space<vmem>>, vector<16xf32>,
        %parallel_loop3A_407 = arith.index_cast %parallel_loop3A_403 : i32 to index
        %parallel_loop3A_408 = arith.constant 0 : index
        %parallel_loop3A_409 = tpu.vector_load %arg9[%parallel_loop3A_407, %parallel_loop3A_408] {strides = array<i32>} : memref<1280x32xf32, #tpu.memory_space<vmem>>, vector<16xf32>,
        tpu.vector_store %arg9[%parallel_loop3A_407, %parallel_loop3A_408], %parallel_loop3A_406 {strides = array<i32>} : memref<1280x32xf32, #tpu.memory_space<vmem>>, vector<16xf32>,
        %parallel_loop3A_410 = arith.index_cast %parallel_loop3A_401 : i32 to index
        %parallel_loop3A_411 = arith.constant 16 : index
        %parallel_loop3A_412 = tpu.vector_load %arg7[%parallel_loop3A_410, %parallel_loop3A_411] {strides = array<i32>} : memref<257x32xf32, #tpu.memory_space<vmem>>, vector<16xf32>,
        %parallel_loop3A_413 = arith.index_cast %parallel_loop3A_403 : i32 to index
        %parallel_loop3A_414 = arith.constant 16 : index
        %parallel_loop3A_415 = tpu.vector_load %arg9[%parallel_loop3A_413, %parallel_loop3A_414] {strides = array<i32>} : memref<1280x32xf32, #tpu.memory_space<vmem>>, vector<16xf32>,
        tpu.vector_store %arg9[%parallel_loop3A_413, %parallel_loop3A_414], %parallel_loop3A_412 {strides = array<i32>} : memref<1280x32xf32, #tpu.memory_space<vmem>>, vector<16xf32>,
        %parallel_loop3A_416 = vector.extract_strided_slice %parallel_loop3A_397 {offsets = [1], sizes = [1], strides = [1]} : vector<16xi32> to vector<1xi32>
        %parallel_loop3A_417 = vector.extract %parallel_loop3A_416[0] : i32 from vector<1xi32>
        %parallel_loop3A_418 = arith.constant 1 : i32
        %parallel_loop3A_419 = arith.addi %parallel_loop3A_399, %parallel_loop3A_418 : i32
        %parallel_loop3A_420 = arith.index_cast %parallel_loop3A_417 : i32 to index
        %parallel_loop3A_421 = arith.constant 0 : index
        %parallel_loop3A_422 = tpu.vector_load %arg7[%parallel_loop3A_420, %parallel_loop3A_421] {strides = array<i32>} : memref<257x32xf32, #tpu.memory_space<vmem>>, vector<16xf32>,
        %parallel_loop3A_423 = arith.index_cast %parallel_loop3A_419 : i32 to index
        %parallel_loop3A_424 = arith.constant 0 : index
        %parallel_loop3A_425 = tpu.vector_load %arg9[%parallel_loop3A_423, %parallel_loop3A_424] {strides = array<i32>} : memref<1280x32xf32, #tpu.memory_space<vmem>>, vector<16xf32>,
        tpu.vector_store %arg9[%parallel_loop3A_423, %parallel_loop3A_424], %parallel_loop3A_422 {strides = array<i32>} : memref<1280x32xf32, #tpu.memory_space<vmem>>, vector<16xf32>,
        %parallel_loop3A_426 = arith.index_cast %parallel_loop3A_417 : i32 to index
        %parallel_loop3A_427 = arith.constant 16 : index
        %parallel_loop3A_428 = tpu.vector_load %arg7[%parallel_loop3A_426, %parallel_loop3A_427] {strides = array<i32>} : memref<257x32xf32, #tpu.memory_space<vmem>>, vector<16xf32>,
        %parallel_loop3A_429 = arith.index_cast %parallel_loop3A_419 : i32 to index
        %parallel_loop3A_430 = arith.constant 16 : index
        %parallel_loop3A_431 = tpu.vector_load %arg9[%parallel_loop3A_429, %parallel_loop3A_430] {strides = array<i32>} : memref<1280x32xf32, #tpu.memory_space<vmem>>, vector<16xf32>,
        tpu.vector_store %arg9[%parallel_loop3A_429, %parallel_loop3A_430], %parallel_loop3A_428 {strides = array<i32>} : memref<1280x32xf32, #tpu.memory_space<vmem>>, vector<16xf32>,
        %parallel_loop3A_432 = vector.extract_strided_slice %parallel_loop3A_397 {offsets = [2], sizes = [1], strides = [1]} : vector<16xi32> to vector<1xi32>
        %parallel_loop3A_433 = vector.extract %parallel_loop3A_432[0] : i32 from vector<1xi32>
        %parallel_loop3A_434 = arith.constant 2 : i32
        %parallel_loop3A_435 = arith.addi %parallel_loop3A_399, %parallel_loop3A_434 : i32
        %parallel_loop3A_436 = arith.index_cast %parallel_loop3A_433 : i32 to index
        %parallel_loop3A_437 = arith.constant 0 : index
        %parallel_loop3A_438 = tpu.vector_load %arg7[%parallel_loop3A_436, %parallel_loop3A_437] {strides = array<i32>} : memref<257x32xf32, #tpu.memory_space<vmem>>, vector<16xf32>,
        %parallel_loop3A_439 = arith.index_cast %parallel_loop3A_435 : i32 to index
        %parallel_loop3A_440 = arith.constant 0 : index
        %parallel_loop3A_441 = tpu.vector_load %arg9[%parallel_loop3A_439, %parallel_loop3A_440] {strides = array<i32>} : memref<1280x32xf32, #tpu.memory_space<vmem>>, vector<16xf32>,
        tpu.vector_store %arg9[%parallel_loop3A_439, %parallel_loop3A_440], %parallel_loop3A_438 {strides = array<i32>} : memref<1280x32xf32, #tpu.memory_space<vmem>>, vector<16xf32>,
        %parallel_loop3A_442 = arith.index_cast %parallel_loop3A_433 : i32 to index
        %parallel_loop3A_443 = arith.constant 16 : index
        %parallel_loop3A_444 = tpu.vector_load %arg7[%parallel_loop3A_442, %parallel_loop3A_443] {strides = array<i32>} : memref<257x32xf32, #tpu.memory_space<vmem>>, vector<16xf32>,
        %parallel_loop3A_445 = arith.index_cast %parallel_loop3A_435 : i32 to index
        %parallel_loop3A_446 = arith.constant 16 : index
        %parallel_loop3A_447 = tpu.vector_load %arg9[%parallel_loop3A_445, %parallel_loop3A_446] {strides = array<i32>} : memref<1280x32xf32, #tpu.memory_space<vmem>>, vector<16xf32>,
        tpu.vector_store %arg9[%parallel_loop3A_445, %parallel_loop3A_446], %parallel_loop3A_444 {strides = array<i32>} : memref<1280x32xf32, #tpu.memory_space<vmem>>, vector<16xf32>,
        %parallel_loop3A_448 = vector.extract_strided_slice %parallel_loop3A_397 {offsets = [3], sizes = [1], strides = [1]} : vector<16xi32> to vector<1xi32>
        %parallel_loop3A_449 = vector.extract %parallel_loop3A_448[0] : i32 from vector<1xi32>
        %parallel_loop3A_450 = arith.constant 3 : i32
        %parallel_loop3A_451 = arith.addi %parallel_loop3A_399, %parallel_loop3A_450 : i32
        %parallel_loop3A_452 = arith.index_cast %parallel_loop3A_449 : i32 to index
        %parallel_loop3A_453 = arith.constant 0 : index
        %parallel_loop3A_454 = tpu.vector_load %arg7[%parallel_loop3A_452, %parallel_loop3A_453] {strides = array<i32>} : memref<257x32xf32, #tpu.memory_space<vmem>>, vector<16xf32>,
        %parallel_loop3A_455 = arith.index_cast %parallel_loop3A_451 : i32 to index
        %parallel_loop3A_456 = arith.constant 0 : index
        %parallel_loop3A_457 = tpu.vector_load %arg9[%parallel_loop3A_455, %parallel_loop3A_456] {strides = array<i32>} : memref<1280x32xf32, #tpu.memory_space<vmem>>, vector<16xf32>,
        tpu.vector_store %arg9[%parallel_loop3A_455, %parallel_loop3A_456], %parallel_loop3A_454 {strides = array<i32>} : memref<1280x32xf32, #tpu.memory_space<vmem>>, vector<16xf32>,
        %parallel_loop3A_458 = arith.index_cast %parallel_loop3A_449 : i32 to index
        %parallel_loop3A_459 = arith.constant 16 : index
        %parallel_loop3A_460 = tpu.vector_load %arg7[%parallel_loop3A_458, %parallel_loop3A_459] {strides = array<i32>} : memref<257x32xf32, #tpu.memory_space<vmem>>, vector<16xf32>,
        %parallel_loop3A_461 = arith.index_cast %parallel_loop3A_451 : i32 to index
        %parallel_loop3A_462 = arith.constant 16 : index
        %parallel_loop3A_463 = tpu.vector_load %arg9[%parallel_loop3A_461, %parallel_loop3A_462] {strides = array<i32>} : memref<1280x32xf32, #tpu.memory_space<vmem>>, vector<16xf32>,
        tpu.vector_store %arg9[%parallel_loop3A_461, %parallel_loop3A_462], %parallel_loop3A_460 {strides = array<i32>} : memref<1280x32xf32, #tpu.memory_space<vmem>>, vector<16xf32>,
        %parallel_loop3A_464 = vector.extract_strided_slice %parallel_loop3A_397 {offsets = [4], sizes = [1], strides = [1]} : vector<16xi32> to vector<1xi32>
        %parallel_loop3A_465 = vector.extract %parallel_loop3A_464[0] : i32 from vector<1xi32>
        %parallel_loop3A_466 = arith.constant 4 : i32
        %parallel_loop3A_467 = arith.addi %parallel_loop3A_399, %parallel_loop3A_466 : i32
        %parallel_loop3A_468 = arith.index_cast %parallel_loop3A_465 : i32 to index
        %parallel_loop3A_469 = arith.constant 0 : index
        %parallel_loop3A_470 = tpu.vector_load %arg7[%parallel_loop3A_468, %parallel_loop3A_469] {strides = array<i32>} : memref<257x32xf32, #tpu.memory_space<vmem>>, vector<16xf32>,
        %parallel_loop3A_471 = arith.index_cast %parallel_loop3A_467 : i32 to index
        %parallel_loop3A_472 = arith.constant 0 : index
        %parallel_loop3A_473 = tpu.vector_load %arg9[%parallel_loop3A_471, %parallel_loop3A_472] {strides = array<i32>} : memref<1280x32xf32, #tpu.memory_space<vmem>>, vector<16xf32>,
        tpu.vector_store %arg9[%parallel_loop3A_471, %parallel_loop3A_472], %parallel_loop3A_470 {strides = array<i32>} : memref<1280x32xf32, #tpu.memory_space<vmem>>, vector<16xf32>,
        %parallel_loop3A_474 = arith.index_cast %parallel_loop3A_465 : i32 to index
        %parallel_loop3A_475 = arith.constant 16 : index
        %parallel_loop3A_476 = tpu.vector_load %arg7[%parallel_loop3A_474, %parallel_loop3A_475] {strides = array<i32>} : memref<257x32xf32, #tpu.memory_space<vmem>>, vector<16xf32>,
        %parallel_loop3A_477 = arith.index_cast %parallel_loop3A_467 : i32 to index
        %parallel_loop3A_478 = arith.constant 16 : index
        %parallel_loop3A_479 = tpu.vector_load %arg9[%parallel_loop3A_477, %parallel_loop3A_478] {strides = array<i32>} : memref<1280x32xf32, #tpu.memory_space<vmem>>, vector<16xf32>,
        tpu.vector_store %arg9[%parallel_loop3A_477, %parallel_loop3A_478], %parallel_loop3A_476 {strides = array<i32>} : memref<1280x32xf32, #tpu.memory_space<vmem>>, vector<16xf32>,
        %parallel_loop3A_480 = vector.extract_strided_slice %parallel_loop3A_397 {offsets = [5], sizes = [1], strides = [1]} : vector<16xi32> to vector<1xi32>
        %parallel_loop3A_481 = vector.extract %parallel_loop3A_480[0] : i32 from vector<1xi32>
        %parallel_loop3A_482 = arith.constant 5 : i32
        %parallel_loop3A_483 = arith.addi %parallel_loop3A_399, %parallel_loop3A_482 : i32
        %parallel_loop3A_484 = arith.index_cast %parallel_loop3A_481 : i32 to index
        %parallel_loop3A_485 = arith.constant 0 : index
        %parallel_loop3A_486 = tpu.vector_load %arg7[%parallel_loop3A_484, %parallel_loop3A_485] {strides = array<i32>} : memref<257x32xf32, #tpu.memory_space<vmem>>, vector<16xf32>,
        %parallel_loop3A_487 = arith.index_cast %parallel_loop3A_483 : i32 to index
        %parallel_loop3A_488 = arith.constant 0 : index
        %parallel_loop3A_489 = tpu.vector_load %arg9[%parallel_loop3A_487, %parallel_loop3A_488] {strides = array<i32>} : memref<1280x32xf32, #tpu.memory_space<vmem>>, vector<16xf32>,
        tpu.vector_store %arg9[%parallel_loop3A_487, %parallel_loop3A_488], %parallel_loop3A_486 {strides = array<i32>} : memref<1280x32xf32, #tpu.memory_space<vmem>>, vector<16xf32>,
        %parallel_loop3A_490 = arith.index_cast %parallel_loop3A_481 : i32 to index
        %parallel_loop3A_491 = arith.constant 16 : index
        %parallel_loop3A_492 = tpu.vector_load %arg7[%parallel_loop3A_490, %parallel_loop3A_491] {strides = array<i32>} : memref<257x32xf32, #tpu.memory_space<vmem>>, vector<16xf32>,
        %parallel_loop3A_493 = arith.index_cast %parallel_loop3A_483 : i32 to index
        %parallel_loop3A_494 = arith.constant 16 : index
        %parallel_loop3A_495 = tpu.vector_load %arg9[%parallel_loop3A_493, %parallel_loop3A_494] {strides = array<i32>} : memref<1280x32xf32, #tpu.memory_space<vmem>>, vector<16xf32>,
        tpu.vector_store %arg9[%parallel_loop3A_493, %parallel_loop3A_494], %parallel_loop3A_492 {strides = array<i32>} : memref<1280x32xf32, #tpu.memory_space<vmem>>, vector<16xf32>,
        %parallel_loop3A_496 = vector.extract_strided_slice %parallel_loop3A_397 {offsets = [6], sizes = [1], strides = [1]} : vector<16xi32> to vector<1xi32>
        %parallel_loop3A_497 = vector.extract %parallel_loop3A_496[0] : i32 from vector<1xi32>
        %parallel_loop3A_498 = arith.constant 6 : i32
        %parallel_loop3A_499 = arith.addi %parallel_loop3A_399, %parallel_loop3A_498 : i32
        %parallel_loop3A_500 = arith.index_cast %parallel_loop3A_497 : i32 to index
        %parallel_loop3A_501 = arith.constant 0 : index
        %parallel_loop3A_502 = tpu.vector_load %arg7[%parallel_loop3A_500, %parallel_loop3A_501] {strides = array<i32>} : memref<257x32xf32, #tpu.memory_space<vmem>>, vector<16xf32>,
        %parallel_loop3A_503 = arith.index_cast %parallel_loop3A_499 : i32 to index
        %parallel_loop3A_504 = arith.constant 0 : index
        %parallel_loop3A_505 = tpu.vector_load %arg9[%parallel_loop3A_503, %parallel_loop3A_504] {strides = array<i32>} : memref<1280x32xf32, #tpu.memory_space<vmem>>, vector<16xf32>,
        tpu.vector_store %arg9[%parallel_loop3A_503, %parallel_loop3A_504], %parallel_loop3A_502 {strides = array<i32>} : memref<1280x32xf32, #tpu.memory_space<vmem>>, vector<16xf32>,
        %parallel_loop3A_506 = arith.index_cast %parallel_loop3A_497 : i32 to index
        %parallel_loop3A_507 = arith.constant 16 : index
        %parallel_loop3A_508 = tpu.vector_load %arg7[%parallel_loop3A_506, %parallel_loop3A_507] {strides = array<i32>} : memref<257x32xf32, #tpu.memory_space<vmem>>, vector<16xf32>,
        %parallel_loop3A_509 = arith.index_cast %parallel_loop3A_499 : i32 to index
        %parallel_loop3A_510 = arith.constant 16 : index
        %parallel_loop3A_511 = tpu.vector_load %arg9[%parallel_loop3A_509, %parallel_loop3A_510] {strides = array<i32>} : memref<1280x32xf32, #tpu.memory_space<vmem>>, vector<16xf32>,
        tpu.vector_store %arg9[%parallel_loop3A_509, %parallel_loop3A_510], %parallel_loop3A_508 {strides = array<i32>} : memref<1280x32xf32, #tpu.memory_space<vmem>>, vector<16xf32>,
        %parallel_loop3A_512 = vector.extract_strided_slice %parallel_loop3A_397 {offsets = [7], sizes = [1], strides = [1]} : vector<16xi32> to vector<1xi32>
        %parallel_loop3A_513 = vector.extract %parallel_loop3A_512[0] : i32 from vector<1xi32>
        %parallel_loop3A_514 = arith.constant 7 : i32
        %parallel_loop3A_515 = arith.addi %parallel_loop3A_399, %parallel_loop3A_514 : i32
        %parallel_loop3A_516 = arith.index_cast %parallel_loop3A_513 : i32 to index
        %parallel_loop3A_517 = arith.constant 0 : index
        %parallel_loop3A_518 = tpu.vector_load %arg7[%parallel_loop3A_516, %parallel_loop3A_517] {strides = array<i32>} : memref<257x32xf32, #tpu.memory_space<vmem>>, vector<16xf32>,
        %parallel_loop3A_519 = arith.index_cast %parallel_loop3A_515 : i32 to index
        %parallel_loop3A_520 = arith.constant 0 : index
        %parallel_loop3A_521 = tpu.vector_load %arg9[%parallel_loop3A_519, %parallel_loop3A_520] {strides = array<i32>} : memref<1280x32xf32, #tpu.memory_space<vmem>>, vector<16xf32>,
        tpu.vector_store %arg9[%parallel_loop3A_519, %parallel_loop3A_520], %parallel_loop3A_518 {strides = array<i32>} : memref<1280x32xf32, #tpu.memory_space<vmem>>, vector<16xf32>,
        %parallel_loop3A_522 = arith.index_cast %parallel_loop3A_513 : i32 to index
        %parallel_loop3A_523 = arith.constant 16 : index
        %parallel_loop3A_524 = tpu.vector_load %arg7[%parallel_loop3A_522, %parallel_loop3A_523] {strides = array<i32>} : memref<257x32xf32, #tpu.memory_space<vmem>>, vector<16xf32>,
        %parallel_loop3A_525 = arith.index_cast %parallel_loop3A_515 : i32 to index
        %parallel_loop3A_526 = arith.constant 16 : index
        %parallel_loop3A_527 = tpu.vector_load %arg9[%parallel_loop3A_525, %parallel_loop3A_526] {strides = array<i32>} : memref<1280x32xf32, #tpu.memory_space<vmem>>, vector<16xf32>,
        tpu.vector_store %arg9[%parallel_loop3A_525, %parallel_loop3A_526], %parallel_loop3A_524 {strides = array<i32>} : memref<1280x32xf32, #tpu.memory_space<vmem>>, vector<16xf32>,
        %parallel_loop3A_528 = vector.extract_strided_slice %parallel_loop3A_397 {offsets = [8], sizes = [1], strides = [1]} : vector<16xi32> to vector<1xi32>
        %parallel_loop3A_529 = vector.extract %parallel_loop3A_528[0] : i32 from vector<1xi32>
        %parallel_loop3A_530 = arith.constant 8 : i32
        %parallel_loop3A_531 = arith.addi %parallel_loop3A_399, %parallel_loop3A_530 : i32
        %parallel_loop3A_532 = arith.index_cast %parallel_loop3A_529 : i32 to index
        %parallel_loop3A_533 = arith.constant 0 : index
        %parallel_loop3A_534 = tpu.vector_load %arg7[%parallel_loop3A_532, %parallel_loop3A_533] {strides = array<i32>} : memref<257x32xf32, #tpu.memory_space<vmem>>, vector<16xf32>,
        %parallel_loop3A_535 = arith.index_cast %parallel_loop3A_531 : i32 to index
        %parallel_loop3A_536 = arith.constant 0 : index
        %parallel_loop3A_537 = tpu.vector_load %arg9[%parallel_loop3A_535, %parallel_loop3A_536] {strides = array<i32>} : memref<1280x32xf32, #tpu.memory_space<vmem>>, vector<16xf32>,
        tpu.vector_store %arg9[%parallel_loop3A_535, %parallel_loop3A_536], %parallel_loop3A_534 {strides = array<i32>} : memref<1280x32xf32, #tpu.memory_space<vmem>>, vector<16xf32>,
        %parallel_loop3A_538 = arith.index_cast %parallel_loop3A_529 : i32 to index
        %parallel_loop3A_539 = arith.constant 16 : index
        %parallel_loop3A_540 = tpu.vector_load %arg7[%parallel_loop3A_538, %parallel_loop3A_539] {strides = array<i32>} : memref<257x32xf32, #tpu.memory_space<vmem>>, vector<16xf32>,
        %parallel_loop3A_541 = arith.index_cast %parallel_loop3A_531 : i32 to index
        %parallel_loop3A_542 = arith.constant 16 : index
        %parallel_loop3A_543 = tpu.vector_load %arg9[%parallel_loop3A_541, %parallel_loop3A_542] {strides = array<i32>} : memref<1280x32xf32, #tpu.memory_space<vmem>>, vector<16xf32>,
        tpu.vector_store %arg9[%parallel_loop3A_541, %parallel_loop3A_542], %parallel_loop3A_540 {strides = array<i32>} : memref<1280x32xf32, #tpu.memory_space<vmem>>, vector<16xf32>,
        %parallel_loop3A_544 = vector.extract_strided_slice %parallel_loop3A_397 {offsets = [9], sizes = [1], strides = [1]} : vector<16xi32> to vector<1xi32>
        %parallel_loop3A_545 = vector.extract %parallel_loop3A_544[0] : i32 from vector<1xi32>
        %parallel_loop3A_546 = arith.constant 9 : i32
        %parallel_loop3A_547 = arith.addi %parallel_loop3A_399, %parallel_loop3A_546 : i32
        %parallel_loop3A_548 = arith.index_cast %parallel_loop3A_545 : i32 to index
        %parallel_loop3A_549 = arith.constant 0 : index
        %parallel_loop3A_550 = tpu.vector_load %arg7[%parallel_loop3A_548, %parallel_loop3A_549] {strides = array<i32>} : memref<257x32xf32, #tpu.memory_space<vmem>>, vector<16xf32>,
        %parallel_loop3A_551 = arith.index_cast %parallel_loop3A_547 : i32 to index
        %parallel_loop3A_552 = arith.constant 0 : index
        %parallel_loop3A_553 = tpu.vector_load %arg9[%parallel_loop3A_551, %parallel_loop3A_552] {strides = array<i32>} : memref<1280x32xf32, #tpu.memory_space<vmem>>, vector<16xf32>,
        tpu.vector_store %arg9[%parallel_loop3A_551, %parallel_loop3A_552], %parallel_loop3A_550 {strides = array<i32>} : memref<1280x32xf32, #tpu.memory_space<vmem>>, vector<16xf32>,
        %parallel_loop3A_554 = arith.index_cast %parallel_loop3A_545 : i32 to index
        %parallel_loop3A_555 = arith.constant 16 : index
        %parallel_loop3A_556 = tpu.vector_load %arg7[%parallel_loop3A_554, %parallel_loop3A_555] {strides = array<i32>} : memref<257x32xf32, #tpu.memory_space<vmem>>, vector<16xf32>,
        %parallel_loop3A_557 = arith.index_cast %parallel_loop3A_547 : i32 to index
        %parallel_loop3A_558 = arith.constant 16 : index
        %parallel_loop3A_559 = tpu.vector_load %arg9[%parallel_loop3A_557, %parallel_loop3A_558] {strides = array<i32>} : memref<1280x32xf32, #tpu.memory_space<vmem>>, vector<16xf32>,
        tpu.vector_store %arg9[%parallel_loop3A_557, %parallel_loop3A_558], %parallel_loop3A_556 {strides = array<i32>} : memref<1280x32xf32, #tpu.memory_space<vmem>>, vector<16xf32>,
        %parallel_loop3A_560 = vector.extract_strided_slice %parallel_loop3A_397 {offsets = [10], sizes = [1], strides = [1]} : vector<16xi32> to vector<1xi32>
        %parallel_loop3A_561 = vector.extract %parallel_loop3A_560[0] : i32 from vector<1xi32>
        %parallel_loop3A_562 = arith.constant 10 : i32
        %parallel_loop3A_563 = arith.addi %parallel_loop3A_399, %parallel_loop3A_562 : i32
        %parallel_loop3A_564 = arith.index_cast %parallel_loop3A_561 : i32 to index
        %parallel_loop3A_565 = arith.constant 0 : index
        %parallel_loop3A_566 = tpu.vector_load %arg7[%parallel_loop3A_564, %parallel_loop3A_565] {strides = array<i32>} : memref<257x32xf32, #tpu.memory_space<vmem>>, vector<16xf32>,
        %parallel_loop3A_567 = arith.index_cast %parallel_loop3A_563 : i32 to index
        %parallel_loop3A_568 = arith.constant 0 : index
        %parallel_loop3A_569 = tpu.vector_load %arg9[%parallel_loop3A_567, %parallel_loop3A_568] {strides = array<i32>} : memref<1280x32xf32, #tpu.memory_space<vmem>>, vector<16xf32>,
        tpu.vector_store %arg9[%parallel_loop3A_567, %parallel_loop3A_568], %parallel_loop3A_566 {strides = array<i32>} : memref<1280x32xf32, #tpu.memory_space<vmem>>, vector<16xf32>,
        %parallel_loop3A_570 = arith.index_cast %parallel_loop3A_561 : i32 to index
        %parallel_loop3A_571 = arith.constant 16 : index
        %parallel_loop3A_572 = tpu.vector_load %arg7[%parallel_loop3A_570, %parallel_loop3A_571] {strides = array<i32>} : memref<257x32xf32, #tpu.memory_space<vmem>>, vector<16xf32>,
        %parallel_loop3A_573 = arith.index_cast %parallel_loop3A_563 : i32 to index
        %parallel_loop3A_574 = arith.constant 16 : index
        %parallel_loop3A_575 = tpu.vector_load %arg9[%parallel_loop3A_573, %parallel_loop3A_574] {strides = array<i32>} : memref<1280x32xf32, #tpu.memory_space<vmem>>, vector<16xf32>,
        tpu.vector_store %arg9[%parallel_loop3A_573, %parallel_loop3A_574], %parallel_loop3A_572 {strides = array<i32>} : memref<1280x32xf32, #tpu.memory_space<vmem>>, vector<16xf32>,
        %parallel_loop3A_576 = vector.extract_strided_slice %parallel_loop3A_397 {offsets = [11], sizes = [1], strides = [1]} : vector<16xi32> to vector<1xi32>
        %parallel_loop3A_577 = vector.extract %parallel_loop3A_576[0] : i32 from vector<1xi32>
        %parallel_loop3A_578 = arith.constant 11 : i32
        %parallel_loop3A_579 = arith.addi %parallel_loop3A_399, %parallel_loop3A_578 : i32
        %parallel_loop3A_580 = arith.index_cast %parallel_loop3A_577 : i32 to index
        %parallel_loop3A_581 = arith.constant 0 : index
        %parallel_loop3A_582 = tpu.vector_load %arg7[%parallel_loop3A_580, %parallel_loop3A_581] {strides = array<i32>} : memref<257x32xf32, #tpu.memory_space<vmem>>, vector<16xf32>,
        %parallel_loop3A_583 = arith.index_cast %parallel_loop3A_579 : i32 to index
        %parallel_loop3A_584 = arith.constant 0 : index
        %parallel_loop3A_585 = tpu.vector_load %arg9[%parallel_loop3A_583, %parallel_loop3A_584] {strides = array<i32>} : memref<1280x32xf32, #tpu.memory_space<vmem>>, vector<16xf32>,
        tpu.vector_store %arg9[%parallel_loop3A_583, %parallel_loop3A_584], %parallel_loop3A_582 {strides = array<i32>} : memref<1280x32xf32, #tpu.memory_space<vmem>>, vector<16xf32>,
        %parallel_loop3A_586 = arith.index_cast %parallel_loop3A_577 : i32 to index
        %parallel_loop3A_587 = arith.constant 16 : index
        %parallel_loop3A_588 = tpu.vector_load %arg7[%parallel_loop3A_586, %parallel_loop3A_587] {strides = array<i32>} : memref<257x32xf32, #tpu.memory_space<vmem>>, vector<16xf32>,
        %parallel_loop3A_589 = arith.index_cast %parallel_loop3A_579 : i32 to index
        %parallel_loop3A_590 = arith.constant 16 : index
        %parallel_loop3A_591 = tpu.vector_load %arg9[%parallel_loop3A_589, %parallel_loop3A_590] {strides = array<i32>} : memref<1280x32xf32, #tpu.memory_space<vmem>>, vector<16xf32>,
        tpu.vector_store %arg9[%parallel_loop3A_589, %parallel_loop3A_590], %parallel_loop3A_588 {strides = array<i32>} : memref<1280x32xf32, #tpu.memory_space<vmem>>, vector<16xf32>,
        %parallel_loop3A_592 = vector.extract_strided_slice %parallel_loop3A_397 {offsets = [12], sizes = [1], strides = [1]} : vector<16xi32> to vector<1xi32>
        %parallel_loop3A_593 = vector.extract %parallel_loop3A_592[0] : i32 from vector<1xi32>
        %parallel_loop3A_594 = arith.constant 12 : i32
        %parallel_loop3A_595 = arith.addi %parallel_loop3A_399, %parallel_loop3A_594 : i32
        %parallel_loop3A_596 = arith.index_cast %parallel_loop3A_593 : i32 to index
        %parallel_loop3A_597 = arith.constant 0 : index
        %parallel_loop3A_598 = tpu.vector_load %arg7[%parallel_loop3A_596, %parallel_loop3A_597] {strides = array<i32>} : memref<257x32xf32, #tpu.memory_space<vmem>>, vector<16xf32>,
        %parallel_loop3A_599 = arith.index_cast %parallel_loop3A_595 : i32 to index
        %parallel_loop3A_600 = arith.constant 0 : index
        %parallel_loop3A_601 = tpu.vector_load %arg9[%parallel_loop3A_599, %parallel_loop3A_600] {strides = array<i32>} : memref<1280x32xf32, #tpu.memory_space<vmem>>, vector<16xf32>,
        tpu.vector_store %arg9[%parallel_loop3A_599, %parallel_loop3A_600], %parallel_loop3A_598 {strides = array<i32>} : memref<1280x32xf32, #tpu.memory_space<vmem>>, vector<16xf32>,
        %parallel_loop3A_602 = arith.index_cast %parallel_loop3A_593 : i32 to index
        %parallel_loop3A_603 = arith.constant 16 : index
        %parallel_loop3A_604 = tpu.vector_load %arg7[%parallel_loop3A_602, %parallel_loop3A_603] {strides = array<i32>} : memref<257x32xf32, #tpu.memory_space<vmem>>, vector<16xf32>,
        %parallel_loop3A_605 = arith.index_cast %parallel_loop3A_595 : i32 to index
        %parallel_loop3A_606 = arith.constant 16 : index
        %parallel_loop3A_607 = tpu.vector_load %arg9[%parallel_loop3A_605, %parallel_loop3A_606] {strides = array<i32>} : memref<1280x32xf32, #tpu.memory_space<vmem>>, vector<16xf32>,
        tpu.vector_store %arg9[%parallel_loop3A_605, %parallel_loop3A_606], %parallel_loop3A_604 {strides = array<i32>} : memref<1280x32xf32, #tpu.memory_space<vmem>>, vector<16xf32>,
        %parallel_loop3A_608 = vector.extract_strided_slice %parallel_loop3A_397 {offsets = [13], sizes = [1], strides = [1]} : vector<16xi32> to vector<1xi32>
        %parallel_loop3A_609 = vector.extract %parallel_loop3A_608[0] : i32 from vector<1xi32>
        %parallel_loop3A_610 = arith.constant 13 : i32
        %parallel_loop3A_611 = arith.addi %parallel_loop3A_399, %parallel_loop3A_610 : i32
        %parallel_loop3A_612 = arith.index_cast %parallel_loop3A_609 : i32 to index
        %parallel_loop3A_613 = arith.constant 0 : index
        %parallel_loop3A_614 = tpu.vector_load %arg7[%parallel_loop3A_612, %parallel_loop3A_613] {strides = array<i32>} : memref<257x32xf32, #tpu.memory_space<vmem>>, vector<16xf32>,
        %parallel_loop3A_615 = arith.index_cast %parallel_loop3A_611 : i32 to index
        %parallel_loop3A_616 = arith.constant 0 : index
        %parallel_loop3A_617 = tpu.vector_load %arg9[%parallel_loop3A_615, %parallel_loop3A_616] {strides = array<i32>} : memref<1280x32xf32, #tpu.memory_space<vmem>>, vector<16xf32>,
        tpu.vector_store %arg9[%parallel_loop3A_615, %parallel_loop3A_616], %parallel_loop3A_614 {strides = array<i32>} : memref<1280x32xf32, #tpu.memory_space<vmem>>, vector<16xf32>,
        %parallel_loop3A_618 = arith.index_cast %parallel_loop3A_609 : i32 to index
        %parallel_loop3A_619 = arith.constant 16 : index
        %parallel_loop3A_620 = tpu.vector_load %arg7[%parallel_loop3A_618, %parallel_loop3A_619] {strides = array<i32>} : memref<257x32xf32, #tpu.memory_space<vmem>>, vector<16xf32>,
        %parallel_loop3A_621 = arith.index_cast %parallel_loop3A_611 : i32 to index
        %parallel_loop3A_622 = arith.constant 16 : index
        %parallel_loop3A_623 = tpu.vector_load %arg9[%parallel_loop3A_621, %parallel_loop3A_622] {strides = array<i32>} : memref<1280x32xf32, #tpu.memory_space<vmem>>, vector<16xf32>,
        tpu.vector_store %arg9[%parallel_loop3A_621, %parallel_loop3A_622], %parallel_loop3A_620 {strides = array<i32>} : memref<1280x32xf32, #tpu.memory_space<vmem>>, vector<16xf32>,
        %parallel_loop3A_624 = vector.extract_strided_slice %parallel_loop3A_397 {offsets = [14], sizes = [1], strides = [1]} : vector<16xi32> to vector<1xi32>
        %parallel_loop3A_625 = vector.extract %parallel_loop3A_624[0] : i32 from vector<1xi32>
        %parallel_loop3A_626 = arith.constant 14 : i32
        %parallel_loop3A_627 = arith.addi %parallel_loop3A_399, %parallel_loop3A_626 : i32
        %parallel_loop3A_628 = arith.index_cast %parallel_loop3A_625 : i32 to index
        %parallel_loop3A_629 = arith.constant 0 : index
        %parallel_loop3A_630 = tpu.vector_load %arg7[%parallel_loop3A_628, %parallel_loop3A_629] {strides = array<i32>} : memref<257x32xf32, #tpu.memory_space<vmem>>, vector<16xf32>,
        %parallel_loop3A_631 = arith.index_cast %parallel_loop3A_627 : i32 to index
        %parallel_loop3A_632 = arith.constant 0 : index
        %parallel_loop3A_633 = tpu.vector_load %arg9[%parallel_loop3A_631, %parallel_loop3A_632] {strides = array<i32>} : memref<1280x32xf32, #tpu.memory_space<vmem>>, vector<16xf32>,
        tpu.vector_store %arg9[%parallel_loop3A_631, %parallel_loop3A_632], %parallel_loop3A_630 {strides = array<i32>} : memref<1280x32xf32, #tpu.memory_space<vmem>>, vector<16xf32>,
        %parallel_loop3A_634 = arith.index_cast %parallel_loop3A_625 : i32 to index
        %parallel_loop3A_635 = arith.constant 16 : index
        %parallel_loop3A_636 = tpu.vector_load %arg7[%parallel_loop3A_634, %parallel_loop3A_635] {strides = array<i32>} : memref<257x32xf32, #tpu.memory_space<vmem>>, vector<16xf32>,
        %parallel_loop3A_637 = arith.index_cast %parallel_loop3A_627 : i32 to index
        %parallel_loop3A_638 = arith.constant 16 : index
        %parallel_loop3A_639 = tpu.vector_load %arg9[%parallel_loop3A_637, %parallel_loop3A_638] {strides = array<i32>} : memref<1280x32xf32, #tpu.memory_space<vmem>>, vector<16xf32>,
        tpu.vector_store %arg9[%parallel_loop3A_637, %parallel_loop3A_638], %parallel_loop3A_636 {strides = array<i32>} : memref<1280x32xf32, #tpu.memory_space<vmem>>, vector<16xf32>,
        %parallel_loop3A_640 = vector.extract_strided_slice %parallel_loop3A_397 {offsets = [15], sizes = [1], strides = [1]} : vector<16xi32> to vector<1xi32>
        %parallel_loop3A_641 = vector.extract %parallel_loop3A_640[0] : i32 from vector<1xi32>
        %parallel_loop3A_642 = arith.constant 15 : i32
        %parallel_loop3A_643 = arith.addi %parallel_loop3A_399, %parallel_loop3A_642 : i32
        %parallel_loop3A_644 = arith.index_cast %parallel_loop3A_641 : i32 to index
        %parallel_loop3A_645 = arith.constant 0 : index
        %parallel_loop3A_646 = tpu.vector_load %arg7[%parallel_loop3A_644, %parallel_loop3A_645] {strides = array<i32>} : memref<257x32xf32, #tpu.memory_space<vmem>>, vector<16xf32>,
        %parallel_loop3A_647 = arith.index_cast %parallel_loop3A_643 : i32 to index
        %parallel_loop3A_648 = arith.constant 0 : index
        %parallel_loop3A_649 = tpu.vector_load %arg9[%parallel_loop3A_647, %parallel_loop3A_648] {strides = array<i32>} : memref<1280x32xf32, #tpu.memory_space<vmem>>, vector<16xf32>,
        tpu.vector_store %arg9[%parallel_loop3A_647, %parallel_loop3A_648], %parallel_loop3A_646 {strides = array<i32>} : memref<1280x32xf32, #tpu.memory_space<vmem>>, vector<16xf32>,
        %parallel_loop3A_650 = arith.index_cast %parallel_loop3A_641 : i32 to index
        %parallel_loop3A_651 = arith.constant 16 : index
        %parallel_loop3A_652 = tpu.vector_load %arg7[%parallel_loop3A_650, %parallel_loop3A_651] {strides = array<i32>} : memref<257x32xf32, #tpu.memory_space<vmem>>, vector<16xf32>,
        %parallel_loop3A_653 = arith.index_cast %parallel_loop3A_643 : i32 to index
        %parallel_loop3A_654 = arith.constant 16 : index
        %parallel_loop3A_655 = tpu.vector_load %arg9[%parallel_loop3A_653, %parallel_loop3A_654] {strides = array<i32>} : memref<1280x32xf32, #tpu.memory_space<vmem>>, vector<16xf32>,
        tpu.vector_store %arg9[%parallel_loop3A_653, %parallel_loop3A_654], %parallel_loop3A_652 {strides = array<i32>} : memref<1280x32xf32, #tpu.memory_space<vmem>>, vector<16xf32>,
      } {sc.loop_unroll_factor = 1 : i64, sc.parallel_access}
      %dma_start3A = arith.constant 0 : i32
      %dma_start3A_90 = arith.constant 0 : i32
      %dma_start3A_91 = arith.constant 0 : i32
      %dma_start3A_92 = tpu.memref_slice %arg9[%dma_start3A, %dma_start3A_91] : memref<1280x32xf32, #tpu.memory_space<vmem>> -> memref<128x32xf32, #tpu.memory_space<vmem>>
      %dma_start3A_93 = arith.constant 0 : i32
      %dma_start3A_94 = tpu.memref_slice %arg8[%dma_start3A_90, %dma_start3A_93] : memref<20x128xi32, #tpu.memory_space<vmem>> -> memref<1x128xi32, #tpu.memory_space<vmem>>
      %dma_start3A_95 = tpu.memref_squeeze %dma_start3A_94 : memref<1x128xi32, #tpu.memory_space<vmem>> -> memref<128xi32, #tpu.memory_space<vmem>>
      %dma_start3A_96 = arith.constant 0 : i32
      %dma_start3A_97 = arith.constant 0 : i32
      %dma_start3A_98 = tpu.memref_slice %arg4[%add3A_61, %dma_start3A_96, %dma_start3A_97] : memref<1024x2500x32xf32, #tpu.memory_space<hbm>> -> memref<1x2500x32xf32, #tpu.memory_space<hbm>>
      %dma_start3A_99 = tpu.memref_squeeze %dma_start3A_98 : memref<1x2500x32xf32, #tpu.memory_space<hbm>> -> memref<2500x32xf32, #tpu.memory_space<hbm>>
      %dma_start3A_100 = arith.constant 0 : i32
      %dma_start3A_101 = arith.constant 0 : i32
      %dma_start3A_102 = tpu.memref_slice %dma_start3A_99[%dma_start3A_100, %dma_start3A_101] : memref<2500x32xf32, #tpu.memory_space<hbm>> -> memref<2500x32xf32, #tpu.memory_space<hbm>>
      tpu.enqueue_indirect_dma source(%dma_start3A_92 : memref<128x32xf32, #tpu.memory_space<vmem>>) target(%dma_start3A_102 : memref<2500x32xf32, #tpu.memory_space<hbm>>) offsets(%dma_start3A_95 : memref<128xi32, #tpu.memory_space<vmem>>) semaphore(%arg11 : memref<!tpu.dma_semaphore, #tpu.memory_space<semaphore_mem>>)
      %dma_start3A_103 = arith.constant 128 : i32
      %dma_start3A_104 = arith.constant 1 : i32
      %dma_start3A_105 = arith.constant 0 : i32
      %dma_start3A_106 = tpu.memref_slice %arg9[%dma_start3A_103, %dma_start3A_105] : memref<1280x32xf32, #tpu.memory_space<vmem>> -> memref<128x32xf32, #tpu.memory_space<vmem>>
      %dma_start3A_107 = arith.constant 0 : i32
      %dma_start3A_108 = tpu.memref_slice %arg8[%dma_start3A_104, %dma_start3A_107] : memref<20x128xi32, #tpu.memory_space<vmem>> -> memref<1x128xi32, #tpu.memory_space<vmem>>
      %dma_start3A_109 = tpu.memref_squeeze %dma_start3A_108 : memref<1x128xi32, #tpu.memory_space<vmem>> -> memref<128xi32, #tpu.memory_space<vmem>>
      %dma_start3A_110 = arith.constant 0 : i32
      %dma_start3A_111 = arith.constant 0 : i32
      %dma_start3A_112 = tpu.memref_slice %arg4[%add3A_61, %dma_start3A_110, %dma_start3A_111] : memref<1024x2500x32xf32, #tpu.memory_space<hbm>> -> memref<1x2500x32xf32, #tpu.memory_space<hbm>>
      %dma_start3A_113 = tpu.memref_squeeze %dma_start3A_112 : memref<1x2500x32xf32, #tpu.memory_space<hbm>> -> memref<2500x32xf32, #tpu.memory_space<hbm>>
      %dma_start3A_114 = arith.constant 0 : i32
      %dma_start3A_115 = arith.constant 0 : i32
      %dma_start3A_116 = tpu.memref_slice %dma_start3A_113[%dma_start3A_114, %dma_start3A_115] : memref<2500x32xf32, #tpu.memory_space<hbm>> -> memref<2500x32xf32, #tpu.memory_space<hbm>>
      tpu.enqueue_indirect_dma source(%dma_start3A_106 : memref<128x32xf32, #tpu.memory_space<vmem>>) target(%dma_start3A_116 : memref<2500x32xf32, #tpu.memory_space<hbm>>) offsets(%dma_start3A_109 : memref<128xi32, #tpu.memory_space<vmem>>) semaphore(%arg11 : memref<!tpu.dma_semaphore, #tpu.memory_space<semaphore_mem>>)
      %dma_start3A_117 = arith.constant 256 : i32
      %dma_start3A_118 = arith.constant 2 : i32
      %dma_start3A_119 = arith.constant 0 : i32
      %dma_start3A_120 = tpu.memref_slice %arg9[%dma_start3A_117, %dma_start3A_119] : memref<1280x32xf32, #tpu.memory_space<vmem>> -> memref<128x32xf32, #tpu.memory_space<vmem>>
      %dma_start3A_121 = arith.constant 0 : i32
      %dma_start3A_122 = tpu.memref_slice %arg8[%dma_start3A_118, %dma_start3A_121] : memref<20x128xi32, #tpu.memory_space<vmem>> -> memref<1x128xi32, #tpu.memory_space<vmem>>
      %dma_start3A_123 = tpu.memref_squeeze %dma_start3A_122 : memref<1x128xi32, #tpu.memory_space<vmem>> -> memref<128xi32, #tpu.memory_space<vmem>>
      %dma_start3A_124 = arith.constant 0 : i32
      %dma_start3A_125 = arith.constant 0 : i32
      %dma_start3A_126 = tpu.memref_slice %arg4[%add3A_61, %dma_start3A_124, %dma_start3A_125] : memref<1024x2500x32xf32, #tpu.memory_space<hbm>> -> memref<1x2500x32xf32, #tpu.memory_space<hbm>>
      %dma_start3A_127 = tpu.memref_squeeze %dma_start3A_126 : memref<1x2500x32xf32, #tpu.memory_space<hbm>> -> memref<2500x32xf32, #tpu.memory_space<hbm>>
      %dma_start3A_128 = arith.constant 0 : i32
      %dma_start3A_129 = arith.constant 0 : i32
      %dma_start3A_130 = tpu.memref_slice %dma_start3A_127[%dma_start3A_128, %dma_start3A_129] : memref<2500x32xf32, #tpu.memory_space<hbm>> -> memref<2500x32xf32, #tpu.memory_space<hbm>>
      tpu.enqueue_indirect_dma source(%dma_start3A_120 : memref<128x32xf32, #tpu.memory_space<vmem>>) target(%dma_start3A_130 : memref<2500x32xf32, #tpu.memory_space<hbm>>) offsets(%dma_start3A_123 : memref<128xi32, #tpu.memory_space<vmem>>) semaphore(%arg11 : memref<!tpu.dma_semaphore, #tpu.memory_space<semaphore_mem>>)
      %dma_start3A_131 = arith.constant 384 : i32
      %dma_start3A_132 = arith.constant 3 : i32
      %dma_start3A_133 = arith.constant 0 : i32
      %dma_start3A_134 = tpu.memref_slice %arg9[%dma_start3A_131, %dma_start3A_133] : memref<1280x32xf32, #tpu.memory_space<vmem>> -> memref<128x32xf32, #tpu.memory_space<vmem>>
      %dma_start3A_135 = arith.constant 0 : i32
      %dma_start3A_136 = tpu.memref_slice %arg8[%dma_start3A_132, %dma_start3A_135] : memref<20x128xi32, #tpu.memory_space<vmem>> -> memref<1x128xi32, #tpu.memory_space<vmem>>
      %dma_start3A_137 = tpu.memref_squeeze %dma_start3A_136 : memref<1x128xi32, #tpu.memory_space<vmem>> -> memref<128xi32, #tpu.memory_space<vmem>>
      %dma_start3A_138 = arith.constant 0 : i32
      %dma_start3A_139 = arith.constant 0 : i32
      %dma_start3A_140 = tpu.memref_slice %arg4[%add3A_61, %dma_start3A_138, %dma_start3A_139] : memref<1024x2500x32xf32, #tpu.memory_space<hbm>> -> memref<1x2500x32xf32, #tpu.memory_space<hbm>>
      %dma_start3A_141 = tpu.memref_squeeze %dma_start3A_140 : memref<1x2500x32xf32, #tpu.memory_space<hbm>> -> memref<2500x32xf32, #tpu.memory_space<hbm>>
      %dma_start3A_142 = arith.constant 0 : i32
      %dma_start3A_143 = arith.constant 0 : i32
      %dma_start3A_144 = tpu.memref_slice %dma_start3A_141[%dma_start3A_142, %dma_start3A_143] : memref<2500x32xf32, #tpu.memory_space<hbm>> -> memref<2500x32xf32, #tpu.memory_space<hbm>>
      tpu.enqueue_indirect_dma source(%dma_start3A_134 : memref<128x32xf32, #tpu.memory_space<vmem>>) target(%dma_start3A_144 : memref<2500x32xf32, #tpu.memory_space<hbm>>) offsets(%dma_start3A_137 : memref<128xi32, #tpu.memory_space<vmem>>) semaphore(%arg11 : memref<!tpu.dma_semaphore, #tpu.memory_space<semaphore_mem>>)
      %dma_start3A_145 = arith.constant 512 : i32
      %dma_start3A_146 = arith.constant 4 : i32
      %dma_start3A_147 = arith.constant 0 : i32
      %dma_start3A_148 = tpu.memref_slice %arg9[%dma_start3A_145, %dma_start3A_147] : memref<1280x32xf32, #tpu.memory_space<vmem>> -> memref<128x32xf32, #tpu.memory_space<vmem>>
      %dma_start3A_149 = arith.constant 0 : i32
      %dma_start3A_150 = tpu.memref_slice %arg8[%dma_start3A_146, %dma_start3A_149] : memref<20x128xi32, #tpu.memory_space<vmem>> -> memref<1x128xi32, #tpu.memory_space<vmem>>
      %dma_start3A_151 = tpu.memref_squeeze %dma_start3A_150 : memref<1x128xi32, #tpu.memory_space<vmem>> -> memref<128xi32, #tpu.memory_space<vmem>>
      %dma_start3A_152 = arith.constant 0 : i32
      %dma_start3A_153 = arith.constant 0 : i32
      %dma_start3A_154 = tpu.memref_slice %arg4[%add3A_61, %dma_start3A_152, %dma_start3A_153] : memref<1024x2500x32xf32, #tpu.memory_space<hbm>> -> memref<1x2500x32xf32, #tpu.memory_space<hbm>>
      %dma_start3A_155 = tpu.memref_squeeze %dma_start3A_154 : memref<1x2500x32xf32, #tpu.memory_space<hbm>> -> memref<2500x32xf32, #tpu.memory_space<hbm>>
      %dma_start3A_156 = arith.constant 0 : i32
      %dma_start3A_157 = arith.constant 0 : i32
      %dma_start3A_158 = tpu.memref_slice %dma_start3A_155[%dma_start3A_156, %dma_start3A_157] : memref<2500x32xf32, #tpu.memory_space<hbm>> -> memref<2500x32xf32, #tpu.memory_space<hbm>>
      tpu.enqueue_indirect_dma source(%dma_start3A_148 : memref<128x32xf32, #tpu.memory_space<vmem>>) target(%dma_start3A_158 : memref<2500x32xf32, #tpu.memory_space<hbm>>) offsets(%dma_start3A_151 : memref<128xi32, #tpu.memory_space<vmem>>) semaphore(%arg11 : memref<!tpu.dma_semaphore, #tpu.memory_space<semaphore_mem>>)
      %dma_start3A_159 = arith.constant 640 : i32
      %dma_start3A_160 = arith.constant 5 : i32
      %dma_start3A_161 = arith.constant 0 : i32
      %dma_start3A_162 = tpu.memref_slice %arg9[%dma_start3A_159, %dma_start3A_161] : memref<1280x32xf32, #tpu.memory_space<vmem>> -> memref<128x32xf32, #tpu.memory_space<vmem>>
      %dma_start3A_163 = arith.constant 0 : i32
      %dma_start3A_164 = tpu.memref_slice %arg8[%dma_start3A_160, %dma_start3A_163] : memref<20x128xi32, #tpu.memory_space<vmem>> -> memref<1x128xi32, #tpu.memory_space<vmem>>
      %dma_start3A_165 = tpu.memref_squeeze %dma_start3A_164 : memref<1x128xi32, #tpu.memory_space<vmem>> -> memref<128xi32, #tpu.memory_space<vmem>>
      %dma_start3A_166 = arith.constant 0 : i32
      %dma_start3A_167 = arith.constant 0 : i32
      %dma_start3A_168 = tpu.memref_slice %arg4[%add3A_61, %dma_start3A_166, %dma_start3A_167] : memref<1024x2500x32xf32, #tpu.memory_space<hbm>> -> memref<1x2500x32xf32, #tpu.memory_space<hbm>>
      %dma_start3A_169 = tpu.memref_squeeze %dma_start3A_168 : memref<1x2500x32xf32, #tpu.memory_space<hbm>> -> memref<2500x32xf32, #tpu.memory_space<hbm>>
      %dma_start3A_170 = arith.constant 0 : i32
      %dma_start3A_171 = arith.constant 0 : i32
      %dma_start3A_172 = tpu.memref_slice %dma_start3A_169[%dma_start3A_170, %dma_start3A_171] : memref<2500x32xf32, #tpu.memory_space<hbm>> -> memref<2500x32xf32, #tpu.memory_space<hbm>>
      tpu.enqueue_indirect_dma source(%dma_start3A_162 : memref<128x32xf32, #tpu.memory_space<vmem>>) target(%dma_start3A_172 : memref<2500x32xf32, #tpu.memory_space<hbm>>) offsets(%dma_start3A_165 : memref<128xi32, #tpu.memory_space<vmem>>) semaphore(%arg11 : memref<!tpu.dma_semaphore, #tpu.memory_space<semaphore_mem>>)
      %dma_start3A_173 = arith.constant 768 : i32
      %dma_start3A_174 = arith.constant 6 : i32
      %dma_start3A_175 = arith.constant 0 : i32
      %dma_start3A_176 = tpu.memref_slice %arg9[%dma_start3A_173, %dma_start3A_175] : memref<1280x32xf32, #tpu.memory_space<vmem>> -> memref<128x32xf32, #tpu.memory_space<vmem>>
      %dma_start3A_177 = arith.constant 0 : i32
      %dma_start3A_178 = tpu.memref_slice %arg8[%dma_start3A_174, %dma_start3A_177] : memref<20x128xi32, #tpu.memory_space<vmem>> -> memref<1x128xi32, #tpu.memory_space<vmem>>
      %dma_start3A_179 = tpu.memref_squeeze %dma_start3A_178 : memref<1x128xi32, #tpu.memory_space<vmem>> -> memref<128xi32, #tpu.memory_space<vmem>>
      %dma_start3A_180 = arith.constant 0 : i32
      %dma_start3A_181 = arith.constant 0 : i32
      %dma_start3A_182 = tpu.memref_slice %arg4[%add3A_61, %dma_start3A_180, %dma_start3A_181] : memref<1024x2500x32xf32, #tpu.memory_space<hbm>> -> memref<1x2500x32xf32, #tpu.memory_space<hbm>>
      %dma_start3A_183 = tpu.memref_squeeze %dma_start3A_182 : memref<1x2500x32xf32, #tpu.memory_space<hbm>> -> memref<2500x32xf32, #tpu.memory_space<hbm>>
      %dma_start3A_184 = arith.constant 0 : i32
      %dma_start3A_185 = arith.constant 0 : i32
      %dma_start3A_186 = tpu.memref_slice %dma_start3A_183[%dma_start3A_184, %dma_start3A_185] : memref<2500x32xf32, #tpu.memory_space<hbm>> -> memref<2500x32xf32, #tpu.memory_space<hbm>>
      tpu.enqueue_indirect_dma source(%dma_start3A_176 : memref<128x32xf32, #tpu.memory_space<vmem>>) target(%dma_start3A_186 : memref<2500x32xf32, #tpu.memory_space<hbm>>) offsets(%dma_start3A_179 : memref<128xi32, #tpu.memory_space<vmem>>) semaphore(%arg11 : memref<!tpu.dma_semaphore, #tpu.memory_space<semaphore_mem>>)
      %dma_start3A_187 = arith.constant 896 : i32
      %dma_start3A_188 = arith.constant 7 : i32
      %dma_start3A_189 = arith.constant 0 : i32
      %dma_start3A_190 = tpu.memref_slice %arg9[%dma_start3A_187, %dma_start3A_189] : memref<1280x32xf32, #tpu.memory_space<vmem>> -> memref<128x32xf32, #tpu.memory_space<vmem>>
      %dma_start3A_191 = arith.constant 0 : i32
      %dma_start3A_192 = tpu.memref_slice %arg8[%dma_start3A_188, %dma_start3A_191] : memref<20x128xi32, #tpu.memory_space<vmem>> -> memref<1x128xi32, #tpu.memory_space<vmem>>
      %dma_start3A_193 = tpu.memref_squeeze %dma_start3A_192 : memref<1x128xi32, #tpu.memory_space<vmem>> -> memref<128xi32, #tpu.memory_space<vmem>>
      %dma_start3A_194 = arith.constant 0 : i32
      %dma_start3A_195 = arith.constant 0 : i32
      %dma_start3A_196 = tpu.memref_slice %arg4[%add3A_61, %dma_start3A_194, %dma_start3A_195] : memref<1024x2500x32xf32, #tpu.memory_space<hbm>> -> memref<1x2500x32xf32, #tpu.memory_space<hbm>>
      %dma_start3A_197 = tpu.memref_squeeze %dma_start3A_196 : memref<1x2500x32xf32, #tpu.memory_space<hbm>> -> memref<2500x32xf32, #tpu.memory_space<hbm>>
      %dma_start3A_198 = arith.constant 0 : i32
      %dma_start3A_199 = arith.constant 0 : i32
      %dma_start3A_200 = tpu.memref_slice %dma_start3A_197[%dma_start3A_198, %dma_start3A_199] : memref<2500x32xf32, #tpu.memory_space<hbm>> -> memref<2500x32xf32, #tpu.memory_space<hbm>>
      tpu.enqueue_indirect_dma source(%dma_start3A_190 : memref<128x32xf32, #tpu.memory_space<vmem>>) target(%dma_start3A_200 : memref<2500x32xf32, #tpu.memory_space<hbm>>) offsets(%dma_start3A_193 : memref<128xi32, #tpu.memory_space<vmem>>) semaphore(%arg11 : memref<!tpu.dma_semaphore, #tpu.memory_space<semaphore_mem>>)
      %dma_start3A_201 = arith.constant 1024 : i32
      %dma_start3A_202 = arith.constant 8 : i32
      %dma_start3A_203 = arith.constant 0 : i32
      %dma_start3A_204 = tpu.memref_slice %arg9[%dma_start3A_201, %dma_start3A_203] : memref<1280x32xf32, #tpu.memory_space<vmem>> -> memref<128x32xf32, #tpu.memory_space<vmem>>
      %dma_start3A_205 = arith.constant 0 : i32
      %dma_start3A_206 = tpu.memref_slice %arg8[%dma_start3A_202, %dma_start3A_205] : memref<20x128xi32, #tpu.memory_space<vmem>> -> memref<1x128xi32, #tpu.memory_space<vmem>>
      %dma_start3A_207 = tpu.memref_squeeze %dma_start3A_206 : memref<1x128xi32, #tpu.memory_space<vmem>> -> memref<128xi32, #tpu.memory_space<vmem>>
      %dma_start3A_208 = arith.constant 0 : i32
      %dma_start3A_209 = arith.constant 0 : i32
      %dma_start3A_210 = tpu.memref_slice %arg4[%add3A_61, %dma_start3A_208, %dma_start3A_209] : memref<1024x2500x32xf32, #tpu.memory_space<hbm>> -> memref<1x2500x32xf32, #tpu.memory_space<hbm>>
      %dma_start3A_211 = tpu.memref_squeeze %dma_start3A_210 : memref<1x2500x32xf32, #tpu.memory_space<hbm>> -> memref<2500x32xf32, #tpu.memory_space<hbm>>
      %dma_start3A_212 = arith.constant 0 : i32
      %dma_start3A_213 = arith.constant 0 : i32
      %dma_start3A_214 = tpu.memref_slice %dma_start3A_211[%dma_start3A_212, %dma_start3A_213] : memref<2500x32xf32, #tpu.memory_space<hbm>> -> memref<2500x32xf32, #tpu.memory_space<hbm>>
      tpu.enqueue_indirect_dma source(%dma_start3A_204 : memref<128x32xf32, #tpu.memory_space<vmem>>) target(%dma_start3A_214 : memref<2500x32xf32, #tpu.memory_space<hbm>>) offsets(%dma_start3A_207 : memref<128xi32, #tpu.memory_space<vmem>>) semaphore(%arg11 : memref<!tpu.dma_semaphore, #tpu.memory_space<semaphore_mem>>)
      %dma_start3A_215 = arith.constant 1152 : i32
      %dma_start3A_216 = arith.constant 9 : i32
      %dma_start3A_217 = arith.constant 0 : i32
      %dma_start3A_218 = tpu.memref_slice %arg9[%dma_start3A_215, %dma_start3A_217] : memref<1280x32xf32, #tpu.memory_space<vmem>> -> memref<128x32xf32, #tpu.memory_space<vmem>>
      %dma_start3A_219 = arith.constant 0 : i32
      %dma_start3A_220 = tpu.memref_slice %arg8[%dma_start3A_216, %dma_start3A_219] : memref<20x128xi32, #tpu.memory_space<vmem>> -> memref<1x128xi32, #tpu.memory_space<vmem>>
      %dma_start3A_221 = tpu.memref_squeeze %dma_start3A_220 : memref<1x128xi32, #tpu.memory_space<vmem>> -> memref<128xi32, #tpu.memory_space<vmem>>
      %dma_start3A_222 = arith.constant 0 : i32
      %dma_start3A_223 = arith.constant 0 : i32
      %dma_start3A_224 = tpu.memref_slice %arg4[%add3A_61, %dma_start3A_222, %dma_start3A_223] : memref<1024x2500x32xf32, #tpu.memory_space<hbm>> -> memref<1x2500x32xf32, #tpu.memory_space<hbm>>
      %dma_start3A_225 = tpu.memref_squeeze %dma_start3A_224 : memref<1x2500x32xf32, #tpu.memory_space<hbm>> -> memref<2500x32xf32, #tpu.memory_space<hbm>>
      %dma_start3A_226 = arith.constant 0 : i32
      %dma_start3A_227 = arith.constant 0 : i32
      %dma_start3A_228 = tpu.memref_slice %dma_start3A_225[%dma_start3A_226, %dma_start3A_227] : memref<2500x32xf32, #tpu.memory_space<hbm>> -> memref<2500x32xf32, #tpu.memory_space<hbm>>
      tpu.enqueue_indirect_dma source(%dma_start3A_218 : memref<128x32xf32, #tpu.memory_space<vmem>>) target(%dma_start3A_228 : memref<2500x32xf32, #tpu.memory_space<hbm>>) offsets(%dma_start3A_221 : memref<128xi32, #tpu.memory_space<vmem>>) semaphore(%arg11 : memref<!tpu.dma_semaphore, #tpu.memory_space<semaphore_mem>>)
      %gt3A_229 = arith.constant 0 : i32
      %gt3A_230 = arith.cmpi sgt, %while3A_58, %gt3A_229 : i32
      %convert_element_type3A_231 = arith.extui %gt3A_230 : i1 to i32
      %cond3A_232 = arith.constant 0 : i32
      %cond3A_233 = arith.cmpi ne, %convert_element_type3A_231, %cond3A_232 : i32
      scf.if %cond3A_233 {
        %dma_wait3A_377 = arith.constant 0 : i32
        %dma_wait3A_378 = arith.constant 0 : i32
        %dma_wait3A_379 = tpu.memref_slice %arg4[%add3A_61, %dma_wait3A_377, %dma_wait3A_378] : memref<1024x2500x32xf32, #tpu.memory_space<hbm>> -> memref<1x1280x32xf32, #tpu.memory_space<hbm>>
        %dma_wait3A_380 = tpu.memref_squeeze %dma_wait3A_379 : memref<1x1280x32xf32, #tpu.memory_space<hbm>> -> memref<1280x32xf32, #tpu.memory_space<hbm>>
        %dma_wait3A_381 = arith.constant 0 : i32
        %dma_wait3A_382 = tpu.memref_slice %arg4[%add3A_61, %dma_wait3A_377, %dma_wait3A_381] : memref<1024x2500x32xf32, #tpu.memory_space<hbm>> -> memref<1x1280x32xf32, #tpu.memory_space<hbm>>
        %dma_wait3A_383 = tpu.memref_squeeze %dma_wait3A_382 : memref<1x1280x32xf32, #tpu.memory_space<hbm>> -> memref<1280x32xf32, #tpu.memory_space<hbm>>
        tpu.wait_dma2 semaphore(%arg11 : memref<!tpu.dma_semaphore, #tpu.memory_space<semaphore_mem>>) src(%arg10 : memref<1280x32xf32, #tpu.memory_space<vmem>>) dst(%dma_wait3A_383 : memref<1280x32xf32, #tpu.memory_space<hbm>>)
      } else {
      }
      %parallel_loop3A_234 = arith.constant 0 : i32
      %parallel_loop3A_235 = arith.constant 80 : i32
      %parallel_loop3A_236 = arith.constant 1 : i32
      scf.for %parallel_loop3A_377 = %parallel_loop3A_234 to %parallel_loop3A_235 step %parallel_loop3A_236  : i32 {
        %parallel_loop3A_378 = arith.constant 16 : i32
        %parallel_loop3A_379 = arith.muli %parallel_loop3A_377, %parallel_loop3A_378 : i32
        %parallel_loop3A_380 = arith.constant 1280 : i32
        %parallel_loop3A_381 = arith.addi %parallel_loop3A_380, %parallel_loop3A_379 : i32
        %parallel_loop3A_382 = arith.index_cast %parallel_loop3A_381 : i32 to index
        %parallel_loop3A_383 = tpu.vector_load %arg6[%parallel_loop3A_382] {strides = array<i32>} : memref<2560xi32, #tpu.memory_space<vmem>>, vector<16xi32>,
        %parallel_loop3A_384 = arith.sitofp %parallel_loop3A_383 : vector<16xi32> to vector<16xf32>
        %parallel_loop3A_385 = arith.mulf %parallel_loop3A_384, %div3A : vector<16xf32>
        %parallel_loop3A_386 = arith.fptosi %parallel_loop3A_385 : vector<16xf32> to vector<16xi32>
        %parallel_loop3A_387 = arith.minsi %parallel_loop3A_386, %broadcast_in_dim3A_17 : vector<16xi32>
        %parallel_loop3A_388 = arith.addi %parallel_loop3A_387, %broadcast_in_dim3A_11 : vector<16xi32>
        %parallel_loop3A_389 = arith.muli %parallel_loop3A_388, %broadcast_in_dim3A_84 : vector<16xi32>
        %parallel_loop3A_390 = arith.cmpi sle, %parallel_loop3A_389, %parallel_loop3A_383 : vector<16xi32>
        %parallel_loop3A_391 = arith.select %parallel_loop3A_390, %broadcast_in_dim3A_11, %broadcast_in_dim3A_9 : vector<16xi1>, vector<16xi32>
        %parallel_loop3A_392 = arith.addi %parallel_loop3A_387, %parallel_loop3A_391 : vector<16xi32>
        %parallel_loop3A_393 = arith.muli %parallel_loop3A_392, %broadcast_in_dim3A_84 : vector<16xi32>
        %parallel_loop3A_394 = arith.cmpi sgt, %parallel_loop3A_393, %parallel_loop3A_383 : vector<16xi32>
        %parallel_loop3A_395 = arith.select %parallel_loop3A_394, %broadcast_in_dim3A_11, %broadcast_in_dim3A_9 : vector<16xi1>, vector<16xi32>
        %parallel_loop3A_396 = arith.subi %parallel_loop3A_392, %parallel_loop3A_395 : vector<16xi32>
        %parallel_loop3A_397 = arith.minsi %parallel_loop3A_396, %broadcast_in_dim3A_15 : vector<16xi32>
        %parallel_loop3A_398 = arith.constant 16 : i32
        %parallel_loop3A_399 = arith.muli %parallel_loop3A_377, %parallel_loop3A_398 : i32
        %parallel_loop3A_400 = vector.extract_strided_slice %parallel_loop3A_397 {offsets = [0], sizes = [1], strides = [1]} : vector<16xi32> to vector<1xi32>
        %parallel_loop3A_401 = vector.extract %parallel_loop3A_400[0] : i32 from vector<1xi32>
        %parallel_loop3A_402 = arith.constant 0 : i32
        %parallel_loop3A_403 = arith.addi %parallel_loop3A_399, %parallel_loop3A_402 : i32
        %parallel_loop3A_404 = arith.index_cast %parallel_loop3A_401 : i32 to index
        %parallel_loop3A_405 = arith.constant 0 : index
        %parallel_loop3A_406 = tpu.vector_load %arg7[%parallel_loop3A_404, %parallel_loop3A_405] {strides = array<i32>} : memref<257x32xf32, #tpu.memory_space<vmem>>, vector<16xf32>,
        %parallel_loop3A_407 = arith.index_cast %parallel_loop3A_403 : i32 to index
        %parallel_loop3A_408 = arith.constant 0 : index
        %parallel_loop3A_409 = tpu.vector_load %arg10[%parallel_loop3A_407, %parallel_loop3A_408] {strides = array<i32>} : memref<1280x32xf32, #tpu.memory_space<vmem>>, vector<16xf32>,
        tpu.vector_store %arg10[%parallel_loop3A_407, %parallel_loop3A_408], %parallel_loop3A_406 {strides = array<i32>} : memref<1280x32xf32, #tpu.memory_space<vmem>>, vector<16xf32>,
        %parallel_loop3A_410 = arith.index_cast %parallel_loop3A_401 : i32 to index
        %parallel_loop3A_411 = arith.constant 16 : index
        %parallel_loop3A_412 = tpu.vector_load %arg7[%parallel_loop3A_410, %parallel_loop3A_411] {strides = array<i32>} : memref<257x32xf32, #tpu.memory_space<vmem>>, vector<16xf32>,
        %parallel_loop3A_413 = arith.index_cast %parallel_loop3A_403 : i32 to index
        %parallel_loop3A_414 = arith.constant 16 : index
        %parallel_loop3A_415 = tpu.vector_load %arg10[%parallel_loop3A_413, %parallel_loop3A_414] {strides = array<i32>} : memref<1280x32xf32, #tpu.memory_space<vmem>>, vector<16xf32>,
        tpu.vector_store %arg10[%parallel_loop3A_413, %parallel_loop3A_414], %parallel_loop3A_412 {strides = array<i32>} : memref<1280x32xf32, #tpu.memory_space<vmem>>, vector<16xf32>,
        %parallel_loop3A_416 = vector.extract_strided_slice %parallel_loop3A_397 {offsets = [1], sizes = [1], strides = [1]} : vector<16xi32> to vector<1xi32>
        %parallel_loop3A_417 = vector.extract %parallel_loop3A_416[0] : i32 from vector<1xi32>
        %parallel_loop3A_418 = arith.constant 1 : i32
        %parallel_loop3A_419 = arith.addi %parallel_loop3A_399, %parallel_loop3A_418 : i32
        %parallel_loop3A_420 = arith.index_cast %parallel_loop3A_417 : i32 to index
        %parallel_loop3A_421 = arith.constant 0 : index
        %parallel_loop3A_422 = tpu.vector_load %arg7[%parallel_loop3A_420, %parallel_loop3A_421] {strides = array<i32>} : memref<257x32xf32, #tpu.memory_space<vmem>>, vector<16xf32>,
        %parallel_loop3A_423 = arith.index_cast %parallel_loop3A_419 : i32 to index
        %parallel_loop3A_424 = arith.constant 0 : index
        %parallel_loop3A_425 = tpu.vector_load %arg10[%parallel_loop3A_423, %parallel_loop3A_424] {strides = array<i32>} : memref<1280x32xf32, #tpu.memory_space<vmem>>, vector<16xf32>,
        tpu.vector_store %arg10[%parallel_loop3A_423, %parallel_loop3A_424], %parallel_loop3A_422 {strides = array<i32>} : memref<1280x32xf32, #tpu.memory_space<vmem>>, vector<16xf32>,
        %parallel_loop3A_426 = arith.index_cast %parallel_loop3A_417 : i32 to index
        %parallel_loop3A_427 = arith.constant 16 : index
        %parallel_loop3A_428 = tpu.vector_load %arg7[%parallel_loop3A_426, %parallel_loop3A_427] {strides = array<i32>} : memref<257x32xf32, #tpu.memory_space<vmem>>, vector<16xf32>,
        %parallel_loop3A_429 = arith.index_cast %parallel_loop3A_419 : i32 to index
        %parallel_loop3A_430 = arith.constant 16 : index
        %parallel_loop3A_431 = tpu.vector_load %arg10[%parallel_loop3A_429, %parallel_loop3A_430] {strides = array<i32>} : memref<1280x32xf32, #tpu.memory_space<vmem>>, vector<16xf32>,
        tpu.vector_store %arg10[%parallel_loop3A_429, %parallel_loop3A_430], %parallel_loop3A_428 {strides = array<i32>} : memref<1280x32xf32, #tpu.memory_space<vmem>>, vector<16xf32>,
        %parallel_loop3A_432 = vector.extract_strided_slice %parallel_loop3A_397 {offsets = [2], sizes = [1], strides = [1]} : vector<16xi32> to vector<1xi32>
        %parallel_loop3A_433 = vector.extract %parallel_loop3A_432[0] : i32 from vector<1xi32>
        %parallel_loop3A_434 = arith.constant 2 : i32
        %parallel_loop3A_435 = arith.addi %parallel_loop3A_399, %parallel_loop3A_434 : i32
        %parallel_loop3A_436 = arith.index_cast %parallel_loop3A_433 : i32 to index
        %parallel_loop3A_437 = arith.constant 0 : index
        %parallel_loop3A_438 = tpu.vector_load %arg7[%parallel_loop3A_436, %parallel_loop3A_437] {strides = array<i32>} : memref<257x32xf32, #tpu.memory_space<vmem>>, vector<16xf32>,
        %parallel_loop3A_439 = arith.index_cast %parallel_loop3A_435 : i32 to index
        %parallel_loop3A_440 = arith.constant 0 : index
        %parallel_loop3A_441 = tpu.vector_load %arg10[%parallel_loop3A_439, %parallel_loop3A_440] {strides = array<i32>} : memref<1280x32xf32, #tpu.memory_space<vmem>>, vector<16xf32>,
        tpu.vector_store %arg10[%parallel_loop3A_439, %parallel_loop3A_440], %parallel_loop3A_438 {strides = array<i32>} : memref<1280x32xf32, #tpu.memory_space<vmem>>, vector<16xf32>,
        %parallel_loop3A_442 = arith.index_cast %parallel_loop3A_433 : i32 to index
        %parallel_loop3A_443 = arith.constant 16 : index
        %parallel_loop3A_444 = tpu.vector_load %arg7[%parallel_loop3A_442, %parallel_loop3A_443] {strides = array<i32>} : memref<257x32xf32, #tpu.memory_space<vmem>>, vector<16xf32>,
        %parallel_loop3A_445 = arith.index_cast %parallel_loop3A_435 : i32 to index
        %parallel_loop3A_446 = arith.constant 16 : index
        %parallel_loop3A_447 = tpu.vector_load %arg10[%parallel_loop3A_445, %parallel_loop3A_446] {strides = array<i32>} : memref<1280x32xf32, #tpu.memory_space<vmem>>, vector<16xf32>,
        tpu.vector_store %arg10[%parallel_loop3A_445, %parallel_loop3A_446], %parallel_loop3A_444 {strides = array<i32>} : memref<1280x32xf32, #tpu.memory_space<vmem>>, vector<16xf32>,
        %parallel_loop3A_448 = vector.extract_strided_slice %parallel_loop3A_397 {offsets = [3], sizes = [1], strides = [1]} : vector<16xi32> to vector<1xi32>
        %parallel_loop3A_449 = vector.extract %parallel_loop3A_448[0] : i32 from vector<1xi32>
        %parallel_loop3A_450 = arith.constant 3 : i32
        %parallel_loop3A_451 = arith.addi %parallel_loop3A_399, %parallel_loop3A_450 : i32
        %parallel_loop3A_452 = arith.index_cast %parallel_loop3A_449 : i32 to index
        %parallel_loop3A_453 = arith.constant 0 : index
        %parallel_loop3A_454 = tpu.vector_load %arg7[%parallel_loop3A_452, %parallel_loop3A_453] {strides = array<i32>} : memref<257x32xf32, #tpu.memory_space<vmem>>, vector<16xf32>,
        %parallel_loop3A_455 = arith.index_cast %parallel_loop3A_451 : i32 to index
        %parallel_loop3A_456 = arith.constant 0 : index
        %parallel_loop3A_457 = tpu.vector_load %arg10[%parallel_loop3A_455, %parallel_loop3A_456] {strides = array<i32>} : memref<1280x32xf32, #tpu.memory_space<vmem>>, vector<16xf32>,
        tpu.vector_store %arg10[%parallel_loop3A_455, %parallel_loop3A_456], %parallel_loop3A_454 {strides = array<i32>} : memref<1280x32xf32, #tpu.memory_space<vmem>>, vector<16xf32>,
        %parallel_loop3A_458 = arith.index_cast %parallel_loop3A_449 : i32 to index
        %parallel_loop3A_459 = arith.constant 16 : index
        %parallel_loop3A_460 = tpu.vector_load %arg7[%parallel_loop3A_458, %parallel_loop3A_459] {strides = array<i32>} : memref<257x32xf32, #tpu.memory_space<vmem>>, vector<16xf32>,
        %parallel_loop3A_461 = arith.index_cast %parallel_loop3A_451 : i32 to index
        %parallel_loop3A_462 = arith.constant 16 : index
        %parallel_loop3A_463 = tpu.vector_load %arg10[%parallel_loop3A_461, %parallel_loop3A_462] {strides = array<i32>} : memref<1280x32xf32, #tpu.memory_space<vmem>>, vector<16xf32>,
        tpu.vector_store %arg10[%parallel_loop3A_461, %parallel_loop3A_462], %parallel_loop3A_460 {strides = array<i32>} : memref<1280x32xf32, #tpu.memory_space<vmem>>, vector<16xf32>,
        %parallel_loop3A_464 = vector.extract_strided_slice %parallel_loop3A_397 {offsets = [4], sizes = [1], strides = [1]} : vector<16xi32> to vector<1xi32>
        %parallel_loop3A_465 = vector.extract %parallel_loop3A_464[0] : i32 from vector<1xi32>
        %parallel_loop3A_466 = arith.constant 4 : i32
        %parallel_loop3A_467 = arith.addi %parallel_loop3A_399, %parallel_loop3A_466 : i32
        %parallel_loop3A_468 = arith.index_cast %parallel_loop3A_465 : i32 to index
        %parallel_loop3A_469 = arith.constant 0 : index
        %parallel_loop3A_470 = tpu.vector_load %arg7[%parallel_loop3A_468, %parallel_loop3A_469] {strides = array<i32>} : memref<257x32xf32, #tpu.memory_space<vmem>>, vector<16xf32>,
        %parallel_loop3A_471 = arith.index_cast %parallel_loop3A_467 : i32 to index
        %parallel_loop3A_472 = arith.constant 0 : index
        %parallel_loop3A_473 = tpu.vector_load %arg10[%parallel_loop3A_471, %parallel_loop3A_472] {strides = array<i32>} : memref<1280x32xf32, #tpu.memory_space<vmem>>, vector<16xf32>,
        tpu.vector_store %arg10[%parallel_loop3A_471, %parallel_loop3A_472], %parallel_loop3A_470 {strides = array<i32>} : memref<1280x32xf32, #tpu.memory_space<vmem>>, vector<16xf32>,
        %parallel_loop3A_474 = arith.index_cast %parallel_loop3A_465 : i32 to index
        %parallel_loop3A_475 = arith.constant 16 : index
        %parallel_loop3A_476 = tpu.vector_load %arg7[%parallel_loop3A_474, %parallel_loop3A_475] {strides = array<i32>} : memref<257x32xf32, #tpu.memory_space<vmem>>, vector<16xf32>,
        %parallel_loop3A_477 = arith.index_cast %parallel_loop3A_467 : i32 to index
        %parallel_loop3A_478 = arith.constant 16 : index
        %parallel_loop3A_479 = tpu.vector_load %arg10[%parallel_loop3A_477, %parallel_loop3A_478] {strides = array<i32>} : memref<1280x32xf32, #tpu.memory_space<vmem>>, vector<16xf32>,
        tpu.vector_store %arg10[%parallel_loop3A_477, %parallel_loop3A_478], %parallel_loop3A_476 {strides = array<i32>} : memref<1280x32xf32, #tpu.memory_space<vmem>>, vector<16xf32>,
        %parallel_loop3A_480 = vector.extract_strided_slice %parallel_loop3A_397 {offsets = [5], sizes = [1], strides = [1]} : vector<16xi32> to vector<1xi32>
        %parallel_loop3A_481 = vector.extract %parallel_loop3A_480[0] : i32 from vector<1xi32>
        %parallel_loop3A_482 = arith.constant 5 : i32
        %parallel_loop3A_483 = arith.addi %parallel_loop3A_399, %parallel_loop3A_482 : i32
        %parallel_loop3A_484 = arith.index_cast %parallel_loop3A_481 : i32 to index
        %parallel_loop3A_485 = arith.constant 0 : index
        %parallel_loop3A_486 = tpu.vector_load %arg7[%parallel_loop3A_484, %parallel_loop3A_485] {strides = array<i32>} : memref<257x32xf32, #tpu.memory_space<vmem>>, vector<16xf32>,
        %parallel_loop3A_487 = arith.index_cast %parallel_loop3A_483 : i32 to index
        %parallel_loop3A_488 = arith.constant 0 : index
        %parallel_loop3A_489 = tpu.vector_load %arg10[%parallel_loop3A_487, %parallel_loop3A_488] {strides = array<i32>} : memref<1280x32xf32, #tpu.memory_space<vmem>>, vector<16xf32>,
        tpu.vector_store %arg10[%parallel_loop3A_487, %parallel_loop3A_488], %parallel_loop3A_486 {strides = array<i32>} : memref<1280x32xf32, #tpu.memory_space<vmem>>, vector<16xf32>,
        %parallel_loop3A_490 = arith.index_cast %parallel_loop3A_481 : i32 to index
        %parallel_loop3A_491 = arith.constant 16 : index
        %parallel_loop3A_492 = tpu.vector_load %arg7[%parallel_loop3A_490, %parallel_loop3A_491] {strides = array<i32>} : memref<257x32xf32, #tpu.memory_space<vmem>>, vector<16xf32>,
        %parallel_loop3A_493 = arith.index_cast %parallel_loop3A_483 : i32 to index
        %parallel_loop3A_494 = arith.constant 16 : index
        %parallel_loop3A_495 = tpu.vector_load %arg10[%parallel_loop3A_493, %parallel_loop3A_494] {strides = array<i32>} : memref<1280x32xf32, #tpu.memory_space<vmem>>, vector<16xf32>,
        tpu.vector_store %arg10[%parallel_loop3A_493, %parallel_loop3A_494], %parallel_loop3A_492 {strides = array<i32>} : memref<1280x32xf32, #tpu.memory_space<vmem>>, vector<16xf32>,
        %parallel_loop3A_496 = vector.extract_strided_slice %parallel_loop3A_397 {offsets = [6], sizes = [1], strides = [1]} : vector<16xi32> to vector<1xi32>
        %parallel_loop3A_497 = vector.extract %parallel_loop3A_496[0] : i32 from vector<1xi32>
        %parallel_loop3A_498 = arith.constant 6 : i32
        %parallel_loop3A_499 = arith.addi %parallel_loop3A_399, %parallel_loop3A_498 : i32
        %parallel_loop3A_500 = arith.index_cast %parallel_loop3A_497 : i32 to index
        %parallel_loop3A_501 = arith.constant 0 : index
        %parallel_loop3A_502 = tpu.vector_load %arg7[%parallel_loop3A_500, %parallel_loop3A_501] {strides = array<i32>} : memref<257x32xf32, #tpu.memory_space<vmem>>, vector<16xf32>,
        %parallel_loop3A_503 = arith.index_cast %parallel_loop3A_499 : i32 to index
        %parallel_loop3A_504 = arith.constant 0 : index
        %parallel_loop3A_505 = tpu.vector_load %arg10[%parallel_loop3A_503, %parallel_loop3A_504] {strides = array<i32>} : memref<1280x32xf32, #tpu.memory_space<vmem>>, vector<16xf32>,
        tpu.vector_store %arg10[%parallel_loop3A_503, %parallel_loop3A_504], %parallel_loop3A_502 {strides = array<i32>} : memref<1280x32xf32, #tpu.memory_space<vmem>>, vector<16xf32>,
        %parallel_loop3A_506 = arith.index_cast %parallel_loop3A_497 : i32 to index
        %parallel_loop3A_507 = arith.constant 16 : index
        %parallel_loop3A_508 = tpu.vector_load %arg7[%parallel_loop3A_506, %parallel_loop3A_507] {strides = array<i32>} : memref<257x32xf32, #tpu.memory_space<vmem>>, vector<16xf32>,
        %parallel_loop3A_509 = arith.index_cast %parallel_loop3A_499 : i32 to index
        %parallel_loop3A_510 = arith.constant 16 : index
        %parallel_loop3A_511 = tpu.vector_load %arg10[%parallel_loop3A_509, %parallel_loop3A_510] {strides = array<i32>} : memref<1280x32xf32, #tpu.memory_space<vmem>>, vector<16xf32>,
        tpu.vector_store %arg10[%parallel_loop3A_509, %parallel_loop3A_510], %parallel_loop3A_508 {strides = array<i32>} : memref<1280x32xf32, #tpu.memory_space<vmem>>, vector<16xf32>,
        %parallel_loop3A_512 = vector.extract_strided_slice %parallel_loop3A_397 {offsets = [7], sizes = [1], strides = [1]} : vector<16xi32> to vector<1xi32>
        %parallel_loop3A_513 = vector.extract %parallel_loop3A_512[0] : i32 from vector<1xi32>
        %parallel_loop3A_514 = arith.constant 7 : i32
        %parallel_loop3A_515 = arith.addi %parallel_loop3A_399, %parallel_loop3A_514 : i32
        %parallel_loop3A_516 = arith.index_cast %parallel_loop3A_513 : i32 to index
        %parallel_loop3A_517 = arith.constant 0 : index
        %parallel_loop3A_518 = tpu.vector_load %arg7[%parallel_loop3A_516, %parallel_loop3A_517] {strides = array<i32>} : memref<257x32xf32, #tpu.memory_space<vmem>>, vector<16xf32>,
        %parallel_loop3A_519 = arith.index_cast %parallel_loop3A_515 : i32 to index
        %parallel_loop3A_520 = arith.constant 0 : index
        %parallel_loop3A_521 = tpu.vector_load %arg10[%parallel_loop3A_519, %parallel_loop3A_520] {strides = array<i32>} : memref<1280x32xf32, #tpu.memory_space<vmem>>, vector<16xf32>,
        tpu.vector_store %arg10[%parallel_loop3A_519, %parallel_loop3A_520], %parallel_loop3A_518 {strides = array<i32>} : memref<1280x32xf32, #tpu.memory_space<vmem>>, vector<16xf32>,
        %parallel_loop3A_522 = arith.index_cast %parallel_loop3A_513 : i32 to index
        %parallel_loop3A_523 = arith.constant 16 : index
        %parallel_loop3A_524 = tpu.vector_load %arg7[%parallel_loop3A_522, %parallel_loop3A_523] {strides = array<i32>} : memref<257x32xf32, #tpu.memory_space<vmem>>, vector<16xf32>,
        %parallel_loop3A_525 = arith.index_cast %parallel_loop3A_515 : i32 to index
        %parallel_loop3A_526 = arith.constant 16 : index
        %parallel_loop3A_527 = tpu.vector_load %arg10[%parallel_loop3A_525, %parallel_loop3A_526] {strides = array<i32>} : memref<1280x32xf32, #tpu.memory_space<vmem>>, vector<16xf32>,
        tpu.vector_store %arg10[%parallel_loop3A_525, %parallel_loop3A_526], %parallel_loop3A_524 {strides = array<i32>} : memref<1280x32xf32, #tpu.memory_space<vmem>>, vector<16xf32>,
        %parallel_loop3A_528 = vector.extract_strided_slice %parallel_loop3A_397 {offsets = [8], sizes = [1], strides = [1]} : vector<16xi32> to vector<1xi32>
        %parallel_loop3A_529 = vector.extract %parallel_loop3A_528[0] : i32 from vector<1xi32>
        %parallel_loop3A_530 = arith.constant 8 : i32
        %parallel_loop3A_531 = arith.addi %parallel_loop3A_399, %parallel_loop3A_530 : i32
        %parallel_loop3A_532 = arith.index_cast %parallel_loop3A_529 : i32 to index
        %parallel_loop3A_533 = arith.constant 0 : index
        %parallel_loop3A_534 = tpu.vector_load %arg7[%parallel_loop3A_532, %parallel_loop3A_533] {strides = array<i32>} : memref<257x32xf32, #tpu.memory_space<vmem>>, vector<16xf32>,
        %parallel_loop3A_535 = arith.index_cast %parallel_loop3A_531 : i32 to index
        %parallel_loop3A_536 = arith.constant 0 : index
        %parallel_loop3A_537 = tpu.vector_load %arg10[%parallel_loop3A_535, %parallel_loop3A_536] {strides = array<i32>} : memref<1280x32xf32, #tpu.memory_space<vmem>>, vector<16xf32>,
        tpu.vector_store %arg10[%parallel_loop3A_535, %parallel_loop3A_536], %parallel_loop3A_534 {strides = array<i32>} : memref<1280x32xf32, #tpu.memory_space<vmem>>, vector<16xf32>,
        %parallel_loop3A_538 = arith.index_cast %parallel_loop3A_529 : i32 to index
        %parallel_loop3A_539 = arith.constant 16 : index
        %parallel_loop3A_540 = tpu.vector_load %arg7[%parallel_loop3A_538, %parallel_loop3A_539] {strides = array<i32>} : memref<257x32xf32, #tpu.memory_space<vmem>>, vector<16xf32>,
        %parallel_loop3A_541 = arith.index_cast %parallel_loop3A_531 : i32 to index
        %parallel_loop3A_542 = arith.constant 16 : index
        %parallel_loop3A_543 = tpu.vector_load %arg10[%parallel_loop3A_541, %parallel_loop3A_542] {strides = array<i32>} : memref<1280x32xf32, #tpu.memory_space<vmem>>, vector<16xf32>,
        tpu.vector_store %arg10[%parallel_loop3A_541, %parallel_loop3A_542], %parallel_loop3A_540 {strides = array<i32>} : memref<1280x32xf32, #tpu.memory_space<vmem>>, vector<16xf32>,
        %parallel_loop3A_544 = vector.extract_strided_slice %parallel_loop3A_397 {offsets = [9], sizes = [1], strides = [1]} : vector<16xi32> to vector<1xi32>
        %parallel_loop3A_545 = vector.extract %parallel_loop3A_544[0] : i32 from vector<1xi32>
        %parallel_loop3A_546 = arith.constant 9 : i32
        %parallel_loop3A_547 = arith.addi %parallel_loop3A_399, %parallel_loop3A_546 : i32
        %parallel_loop3A_548 = arith.index_cast %parallel_loop3A_545 : i32 to index
        %parallel_loop3A_549 = arith.constant 0 : index
        %parallel_loop3A_550 = tpu.vector_load %arg7[%parallel_loop3A_548, %parallel_loop3A_549] {strides = array<i32>} : memref<257x32xf32, #tpu.memory_space<vmem>>, vector<16xf32>,
        %parallel_loop3A_551 = arith.index_cast %parallel_loop3A_547 : i32 to index
        %parallel_loop3A_552 = arith.constant 0 : index
        %parallel_loop3A_553 = tpu.vector_load %arg10[%parallel_loop3A_551, %parallel_loop3A_552] {strides = array<i32>} : memref<1280x32xf32, #tpu.memory_space<vmem>>, vector<16xf32>,
        tpu.vector_store %arg10[%parallel_loop3A_551, %parallel_loop3A_552], %parallel_loop3A_550 {strides = array<i32>} : memref<1280x32xf32, #tpu.memory_space<vmem>>, vector<16xf32>,
        %parallel_loop3A_554 = arith.index_cast %parallel_loop3A_545 : i32 to index
        %parallel_loop3A_555 = arith.constant 16 : index
        %parallel_loop3A_556 = tpu.vector_load %arg7[%parallel_loop3A_554, %parallel_loop3A_555] {strides = array<i32>} : memref<257x32xf32, #tpu.memory_space<vmem>>, vector<16xf32>,
        %parallel_loop3A_557 = arith.index_cast %parallel_loop3A_547 : i32 to index
        %parallel_loop3A_558 = arith.constant 16 : index
        %parallel_loop3A_559 = tpu.vector_load %arg10[%parallel_loop3A_557, %parallel_loop3A_558] {strides = array<i32>} : memref<1280x32xf32, #tpu.memory_space<vmem>>, vector<16xf32>,
        tpu.vector_store %arg10[%parallel_loop3A_557, %parallel_loop3A_558], %parallel_loop3A_556 {strides = array<i32>} : memref<1280x32xf32, #tpu.memory_space<vmem>>, vector<16xf32>,
        %parallel_loop3A_560 = vector.extract_strided_slice %parallel_loop3A_397 {offsets = [10], sizes = [1], strides = [1]} : vector<16xi32> to vector<1xi32>
        %parallel_loop3A_561 = vector.extract %parallel_loop3A_560[0] : i32 from vector<1xi32>
        %parallel_loop3A_562 = arith.constant 10 : i32
        %parallel_loop3A_563 = arith.addi %parallel_loop3A_399, %parallel_loop3A_562 : i32
        %parallel_loop3A_564 = arith.index_cast %parallel_loop3A_561 : i32 to index
        %parallel_loop3A_565 = arith.constant 0 : index
        %parallel_loop3A_566 = tpu.vector_load %arg7[%parallel_loop3A_564, %parallel_loop3A_565] {strides = array<i32>} : memref<257x32xf32, #tpu.memory_space<vmem>>, vector<16xf32>,
        %parallel_loop3A_567 = arith.index_cast %parallel_loop3A_563 : i32 to index
        %parallel_loop3A_568 = arith.constant 0 : index
        %parallel_loop3A_569 = tpu.vector_load %arg10[%parallel_loop3A_567, %parallel_loop3A_568] {strides = array<i32>} : memref<1280x32xf32, #tpu.memory_space<vmem>>, vector<16xf32>,
        tpu.vector_store %arg10[%parallel_loop3A_567, %parallel_loop3A_568], %parallel_loop3A_566 {strides = array<i32>} : memref<1280x32xf32, #tpu.memory_space<vmem>>, vector<16xf32>,
        %parallel_loop3A_570 = arith.index_cast %parallel_loop3A_561 : i32 to index
        %parallel_loop3A_571 = arith.constant 16 : index
        %parallel_loop3A_572 = tpu.vector_load %arg7[%parallel_loop3A_570, %parallel_loop3A_571] {strides = array<i32>} : memref<257x32xf32, #tpu.memory_space<vmem>>, vector<16xf32>,
        %parallel_loop3A_573 = arith.index_cast %parallel_loop3A_563 : i32 to index
        %parallel_loop3A_574 = arith.constant 16 : index
        %parallel_loop3A_575 = tpu.vector_load %arg10[%parallel_loop3A_573, %parallel_loop3A_574] {strides = array<i32>} : memref<1280x32xf32, #tpu.memory_space<vmem>>, vector<16xf32>,
        tpu.vector_store %arg10[%parallel_loop3A_573, %parallel_loop3A_574], %parallel_loop3A_572 {strides = array<i32>} : memref<1280x32xf32, #tpu.memory_space<vmem>>, vector<16xf32>,
        %parallel_loop3A_576 = vector.extract_strided_slice %parallel_loop3A_397 {offsets = [11], sizes = [1], strides = [1]} : vector<16xi32> to vector<1xi32>
        %parallel_loop3A_577 = vector.extract %parallel_loop3A_576[0] : i32 from vector<1xi32>
        %parallel_loop3A_578 = arith.constant 11 : i32
        %parallel_loop3A_579 = arith.addi %parallel_loop3A_399, %parallel_loop3A_578 : i32
        %parallel_loop3A_580 = arith.index_cast %parallel_loop3A_577 : i32 to index
        %parallel_loop3A_581 = arith.constant 0 : index
        %parallel_loop3A_582 = tpu.vector_load %arg7[%parallel_loop3A_580, %parallel_loop3A_581] {strides = array<i32>} : memref<257x32xf32, #tpu.memory_space<vmem>>, vector<16xf32>,
        %parallel_loop3A_583 = arith.index_cast %parallel_loop3A_579 : i32 to index
        %parallel_loop3A_584 = arith.constant 0 : index
        %parallel_loop3A_585 = tpu.vector_load %arg10[%parallel_loop3A_583, %parallel_loop3A_584] {strides = array<i32>} : memref<1280x32xf32, #tpu.memory_space<vmem>>, vector<16xf32>,
        tpu.vector_store %arg10[%parallel_loop3A_583, %parallel_loop3A_584], %parallel_loop3A_582 {strides = array<i32>} : memref<1280x32xf32, #tpu.memory_space<vmem>>, vector<16xf32>,
        %parallel_loop3A_586 = arith.index_cast %parallel_loop3A_577 : i32 to index
        %parallel_loop3A_587 = arith.constant 16 : index
        %parallel_loop3A_588 = tpu.vector_load %arg7[%parallel_loop3A_586, %parallel_loop3A_587] {strides = array<i32>} : memref<257x32xf32, #tpu.memory_space<vmem>>, vector<16xf32>,
        %parallel_loop3A_589 = arith.index_cast %parallel_loop3A_579 : i32 to index
        %parallel_loop3A_590 = arith.constant 16 : index
        %parallel_loop3A_591 = tpu.vector_load %arg10[%parallel_loop3A_589, %parallel_loop3A_590] {strides = array<i32>} : memref<1280x32xf32, #tpu.memory_space<vmem>>, vector<16xf32>,
        tpu.vector_store %arg10[%parallel_loop3A_589, %parallel_loop3A_590], %parallel_loop3A_588 {strides = array<i32>} : memref<1280x32xf32, #tpu.memory_space<vmem>>, vector<16xf32>,
        %parallel_loop3A_592 = vector.extract_strided_slice %parallel_loop3A_397 {offsets = [12], sizes = [1], strides = [1]} : vector<16xi32> to vector<1xi32>
        %parallel_loop3A_593 = vector.extract %parallel_loop3A_592[0] : i32 from vector<1xi32>
        %parallel_loop3A_594 = arith.constant 12 : i32
        %parallel_loop3A_595 = arith.addi %parallel_loop3A_399, %parallel_loop3A_594 : i32
        %parallel_loop3A_596 = arith.index_cast %parallel_loop3A_593 : i32 to index
        %parallel_loop3A_597 = arith.constant 0 : index
        %parallel_loop3A_598 = tpu.vector_load %arg7[%parallel_loop3A_596, %parallel_loop3A_597] {strides = array<i32>} : memref<257x32xf32, #tpu.memory_space<vmem>>, vector<16xf32>,
        %parallel_loop3A_599 = arith.index_cast %parallel_loop3A_595 : i32 to index
        %parallel_loop3A_600 = arith.constant 0 : index
        %parallel_loop3A_601 = tpu.vector_load %arg10[%parallel_loop3A_599, %parallel_loop3A_600] {strides = array<i32>} : memref<1280x32xf32, #tpu.memory_space<vmem>>, vector<16xf32>,
        tpu.vector_store %arg10[%parallel_loop3A_599, %parallel_loop3A_600], %parallel_loop3A_598 {strides = array<i32>} : memref<1280x32xf32, #tpu.memory_space<vmem>>, vector<16xf32>,
        %parallel_loop3A_602 = arith.index_cast %parallel_loop3A_593 : i32 to index
        %parallel_loop3A_603 = arith.constant 16 : index
        %parallel_loop3A_604 = tpu.vector_load %arg7[%parallel_loop3A_602, %parallel_loop3A_603] {strides = array<i32>} : memref<257x32xf32, #tpu.memory_space<vmem>>, vector<16xf32>,
        %parallel_loop3A_605 = arith.index_cast %parallel_loop3A_595 : i32 to index
        %parallel_loop3A_606 = arith.constant 16 : index
        %parallel_loop3A_607 = tpu.vector_load %arg10[%parallel_loop3A_605, %parallel_loop3A_606] {strides = array<i32>} : memref<1280x32xf32, #tpu.memory_space<vmem>>, vector<16xf32>,
        tpu.vector_store %arg10[%parallel_loop3A_605, %parallel_loop3A_606], %parallel_loop3A_604 {strides = array<i32>} : memref<1280x32xf32, #tpu.memory_space<vmem>>, vector<16xf32>,
        %parallel_loop3A_608 = vector.extract_strided_slice %parallel_loop3A_397 {offsets = [13], sizes = [1], strides = [1]} : vector<16xi32> to vector<1xi32>
        %parallel_loop3A_609 = vector.extract %parallel_loop3A_608[0] : i32 from vector<1xi32>
        %parallel_loop3A_610 = arith.constant 13 : i32
        %parallel_loop3A_611 = arith.addi %parallel_loop3A_399, %parallel_loop3A_610 : i32
        %parallel_loop3A_612 = arith.index_cast %parallel_loop3A_609 : i32 to index
        %parallel_loop3A_613 = arith.constant 0 : index
        %parallel_loop3A_614 = tpu.vector_load %arg7[%parallel_loop3A_612, %parallel_loop3A_613] {strides = array<i32>} : memref<257x32xf32, #tpu.memory_space<vmem>>, vector<16xf32>,
        %parallel_loop3A_615 = arith.index_cast %parallel_loop3A_611 : i32 to index
        %parallel_loop3A_616 = arith.constant 0 : index
        %parallel_loop3A_617 = tpu.vector_load %arg10[%parallel_loop3A_615, %parallel_loop3A_616] {strides = array<i32>} : memref<1280x32xf32, #tpu.memory_space<vmem>>, vector<16xf32>,
        tpu.vector_store %arg10[%parallel_loop3A_615, %parallel_loop3A_616], %parallel_loop3A_614 {strides = array<i32>} : memref<1280x32xf32, #tpu.memory_space<vmem>>, vector<16xf32>,
        %parallel_loop3A_618 = arith.index_cast %parallel_loop3A_609 : i32 to index
        %parallel_loop3A_619 = arith.constant 16 : index
        %parallel_loop3A_620 = tpu.vector_load %arg7[%parallel_loop3A_618, %parallel_loop3A_619] {strides = array<i32>} : memref<257x32xf32, #tpu.memory_space<vmem>>, vector<16xf32>,
        %parallel_loop3A_621 = arith.index_cast %parallel_loop3A_611 : i32 to index
        %parallel_loop3A_622 = arith.constant 16 : index
        %parallel_loop3A_623 = tpu.vector_load %arg10[%parallel_loop3A_621, %parallel_loop3A_622] {strides = array<i32>} : memref<1280x32xf32, #tpu.memory_space<vmem>>, vector<16xf32>,
        tpu.vector_store %arg10[%parallel_loop3A_621, %parallel_loop3A_622], %parallel_loop3A_620 {strides = array<i32>} : memref<1280x32xf32, #tpu.memory_space<vmem>>, vector<16xf32>,
        %parallel_loop3A_624 = vector.extract_strided_slice %parallel_loop3A_397 {offsets = [14], sizes = [1], strides = [1]} : vector<16xi32> to vector<1xi32>
        %parallel_loop3A_625 = vector.extract %parallel_loop3A_624[0] : i32 from vector<1xi32>
        %parallel_loop3A_626 = arith.constant 14 : i32
        %parallel_loop3A_627 = arith.addi %parallel_loop3A_399, %parallel_loop3A_626 : i32
        %parallel_loop3A_628 = arith.index_cast %parallel_loop3A_625 : i32 to index
        %parallel_loop3A_629 = arith.constant 0 : index
        %parallel_loop3A_630 = tpu.vector_load %arg7[%parallel_loop3A_628, %parallel_loop3A_629] {strides = array<i32>} : memref<257x32xf32, #tpu.memory_space<vmem>>, vector<16xf32>,
        %parallel_loop3A_631 = arith.index_cast %parallel_loop3A_627 : i32 to index
        %parallel_loop3A_632 = arith.constant 0 : index
        %parallel_loop3A_633 = tpu.vector_load %arg10[%parallel_loop3A_631, %parallel_loop3A_632] {strides = array<i32>} : memref<1280x32xf32, #tpu.memory_space<vmem>>, vector<16xf32>,
        tpu.vector_store %arg10[%parallel_loop3A_631, %parallel_loop3A_632], %parallel_loop3A_630 {strides = array<i32>} : memref<1280x32xf32, #tpu.memory_space<vmem>>, vector<16xf32>,
        %parallel_loop3A_634 = arith.index_cast %parallel_loop3A_625 : i32 to index
        %parallel_loop3A_635 = arith.constant 16 : index
        %parallel_loop3A_636 = tpu.vector_load %arg7[%parallel_loop3A_634, %parallel_loop3A_635] {strides = array<i32>} : memref<257x32xf32, #tpu.memory_space<vmem>>, vector<16xf32>,
        %parallel_loop3A_637 = arith.index_cast %parallel_loop3A_627 : i32 to index
        %parallel_loop3A_638 = arith.constant 16 : index
        %parallel_loop3A_639 = tpu.vector_load %arg10[%parallel_loop3A_637, %parallel_loop3A_638] {strides = array<i32>} : memref<1280x32xf32, #tpu.memory_space<vmem>>, vector<16xf32>,
        tpu.vector_store %arg10[%parallel_loop3A_637, %parallel_loop3A_638], %parallel_loop3A_636 {strides = array<i32>} : memref<1280x32xf32, #tpu.memory_space<vmem>>, vector<16xf32>,
        %parallel_loop3A_640 = vector.extract_strided_slice %parallel_loop3A_397 {offsets = [15], sizes = [1], strides = [1]} : vector<16xi32> to vector<1xi32>
        %parallel_loop3A_641 = vector.extract %parallel_loop3A_640[0] : i32 from vector<1xi32>
        %parallel_loop3A_642 = arith.constant 15 : i32
        %parallel_loop3A_643 = arith.addi %parallel_loop3A_399, %parallel_loop3A_642 : i32
        %parallel_loop3A_644 = arith.index_cast %parallel_loop3A_641 : i32 to index
        %parallel_loop3A_645 = arith.constant 0 : index
        %parallel_loop3A_646 = tpu.vector_load %arg7[%parallel_loop3A_644, %parallel_loop3A_645] {strides = array<i32>} : memref<257x32xf32, #tpu.memory_space<vmem>>, vector<16xf32>,
        %parallel_loop3A_647 = arith.index_cast %parallel_loop3A_643 : i32 to index
        %parallel_loop3A_648 = arith.constant 0 : index
        %parallel_loop3A_649 = tpu.vector_load %arg10[%parallel_loop3A_647, %parallel_loop3A_648] {strides = array<i32>} : memref<1280x32xf32, #tpu.memory_space<vmem>>, vector<16xf32>,
        tpu.vector_store %arg10[%parallel_loop3A_647, %parallel_loop3A_648], %parallel_loop3A_646 {strides = array<i32>} : memref<1280x32xf32, #tpu.memory_space<vmem>>, vector<16xf32>,
        %parallel_loop3A_650 = arith.index_cast %parallel_loop3A_641 : i32 to index
        %parallel_loop3A_651 = arith.constant 16 : index
        %parallel_loop3A_652 = tpu.vector_load %arg7[%parallel_loop3A_650, %parallel_loop3A_651] {strides = array<i32>} : memref<257x32xf32, #tpu.memory_space<vmem>>, vector<16xf32>,
        %parallel_loop3A_653 = arith.index_cast %parallel_loop3A_643 : i32 to index
        %parallel_loop3A_654 = arith.constant 16 : index
        %parallel_loop3A_655 = tpu.vector_load %arg10[%parallel_loop3A_653, %parallel_loop3A_654] {strides = array<i32>} : memref<1280x32xf32, #tpu.memory_space<vmem>>, vector<16xf32>,
        tpu.vector_store %arg10[%parallel_loop3A_653, %parallel_loop3A_654], %parallel_loop3A_652 {strides = array<i32>} : memref<1280x32xf32, #tpu.memory_space<vmem>>, vector<16xf32>,
      } {sc.loop_unroll_factor = 1 : i64, sc.parallel_access}
      %dma_start3A_237 = arith.constant 0 : i32
      %dma_start3A_238 = arith.constant 10 : i32
      %dma_start3A_239 = arith.constant 0 : i32
      %dma_start3A_240 = tpu.memref_slice %arg10[%dma_start3A_237, %dma_start3A_239] : memref<1280x32xf32, #tpu.memory_space<vmem>> -> memref<128x32xf32, #tpu.memory_space<vmem>>
      %dma_start3A_241 = arith.constant 0 : i32
      %dma_start3A_242 = tpu.memref_slice %arg8[%dma_start3A_238, %dma_start3A_241] : memref<20x128xi32, #tpu.memory_space<vmem>> -> memref<1x128xi32, #tpu.memory_space<vmem>>
      %dma_start3A_243 = tpu.memref_squeeze %dma_start3A_242 : memref<1x128xi32, #tpu.memory_space<vmem>> -> memref<128xi32, #tpu.memory_space<vmem>>
      %dma_start3A_244 = arith.constant 0 : i32
      %dma_start3A_245 = arith.constant 0 : i32
      %dma_start3A_246 = tpu.memref_slice %arg4[%add3A_61, %dma_start3A_244, %dma_start3A_245] : memref<1024x2500x32xf32, #tpu.memory_space<hbm>> -> memref<1x2500x32xf32, #tpu.memory_space<hbm>>
      %dma_start3A_247 = tpu.memref_squeeze %dma_start3A_246 : memref<1x2500x32xf32, #tpu.memory_space<hbm>> -> memref<2500x32xf32, #tpu.memory_space<hbm>>
      %dma_start3A_248 = arith.constant 0 : i32
      %dma_start3A_249 = arith.constant 0 : i32
      %dma_start3A_250 = tpu.memref_slice %dma_start3A_247[%dma_start3A_248, %dma_start3A_249] : memref<2500x32xf32, #tpu.memory_space<hbm>> -> memref<2500x32xf32, #tpu.memory_space<hbm>>
      tpu.enqueue_indirect_dma source(%dma_start3A_240 : memref<128x32xf32, #tpu.memory_space<vmem>>) target(%dma_start3A_250 : memref<2500x32xf32, #tpu.memory_space<hbm>>) offsets(%dma_start3A_243 : memref<128xi32, #tpu.memory_space<vmem>>) semaphore(%arg11 : memref<!tpu.dma_semaphore, #tpu.memory_space<semaphore_mem>>)
      %dma_start3A_251 = arith.constant 128 : i32
      %dma_start3A_252 = arith.constant 11 : i32
      %dma_start3A_253 = arith.constant 0 : i32
      %dma_start3A_254 = tpu.memref_slice %arg10[%dma_start3A_251, %dma_start3A_253] : memref<1280x32xf32, #tpu.memory_space<vmem>> -> memref<128x32xf32, #tpu.memory_space<vmem>>
      %dma_start3A_255 = arith.constant 0 : i32
      %dma_start3A_256 = tpu.memref_slice %arg8[%dma_start3A_252, %dma_start3A_255] : memref<20x128xi32, #tpu.memory_space<vmem>> -> memref<1x128xi32, #tpu.memory_space<vmem>>
      %dma_start3A_257 = tpu.memref_squeeze %dma_start3A_256 : memref<1x128xi32, #tpu.memory_space<vmem>> -> memref<128xi32, #tpu.memory_space<vmem>>
      %dma_start3A_258 = arith.constant 0 : i32
      %dma_start3A_259 = arith.constant 0 : i32
      %dma_start3A_260 = tpu.memref_slice %arg4[%add3A_61, %dma_start3A_258, %dma_start3A_259] : memref<1024x2500x32xf32, #tpu.memory_space<hbm>> -> memref<1x2500x32xf32, #tpu.memory_space<hbm>>
      %dma_start3A_261 = tpu.memref_squeeze %dma_start3A_260 : memref<1x2500x32xf32, #tpu.memory_space<hbm>> -> memref<2500x32xf32, #tpu.memory_space<hbm>>
      %dma_start3A_262 = arith.constant 0 : i32
      %dma_start3A_263 = arith.constant 0 : i32
      %dma_start3A_264 = tpu.memref_slice %dma_start3A_261[%dma_start3A_262, %dma_start3A_263] : memref<2500x32xf32, #tpu.memory_space<hbm>> -> memref<2500x32xf32, #tpu.memory_space<hbm>>
      tpu.enqueue_indirect_dma source(%dma_start3A_254 : memref<128x32xf32, #tpu.memory_space<vmem>>) target(%dma_start3A_264 : memref<2500x32xf32, #tpu.memory_space<hbm>>) offsets(%dma_start3A_257 : memref<128xi32, #tpu.memory_space<vmem>>) semaphore(%arg11 : memref<!tpu.dma_semaphore, #tpu.memory_space<semaphore_mem>>)
      %dma_start3A_265 = arith.constant 256 : i32
      %dma_start3A_266 = arith.constant 12 : i32
      %dma_start3A_267 = arith.constant 0 : i32
      %dma_start3A_268 = tpu.memref_slice %arg10[%dma_start3A_265, %dma_start3A_267] : memref<1280x32xf32, #tpu.memory_space<vmem>> -> memref<128x32xf32, #tpu.memory_space<vmem>>
      %dma_start3A_269 = arith.constant 0 : i32
      %dma_start3A_270 = tpu.memref_slice %arg8[%dma_start3A_266, %dma_start3A_269] : memref<20x128xi32, #tpu.memory_space<vmem>> -> memref<1x128xi32, #tpu.memory_space<vmem>>
      %dma_start3A_271 = tpu.memref_squeeze %dma_start3A_270 : memref<1x128xi32, #tpu.memory_space<vmem>> -> memref<128xi32, #tpu.memory_space<vmem>>
      %dma_start3A_272 = arith.constant 0 : i32
      %dma_start3A_273 = arith.constant 0 : i32
      %dma_start3A_274 = tpu.memref_slice %arg4[%add3A_61, %dma_start3A_272, %dma_start3A_273] : memref<1024x2500x32xf32, #tpu.memory_space<hbm>> -> memref<1x2500x32xf32, #tpu.memory_space<hbm>>
      %dma_start3A_275 = tpu.memref_squeeze %dma_start3A_274 : memref<1x2500x32xf32, #tpu.memory_space<hbm>> -> memref<2500x32xf32, #tpu.memory_space<hbm>>
      %dma_start3A_276 = arith.constant 0 : i32
      %dma_start3A_277 = arith.constant 0 : i32
      %dma_start3A_278 = tpu.memref_slice %dma_start3A_275[%dma_start3A_276, %dma_start3A_277] : memref<2500x32xf32, #tpu.memory_space<hbm>> -> memref<2500x32xf32, #tpu.memory_space<hbm>>
      tpu.enqueue_indirect_dma source(%dma_start3A_268 : memref<128x32xf32, #tpu.memory_space<vmem>>) target(%dma_start3A_278 : memref<2500x32xf32, #tpu.memory_space<hbm>>) offsets(%dma_start3A_271 : memref<128xi32, #tpu.memory_space<vmem>>) semaphore(%arg11 : memref<!tpu.dma_semaphore, #tpu.memory_space<semaphore_mem>>)
      %dma_start3A_279 = arith.constant 384 : i32
      %dma_start3A_280 = arith.constant 13 : i32
      %dma_start3A_281 = arith.constant 0 : i32
      %dma_start3A_282 = tpu.memref_slice %arg10[%dma_start3A_279, %dma_start3A_281] : memref<1280x32xf32, #tpu.memory_space<vmem>> -> memref<128x32xf32, #tpu.memory_space<vmem>>
      %dma_start3A_283 = arith.constant 0 : i32
      %dma_start3A_284 = tpu.memref_slice %arg8[%dma_start3A_280, %dma_start3A_283] : memref<20x128xi32, #tpu.memory_space<vmem>> -> memref<1x128xi32, #tpu.memory_space<vmem>>
      %dma_start3A_285 = tpu.memref_squeeze %dma_start3A_284 : memref<1x128xi32, #tpu.memory_space<vmem>> -> memref<128xi32, #tpu.memory_space<vmem>>
      %dma_start3A_286 = arith.constant 0 : i32
      %dma_start3A_287 = arith.constant 0 : i32
      %dma_start3A_288 = tpu.memref_slice %arg4[%add3A_61, %dma_start3A_286, %dma_start3A_287] : memref<1024x2500x32xf32, #tpu.memory_space<hbm>> -> memref<1x2500x32xf32, #tpu.memory_space<hbm>>
      %dma_start3A_289 = tpu.memref_squeeze %dma_start3A_288 : memref<1x2500x32xf32, #tpu.memory_space<hbm>> -> memref<2500x32xf32, #tpu.memory_space<hbm>>
      %dma_start3A_290 = arith.constant 0 : i32
      %dma_start3A_291 = arith.constant 0 : i32
      %dma_start3A_292 = tpu.memref_slice %dma_start3A_289[%dma_start3A_290, %dma_start3A_291] : memref<2500x32xf32, #tpu.memory_space<hbm>> -> memref<2500x32xf32, #tpu.memory_space<hbm>>
      tpu.enqueue_indirect_dma source(%dma_start3A_282 : memref<128x32xf32, #tpu.memory_space<vmem>>) target(%dma_start3A_292 : memref<2500x32xf32, #tpu.memory_space<hbm>>) offsets(%dma_start3A_285 : memref<128xi32, #tpu.memory_space<vmem>>) semaphore(%arg11 : memref<!tpu.dma_semaphore, #tpu.memory_space<semaphore_mem>>)
      %dma_start3A_293 = arith.constant 512 : i32
      %dma_start3A_294 = arith.constant 14 : i32
      %dma_start3A_295 = arith.constant 0 : i32
      %dma_start3A_296 = tpu.memref_slice %arg10[%dma_start3A_293, %dma_start3A_295] : memref<1280x32xf32, #tpu.memory_space<vmem>> -> memref<128x32xf32, #tpu.memory_space<vmem>>
      %dma_start3A_297 = arith.constant 0 : i32
      %dma_start3A_298 = tpu.memref_slice %arg8[%dma_start3A_294, %dma_start3A_297] : memref<20x128xi32, #tpu.memory_space<vmem>> -> memref<1x128xi32, #tpu.memory_space<vmem>>
      %dma_start3A_299 = tpu.memref_squeeze %dma_start3A_298 : memref<1x128xi32, #tpu.memory_space<vmem>> -> memref<128xi32, #tpu.memory_space<vmem>>
      %dma_start3A_300 = arith.constant 0 : i32
      %dma_start3A_301 = arith.constant 0 : i32
      %dma_start3A_302 = tpu.memref_slice %arg4[%add3A_61, %dma_start3A_300, %dma_start3A_301] : memref<1024x2500x32xf32, #tpu.memory_space<hbm>> -> memref<1x2500x32xf32, #tpu.memory_space<hbm>>
      %dma_start3A_303 = tpu.memref_squeeze %dma_start3A_302 : memref<1x2500x32xf32, #tpu.memory_space<hbm>> -> memref<2500x32xf32, #tpu.memory_space<hbm>>
      %dma_start3A_304 = arith.constant 0 : i32
      %dma_start3A_305 = arith.constant 0 : i32
      %dma_start3A_306 = tpu.memref_slice %dma_start3A_303[%dma_start3A_304, %dma_start3A_305] : memref<2500x32xf32, #tpu.memory_space<hbm>> -> memref<2500x32xf32, #tpu.memory_space<hbm>>
      tpu.enqueue_indirect_dma source(%dma_start3A_296 : memref<128x32xf32, #tpu.memory_space<vmem>>) target(%dma_start3A_306 : memref<2500x32xf32, #tpu.memory_space<hbm>>) offsets(%dma_start3A_299 : memref<128xi32, #tpu.memory_space<vmem>>) semaphore(%arg11 : memref<!tpu.dma_semaphore, #tpu.memory_space<semaphore_mem>>)
      %dma_start3A_307 = arith.constant 640 : i32
      %dma_start3A_308 = arith.constant 15 : i32
      %dma_start3A_309 = arith.constant 0 : i32
      %dma_start3A_310 = tpu.memref_slice %arg10[%dma_start3A_307, %dma_start3A_309] : memref<1280x32xf32, #tpu.memory_space<vmem>> -> memref<128x32xf32, #tpu.memory_space<vmem>>
      %dma_start3A_311 = arith.constant 0 : i32
      %dma_start3A_312 = tpu.memref_slice %arg8[%dma_start3A_308, %dma_start3A_311] : memref<20x128xi32, #tpu.memory_space<vmem>> -> memref<1x128xi32, #tpu.memory_space<vmem>>
      %dma_start3A_313 = tpu.memref_squeeze %dma_start3A_312 : memref<1x128xi32, #tpu.memory_space<vmem>> -> memref<128xi32, #tpu.memory_space<vmem>>
      %dma_start3A_314 = arith.constant 0 : i32
      %dma_start3A_315 = arith.constant 0 : i32
      %dma_start3A_316 = tpu.memref_slice %arg4[%add3A_61, %dma_start3A_314, %dma_start3A_315] : memref<1024x2500x32xf32, #tpu.memory_space<hbm>> -> memref<1x2500x32xf32, #tpu.memory_space<hbm>>
      %dma_start3A_317 = tpu.memref_squeeze %dma_start3A_316 : memref<1x2500x32xf32, #tpu.memory_space<hbm>> -> memref<2500x32xf32, #tpu.memory_space<hbm>>
      %dma_start3A_318 = arith.constant 0 : i32
      %dma_start3A_319 = arith.constant 0 : i32
      %dma_start3A_320 = tpu.memref_slice %dma_start3A_317[%dma_start3A_318, %dma_start3A_319] : memref<2500x32xf32, #tpu.memory_space<hbm>> -> memref<2500x32xf32, #tpu.memory_space<hbm>>
      tpu.enqueue_indirect_dma source(%dma_start3A_310 : memref<128x32xf32, #tpu.memory_space<vmem>>) target(%dma_start3A_320 : memref<2500x32xf32, #tpu.memory_space<hbm>>) offsets(%dma_start3A_313 : memref<128xi32, #tpu.memory_space<vmem>>) semaphore(%arg11 : memref<!tpu.dma_semaphore, #tpu.memory_space<semaphore_mem>>)
      %dma_start3A_321 = arith.constant 768 : i32
      %dma_start3A_322 = arith.constant 16 : i32
      %dma_start3A_323 = arith.constant 0 : i32
      %dma_start3A_324 = tpu.memref_slice %arg10[%dma_start3A_321, %dma_start3A_323] : memref<1280x32xf32, #tpu.memory_space<vmem>> -> memref<128x32xf32, #tpu.memory_space<vmem>>
      %dma_start3A_325 = arith.constant 0 : i32
      %dma_start3A_326 = tpu.memref_slice %arg8[%dma_start3A_322, %dma_start3A_325] : memref<20x128xi32, #tpu.memory_space<vmem>> -> memref<1x128xi32, #tpu.memory_space<vmem>>
      %dma_start3A_327 = tpu.memref_squeeze %dma_start3A_326 : memref<1x128xi32, #tpu.memory_space<vmem>> -> memref<128xi32, #tpu.memory_space<vmem>>
      %dma_start3A_328 = arith.constant 0 : i32
      %dma_start3A_329 = arith.constant 0 : i32
      %dma_start3A_330 = tpu.memref_slice %arg4[%add3A_61, %dma_start3A_328, %dma_start3A_329] : memref<1024x2500x32xf32, #tpu.memory_space<hbm>> -> memref<1x2500x32xf32, #tpu.memory_space<hbm>>
      %dma_start3A_331 = tpu.memref_squeeze %dma_start3A_330 : memref<1x2500x32xf32, #tpu.memory_space<hbm>> -> memref<2500x32xf32, #tpu.memory_space<hbm>>
      %dma_start3A_332 = arith.constant 0 : i32
      %dma_start3A_333 = arith.constant 0 : i32
      %dma_start3A_334 = tpu.memref_slice %dma_start3A_331[%dma_start3A_332, %dma_start3A_333] : memref<2500x32xf32, #tpu.memory_space<hbm>> -> memref<2500x32xf32, #tpu.memory_space<hbm>>
      tpu.enqueue_indirect_dma source(%dma_start3A_324 : memref<128x32xf32, #tpu.memory_space<vmem>>) target(%dma_start3A_334 : memref<2500x32xf32, #tpu.memory_space<hbm>>) offsets(%dma_start3A_327 : memref<128xi32, #tpu.memory_space<vmem>>) semaphore(%arg11 : memref<!tpu.dma_semaphore, #tpu.memory_space<semaphore_mem>>)
      %dma_start3A_335 = arith.constant 896 : i32
      %dma_start3A_336 = arith.constant 17 : i32
      %dma_start3A_337 = arith.constant 0 : i32
      %dma_start3A_338 = tpu.memref_slice %arg10[%dma_start3A_335, %dma_start3A_337] : memref<1280x32xf32, #tpu.memory_space<vmem>> -> memref<128x32xf32, #tpu.memory_space<vmem>>
      %dma_start3A_339 = arith.constant 0 : i32
      %dma_start3A_340 = tpu.memref_slice %arg8[%dma_start3A_336, %dma_start3A_339] : memref<20x128xi32, #tpu.memory_space<vmem>> -> memref<1x128xi32, #tpu.memory_space<vmem>>
      %dma_start3A_341 = tpu.memref_squeeze %dma_start3A_340 : memref<1x128xi32, #tpu.memory_space<vmem>> -> memref<128xi32, #tpu.memory_space<vmem>>
      %dma_start3A_342 = arith.constant 0 : i32
      %dma_start3A_343 = arith.constant 0 : i32
      %dma_start3A_344 = tpu.memref_slice %arg4[%add3A_61, %dma_start3A_342, %dma_start3A_343] : memref<1024x2500x32xf32, #tpu.memory_space<hbm>> -> memref<1x2500x32xf32, #tpu.memory_space<hbm>>
      %dma_start3A_345 = tpu.memref_squeeze %dma_start3A_344 : memref<1x2500x32xf32, #tpu.memory_space<hbm>> -> memref<2500x32xf32, #tpu.memory_space<hbm>>
      %dma_start3A_346 = arith.constant 0 : i32
      %dma_start3A_347 = arith.constant 0 : i32
      %dma_start3A_348 = tpu.memref_slice %dma_start3A_345[%dma_start3A_346, %dma_start3A_347] : memref<2500x32xf32, #tpu.memory_space<hbm>> -> memref<2500x32xf32, #tpu.memory_space<hbm>>
      tpu.enqueue_indirect_dma source(%dma_start3A_338 : memref<128x32xf32, #tpu.memory_space<vmem>>) target(%dma_start3A_348 : memref<2500x32xf32, #tpu.memory_space<hbm>>) offsets(%dma_start3A_341 : memref<128xi32, #tpu.memory_space<vmem>>) semaphore(%arg11 : memref<!tpu.dma_semaphore, #tpu.memory_space<semaphore_mem>>)
      %dma_start3A_349 = arith.constant 1024 : i32
      %dma_start3A_350 = arith.constant 18 : i32
      %dma_start3A_351 = arith.constant 0 : i32
      %dma_start3A_352 = tpu.memref_slice %arg10[%dma_start3A_349, %dma_start3A_351] : memref<1280x32xf32, #tpu.memory_space<vmem>> -> memref<128x32xf32, #tpu.memory_space<vmem>>
      %dma_start3A_353 = arith.constant 0 : i32
      %dma_start3A_354 = tpu.memref_slice %arg8[%dma_start3A_350, %dma_start3A_353] : memref<20x128xi32, #tpu.memory_space<vmem>> -> memref<1x128xi32, #tpu.memory_space<vmem>>
      %dma_start3A_355 = tpu.memref_squeeze %dma_start3A_354 : memref<1x128xi32, #tpu.memory_space<vmem>> -> memref<128xi32, #tpu.memory_space<vmem>>
      %dma_start3A_356 = arith.constant 0 : i32
      %dma_start3A_357 = arith.constant 0 : i32
      %dma_start3A_358 = tpu.memref_slice %arg4[%add3A_61, %dma_start3A_356, %dma_start3A_357] : memref<1024x2500x32xf32, #tpu.memory_space<hbm>> -> memref<1x2500x32xf32, #tpu.memory_space<hbm>>
      %dma_start3A_359 = tpu.memref_squeeze %dma_start3A_358 : memref<1x2500x32xf32, #tpu.memory_space<hbm>> -> memref<2500x32xf32, #tpu.memory_space<hbm>>
      %dma_start3A_360 = arith.constant 0 : i32
      %dma_start3A_361 = arith.constant 0 : i32
      %dma_start3A_362 = tpu.memref_slice %dma_start3A_359[%dma_start3A_360, %dma_start3A_361] : memref<2500x32xf32, #tpu.memory_space<hbm>> -> memref<2500x32xf32, #tpu.memory_space<hbm>>
      tpu.enqueue_indirect_dma source(%dma_start3A_352 : memref<128x32xf32, #tpu.memory_space<vmem>>) target(%dma_start3A_362 : memref<2500x32xf32, #tpu.memory_space<hbm>>) offsets(%dma_start3A_355 : memref<128xi32, #tpu.memory_space<vmem>>) semaphore(%arg11 : memref<!tpu.dma_semaphore, #tpu.memory_space<semaphore_mem>>)
      %dma_start3A_363 = arith.constant 1152 : i32
      %dma_start3A_364 = arith.constant 19 : i32
      %dma_start3A_365 = arith.constant 0 : i32
      %dma_start3A_366 = tpu.memref_slice %arg10[%dma_start3A_363, %dma_start3A_365] : memref<1280x32xf32, #tpu.memory_space<vmem>> -> memref<128x32xf32, #tpu.memory_space<vmem>>
      %dma_start3A_367 = arith.constant 0 : i32
      %dma_start3A_368 = tpu.memref_slice %arg8[%dma_start3A_364, %dma_start3A_367] : memref<20x128xi32, #tpu.memory_space<vmem>> -> memref<1x128xi32, #tpu.memory_space<vmem>>
      %dma_start3A_369 = tpu.memref_squeeze %dma_start3A_368 : memref<1x128xi32, #tpu.memory_space<vmem>> -> memref<128xi32, #tpu.memory_space<vmem>>
      %dma_start3A_370 = arith.constant 0 : i32
      %dma_start3A_371 = arith.constant 0 : i32
      %dma_start3A_372 = tpu.memref_slice %arg4[%add3A_61, %dma_start3A_370, %dma_start3A_371] : memref<1024x2500x32xf32, #tpu.memory_space<hbm>> -> memref<1x2500x32xf32, #tpu.memory_space<hbm>>
      %dma_start3A_373 = tpu.memref_squeeze %dma_start3A_372 : memref<1x2500x32xf32, #tpu.memory_space<hbm>> -> memref<2500x32xf32, #tpu.memory_space<hbm>>
      %dma_start3A_374 = arith.constant 0 : i32
      %dma_start3A_375 = arith.constant 0 : i32
      %dma_start3A_376 = tpu.memref_slice %dma_start3A_373[%dma_start3A_374, %dma_start3A_375] : memref<2500x32xf32, #tpu.memory_space<hbm>> -> memref<2500x32xf32, #tpu.memory_space<hbm>>
      tpu.enqueue_indirect_dma source(%dma_start3A_366 : memref<128x32xf32, #tpu.memory_space<vmem>>) target(%dma_start3A_376 : memref<2500x32xf32, #tpu.memory_space<hbm>>) offsets(%dma_start3A_369 : memref<128xi32, #tpu.memory_space<vmem>>) semaphore(%arg11 : memref<!tpu.dma_semaphore, #tpu.memory_space<semaphore_mem>>)
    }
    %while3A_42 = arith.constant 1 : i32
    scf.for %while3A_58 = %while3A_40 to %while3A_36 step %while3A_42  : i32 {
      %mul3A_59 = arith.constant 32 : i32
      %mul3A_60 = arith.muli %add3A, %mul3A_59 : i32
      %add3A_61 = arith.addi %mul3A_60, %while3A_58 : i32
      %broadcast_in_dim3A_62 = vector.broadcast %while3A_58 : i32 to vector<16xi32>
      %broadcast_in_dim3A_63 = arith.constant 2147483647 : i32
      %broadcast_in_dim3A_64 = vector.broadcast %broadcast_in_dim3A_63 : i32 to vector<16xi32>
      %while3A_65 = arith.constant 0 : i32
      %while3A_66 = arith.constant 160 : i32
      %while3A_67 = arith.subi %while3A_66, %while3A_65 : i32
      %while3A_68 = arith.addi %while3A_65, %while3A_67 : i32
      %while3A_69 = arith.constant 1 : i32
      %while3A_70 = arith.divsi %while3A_67, %while3A_69 : i32
      %while3A_71 = arith.muli %while3A_70, %while3A_69 : i32
      %while3A_72 = arith.addi %while3A_65, %while3A_71 : i32
      %while3A_73 = arith.constant 1 : i32
      %while3A_74 = scf.for %while3A_377 = %while3A_65 to %while3A_72 step %while3A_73 iter_args(%while3A_378 = %broadcast_in_dim3A_64) -> (vector<16xi32>)  : i32 {
        %mul3A_379 = arith.constant 16 : i32
        %mul3A_380 = arith.muli %while3A_377, %mul3A_379 : i32
        %broadcast_in_dim3A_381 = vector.broadcast %mul3A_380 : i32 to vector<16xi32>
        %add3A_382 = arith.addi %iota3A, %broadcast_in_dim3A_381 : vector<16xi32>
        %min3A = arith.minsi %add3A_382, %broadcast_in_dim3A_7 : vector<16xi32>
        %div3A_383 = arith.divsi %min3A, %broadcast_in_dim3A_3 : vector<16xi32>
        %mul3A_384 = arith.muli %div3A_383, %broadcast_in_dim3A_3 : vector<16xi32>
        %sub3A = arith.subi %min3A, %mul3A_384 : vector<16xi32>
        %gather3A = tpu.vector_load_idx %arg5[%broadcast_in_dim3A_62, %div3A_383] : memref<32x64xi32, #tpu.memory_space<vmem>>[vector<16xi32>, vector<16xi32>], vector<16xi32>,
        %gather3A_385 = tpu.vector_load_idx %arg5[%broadcast_in_dim3A_62, %sub3A] : memref<32x64xi32, #tpu.memory_space<vmem>>[vector<16xi32>, vector<16xi32>], vector<16xi32>,
        %sub3A_386 = arith.subi %gather3A, %gather3A_385 : vector<16xi32>
        %sub3A_387 = arith.subi %broadcast_in_dim3A_9, %sub3A_386 : vector<16xi32>
        %max3A = arith.maxsi %sub3A_386, %sub3A_387 : vector<16xi32>
        %lt3A = arith.cmpi slt, %add3A_382, %broadcast_in_dim3A_5 : vector<16xi32>
        %ne3A = arith.cmpi ne, %max3A, %broadcast_in_dim3A_9 : vector<16xi32>
        %and3A = arith.andi %lt3A, %ne3A : vector<16xi1>
        %select_n3A = arith.select %and3A, %max3A, %broadcast_in_dim3A_13 : vector<16xi1>, vector<16xi32>
        %mul3A_388 = arith.constant 16 : i32
        %mul3A_389 = arith.muli %while3A_377, %mul3A_388 : i32
        %swap3A = arith.index_cast %mul3A_389 : i32 to index
        %swap3A_390 = tpu.vector_load %arg6[%swap3A] {strides = array<i32>} : memref<2560xi32, #tpu.memory_space<vmem>>, vector<16xi32>,
        tpu.vector_store %arg6[%swap3A], %max3A {strides = array<i32>} : memref<2560xi32, #tpu.memory_space<vmem>>, vector<16xi32>,
        %min3A_391 = arith.minsi %while3A_378, %select_n3A : vector<16xi32>
        scf.yield %min3A_391 : vector<16xi32>
      }
      %while3A_75 = arith.constant 1 : i32
      %while3A_76 = scf.for %while3A_377 = %while3A_72 to %while3A_68 step %while3A_75 iter_args(%while3A_378 = %while3A_74) -> (vector<16xi32>)  : i32 {
        %mul3A_379 = arith.constant 16 : i32
        %mul3A_380 = arith.muli %while3A_377, %mul3A_379 : i32
        %broadcast_in_dim3A_381 = vector.broadcast %mul3A_380 : i32 to vector<16xi32>
        %add3A_382 = arith.addi %iota3A, %broadcast_in_dim3A_381 : vector<16xi32>
        %min3A = arith.minsi %add3A_382, %broadcast_in_dim3A_7 : vector<16xi32>
        %div3A_383 = arith.divsi %min3A, %broadcast_in_dim3A_3 : vector<16xi32>
        %mul3A_384 = arith.muli %div3A_383, %broadcast_in_dim3A_3 : vector<16xi32>
        %sub3A = arith.subi %min3A, %mul3A_384 : vector<16xi32>
        %gather3A = tpu.vector_load_idx %arg5[%broadcast_in_dim3A_62, %div3A_383] : memref<32x64xi32, #tpu.memory_space<vmem>>[vector<16xi32>, vector<16xi32>], vector<16xi32>,
        %gather3A_385 = tpu.vector_load_idx %arg5[%broadcast_in_dim3A_62, %sub3A] : memref<32x64xi32, #tpu.memory_space<vmem>>[vector<16xi32>, vector<16xi32>], vector<16xi32>,
        %sub3A_386 = arith.subi %gather3A, %gather3A_385 : vector<16xi32>
        %sub3A_387 = arith.subi %broadcast_in_dim3A_9, %sub3A_386 : vector<16xi32>
        %max3A = arith.maxsi %sub3A_386, %sub3A_387 : vector<16xi32>
        %lt3A = arith.cmpi slt, %add3A_382, %broadcast_in_dim3A_5 : vector<16xi32>
        %ne3A = arith.cmpi ne, %max3A, %broadcast_in_dim3A_9 : vector<16xi32>
        %and3A = arith.andi %lt3A, %ne3A : vector<16xi1>
        %select_n3A = arith.select %and3A, %max3A, %broadcast_in_dim3A_13 : vector<16xi1>, vector<16xi32>
        %mul3A_388 = arith.constant 16 : i32
        %mul3A_389 = arith.muli %while3A_377, %mul3A_388 : i32
        %swap3A = arith.index_cast %mul3A_389 : i32 to index
        %swap3A_390 = tpu.vector_load %arg6[%swap3A] {strides = array<i32>} : memref<2560xi32, #tpu.memory_space<vmem>>, vector<16xi32>,
        tpu.vector_store %arg6[%swap3A], %max3A {strides = array<i32>} : memref<2560xi32, #tpu.memory_space<vmem>>, vector<16xi32>,
        %min3A_391 = arith.minsi %while3A_378, %select_n3A : vector<16xi32>
        scf.yield %min3A_391 : vector<16xi32>
      }
      %reduce_min3A = arith.constant true
      %reduce_min3A_77 = vector.broadcast %reduce_min3A : i1 to vector<16xi1>
      %reduce_min3A_78 = arith.constant -2147483648 : i32
      %reduce_min3A_79 = vector.broadcast %reduce_min3A_78 : i32 to vector<16xi32>
      %reduce_min3A_80 = arith.xori %while3A_76, %reduce_min3A_79 : vector<16xi32>
      %reduce_min3A_81 = tpu.scan <min>, %reduce_min3A_80 masked %reduce_min3A_77 : vector<16xi32>, vector<16xi1> -> vector<16xi32>
      %reduce_min3A_82 = arith.xori %reduce_min3A_81, %reduce_min3A_79 : vector<16xi32>
      %reduce_min3A_83 = vector.extract %reduce_min3A_82[15] : i32 from vector<16xi32>
      %broadcast_in_dim3A_84 = vector.broadcast %reduce_min3A_83 : i32 to vector<16xi32>
      %convert_element_type3A = arith.sitofp %broadcast_in_dim3A_84 : vector<16xi32> to vector<16xf32>
      %div3A = arith.divf %broadcast_in_dim3A_19, %convert_element_type3A : vector<16xf32>
      %gt3A = arith.constant 0 : i32
      %gt3A_85 = arith.cmpi sgt, %while3A_58, %gt3A : i32
      %convert_element_type3A_86 = arith.extui %gt3A_85 : i1 to i32
      %cond3A = arith.constant 0 : i32
      %cond3A_87 = arith.cmpi ne, %convert_element_type3A_86, %cond3A : i32
      scf.if %cond3A_87 {
        %dma_wait3A_377 = arith.constant 0 : i32
        %dma_wait3A_378 = arith.constant 0 : i32
        %dma_wait3A_379 = tpu.memref_slice %arg4[%add3A_61, %dma_wait3A_377, %dma_wait3A_378] : memref<1024x2500x32xf32, #tpu.memory_space<hbm>> -> memref<1x1280x32xf32, #tpu.memory_space<hbm>>
        %dma_wait3A_380 = tpu.memref_squeeze %dma_wait3A_379 : memref<1x1280x32xf32, #tpu.memory_space<hbm>> -> memref<1280x32xf32, #tpu.memory_space<hbm>>
        %dma_wait3A_381 = arith.constant 0 : i32
        %dma_wait3A_382 = tpu.memref_slice %arg4[%add3A_61, %dma_wait3A_377, %dma_wait3A_381] : memref<1024x2500x32xf32, #tpu.memory_space<hbm>> -> memref<1x1280x32xf32, #tpu.memory_space<hbm>>
        %dma_wait3A_383 = tpu.memref_squeeze %dma_wait3A_382 : memref<1x1280x32xf32, #tpu.memory_space<hbm>> -> memref<1280x32xf32, #tpu.memory_space<hbm>>
        tpu.wait_dma2 semaphore(%arg11 : memref<!tpu.dma_semaphore, #tpu.memory_space<semaphore_mem>>) src(%arg9 : memref<1280x32xf32, #tpu.memory_space<vmem>>) dst(%dma_wait3A_383 : memref<1280x32xf32, #tpu.memory_space<hbm>>)
      } else {
      }
      %parallel_loop3A = arith.constant 0 : i32
      %parallel_loop3A_88 = arith.constant 80 : i32
      %parallel_loop3A_89 = arith.constant 1 : i32
      scf.for %parallel_loop3A_377 = %parallel_loop3A to %parallel_loop3A_88 step %parallel_loop3A_89  : i32 {
        %parallel_loop3A_378 = arith.constant 16 : i32
        %parallel_loop3A_379 = arith.muli %parallel_loop3A_377, %parallel_loop3A_378 : i32
        %parallel_loop3A_380 = arith.constant 0 : i32
        %parallel_loop3A_381 = arith.addi %parallel_loop3A_380, %parallel_loop3A_379 : i32
        %parallel_loop3A_382 = arith.index_cast %parallel_loop3A_381 : i32 to index
        %parallel_loop3A_383 = tpu.vector_load %arg6[%parallel_loop3A_382] {strides = array<i32>} : memref<2560xi32, #tpu.memory_space<vmem>>, vector<16xi32>,
        %parallel_loop3A_384 = arith.sitofp %parallel_loop3A_383 : vector<16xi32> to vector<16xf32>
        %parallel_loop3A_385 = arith.mulf %parallel_loop3A_384, %div3A : vector<16xf32>
        %parallel_loop3A_386 = arith.fptosi %parallel_loop3A_385 : vector<16xf32> to vector<16xi32>
        %parallel_loop3A_387 = arith.minsi %parallel_loop3A_386, %broadcast_in_dim3A_17 : vector<16xi32>
        %parallel_loop3A_388 = arith.addi %parallel_loop3A_387, %broadcast_in_dim3A_11 : vector<16xi32>
        %parallel_loop3A_389 = arith.muli %parallel_loop3A_388, %broadcast_in_dim3A_84 : vector<16xi32>
        %parallel_loop3A_390 = arith.cmpi sle, %parallel_loop3A_389, %parallel_loop3A_383 : vector<16xi32>
        %parallel_loop3A_391 = arith.select %parallel_loop3A_390, %broadcast_in_dim3A_11, %broadcast_in_dim3A_9 : vector<16xi1>, vector<16xi32>
        %parallel_loop3A_392 = arith.addi %parallel_loop3A_387, %parallel_loop3A_391 : vector<16xi32>
        %parallel_loop3A_393 = arith.muli %parallel_loop3A_392, %broadcast_in_dim3A_84 : vector<16xi32>
        %parallel_loop3A_394 = arith.cmpi sgt, %parallel_loop3A_393, %parallel_loop3A_383 : vector<16xi32>
        %parallel_loop3A_395 = arith.select %parallel_loop3A_394, %broadcast_in_dim3A_11, %broadcast_in_dim3A_9 : vector<16xi1>, vector<16xi32>
        %parallel_loop3A_396 = arith.subi %parallel_loop3A_392, %parallel_loop3A_395 : vector<16xi32>
        %parallel_loop3A_397 = arith.minsi %parallel_loop3A_396, %broadcast_in_dim3A_15 : vector<16xi32>
        %parallel_loop3A_398 = arith.constant 16 : i32
        %parallel_loop3A_399 = arith.muli %parallel_loop3A_377, %parallel_loop3A_398 : i32
        %parallel_loop3A_400 = vector.extract_strided_slice %parallel_loop3A_397 {offsets = [0], sizes = [1], strides = [1]} : vector<16xi32> to vector<1xi32>
        %parallel_loop3A_401 = vector.extract %parallel_loop3A_400[0] : i32 from vector<1xi32>
        %parallel_loop3A_402 = arith.constant 0 : i32
        %parallel_loop3A_403 = arith.addi %parallel_loop3A_399, %parallel_loop3A_402 : i32
        %parallel_loop3A_404 = arith.index_cast %parallel_loop3A_401 : i32 to index
        %parallel_loop3A_405 = arith.constant 0 : index
        %parallel_loop3A_406 = tpu.vector_load %arg7[%parallel_loop3A_404, %parallel_loop3A_405] {strides = array<i32>} : memref<257x32xf32, #tpu.memory_space<vmem>>, vector<16xf32>,
        %parallel_loop3A_407 = arith.index_cast %parallel_loop3A_403 : i32 to index
        %parallel_loop3A_408 = arith.constant 0 : index
        %parallel_loop3A_409 = tpu.vector_load %arg9[%parallel_loop3A_407, %parallel_loop3A_408] {strides = array<i32>} : memref<1280x32xf32, #tpu.memory_space<vmem>>, vector<16xf32>,
        tpu.vector_store %arg9[%parallel_loop3A_407, %parallel_loop3A_408], %parallel_loop3A_406 {strides = array<i32>} : memref<1280x32xf32, #tpu.memory_space<vmem>>, vector<16xf32>,
        %parallel_loop3A_410 = arith.index_cast %parallel_loop3A_401 : i32 to index
        %parallel_loop3A_411 = arith.constant 16 : index
        %parallel_loop3A_412 = tpu.vector_load %arg7[%parallel_loop3A_410, %parallel_loop3A_411] {strides = array<i32>} : memref<257x32xf32, #tpu.memory_space<vmem>>, vector<16xf32>,
        %parallel_loop3A_413 = arith.index_cast %parallel_loop3A_403 : i32 to index
        %parallel_loop3A_414 = arith.constant 16 : index
        %parallel_loop3A_415 = tpu.vector_load %arg9[%parallel_loop3A_413, %parallel_loop3A_414] {strides = array<i32>} : memref<1280x32xf32, #tpu.memory_space<vmem>>, vector<16xf32>,
        tpu.vector_store %arg9[%parallel_loop3A_413, %parallel_loop3A_414], %parallel_loop3A_412 {strides = array<i32>} : memref<1280x32xf32, #tpu.memory_space<vmem>>, vector<16xf32>,
        %parallel_loop3A_416 = vector.extract_strided_slice %parallel_loop3A_397 {offsets = [1], sizes = [1], strides = [1]} : vector<16xi32> to vector<1xi32>
        %parallel_loop3A_417 = vector.extract %parallel_loop3A_416[0] : i32 from vector<1xi32>
        %parallel_loop3A_418 = arith.constant 1 : i32
        %parallel_loop3A_419 = arith.addi %parallel_loop3A_399, %parallel_loop3A_418 : i32
        %parallel_loop3A_420 = arith.index_cast %parallel_loop3A_417 : i32 to index
        %parallel_loop3A_421 = arith.constant 0 : index
        %parallel_loop3A_422 = tpu.vector_load %arg7[%parallel_loop3A_420, %parallel_loop3A_421] {strides = array<i32>} : memref<257x32xf32, #tpu.memory_space<vmem>>, vector<16xf32>,
        %parallel_loop3A_423 = arith.index_cast %parallel_loop3A_419 : i32 to index
        %parallel_loop3A_424 = arith.constant 0 : index
        %parallel_loop3A_425 = tpu.vector_load %arg9[%parallel_loop3A_423, %parallel_loop3A_424] {strides = array<i32>} : memref<1280x32xf32, #tpu.memory_space<vmem>>, vector<16xf32>,
        tpu.vector_store %arg9[%parallel_loop3A_423, %parallel_loop3A_424], %parallel_loop3A_422 {strides = array<i32>} : memref<1280x32xf32, #tpu.memory_space<vmem>>, vector<16xf32>,
        %parallel_loop3A_426 = arith.index_cast %parallel_loop3A_417 : i32 to index
        %parallel_loop3A_427 = arith.constant 16 : index
        %parallel_loop3A_428 = tpu.vector_load %arg7[%parallel_loop3A_426, %parallel_loop3A_427] {strides = array<i32>} : memref<257x32xf32, #tpu.memory_space<vmem>>, vector<16xf32>,
        %parallel_loop3A_429 = arith.index_cast %parallel_loop3A_419 : i32 to index
        %parallel_loop3A_430 = arith.constant 16 : index
        %parallel_loop3A_431 = tpu.vector_load %arg9[%parallel_loop3A_429, %parallel_loop3A_430] {strides = array<i32>} : memref<1280x32xf32, #tpu.memory_space<vmem>>, vector<16xf32>,
        tpu.vector_store %arg9[%parallel_loop3A_429, %parallel_loop3A_430], %parallel_loop3A_428 {strides = array<i32>} : memref<1280x32xf32, #tpu.memory_space<vmem>>, vector<16xf32>,
        %parallel_loop3A_432 = vector.extract_strided_slice %parallel_loop3A_397 {offsets = [2], sizes = [1], strides = [1]} : vector<16xi32> to vector<1xi32>
        %parallel_loop3A_433 = vector.extract %parallel_loop3A_432[0] : i32 from vector<1xi32>
        %parallel_loop3A_434 = arith.constant 2 : i32
        %parallel_loop3A_435 = arith.addi %parallel_loop3A_399, %parallel_loop3A_434 : i32
        %parallel_loop3A_436 = arith.index_cast %parallel_loop3A_433 : i32 to index
        %parallel_loop3A_437 = arith.constant 0 : index
        %parallel_loop3A_438 = tpu.vector_load %arg7[%parallel_loop3A_436, %parallel_loop3A_437] {strides = array<i32>} : memref<257x32xf32, #tpu.memory_space<vmem>>, vector<16xf32>,
        %parallel_loop3A_439 = arith.index_cast %parallel_loop3A_435 : i32 to index
        %parallel_loop3A_440 = arith.constant 0 : index
        %parallel_loop3A_441 = tpu.vector_load %arg9[%parallel_loop3A_439, %parallel_loop3A_440] {strides = array<i32>} : memref<1280x32xf32, #tpu.memory_space<vmem>>, vector<16xf32>,
        tpu.vector_store %arg9[%parallel_loop3A_439, %parallel_loop3A_440], %parallel_loop3A_438 {strides = array<i32>} : memref<1280x32xf32, #tpu.memory_space<vmem>>, vector<16xf32>,
        %parallel_loop3A_442 = arith.index_cast %parallel_loop3A_433 : i32 to index
        %parallel_loop3A_443 = arith.constant 16 : index
        %parallel_loop3A_444 = tpu.vector_load %arg7[%parallel_loop3A_442, %parallel_loop3A_443] {strides = array<i32>} : memref<257x32xf32, #tpu.memory_space<vmem>>, vector<16xf32>,
        %parallel_loop3A_445 = arith.index_cast %parallel_loop3A_435 : i32 to index
        %parallel_loop3A_446 = arith.constant 16 : index
        %parallel_loop3A_447 = tpu.vector_load %arg9[%parallel_loop3A_445, %parallel_loop3A_446] {strides = array<i32>} : memref<1280x32xf32, #tpu.memory_space<vmem>>, vector<16xf32>,
        tpu.vector_store %arg9[%parallel_loop3A_445, %parallel_loop3A_446], %parallel_loop3A_444 {strides = array<i32>} : memref<1280x32xf32, #tpu.memory_space<vmem>>, vector<16xf32>,
        %parallel_loop3A_448 = vector.extract_strided_slice %parallel_loop3A_397 {offsets = [3], sizes = [1], strides = [1]} : vector<16xi32> to vector<1xi32>
        %parallel_loop3A_449 = vector.extract %parallel_loop3A_448[0] : i32 from vector<1xi32>
        %parallel_loop3A_450 = arith.constant 3 : i32
        %parallel_loop3A_451 = arith.addi %parallel_loop3A_399, %parallel_loop3A_450 : i32
        %parallel_loop3A_452 = arith.index_cast %parallel_loop3A_449 : i32 to index
        %parallel_loop3A_453 = arith.constant 0 : index
        %parallel_loop3A_454 = tpu.vector_load %arg7[%parallel_loop3A_452, %parallel_loop3A_453] {strides = array<i32>} : memref<257x32xf32, #tpu.memory_space<vmem>>, vector<16xf32>,
        %parallel_loop3A_455 = arith.index_cast %parallel_loop3A_451 : i32 to index
        %parallel_loop3A_456 = arith.constant 0 : index
        %parallel_loop3A_457 = tpu.vector_load %arg9[%parallel_loop3A_455, %parallel_loop3A_456] {strides = array<i32>} : memref<1280x32xf32, #tpu.memory_space<vmem>>, vector<16xf32>,
        tpu.vector_store %arg9[%parallel_loop3A_455, %parallel_loop3A_456], %parallel_loop3A_454 {strides = array<i32>} : memref<1280x32xf32, #tpu.memory_space<vmem>>, vector<16xf32>,
        %parallel_loop3A_458 = arith.index_cast %parallel_loop3A_449 : i32 to index
        %parallel_loop3A_459 = arith.constant 16 : index
        %parallel_loop3A_460 = tpu.vector_load %arg7[%parallel_loop3A_458, %parallel_loop3A_459] {strides = array<i32>} : memref<257x32xf32, #tpu.memory_space<vmem>>, vector<16xf32>,
        %parallel_loop3A_461 = arith.index_cast %parallel_loop3A_451 : i32 to index
        %parallel_loop3A_462 = arith.constant 16 : index
        %parallel_loop3A_463 = tpu.vector_load %arg9[%parallel_loop3A_461, %parallel_loop3A_462] {strides = array<i32>} : memref<1280x32xf32, #tpu.memory_space<vmem>>, vector<16xf32>,
        tpu.vector_store %arg9[%parallel_loop3A_461, %parallel_loop3A_462], %parallel_loop3A_460 {strides = array<i32>} : memref<1280x32xf32, #tpu.memory_space<vmem>>, vector<16xf32>,
        %parallel_loop3A_464 = vector.extract_strided_slice %parallel_loop3A_397 {offsets = [4], sizes = [1], strides = [1]} : vector<16xi32> to vector<1xi32>
        %parallel_loop3A_465 = vector.extract %parallel_loop3A_464[0] : i32 from vector<1xi32>
        %parallel_loop3A_466 = arith.constant 4 : i32
        %parallel_loop3A_467 = arith.addi %parallel_loop3A_399, %parallel_loop3A_466 : i32
        %parallel_loop3A_468 = arith.index_cast %parallel_loop3A_465 : i32 to index
        %parallel_loop3A_469 = arith.constant 0 : index
        %parallel_loop3A_470 = tpu.vector_load %arg7[%parallel_loop3A_468, %parallel_loop3A_469] {strides = array<i32>} : memref<257x32xf32, #tpu.memory_space<vmem>>, vector<16xf32>,
        %parallel_loop3A_471 = arith.index_cast %parallel_loop3A_467 : i32 to index
        %parallel_loop3A_472 = arith.constant 0 : index
        %parallel_loop3A_473 = tpu.vector_load %arg9[%parallel_loop3A_471, %parallel_loop3A_472] {strides = array<i32>} : memref<1280x32xf32, #tpu.memory_space<vmem>>, vector<16xf32>,
        tpu.vector_store %arg9[%parallel_loop3A_471, %parallel_loop3A_472], %parallel_loop3A_470 {strides = array<i32>} : memref<1280x32xf32, #tpu.memory_space<vmem>>, vector<16xf32>,
        %parallel_loop3A_474 = arith.index_cast %parallel_loop3A_465 : i32 to index
        %parallel_loop3A_475 = arith.constant 16 : index
        %parallel_loop3A_476 = tpu.vector_load %arg7[%parallel_loop3A_474, %parallel_loop3A_475] {strides = array<i32>} : memref<257x32xf32, #tpu.memory_space<vmem>>, vector<16xf32>,
        %parallel_loop3A_477 = arith.index_cast %parallel_loop3A_467 : i32 to index
        %parallel_loop3A_478 = arith.constant 16 : index
        %parallel_loop3A_479 = tpu.vector_load %arg9[%parallel_loop3A_477, %parallel_loop3A_478] {strides = array<i32>} : memref<1280x32xf32, #tpu.memory_space<vmem>>, vector<16xf32>,
        tpu.vector_store %arg9[%parallel_loop3A_477, %parallel_loop3A_478], %parallel_loop3A_476 {strides = array<i32>} : memref<1280x32xf32, #tpu.memory_space<vmem>>, vector<16xf32>,
        %parallel_loop3A_480 = vector.extract_strided_slice %parallel_loop3A_397 {offsets = [5], sizes = [1], strides = [1]} : vector<16xi32> to vector<1xi32>
        %parallel_loop3A_481 = vector.extract %parallel_loop3A_480[0] : i32 from vector<1xi32>
        %parallel_loop3A_482 = arith.constant 5 : i32
        %parallel_loop3A_483 = arith.addi %parallel_loop3A_399, %parallel_loop3A_482 : i32
        %parallel_loop3A_484 = arith.index_cast %parallel_loop3A_481 : i32 to index
        %parallel_loop3A_485 = arith.constant 0 : index
        %parallel_loop3A_486 = tpu.vector_load %arg7[%parallel_loop3A_484, %parallel_loop3A_485] {strides = array<i32>} : memref<257x32xf32, #tpu.memory_space<vmem>>, vector<16xf32>,
        %parallel_loop3A_487 = arith.index_cast %parallel_loop3A_483 : i32 to index
        %parallel_loop3A_488 = arith.constant 0 : index
        %parallel_loop3A_489 = tpu.vector_load %arg9[%parallel_loop3A_487, %parallel_loop3A_488] {strides = array<i32>} : memref<1280x32xf32, #tpu.memory_space<vmem>>, vector<16xf32>,
        tpu.vector_store %arg9[%parallel_loop3A_487, %parallel_loop3A_488], %parallel_loop3A_486 {strides = array<i32>} : memref<1280x32xf32, #tpu.memory_space<vmem>>, vector<16xf32>,
        %parallel_loop3A_490 = arith.index_cast %parallel_loop3A_481 : i32 to index
        %parallel_loop3A_491 = arith.constant 16 : index
        %parallel_loop3A_492 = tpu.vector_load %arg7[%parallel_loop3A_490, %parallel_loop3A_491] {strides = array<i32>} : memref<257x32xf32, #tpu.memory_space<vmem>>, vector<16xf32>,
        %parallel_loop3A_493 = arith.index_cast %parallel_loop3A_483 : i32 to index
        %parallel_loop3A_494 = arith.constant 16 : index
        %parallel_loop3A_495 = tpu.vector_load %arg9[%parallel_loop3A_493, %parallel_loop3A_494] {strides = array<i32>} : memref<1280x32xf32, #tpu.memory_space<vmem>>, vector<16xf32>,
        tpu.vector_store %arg9[%parallel_loop3A_493, %parallel_loop3A_494], %parallel_loop3A_492 {strides = array<i32>} : memref<1280x32xf32, #tpu.memory_space<vmem>>, vector<16xf32>,
        %parallel_loop3A_496 = vector.extract_strided_slice %parallel_loop3A_397 {offsets = [6], sizes = [1], strides = [1]} : vector<16xi32> to vector<1xi32>
        %parallel_loop3A_497 = vector.extract %parallel_loop3A_496[0] : i32 from vector<1xi32>
        %parallel_loop3A_498 = arith.constant 6 : i32
        %parallel_loop3A_499 = arith.addi %parallel_loop3A_399, %parallel_loop3A_498 : i32
        %parallel_loop3A_500 = arith.index_cast %parallel_loop3A_497 : i32 to index
        %parallel_loop3A_501 = arith.constant 0 : index
        %parallel_loop3A_502 = tpu.vector_load %arg7[%parallel_loop3A_500, %parallel_loop3A_501] {strides = array<i32>} : memref<257x32xf32, #tpu.memory_space<vmem>>, vector<16xf32>,
        %parallel_loop3A_503 = arith.index_cast %parallel_loop3A_499 : i32 to index
        %parallel_loop3A_504 = arith.constant 0 : index
        %parallel_loop3A_505 = tpu.vector_load %arg9[%parallel_loop3A_503, %parallel_loop3A_504] {strides = array<i32>} : memref<1280x32xf32, #tpu.memory_space<vmem>>, vector<16xf32>,
        tpu.vector_store %arg9[%parallel_loop3A_503, %parallel_loop3A_504], %parallel_loop3A_502 {strides = array<i32>} : memref<1280x32xf32, #tpu.memory_space<vmem>>, vector<16xf32>,
        %parallel_loop3A_506 = arith.index_cast %parallel_loop3A_497 : i32 to index
        %parallel_loop3A_507 = arith.constant 16 : index
        %parallel_loop3A_508 = tpu.vector_load %arg7[%parallel_loop3A_506, %parallel_loop3A_507] {strides = array<i32>} : memref<257x32xf32, #tpu.memory_space<vmem>>, vector<16xf32>,
        %parallel_loop3A_509 = arith.index_cast %parallel_loop3A_499 : i32 to index
        %parallel_loop3A_510 = arith.constant 16 : index
        %parallel_loop3A_511 = tpu.vector_load %arg9[%parallel_loop3A_509, %parallel_loop3A_510] {strides = array<i32>} : memref<1280x32xf32, #tpu.memory_space<vmem>>, vector<16xf32>,
        tpu.vector_store %arg9[%parallel_loop3A_509, %parallel_loop3A_510], %parallel_loop3A_508 {strides = array<i32>} : memref<1280x32xf32, #tpu.memory_space<vmem>>, vector<16xf32>,
        %parallel_loop3A_512 = vector.extract_strided_slice %parallel_loop3A_397 {offsets = [7], sizes = [1], strides = [1]} : vector<16xi32> to vector<1xi32>
        %parallel_loop3A_513 = vector.extract %parallel_loop3A_512[0] : i32 from vector<1xi32>
        %parallel_loop3A_514 = arith.constant 7 : i32
        %parallel_loop3A_515 = arith.addi %parallel_loop3A_399, %parallel_loop3A_514 : i32
        %parallel_loop3A_516 = arith.index_cast %parallel_loop3A_513 : i32 to index
        %parallel_loop3A_517 = arith.constant 0 : index
        %parallel_loop3A_518 = tpu.vector_load %arg7[%parallel_loop3A_516, %parallel_loop3A_517] {strides = array<i32>} : memref<257x32xf32, #tpu.memory_space<vmem>>, vector<16xf32>,
        %parallel_loop3A_519 = arith.index_cast %parallel_loop3A_515 : i32 to index
        %parallel_loop3A_520 = arith.constant 0 : index
        %parallel_loop3A_521 = tpu.vector_load %arg9[%parallel_loop3A_519, %parallel_loop3A_520] {strides = array<i32>} : memref<1280x32xf32, #tpu.memory_space<vmem>>, vector<16xf32>,
        tpu.vector_store %arg9[%parallel_loop3A_519, %parallel_loop3A_520], %parallel_loop3A_518 {strides = array<i32>} : memref<1280x32xf32, #tpu.memory_space<vmem>>, vector<16xf32>,
        %parallel_loop3A_522 = arith.index_cast %parallel_loop3A_513 : i32 to index
        %parallel_loop3A_523 = arith.constant 16 : index
        %parallel_loop3A_524 = tpu.vector_load %arg7[%parallel_loop3A_522, %parallel_loop3A_523] {strides = array<i32>} : memref<257x32xf32, #tpu.memory_space<vmem>>, vector<16xf32>,
        %parallel_loop3A_525 = arith.index_cast %parallel_loop3A_515 : i32 to index
        %parallel_loop3A_526 = arith.constant 16 : index
        %parallel_loop3A_527 = tpu.vector_load %arg9[%parallel_loop3A_525, %parallel_loop3A_526] {strides = array<i32>} : memref<1280x32xf32, #tpu.memory_space<vmem>>, vector<16xf32>,
        tpu.vector_store %arg9[%parallel_loop3A_525, %parallel_loop3A_526], %parallel_loop3A_524 {strides = array<i32>} : memref<1280x32xf32, #tpu.memory_space<vmem>>, vector<16xf32>,
        %parallel_loop3A_528 = vector.extract_strided_slice %parallel_loop3A_397 {offsets = [8], sizes = [1], strides = [1]} : vector<16xi32> to vector<1xi32>
        %parallel_loop3A_529 = vector.extract %parallel_loop3A_528[0] : i32 from vector<1xi32>
        %parallel_loop3A_530 = arith.constant 8 : i32
        %parallel_loop3A_531 = arith.addi %parallel_loop3A_399, %parallel_loop3A_530 : i32
        %parallel_loop3A_532 = arith.index_cast %parallel_loop3A_529 : i32 to index
        %parallel_loop3A_533 = arith.constant 0 : index
        %parallel_loop3A_534 = tpu.vector_load %arg7[%parallel_loop3A_532, %parallel_loop3A_533] {strides = array<i32>} : memref<257x32xf32, #tpu.memory_space<vmem>>, vector<16xf32>,
        %parallel_loop3A_535 = arith.index_cast %parallel_loop3A_531 : i32 to index
        %parallel_loop3A_536 = arith.constant 0 : index
        %parallel_loop3A_537 = tpu.vector_load %arg9[%parallel_loop3A_535, %parallel_loop3A_536] {strides = array<i32>} : memref<1280x32xf32, #tpu.memory_space<vmem>>, vector<16xf32>,
        tpu.vector_store %arg9[%parallel_loop3A_535, %parallel_loop3A_536], %parallel_loop3A_534 {strides = array<i32>} : memref<1280x32xf32, #tpu.memory_space<vmem>>, vector<16xf32>,
        %parallel_loop3A_538 = arith.index_cast %parallel_loop3A_529 : i32 to index
        %parallel_loop3A_539 = arith.constant 16 : index
        %parallel_loop3A_540 = tpu.vector_load %arg7[%parallel_loop3A_538, %parallel_loop3A_539] {strides = array<i32>} : memref<257x32xf32, #tpu.memory_space<vmem>>, vector<16xf32>,
        %parallel_loop3A_541 = arith.index_cast %parallel_loop3A_531 : i32 to index
        %parallel_loop3A_542 = arith.constant 16 : index
        %parallel_loop3A_543 = tpu.vector_load %arg9[%parallel_loop3A_541, %parallel_loop3A_542] {strides = array<i32>} : memref<1280x32xf32, #tpu.memory_space<vmem>>, vector<16xf32>,
        tpu.vector_store %arg9[%parallel_loop3A_541, %parallel_loop3A_542], %parallel_loop3A_540 {strides = array<i32>} : memref<1280x32xf32, #tpu.memory_space<vmem>>, vector<16xf32>,
        %parallel_loop3A_544 = vector.extract_strided_slice %parallel_loop3A_397 {offsets = [9], sizes = [1], strides = [1]} : vector<16xi32> to vector<1xi32>
        %parallel_loop3A_545 = vector.extract %parallel_loop3A_544[0] : i32 from vector<1xi32>
        %parallel_loop3A_546 = arith.constant 9 : i32
        %parallel_loop3A_547 = arith.addi %parallel_loop3A_399, %parallel_loop3A_546 : i32
        %parallel_loop3A_548 = arith.index_cast %parallel_loop3A_545 : i32 to index
        %parallel_loop3A_549 = arith.constant 0 : index
        %parallel_loop3A_550 = tpu.vector_load %arg7[%parallel_loop3A_548, %parallel_loop3A_549] {strides = array<i32>} : memref<257x32xf32, #tpu.memory_space<vmem>>, vector<16xf32>,
        %parallel_loop3A_551 = arith.index_cast %parallel_loop3A_547 : i32 to index
        %parallel_loop3A_552 = arith.constant 0 : index
        %parallel_loop3A_553 = tpu.vector_load %arg9[%parallel_loop3A_551, %parallel_loop3A_552] {strides = array<i32>} : memref<1280x32xf32, #tpu.memory_space<vmem>>, vector<16xf32>,
        tpu.vector_store %arg9[%parallel_loop3A_551, %parallel_loop3A_552], %parallel_loop3A_550 {strides = array<i32>} : memref<1280x32xf32, #tpu.memory_space<vmem>>, vector<16xf32>,
        %parallel_loop3A_554 = arith.index_cast %parallel_loop3A_545 : i32 to index
        %parallel_loop3A_555 = arith.constant 16 : index
        %parallel_loop3A_556 = tpu.vector_load %arg7[%parallel_loop3A_554, %parallel_loop3A_555] {strides = array<i32>} : memref<257x32xf32, #tpu.memory_space<vmem>>, vector<16xf32>,
        %parallel_loop3A_557 = arith.index_cast %parallel_loop3A_547 : i32 to index
        %parallel_loop3A_558 = arith.constant 16 : index
        %parallel_loop3A_559 = tpu.vector_load %arg9[%parallel_loop3A_557, %parallel_loop3A_558] {strides = array<i32>} : memref<1280x32xf32, #tpu.memory_space<vmem>>, vector<16xf32>,
        tpu.vector_store %arg9[%parallel_loop3A_557, %parallel_loop3A_558], %parallel_loop3A_556 {strides = array<i32>} : memref<1280x32xf32, #tpu.memory_space<vmem>>, vector<16xf32>,
        %parallel_loop3A_560 = vector.extract_strided_slice %parallel_loop3A_397 {offsets = [10], sizes = [1], strides = [1]} : vector<16xi32> to vector<1xi32>
        %parallel_loop3A_561 = vector.extract %parallel_loop3A_560[0] : i32 from vector<1xi32>
        %parallel_loop3A_562 = arith.constant 10 : i32
        %parallel_loop3A_563 = arith.addi %parallel_loop3A_399, %parallel_loop3A_562 : i32
        %parallel_loop3A_564 = arith.index_cast %parallel_loop3A_561 : i32 to index
        %parallel_loop3A_565 = arith.constant 0 : index
        %parallel_loop3A_566 = tpu.vector_load %arg7[%parallel_loop3A_564, %parallel_loop3A_565] {strides = array<i32>} : memref<257x32xf32, #tpu.memory_space<vmem>>, vector<16xf32>,
        %parallel_loop3A_567 = arith.index_cast %parallel_loop3A_563 : i32 to index
        %parallel_loop3A_568 = arith.constant 0 : index
        %parallel_loop3A_569 = tpu.vector_load %arg9[%parallel_loop3A_567, %parallel_loop3A_568] {strides = array<i32>} : memref<1280x32xf32, #tpu.memory_space<vmem>>, vector<16xf32>,
        tpu.vector_store %arg9[%parallel_loop3A_567, %parallel_loop3A_568], %parallel_loop3A_566 {strides = array<i32>} : memref<1280x32xf32, #tpu.memory_space<vmem>>, vector<16xf32>,
        %parallel_loop3A_570 = arith.index_cast %parallel_loop3A_561 : i32 to index
        %parallel_loop3A_571 = arith.constant 16 : index
        %parallel_loop3A_572 = tpu.vector_load %arg7[%parallel_loop3A_570, %parallel_loop3A_571] {strides = array<i32>} : memref<257x32xf32, #tpu.memory_space<vmem>>, vector<16xf32>,
        %parallel_loop3A_573 = arith.index_cast %parallel_loop3A_563 : i32 to index
        %parallel_loop3A_574 = arith.constant 16 : index
        %parallel_loop3A_575 = tpu.vector_load %arg9[%parallel_loop3A_573, %parallel_loop3A_574] {strides = array<i32>} : memref<1280x32xf32, #tpu.memory_space<vmem>>, vector<16xf32>,
        tpu.vector_store %arg9[%parallel_loop3A_573, %parallel_loop3A_574], %parallel_loop3A_572 {strides = array<i32>} : memref<1280x32xf32, #tpu.memory_space<vmem>>, vector<16xf32>,
        %parallel_loop3A_576 = vector.extract_strided_slice %parallel_loop3A_397 {offsets = [11], sizes = [1], strides = [1]} : vector<16xi32> to vector<1xi32>
        %parallel_loop3A_577 = vector.extract %parallel_loop3A_576[0] : i32 from vector<1xi32>
        %parallel_loop3A_578 = arith.constant 11 : i32
        %parallel_loop3A_579 = arith.addi %parallel_loop3A_399, %parallel_loop3A_578 : i32
        %parallel_loop3A_580 = arith.index_cast %parallel_loop3A_577 : i32 to index
        %parallel_loop3A_581 = arith.constant 0 : index
        %parallel_loop3A_582 = tpu.vector_load %arg7[%parallel_loop3A_580, %parallel_loop3A_581] {strides = array<i32>} : memref<257x32xf32, #tpu.memory_space<vmem>>, vector<16xf32>,
        %parallel_loop3A_583 = arith.index_cast %parallel_loop3A_579 : i32 to index
        %parallel_loop3A_584 = arith.constant 0 : index
        %parallel_loop3A_585 = tpu.vector_load %arg9[%parallel_loop3A_583, %parallel_loop3A_584] {strides = array<i32>} : memref<1280x32xf32, #tpu.memory_space<vmem>>, vector<16xf32>,
        tpu.vector_store %arg9[%parallel_loop3A_583, %parallel_loop3A_584], %parallel_loop3A_582 {strides = array<i32>} : memref<1280x32xf32, #tpu.memory_space<vmem>>, vector<16xf32>,
        %parallel_loop3A_586 = arith.index_cast %parallel_loop3A_577 : i32 to index
        %parallel_loop3A_587 = arith.constant 16 : index
        %parallel_loop3A_588 = tpu.vector_load %arg7[%parallel_loop3A_586, %parallel_loop3A_587] {strides = array<i32>} : memref<257x32xf32, #tpu.memory_space<vmem>>, vector<16xf32>,
        %parallel_loop3A_589 = arith.index_cast %parallel_loop3A_579 : i32 to index
        %parallel_loop3A_590 = arith.constant 16 : index
        %parallel_loop3A_591 = tpu.vector_load %arg9[%parallel_loop3A_589, %parallel_loop3A_590] {strides = array<i32>} : memref<1280x32xf32, #tpu.memory_space<vmem>>, vector<16xf32>,
        tpu.vector_store %arg9[%parallel_loop3A_589, %parallel_loop3A_590], %parallel_loop3A_588 {strides = array<i32>} : memref<1280x32xf32, #tpu.memory_space<vmem>>, vector<16xf32>,
        %parallel_loop3A_592 = vector.extract_strided_slice %parallel_loop3A_397 {offsets = [12], sizes = [1], strides = [1]} : vector<16xi32> to vector<1xi32>
        %parallel_loop3A_593 = vector.extract %parallel_loop3A_592[0] : i32 from vector<1xi32>
        %parallel_loop3A_594 = arith.constant 12 : i32
        %parallel_loop3A_595 = arith.addi %parallel_loop3A_399, %parallel_loop3A_594 : i32
        %parallel_loop3A_596 = arith.index_cast %parallel_loop3A_593 : i32 to index
        %parallel_loop3A_597 = arith.constant 0 : index
        %parallel_loop3A_598 = tpu.vector_load %arg7[%parallel_loop3A_596, %parallel_loop3A_597] {strides = array<i32>} : memref<257x32xf32, #tpu.memory_space<vmem>>, vector<16xf32>,
        %parallel_loop3A_599 = arith.index_cast %parallel_loop3A_595 : i32 to index
        %parallel_loop3A_600 = arith.constant 0 : index
        %parallel_loop3A_601 = tpu.vector_load %arg9[%parallel_loop3A_599, %parallel_loop3A_600] {strides = array<i32>} : memref<1280x32xf32, #tpu.memory_space<vmem>>, vector<16xf32>,
        tpu.vector_store %arg9[%parallel_loop3A_599, %parallel_loop3A_600], %parallel_loop3A_598 {strides = array<i32>} : memref<1280x32xf32, #tpu.memory_space<vmem>>, vector<16xf32>,
        %parallel_loop3A_602 = arith.index_cast %parallel_loop3A_593 : i32 to index
        %parallel_loop3A_603 = arith.constant 16 : index
        %parallel_loop3A_604 = tpu.vector_load %arg7[%parallel_loop3A_602, %parallel_loop3A_603] {strides = array<i32>} : memref<257x32xf32, #tpu.memory_space<vmem>>, vector<16xf32>,
        %parallel_loop3A_605 = arith.index_cast %parallel_loop3A_595 : i32 to index
        %parallel_loop3A_606 = arith.constant 16 : index
        %parallel_loop3A_607 = tpu.vector_load %arg9[%parallel_loop3A_605, %parallel_loop3A_606] {strides = array<i32>} : memref<1280x32xf32, #tpu.memory_space<vmem>>, vector<16xf32>,
        tpu.vector_store %arg9[%parallel_loop3A_605, %parallel_loop3A_606], %parallel_loop3A_604 {strides = array<i32>} : memref<1280x32xf32, #tpu.memory_space<vmem>>, vector<16xf32>,
        %parallel_loop3A_608 = vector.extract_strided_slice %parallel_loop3A_397 {offsets = [13], sizes = [1], strides = [1]} : vector<16xi32> to vector<1xi32>
        %parallel_loop3A_609 = vector.extract %parallel_loop3A_608[0] : i32 from vector<1xi32>
        %parallel_loop3A_610 = arith.constant 13 : i32
        %parallel_loop3A_611 = arith.addi %parallel_loop3A_399, %parallel_loop3A_610 : i32
        %parallel_loop3A_612 = arith.index_cast %parallel_loop3A_609 : i32 to index
        %parallel_loop3A_613 = arith.constant 0 : index
        %parallel_loop3A_614 = tpu.vector_load %arg7[%parallel_loop3A_612, %parallel_loop3A_613] {strides = array<i32>} : memref<257x32xf32, #tpu.memory_space<vmem>>, vector<16xf32>,
        %parallel_loop3A_615 = arith.index_cast %parallel_loop3A_611 : i32 to index
        %parallel_loop3A_616 = arith.constant 0 : index
        %parallel_loop3A_617 = tpu.vector_load %arg9[%parallel_loop3A_615, %parallel_loop3A_616] {strides = array<i32>} : memref<1280x32xf32, #tpu.memory_space<vmem>>, vector<16xf32>,
        tpu.vector_store %arg9[%parallel_loop3A_615, %parallel_loop3A_616], %parallel_loop3A_614 {strides = array<i32>} : memref<1280x32xf32, #tpu.memory_space<vmem>>, vector<16xf32>,
        %parallel_loop3A_618 = arith.index_cast %parallel_loop3A_609 : i32 to index
        %parallel_loop3A_619 = arith.constant 16 : index
        %parallel_loop3A_620 = tpu.vector_load %arg7[%parallel_loop3A_618, %parallel_loop3A_619] {strides = array<i32>} : memref<257x32xf32, #tpu.memory_space<vmem>>, vector<16xf32>,
        %parallel_loop3A_621 = arith.index_cast %parallel_loop3A_611 : i32 to index
        %parallel_loop3A_622 = arith.constant 16 : index
        %parallel_loop3A_623 = tpu.vector_load %arg9[%parallel_loop3A_621, %parallel_loop3A_622] {strides = array<i32>} : memref<1280x32xf32, #tpu.memory_space<vmem>>, vector<16xf32>,
        tpu.vector_store %arg9[%parallel_loop3A_621, %parallel_loop3A_622], %parallel_loop3A_620 {strides = array<i32>} : memref<1280x32xf32, #tpu.memory_space<vmem>>, vector<16xf32>,
        %parallel_loop3A_624 = vector.extract_strided_slice %parallel_loop3A_397 {offsets = [14], sizes = [1], strides = [1]} : vector<16xi32> to vector<1xi32>
        %parallel_loop3A_625 = vector.extract %parallel_loop3A_624[0] : i32 from vector<1xi32>
        %parallel_loop3A_626 = arith.constant 14 : i32
        %parallel_loop3A_627 = arith.addi %parallel_loop3A_399, %parallel_loop3A_626 : i32
        %parallel_loop3A_628 = arith.index_cast %parallel_loop3A_625 : i32 to index
        %parallel_loop3A_629 = arith.constant 0 : index
        %parallel_loop3A_630 = tpu.vector_load %arg7[%parallel_loop3A_628, %parallel_loop3A_629] {strides = array<i32>} : memref<257x32xf32, #tpu.memory_space<vmem>>, vector<16xf32>,
        %parallel_loop3A_631 = arith.index_cast %parallel_loop3A_627 : i32 to index
        %parallel_loop3A_632 = arith.constant 0 : index
        %parallel_loop3A_633 = tpu.vector_load %arg9[%parallel_loop3A_631, %parallel_loop3A_632] {strides = array<i32>} : memref<1280x32xf32, #tpu.memory_space<vmem>>, vector<16xf32>,
        tpu.vector_store %arg9[%parallel_loop3A_631, %parallel_loop3A_632], %parallel_loop3A_630 {strides = array<i32>} : memref<1280x32xf32, #tpu.memory_space<vmem>>, vector<16xf32>,
        %parallel_loop3A_634 = arith.index_cast %parallel_loop3A_625 : i32 to index
        %parallel_loop3A_635 = arith.constant 16 : index
        %parallel_loop3A_636 = tpu.vector_load %arg7[%parallel_loop3A_634, %parallel_loop3A_635] {strides = array<i32>} : memref<257x32xf32, #tpu.memory_space<vmem>>, vector<16xf32>,
        %parallel_loop3A_637 = arith.index_cast %parallel_loop3A_627 : i32 to index
        %parallel_loop3A_638 = arith.constant 16 : index
        %parallel_loop3A_639 = tpu.vector_load %arg9[%parallel_loop3A_637, %parallel_loop3A_638] {strides = array<i32>} : memref<1280x32xf32, #tpu.memory_space<vmem>>, vector<16xf32>,
        tpu.vector_store %arg9[%parallel_loop3A_637, %parallel_loop3A_638], %parallel_loop3A_636 {strides = array<i32>} : memref<1280x32xf32, #tpu.memory_space<vmem>>, vector<16xf32>,
        %parallel_loop3A_640 = vector.extract_strided_slice %parallel_loop3A_397 {offsets = [15], sizes = [1], strides = [1]} : vector<16xi32> to vector<1xi32>
        %parallel_loop3A_641 = vector.extract %parallel_loop3A_640[0] : i32 from vector<1xi32>
        %parallel_loop3A_642 = arith.constant 15 : i32
        %parallel_loop3A_643 = arith.addi %parallel_loop3A_399, %parallel_loop3A_642 : i32
        %parallel_loop3A_644 = arith.index_cast %parallel_loop3A_641 : i32 to index
        %parallel_loop3A_645 = arith.constant 0 : index
        %parallel_loop3A_646 = tpu.vector_load %arg7[%parallel_loop3A_644, %parallel_loop3A_645] {strides = array<i32>} : memref<257x32xf32, #tpu.memory_space<vmem>>, vector<16xf32>,
        %parallel_loop3A_647 = arith.index_cast %parallel_loop3A_643 : i32 to index
        %parallel_loop3A_648 = arith.constant 0 : index
        %parallel_loop3A_649 = tpu.vector_load %arg9[%parallel_loop3A_647, %parallel_loop3A_648] {strides = array<i32>} : memref<1280x32xf32, #tpu.memory_space<vmem>>, vector<16xf32>,
        tpu.vector_store %arg9[%parallel_loop3A_647, %parallel_loop3A_648], %parallel_loop3A_646 {strides = array<i32>} : memref<1280x32xf32, #tpu.memory_space<vmem>>, vector<16xf32>,
        %parallel_loop3A_650 = arith.index_cast %parallel_loop3A_641 : i32 to index
        %parallel_loop3A_651 = arith.constant 16 : index
        %parallel_loop3A_652 = tpu.vector_load %arg7[%parallel_loop3A_650, %parallel_loop3A_651] {strides = array<i32>} : memref<257x32xf32, #tpu.memory_space<vmem>>, vector<16xf32>,
        %parallel_loop3A_653 = arith.index_cast %parallel_loop3A_643 : i32 to index
        %parallel_loop3A_654 = arith.constant 16 : index
        %parallel_loop3A_655 = tpu.vector_load %arg9[%parallel_loop3A_653, %parallel_loop3A_654] {strides = array<i32>} : memref<1280x32xf32, #tpu.memory_space<vmem>>, vector<16xf32>,
        tpu.vector_store %arg9[%parallel_loop3A_653, %parallel_loop3A_654], %parallel_loop3A_652 {strides = array<i32>} : memref<1280x32xf32, #tpu.memory_space<vmem>>, vector<16xf32>,
      } {sc.loop_unroll_factor = 1 : i64, sc.parallel_access}
      %dma_start3A = arith.constant 0 : i32
      %dma_start3A_90 = arith.constant 0 : i32
      %dma_start3A_91 = arith.constant 0 : i32
      %dma_start3A_92 = tpu.memref_slice %arg9[%dma_start3A, %dma_start3A_91] : memref<1280x32xf32, #tpu.memory_space<vmem>> -> memref<128x32xf32, #tpu.memory_space<vmem>>
      %dma_start3A_93 = arith.constant 0 : i32
      %dma_start3A_94 = tpu.memref_slice %arg8[%dma_start3A_90, %dma_start3A_93] : memref<20x128xi32, #tpu.memory_space<vmem>> -> memref<1x128xi32, #tpu.memory_space<vmem>>
      %dma_start3A_95 = tpu.memref_squeeze %dma_start3A_94 : memref<1x128xi32, #tpu.memory_space<vmem>> -> memref<128xi32, #tpu.memory_space<vmem>>
      %dma_start3A_96 = arith.constant 0 : i32
      %dma_start3A_97 = arith.constant 0 : i32
      %dma_start3A_98 = tpu.memref_slice %arg4[%add3A_61, %dma_start3A_96, %dma_start3A_97] : memref<1024x2500x32xf32, #tpu.memory_space<hbm>> -> memref<1x2500x32xf32, #tpu.memory_space<hbm>>
      %dma_start3A_99 = tpu.memref_squeeze %dma_start3A_98 : memref<1x2500x32xf32, #tpu.memory_space<hbm>> -> memref<2500x32xf32, #tpu.memory_space<hbm>>
      %dma_start3A_100 = arith.constant 0 : i32
      %dma_start3A_101 = arith.constant 0 : i32
      %dma_start3A_102 = tpu.memref_slice %dma_start3A_99[%dma_start3A_100, %dma_start3A_101] : memref<2500x32xf32, #tpu.memory_space<hbm>> -> memref<2500x32xf32, #tpu.memory_space<hbm>>
      tpu.enqueue_indirect_dma source(%dma_start3A_92 : memref<128x32xf32, #tpu.memory_space<vmem>>) target(%dma_start3A_102 : memref<2500x32xf32, #tpu.memory_space<hbm>>) offsets(%dma_start3A_95 : memref<128xi32, #tpu.memory_space<vmem>>) semaphore(%arg11 : memref<!tpu.dma_semaphore, #tpu.memory_space<semaphore_mem>>)
      %dma_start3A_103 = arith.constant 128 : i32
      %dma_start3A_104 = arith.constant 1 : i32
      %dma_start3A_105 = arith.constant 0 : i32
      %dma_start3A_106 = tpu.memref_slice %arg9[%dma_start3A_103, %dma_start3A_105] : memref<1280x32xf32, #tpu.memory_space<vmem>> -> memref<128x32xf32, #tpu.memory_space<vmem>>
      %dma_start3A_107 = arith.constant 0 : i32
      %dma_start3A_108 = tpu.memref_slice %arg8[%dma_start3A_104, %dma_start3A_107] : memref<20x128xi32, #tpu.memory_space<vmem>> -> memref<1x128xi32, #tpu.memory_space<vmem>>
      %dma_start3A_109 = tpu.memref_squeeze %dma_start3A_108 : memref<1x128xi32, #tpu.memory_space<vmem>> -> memref<128xi32, #tpu.memory_space<vmem>>
      %dma_start3A_110 = arith.constant 0 : i32
      %dma_start3A_111 = arith.constant 0 : i32
      %dma_start3A_112 = tpu.memref_slice %arg4[%add3A_61, %dma_start3A_110, %dma_start3A_111] : memref<1024x2500x32xf32, #tpu.memory_space<hbm>> -> memref<1x2500x32xf32, #tpu.memory_space<hbm>>
      %dma_start3A_113 = tpu.memref_squeeze %dma_start3A_112 : memref<1x2500x32xf32, #tpu.memory_space<hbm>> -> memref<2500x32xf32, #tpu.memory_space<hbm>>
      %dma_start3A_114 = arith.constant 0 : i32
      %dma_start3A_115 = arith.constant 0 : i32
      %dma_start3A_116 = tpu.memref_slice %dma_start3A_113[%dma_start3A_114, %dma_start3A_115] : memref<2500x32xf32, #tpu.memory_space<hbm>> -> memref<2500x32xf32, #tpu.memory_space<hbm>>
      tpu.enqueue_indirect_dma source(%dma_start3A_106 : memref<128x32xf32, #tpu.memory_space<vmem>>) target(%dma_start3A_116 : memref<2500x32xf32, #tpu.memory_space<hbm>>) offsets(%dma_start3A_109 : memref<128xi32, #tpu.memory_space<vmem>>) semaphore(%arg11 : memref<!tpu.dma_semaphore, #tpu.memory_space<semaphore_mem>>)
      %dma_start3A_117 = arith.constant 256 : i32
      %dma_start3A_118 = arith.constant 2 : i32
      %dma_start3A_119 = arith.constant 0 : i32
      %dma_start3A_120 = tpu.memref_slice %arg9[%dma_start3A_117, %dma_start3A_119] : memref<1280x32xf32, #tpu.memory_space<vmem>> -> memref<128x32xf32, #tpu.memory_space<vmem>>
      %dma_start3A_121 = arith.constant 0 : i32
      %dma_start3A_122 = tpu.memref_slice %arg8[%dma_start3A_118, %dma_start3A_121] : memref<20x128xi32, #tpu.memory_space<vmem>> -> memref<1x128xi32, #tpu.memory_space<vmem>>
      %dma_start3A_123 = tpu.memref_squeeze %dma_start3A_122 : memref<1x128xi32, #tpu.memory_space<vmem>> -> memref<128xi32, #tpu.memory_space<vmem>>
      %dma_start3A_124 = arith.constant 0 : i32
      %dma_start3A_125 = arith.constant 0 : i32
      %dma_start3A_126 = tpu.memref_slice %arg4[%add3A_61, %dma_start3A_124, %dma_start3A_125] : memref<1024x2500x32xf32, #tpu.memory_space<hbm>> -> memref<1x2500x32xf32, #tpu.memory_space<hbm>>
      %dma_start3A_127 = tpu.memref_squeeze %dma_start3A_126 : memref<1x2500x32xf32, #tpu.memory_space<hbm>> -> memref<2500x32xf32, #tpu.memory_space<hbm>>
      %dma_start3A_128 = arith.constant 0 : i32
      %dma_start3A_129 = arith.constant 0 : i32
      %dma_start3A_130 = tpu.memref_slice %dma_start3A_127[%dma_start3A_128, %dma_start3A_129] : memref<2500x32xf32, #tpu.memory_space<hbm>> -> memref<2500x32xf32, #tpu.memory_space<hbm>>
      tpu.enqueue_indirect_dma source(%dma_start3A_120 : memref<128x32xf32, #tpu.memory_space<vmem>>) target(%dma_start3A_130 : memref<2500x32xf32, #tpu.memory_space<hbm>>) offsets(%dma_start3A_123 : memref<128xi32, #tpu.memory_space<vmem>>) semaphore(%arg11 : memref<!tpu.dma_semaphore, #tpu.memory_space<semaphore_mem>>)
      %dma_start3A_131 = arith.constant 384 : i32
      %dma_start3A_132 = arith.constant 3 : i32
      %dma_start3A_133 = arith.constant 0 : i32
      %dma_start3A_134 = tpu.memref_slice %arg9[%dma_start3A_131, %dma_start3A_133] : memref<1280x32xf32, #tpu.memory_space<vmem>> -> memref<128x32xf32, #tpu.memory_space<vmem>>
      %dma_start3A_135 = arith.constant 0 : i32
      %dma_start3A_136 = tpu.memref_slice %arg8[%dma_start3A_132, %dma_start3A_135] : memref<20x128xi32, #tpu.memory_space<vmem>> -> memref<1x128xi32, #tpu.memory_space<vmem>>
      %dma_start3A_137 = tpu.memref_squeeze %dma_start3A_136 : memref<1x128xi32, #tpu.memory_space<vmem>> -> memref<128xi32, #tpu.memory_space<vmem>>
      %dma_start3A_138 = arith.constant 0 : i32
      %dma_start3A_139 = arith.constant 0 : i32
      %dma_start3A_140 = tpu.memref_slice %arg4[%add3A_61, %dma_start3A_138, %dma_start3A_139] : memref<1024x2500x32xf32, #tpu.memory_space<hbm>> -> memref<1x2500x32xf32, #tpu.memory_space<hbm>>
      %dma_start3A_141 = tpu.memref_squeeze %dma_start3A_140 : memref<1x2500x32xf32, #tpu.memory_space<hbm>> -> memref<2500x32xf32, #tpu.memory_space<hbm>>
      %dma_start3A_142 = arith.constant 0 : i32
      %dma_start3A_143 = arith.constant 0 : i32
      %dma_start3A_144 = tpu.memref_slice %dma_start3A_141[%dma_start3A_142, %dma_start3A_143] : memref<2500x32xf32, #tpu.memory_space<hbm>> -> memref<2500x32xf32, #tpu.memory_space<hbm>>
      tpu.enqueue_indirect_dma source(%dma_start3A_134 : memref<128x32xf32, #tpu.memory_space<vmem>>) target(%dma_start3A_144 : memref<2500x32xf32, #tpu.memory_space<hbm>>) offsets(%dma_start3A_137 : memref<128xi32, #tpu.memory_space<vmem>>) semaphore(%arg11 : memref<!tpu.dma_semaphore, #tpu.memory_space<semaphore_mem>>)
      %dma_start3A_145 = arith.constant 512 : i32
      %dma_start3A_146 = arith.constant 4 : i32
      %dma_start3A_147 = arith.constant 0 : i32
      %dma_start3A_148 = tpu.memref_slice %arg9[%dma_start3A_145, %dma_start3A_147] : memref<1280x32xf32, #tpu.memory_space<vmem>> -> memref<128x32xf32, #tpu.memory_space<vmem>>
      %dma_start3A_149 = arith.constant 0 : i32
      %dma_start3A_150 = tpu.memref_slice %arg8[%dma_start3A_146, %dma_start3A_149] : memref<20x128xi32, #tpu.memory_space<vmem>> -> memref<1x128xi32, #tpu.memory_space<vmem>>
      %dma_start3A_151 = tpu.memref_squeeze %dma_start3A_150 : memref<1x128xi32, #tpu.memory_space<vmem>> -> memref<128xi32, #tpu.memory_space<vmem>>
      %dma_start3A_152 = arith.constant 0 : i32
      %dma_start3A_153 = arith.constant 0 : i32
      %dma_start3A_154 = tpu.memref_slice %arg4[%add3A_61, %dma_start3A_152, %dma_start3A_153] : memref<1024x2500x32xf32, #tpu.memory_space<hbm>> -> memref<1x2500x32xf32, #tpu.memory_space<hbm>>
      %dma_start3A_155 = tpu.memref_squeeze %dma_start3A_154 : memref<1x2500x32xf32, #tpu.memory_space<hbm>> -> memref<2500x32xf32, #tpu.memory_space<hbm>>
      %dma_start3A_156 = arith.constant 0 : i32
      %dma_start3A_157 = arith.constant 0 : i32
      %dma_start3A_158 = tpu.memref_slice %dma_start3A_155[%dma_start3A_156, %dma_start3A_157] : memref<2500x32xf32, #tpu.memory_space<hbm>> -> memref<2500x32xf32, #tpu.memory_space<hbm>>
      tpu.enqueue_indirect_dma source(%dma_start3A_148 : memref<128x32xf32, #tpu.memory_space<vmem>>) target(%dma_start3A_158 : memref<2500x32xf32, #tpu.memory_space<hbm>>) offsets(%dma_start3A_151 : memref<128xi32, #tpu.memory_space<vmem>>) semaphore(%arg11 : memref<!tpu.dma_semaphore, #tpu.memory_space<semaphore_mem>>)
      %dma_start3A_159 = arith.constant 640 : i32
      %dma_start3A_160 = arith.constant 5 : i32
      %dma_start3A_161 = arith.constant 0 : i32
      %dma_start3A_162 = tpu.memref_slice %arg9[%dma_start3A_159, %dma_start3A_161] : memref<1280x32xf32, #tpu.memory_space<vmem>> -> memref<128x32xf32, #tpu.memory_space<vmem>>
      %dma_start3A_163 = arith.constant 0 : i32
      %dma_start3A_164 = tpu.memref_slice %arg8[%dma_start3A_160, %dma_start3A_163] : memref<20x128xi32, #tpu.memory_space<vmem>> -> memref<1x128xi32, #tpu.memory_space<vmem>>
      %dma_start3A_165 = tpu.memref_squeeze %dma_start3A_164 : memref<1x128xi32, #tpu.memory_space<vmem>> -> memref<128xi32, #tpu.memory_space<vmem>>
      %dma_start3A_166 = arith.constant 0 : i32
      %dma_start3A_167 = arith.constant 0 : i32
      %dma_start3A_168 = tpu.memref_slice %arg4[%add3A_61, %dma_start3A_166, %dma_start3A_167] : memref<1024x2500x32xf32, #tpu.memory_space<hbm>> -> memref<1x2500x32xf32, #tpu.memory_space<hbm>>
      %dma_start3A_169 = tpu.memref_squeeze %dma_start3A_168 : memref<1x2500x32xf32, #tpu.memory_space<hbm>> -> memref<2500x32xf32, #tpu.memory_space<hbm>>
      %dma_start3A_170 = arith.constant 0 : i32
      %dma_start3A_171 = arith.constant 0 : i32
      %dma_start3A_172 = tpu.memref_slice %dma_start3A_169[%dma_start3A_170, %dma_start3A_171] : memref<2500x32xf32, #tpu.memory_space<hbm>> -> memref<2500x32xf32, #tpu.memory_space<hbm>>
      tpu.enqueue_indirect_dma source(%dma_start3A_162 : memref<128x32xf32, #tpu.memory_space<vmem>>) target(%dma_start3A_172 : memref<2500x32xf32, #tpu.memory_space<hbm>>) offsets(%dma_start3A_165 : memref<128xi32, #tpu.memory_space<vmem>>) semaphore(%arg11 : memref<!tpu.dma_semaphore, #tpu.memory_space<semaphore_mem>>)
      %dma_start3A_173 = arith.constant 768 : i32
      %dma_start3A_174 = arith.constant 6 : i32
      %dma_start3A_175 = arith.constant 0 : i32
      %dma_start3A_176 = tpu.memref_slice %arg9[%dma_start3A_173, %dma_start3A_175] : memref<1280x32xf32, #tpu.memory_space<vmem>> -> memref<128x32xf32, #tpu.memory_space<vmem>>
      %dma_start3A_177 = arith.constant 0 : i32
      %dma_start3A_178 = tpu.memref_slice %arg8[%dma_start3A_174, %dma_start3A_177] : memref<20x128xi32, #tpu.memory_space<vmem>> -> memref<1x128xi32, #tpu.memory_space<vmem>>
      %dma_start3A_179 = tpu.memref_squeeze %dma_start3A_178 : memref<1x128xi32, #tpu.memory_space<vmem>> -> memref<128xi32, #tpu.memory_space<vmem>>
      %dma_start3A_180 = arith.constant 0 : i32
      %dma_start3A_181 = arith.constant 0 : i32
      %dma_start3A_182 = tpu.memref_slice %arg4[%add3A_61, %dma_start3A_180, %dma_start3A_181] : memref<1024x2500x32xf32, #tpu.memory_space<hbm>> -> memref<1x2500x32xf32, #tpu.memory_space<hbm>>
      %dma_start3A_183 = tpu.memref_squeeze %dma_start3A_182 : memref<1x2500x32xf32, #tpu.memory_space<hbm>> -> memref<2500x32xf32, #tpu.memory_space<hbm>>
      %dma_start3A_184 = arith.constant 0 : i32
      %dma_start3A_185 = arith.constant 0 : i32
      %dma_start3A_186 = tpu.memref_slice %dma_start3A_183[%dma_start3A_184, %dma_start3A_185] : memref<2500x32xf32, #tpu.memory_space<hbm>> -> memref<2500x32xf32, #tpu.memory_space<hbm>>
      tpu.enqueue_indirect_dma source(%dma_start3A_176 : memref<128x32xf32, #tpu.memory_space<vmem>>) target(%dma_start3A_186 : memref<2500x32xf32, #tpu.memory_space<hbm>>) offsets(%dma_start3A_179 : memref<128xi32, #tpu.memory_space<vmem>>) semaphore(%arg11 : memref<!tpu.dma_semaphore, #tpu.memory_space<semaphore_mem>>)
      %dma_start3A_187 = arith.constant 896 : i32
      %dma_start3A_188 = arith.constant 7 : i32
      %dma_start3A_189 = arith.constant 0 : i32
      %dma_start3A_190 = tpu.memref_slice %arg9[%dma_start3A_187, %dma_start3A_189] : memref<1280x32xf32, #tpu.memory_space<vmem>> -> memref<128x32xf32, #tpu.memory_space<vmem>>
      %dma_start3A_191 = arith.constant 0 : i32
      %dma_start3A_192 = tpu.memref_slice %arg8[%dma_start3A_188, %dma_start3A_191] : memref<20x128xi32, #tpu.memory_space<vmem>> -> memref<1x128xi32, #tpu.memory_space<vmem>>
      %dma_start3A_193 = tpu.memref_squeeze %dma_start3A_192 : memref<1x128xi32, #tpu.memory_space<vmem>> -> memref<128xi32, #tpu.memory_space<vmem>>
      %dma_start3A_194 = arith.constant 0 : i32
      %dma_start3A_195 = arith.constant 0 : i32
      %dma_start3A_196 = tpu.memref_slice %arg4[%add3A_61, %dma_start3A_194, %dma_start3A_195] : memref<1024x2500x32xf32, #tpu.memory_space<hbm>> -> memref<1x2500x32xf32, #tpu.memory_space<hbm>>
      %dma_start3A_197 = tpu.memref_squeeze %dma_start3A_196 : memref<1x2500x32xf32, #tpu.memory_space<hbm>> -> memref<2500x32xf32, #tpu.memory_space<hbm>>
      %dma_start3A_198 = arith.constant 0 : i32
      %dma_start3A_199 = arith.constant 0 : i32
      %dma_start3A_200 = tpu.memref_slice %dma_start3A_197[%dma_start3A_198, %dma_start3A_199] : memref<2500x32xf32, #tpu.memory_space<hbm>> -> memref<2500x32xf32, #tpu.memory_space<hbm>>
      tpu.enqueue_indirect_dma source(%dma_start3A_190 : memref<128x32xf32, #tpu.memory_space<vmem>>) target(%dma_start3A_200 : memref<2500x32xf32, #tpu.memory_space<hbm>>) offsets(%dma_start3A_193 : memref<128xi32, #tpu.memory_space<vmem>>) semaphore(%arg11 : memref<!tpu.dma_semaphore, #tpu.memory_space<semaphore_mem>>)
      %dma_start3A_201 = arith.constant 1024 : i32
      %dma_start3A_202 = arith.constant 8 : i32
      %dma_start3A_203 = arith.constant 0 : i32
      %dma_start3A_204 = tpu.memref_slice %arg9[%dma_start3A_201, %dma_start3A_203] : memref<1280x32xf32, #tpu.memory_space<vmem>> -> memref<128x32xf32, #tpu.memory_space<vmem>>
      %dma_start3A_205 = arith.constant 0 : i32
      %dma_start3A_206 = tpu.memref_slice %arg8[%dma_start3A_202, %dma_start3A_205] : memref<20x128xi32, #tpu.memory_space<vmem>> -> memref<1x128xi32, #tpu.memory_space<vmem>>
      %dma_start3A_207 = tpu.memref_squeeze %dma_start3A_206 : memref<1x128xi32, #tpu.memory_space<vmem>> -> memref<128xi32, #tpu.memory_space<vmem>>
      %dma_start3A_208 = arith.constant 0 : i32
      %dma_start3A_209 = arith.constant 0 : i32
      %dma_start3A_210 = tpu.memref_slice %arg4[%add3A_61, %dma_start3A_208, %dma_start3A_209] : memref<1024x2500x32xf32, #tpu.memory_space<hbm>> -> memref<1x2500x32xf32, #tpu.memory_space<hbm>>
      %dma_start3A_211 = tpu.memref_squeeze %dma_start3A_210 : memref<1x2500x32xf32, #tpu.memory_space<hbm>> -> memref<2500x32xf32, #tpu.memory_space<hbm>>
      %dma_start3A_212 = arith.constant 0 : i32
      %dma_start3A_213 = arith.constant 0 : i32
      %dma_start3A_214 = tpu.memref_slice %dma_start3A_211[%dma_start3A_212, %dma_start3A_213] : memref<2500x32xf32, #tpu.memory_space<hbm>> -> memref<2500x32xf32, #tpu.memory_space<hbm>>
      tpu.enqueue_indirect_dma source(%dma_start3A_204 : memref<128x32xf32, #tpu.memory_space<vmem>>) target(%dma_start3A_214 : memref<2500x32xf32, #tpu.memory_space<hbm>>) offsets(%dma_start3A_207 : memref<128xi32, #tpu.memory_space<vmem>>) semaphore(%arg11 : memref<!tpu.dma_semaphore, #tpu.memory_space<semaphore_mem>>)
      %dma_start3A_215 = arith.constant 1152 : i32
      %dma_start3A_216 = arith.constant 9 : i32
      %dma_start3A_217 = arith.constant 0 : i32
      %dma_start3A_218 = tpu.memref_slice %arg9[%dma_start3A_215, %dma_start3A_217] : memref<1280x32xf32, #tpu.memory_space<vmem>> -> memref<128x32xf32, #tpu.memory_space<vmem>>
      %dma_start3A_219 = arith.constant 0 : i32
      %dma_start3A_220 = tpu.memref_slice %arg8[%dma_start3A_216, %dma_start3A_219] : memref<20x128xi32, #tpu.memory_space<vmem>> -> memref<1x128xi32, #tpu.memory_space<vmem>>
      %dma_start3A_221 = tpu.memref_squeeze %dma_start3A_220 : memref<1x128xi32, #tpu.memory_space<vmem>> -> memref<128xi32, #tpu.memory_space<vmem>>
      %dma_start3A_222 = arith.constant 0 : i32
      %dma_start3A_223 = arith.constant 0 : i32
      %dma_start3A_224 = tpu.memref_slice %arg4[%add3A_61, %dma_start3A_222, %dma_start3A_223] : memref<1024x2500x32xf32, #tpu.memory_space<hbm>> -> memref<1x2500x32xf32, #tpu.memory_space<hbm>>
      %dma_start3A_225 = tpu.memref_squeeze %dma_start3A_224 : memref<1x2500x32xf32, #tpu.memory_space<hbm>> -> memref<2500x32xf32, #tpu.memory_space<hbm>>
      %dma_start3A_226 = arith.constant 0 : i32
      %dma_start3A_227 = arith.constant 0 : i32
      %dma_start3A_228 = tpu.memref_slice %dma_start3A_225[%dma_start3A_226, %dma_start3A_227] : memref<2500x32xf32, #tpu.memory_space<hbm>> -> memref<2500x32xf32, #tpu.memory_space<hbm>>
      tpu.enqueue_indirect_dma source(%dma_start3A_218 : memref<128x32xf32, #tpu.memory_space<vmem>>) target(%dma_start3A_228 : memref<2500x32xf32, #tpu.memory_space<hbm>>) offsets(%dma_start3A_221 : memref<128xi32, #tpu.memory_space<vmem>>) semaphore(%arg11 : memref<!tpu.dma_semaphore, #tpu.memory_space<semaphore_mem>>)
      %gt3A_229 = arith.constant 0 : i32
      %gt3A_230 = arith.cmpi sgt, %while3A_58, %gt3A_229 : i32
      %convert_element_type3A_231 = arith.extui %gt3A_230 : i1 to i32
      %cond3A_232 = arith.constant 0 : i32
      %cond3A_233 = arith.cmpi ne, %convert_element_type3A_231, %cond3A_232 : i32
      scf.if %cond3A_233 {
        %dma_wait3A_377 = arith.constant 0 : i32
        %dma_wait3A_378 = arith.constant 0 : i32
        %dma_wait3A_379 = tpu.memref_slice %arg4[%add3A_61, %dma_wait3A_377, %dma_wait3A_378] : memref<1024x2500x32xf32, #tpu.memory_space<hbm>> -> memref<1x1280x32xf32, #tpu.memory_space<hbm>>
        %dma_wait3A_380 = tpu.memref_squeeze %dma_wait3A_379 : memref<1x1280x32xf32, #tpu.memory_space<hbm>> -> memref<1280x32xf32, #tpu.memory_space<hbm>>
        %dma_wait3A_381 = arith.constant 0 : i32
        %dma_wait3A_382 = tpu.memref_slice %arg4[%add3A_61, %dma_wait3A_377, %dma_wait3A_381] : memref<1024x2500x32xf32, #tpu.memory_space<hbm>> -> memref<1x1280x32xf32, #tpu.memory_space<hbm>>
        %dma_wait3A_383 = tpu.memref_squeeze %dma_wait3A_382 : memref<1x1280x32xf32, #tpu.memory_space<hbm>> -> memref<1280x32xf32, #tpu.memory_space<hbm>>
        tpu.wait_dma2 semaphore(%arg11 : memref<!tpu.dma_semaphore, #tpu.memory_space<semaphore_mem>>) src(%arg10 : memref<1280x32xf32, #tpu.memory_space<vmem>>) dst(%dma_wait3A_383 : memref<1280x32xf32, #tpu.memory_space<hbm>>)
      } else {
      }
      %parallel_loop3A_234 = arith.constant 0 : i32
      %parallel_loop3A_235 = arith.constant 80 : i32
      %parallel_loop3A_236 = arith.constant 1 : i32
      scf.for %parallel_loop3A_377 = %parallel_loop3A_234 to %parallel_loop3A_235 step %parallel_loop3A_236  : i32 {
        %parallel_loop3A_378 = arith.constant 16 : i32
        %parallel_loop3A_379 = arith.muli %parallel_loop3A_377, %parallel_loop3A_378 : i32
        %parallel_loop3A_380 = arith.constant 1280 : i32
        %parallel_loop3A_381 = arith.addi %parallel_loop3A_380, %parallel_loop3A_379 : i32
        %parallel_loop3A_382 = arith.index_cast %parallel_loop3A_381 : i32 to index
        %parallel_loop3A_383 = tpu.vector_load %arg6[%parallel_loop3A_382] {strides = array<i32>} : memref<2560xi32, #tpu.memory_space<vmem>>, vector<16xi32>,
        %parallel_loop3A_384 = arith.sitofp %parallel_loop3A_383 : vector<16xi32> to vector<16xf32>
        %parallel_loop3A_385 = arith.mulf %parallel_loop3A_384, %div3A : vector<16xf32>
        %parallel_loop3A_386 = arith.fptosi %parallel_loop3A_385 : vector<16xf32> to vector<16xi32>
        %parallel_loop3A_387 = arith.minsi %parallel_loop3A_386, %broadcast_in_dim3A_17 : vector<16xi32>
        %parallel_loop3A_388 = arith.addi %parallel_loop3A_387, %broadcast_in_dim3A_11 : vector<16xi32>
        %parallel_loop3A_389 = arith.muli %parallel_loop3A_388, %broadcast_in_dim3A_84 : vector<16xi32>
        %parallel_loop3A_390 = arith.cmpi sle, %parallel_loop3A_389, %parallel_loop3A_383 : vector<16xi32>
        %parallel_loop3A_391 = arith.select %parallel_loop3A_390, %broadcast_in_dim3A_11, %broadcast_in_dim3A_9 : vector<16xi1>, vector<16xi32>
        %parallel_loop3A_392 = arith.addi %parallel_loop3A_387, %parallel_loop3A_391 : vector<16xi32>
        %parallel_loop3A_393 = arith.muli %parallel_loop3A_392, %broadcast_in_dim3A_84 : vector<16xi32>
        %parallel_loop3A_394 = arith.cmpi sgt, %parallel_loop3A_393, %parallel_loop3A_383 : vector<16xi32>
        %parallel_loop3A_395 = arith.select %parallel_loop3A_394, %broadcast_in_dim3A_11, %broadcast_in_dim3A_9 : vector<16xi1>, vector<16xi32>
        %parallel_loop3A_396 = arith.subi %parallel_loop3A_392, %parallel_loop3A_395 : vector<16xi32>
        %parallel_loop3A_397 = arith.minsi %parallel_loop3A_396, %broadcast_in_dim3A_15 : vector<16xi32>
        %parallel_loop3A_398 = arith.constant 16 : i32
        %parallel_loop3A_399 = arith.muli %parallel_loop3A_377, %parallel_loop3A_398 : i32
        %parallel_loop3A_400 = vector.extract_strided_slice %parallel_loop3A_397 {offsets = [0], sizes = [1], strides = [1]} : vector<16xi32> to vector<1xi32>
        %parallel_loop3A_401 = vector.extract %parallel_loop3A_400[0] : i32 from vector<1xi32>
        %parallel_loop3A_402 = arith.constant 0 : i32
        %parallel_loop3A_403 = arith.addi %parallel_loop3A_399, %parallel_loop3A_402 : i32
        %parallel_loop3A_404 = arith.index_cast %parallel_loop3A_401 : i32 to index
        %parallel_loop3A_405 = arith.constant 0 : index
        %parallel_loop3A_406 = tpu.vector_load %arg7[%parallel_loop3A_404, %parallel_loop3A_405] {strides = array<i32>} : memref<257x32xf32, #tpu.memory_space<vmem>>, vector<16xf32>,
        %parallel_loop3A_407 = arith.index_cast %parallel_loop3A_403 : i32 to index
        %parallel_loop3A_408 = arith.constant 0 : index
        %parallel_loop3A_409 = tpu.vector_load %arg10[%parallel_loop3A_407, %parallel_loop3A_408] {strides = array<i32>} : memref<1280x32xf32, #tpu.memory_space<vmem>>, vector<16xf32>,
        tpu.vector_store %arg10[%parallel_loop3A_407, %parallel_loop3A_408], %parallel_loop3A_406 {strides = array<i32>} : memref<1280x32xf32, #tpu.memory_space<vmem>>, vector<16xf32>,
        %parallel_loop3A_410 = arith.index_cast %parallel_loop3A_401 : i32 to index
        %parallel_loop3A_411 = arith.constant 16 : index
        %parallel_loop3A_412 = tpu.vector_load %arg7[%parallel_loop3A_410, %parallel_loop3A_411] {strides = array<i32>} : memref<257x32xf32, #tpu.memory_space<vmem>>, vector<16xf32>,
        %parallel_loop3A_413 = arith.index_cast %parallel_loop3A_403 : i32 to index
        %parallel_loop3A_414 = arith.constant 16 : index
        %parallel_loop3A_415 = tpu.vector_load %arg10[%parallel_loop3A_413, %parallel_loop3A_414] {strides = array<i32>} : memref<1280x32xf32, #tpu.memory_space<vmem>>, vector<16xf32>,
        tpu.vector_store %arg10[%parallel_loop3A_413, %parallel_loop3A_414], %parallel_loop3A_412 {strides = array<i32>} : memref<1280x32xf32, #tpu.memory_space<vmem>>, vector<16xf32>,
        %parallel_loop3A_416 = vector.extract_strided_slice %parallel_loop3A_397 {offsets = [1], sizes = [1], strides = [1]} : vector<16xi32> to vector<1xi32>
        %parallel_loop3A_417 = vector.extract %parallel_loop3A_416[0] : i32 from vector<1xi32>
        %parallel_loop3A_418 = arith.constant 1 : i32
        %parallel_loop3A_419 = arith.addi %parallel_loop3A_399, %parallel_loop3A_418 : i32
        %parallel_loop3A_420 = arith.index_cast %parallel_loop3A_417 : i32 to index
        %parallel_loop3A_421 = arith.constant 0 : index
        %parallel_loop3A_422 = tpu.vector_load %arg7[%parallel_loop3A_420, %parallel_loop3A_421] {strides = array<i32>} : memref<257x32xf32, #tpu.memory_space<vmem>>, vector<16xf32>,
        %parallel_loop3A_423 = arith.index_cast %parallel_loop3A_419 : i32 to index
        %parallel_loop3A_424 = arith.constant 0 : index
        %parallel_loop3A_425 = tpu.vector_load %arg10[%parallel_loop3A_423, %parallel_loop3A_424] {strides = array<i32>} : memref<1280x32xf32, #tpu.memory_space<vmem>>, vector<16xf32>,
        tpu.vector_store %arg10[%parallel_loop3A_423, %parallel_loop3A_424], %parallel_loop3A_422 {strides = array<i32>} : memref<1280x32xf32, #tpu.memory_space<vmem>>, vector<16xf32>,
        %parallel_loop3A_426 = arith.index_cast %parallel_loop3A_417 : i32 to index
        %parallel_loop3A_427 = arith.constant 16 : index
        %parallel_loop3A_428 = tpu.vector_load %arg7[%parallel_loop3A_426, %parallel_loop3A_427] {strides = array<i32>} : memref<257x32xf32, #tpu.memory_space<vmem>>, vector<16xf32>,
        %parallel_loop3A_429 = arith.index_cast %parallel_loop3A_419 : i32 to index
        %parallel_loop3A_430 = arith.constant 16 : index
        %parallel_loop3A_431 = tpu.vector_load %arg10[%parallel_loop3A_429, %parallel_loop3A_430] {strides = array<i32>} : memref<1280x32xf32, #tpu.memory_space<vmem>>, vector<16xf32>,
        tpu.vector_store %arg10[%parallel_loop3A_429, %parallel_loop3A_430], %parallel_loop3A_428 {strides = array<i32>} : memref<1280x32xf32, #tpu.memory_space<vmem>>, vector<16xf32>,
        %parallel_loop3A_432 = vector.extract_strided_slice %parallel_loop3A_397 {offsets = [2], sizes = [1], strides = [1]} : vector<16xi32> to vector<1xi32>
        %parallel_loop3A_433 = vector.extract %parallel_loop3A_432[0] : i32 from vector<1xi32>
        %parallel_loop3A_434 = arith.constant 2 : i32
        %parallel_loop3A_435 = arith.addi %parallel_loop3A_399, %parallel_loop3A_434 : i32
        %parallel_loop3A_436 = arith.index_cast %parallel_loop3A_433 : i32 to index
        %parallel_loop3A_437 = arith.constant 0 : index
        %parallel_loop3A_438 = tpu.vector_load %arg7[%parallel_loop3A_436, %parallel_loop3A_437] {strides = array<i32>} : memref<257x32xf32, #tpu.memory_space<vmem>>, vector<16xf32>,
        %parallel_loop3A_439 = arith.index_cast %parallel_loop3A_435 : i32 to index
        %parallel_loop3A_440 = arith.constant 0 : index
        %parallel_loop3A_441 = tpu.vector_load %arg10[%parallel_loop3A_439, %parallel_loop3A_440] {strides = array<i32>} : memref<1280x32xf32, #tpu.memory_space<vmem>>, vector<16xf32>,
        tpu.vector_store %arg10[%parallel_loop3A_439, %parallel_loop3A_440], %parallel_loop3A_438 {strides = array<i32>} : memref<1280x32xf32, #tpu.memory_space<vmem>>, vector<16xf32>,
        %parallel_loop3A_442 = arith.index_cast %parallel_loop3A_433 : i32 to index
        %parallel_loop3A_443 = arith.constant 16 : index
        %parallel_loop3A_444 = tpu.vector_load %arg7[%parallel_loop3A_442, %parallel_loop3A_443] {strides = array<i32>} : memref<257x32xf32, #tpu.memory_space<vmem>>, vector<16xf32>,
        %parallel_loop3A_445 = arith.index_cast %parallel_loop3A_435 : i32 to index
        %parallel_loop3A_446 = arith.constant 16 : index
        %parallel_loop3A_447 = tpu.vector_load %arg10[%parallel_loop3A_445, %parallel_loop3A_446] {strides = array<i32>} : memref<1280x32xf32, #tpu.memory_space<vmem>>, vector<16xf32>,
        tpu.vector_store %arg10[%parallel_loop3A_445, %parallel_loop3A_446], %parallel_loop3A_444 {strides = array<i32>} : memref<1280x32xf32, #tpu.memory_space<vmem>>, vector<16xf32>,
        %parallel_loop3A_448 = vector.extract_strided_slice %parallel_loop3A_397 {offsets = [3], sizes = [1], strides = [1]} : vector<16xi32> to vector<1xi32>
        %parallel_loop3A_449 = vector.extract %parallel_loop3A_448[0] : i32 from vector<1xi32>
        %parallel_loop3A_450 = arith.constant 3 : i32
        %parallel_loop3A_451 = arith.addi %parallel_loop3A_399, %parallel_loop3A_450 : i32
        %parallel_loop3A_452 = arith.index_cast %parallel_loop3A_449 : i32 to index
        %parallel_loop3A_453 = arith.constant 0 : index
        %parallel_loop3A_454 = tpu.vector_load %arg7[%parallel_loop3A_452, %parallel_loop3A_453] {strides = array<i32>} : memref<257x32xf32, #tpu.memory_space<vmem>>, vector<16xf32>,
        %parallel_loop3A_455 = arith.index_cast %parallel_loop3A_451 : i32 to index
        %parallel_loop3A_456 = arith.constant 0 : index
        %parallel_loop3A_457 = tpu.vector_load %arg10[%parallel_loop3A_455, %parallel_loop3A_456] {strides = array<i32>} : memref<1280x32xf32, #tpu.memory_space<vmem>>, vector<16xf32>,
        tpu.vector_store %arg10[%parallel_loop3A_455, %parallel_loop3A_456], %parallel_loop3A_454 {strides = array<i32>} : memref<1280x32xf32, #tpu.memory_space<vmem>>, vector<16xf32>,
        %parallel_loop3A_458 = arith.index_cast %parallel_loop3A_449 : i32 to index
        %parallel_loop3A_459 = arith.constant 16 : index
        %parallel_loop3A_460 = tpu.vector_load %arg7[%parallel_loop3A_458, %parallel_loop3A_459] {strides = array<i32>} : memref<257x32xf32, #tpu.memory_space<vmem>>, vector<16xf32>,
        %parallel_loop3A_461 = arith.index_cast %parallel_loop3A_451 : i32 to index
        %parallel_loop3A_462 = arith.constant 16 : index
        %parallel_loop3A_463 = tpu.vector_load %arg10[%parallel_loop3A_461, %parallel_loop3A_462] {strides = array<i32>} : memref<1280x32xf32, #tpu.memory_space<vmem>>, vector<16xf32>,
        tpu.vector_store %arg10[%parallel_loop3A_461, %parallel_loop3A_462], %parallel_loop3A_460 {strides = array<i32>} : memref<1280x32xf32, #tpu.memory_space<vmem>>, vector<16xf32>,
        %parallel_loop3A_464 = vector.extract_strided_slice %parallel_loop3A_397 {offsets = [4], sizes = [1], strides = [1]} : vector<16xi32> to vector<1xi32>
        %parallel_loop3A_465 = vector.extract %parallel_loop3A_464[0] : i32 from vector<1xi32>
        %parallel_loop3A_466 = arith.constant 4 : i32
        %parallel_loop3A_467 = arith.addi %parallel_loop3A_399, %parallel_loop3A_466 : i32
        %parallel_loop3A_468 = arith.index_cast %parallel_loop3A_465 : i32 to index
        %parallel_loop3A_469 = arith.constant 0 : index
        %parallel_loop3A_470 = tpu.vector_load %arg7[%parallel_loop3A_468, %parallel_loop3A_469] {strides = array<i32>} : memref<257x32xf32, #tpu.memory_space<vmem>>, vector<16xf32>,
        %parallel_loop3A_471 = arith.index_cast %parallel_loop3A_467 : i32 to index
        %parallel_loop3A_472 = arith.constant 0 : index
        %parallel_loop3A_473 = tpu.vector_load %arg10[%parallel_loop3A_471, %parallel_loop3A_472] {strides = array<i32>} : memref<1280x32xf32, #tpu.memory_space<vmem>>, vector<16xf32>,
        tpu.vector_store %arg10[%parallel_loop3A_471, %parallel_loop3A_472], %parallel_loop3A_470 {strides = array<i32>} : memref<1280x32xf32, #tpu.memory_space<vmem>>, vector<16xf32>,
        %parallel_loop3A_474 = arith.index_cast %parallel_loop3A_465 : i32 to index
        %parallel_loop3A_475 = arith.constant 16 : index
        %parallel_loop3A_476 = tpu.vector_load %arg7[%parallel_loop3A_474, %parallel_loop3A_475] {strides = array<i32>} : memref<257x32xf32, #tpu.memory_space<vmem>>, vector<16xf32>,
        %parallel_loop3A_477 = arith.index_cast %parallel_loop3A_467 : i32 to index
        %parallel_loop3A_478 = arith.constant 16 : index
        %parallel_loop3A_479 = tpu.vector_load %arg10[%parallel_loop3A_477, %parallel_loop3A_478] {strides = array<i32>} : memref<1280x32xf32, #tpu.memory_space<vmem>>, vector<16xf32>,
        tpu.vector_store %arg10[%parallel_loop3A_477, %parallel_loop3A_478], %parallel_loop3A_476 {strides = array<i32>} : memref<1280x32xf32, #tpu.memory_space<vmem>>, vector<16xf32>,
        %parallel_loop3A_480 = vector.extract_strided_slice %parallel_loop3A_397 {offsets = [5], sizes = [1], strides = [1]} : vector<16xi32> to vector<1xi32>
        %parallel_loop3A_481 = vector.extract %parallel_loop3A_480[0] : i32 from vector<1xi32>
        %parallel_loop3A_482 = arith.constant 5 : i32
        %parallel_loop3A_483 = arith.addi %parallel_loop3A_399, %parallel_loop3A_482 : i32
        %parallel_loop3A_484 = arith.index_cast %parallel_loop3A_481 : i32 to index
        %parallel_loop3A_485 = arith.constant 0 : index
        %parallel_loop3A_486 = tpu.vector_load %arg7[%parallel_loop3A_484, %parallel_loop3A_485] {strides = array<i32>} : memref<257x32xf32, #tpu.memory_space<vmem>>, vector<16xf32>,
        %parallel_loop3A_487 = arith.index_cast %parallel_loop3A_483 : i32 to index
        %parallel_loop3A_488 = arith.constant 0 : index
        %parallel_loop3A_489 = tpu.vector_load %arg10[%parallel_loop3A_487, %parallel_loop3A_488] {strides = array<i32>} : memref<1280x32xf32, #tpu.memory_space<vmem>>, vector<16xf32>,
        tpu.vector_store %arg10[%parallel_loop3A_487, %parallel_loop3A_488], %parallel_loop3A_486 {strides = array<i32>} : memref<1280x32xf32, #tpu.memory_space<vmem>>, vector<16xf32>,
        %parallel_loop3A_490 = arith.index_cast %parallel_loop3A_481 : i32 to index
        %parallel_loop3A_491 = arith.constant 16 : index
        %parallel_loop3A_492 = tpu.vector_load %arg7[%parallel_loop3A_490, %parallel_loop3A_491] {strides = array<i32>} : memref<257x32xf32, #tpu.memory_space<vmem>>, vector<16xf32>,
        %parallel_loop3A_493 = arith.index_cast %parallel_loop3A_483 : i32 to index
        %parallel_loop3A_494 = arith.constant 16 : index
        %parallel_loop3A_495 = tpu.vector_load %arg10[%parallel_loop3A_493, %parallel_loop3A_494] {strides = array<i32>} : memref<1280x32xf32, #tpu.memory_space<vmem>>, vector<16xf32>,
        tpu.vector_store %arg10[%parallel_loop3A_493, %parallel_loop3A_494], %parallel_loop3A_492 {strides = array<i32>} : memref<1280x32xf32, #tpu.memory_space<vmem>>, vector<16xf32>,
        %parallel_loop3A_496 = vector.extract_strided_slice %parallel_loop3A_397 {offsets = [6], sizes = [1], strides = [1]} : vector<16xi32> to vector<1xi32>
        %parallel_loop3A_497 = vector.extract %parallel_loop3A_496[0] : i32 from vector<1xi32>
        %parallel_loop3A_498 = arith.constant 6 : i32
        %parallel_loop3A_499 = arith.addi %parallel_loop3A_399, %parallel_loop3A_498 : i32
        %parallel_loop3A_500 = arith.index_cast %parallel_loop3A_497 : i32 to index
        %parallel_loop3A_501 = arith.constant 0 : index
        %parallel_loop3A_502 = tpu.vector_load %arg7[%parallel_loop3A_500, %parallel_loop3A_501] {strides = array<i32>} : memref<257x32xf32, #tpu.memory_space<vmem>>, vector<16xf32>,
        %parallel_loop3A_503 = arith.index_cast %parallel_loop3A_499 : i32 to index
        %parallel_loop3A_504 = arith.constant 0 : index
        %parallel_loop3A_505 = tpu.vector_load %arg10[%parallel_loop3A_503, %parallel_loop3A_504] {strides = array<i32>} : memref<1280x32xf32, #tpu.memory_space<vmem>>, vector<16xf32>,
        tpu.vector_store %arg10[%parallel_loop3A_503, %parallel_loop3A_504], %parallel_loop3A_502 {strides = array<i32>} : memref<1280x32xf32, #tpu.memory_space<vmem>>, vector<16xf32>,
        %parallel_loop3A_506 = arith.index_cast %parallel_loop3A_497 : i32 to index
        %parallel_loop3A_507 = arith.constant 16 : index
        %parallel_loop3A_508 = tpu.vector_load %arg7[%parallel_loop3A_506, %parallel_loop3A_507] {strides = array<i32>} : memref<257x32xf32, #tpu.memory_space<vmem>>, vector<16xf32>,
        %parallel_loop3A_509 = arith.index_cast %parallel_loop3A_499 : i32 to index
        %parallel_loop3A_510 = arith.constant 16 : index
        %parallel_loop3A_511 = tpu.vector_load %arg10[%parallel_loop3A_509, %parallel_loop3A_510] {strides = array<i32>} : memref<1280x32xf32, #tpu.memory_space<vmem>>, vector<16xf32>,
        tpu.vector_store %arg10[%parallel_loop3A_509, %parallel_loop3A_510], %parallel_loop3A_508 {strides = array<i32>} : memref<1280x32xf32, #tpu.memory_space<vmem>>, vector<16xf32>,
        %parallel_loop3A_512 = vector.extract_strided_slice %parallel_loop3A_397 {offsets = [7], sizes = [1], strides = [1]} : vector<16xi32> to vector<1xi32>
        %parallel_loop3A_513 = vector.extract %parallel_loop3A_512[0] : i32 from vector<1xi32>
        %parallel_loop3A_514 = arith.constant 7 : i32
        %parallel_loop3A_515 = arith.addi %parallel_loop3A_399, %parallel_loop3A_514 : i32
        %parallel_loop3A_516 = arith.index_cast %parallel_loop3A_513 : i32 to index
        %parallel_loop3A_517 = arith.constant 0 : index
        %parallel_loop3A_518 = tpu.vector_load %arg7[%parallel_loop3A_516, %parallel_loop3A_517] {strides = array<i32>} : memref<257x32xf32, #tpu.memory_space<vmem>>, vector<16xf32>,
        %parallel_loop3A_519 = arith.index_cast %parallel_loop3A_515 : i32 to index
        %parallel_loop3A_520 = arith.constant 0 : index
        %parallel_loop3A_521 = tpu.vector_load %arg10[%parallel_loop3A_519, %parallel_loop3A_520] {strides = array<i32>} : memref<1280x32xf32, #tpu.memory_space<vmem>>, vector<16xf32>,
        tpu.vector_store %arg10[%parallel_loop3A_519, %parallel_loop3A_520], %parallel_loop3A_518 {strides = array<i32>} : memref<1280x32xf32, #tpu.memory_space<vmem>>, vector<16xf32>,
        %parallel_loop3A_522 = arith.index_cast %parallel_loop3A_513 : i32 to index
        %parallel_loop3A_523 = arith.constant 16 : index
        %parallel_loop3A_524 = tpu.vector_load %arg7[%parallel_loop3A_522, %parallel_loop3A_523] {strides = array<i32>} : memref<257x32xf32, #tpu.memory_space<vmem>>, vector<16xf32>,
        %parallel_loop3A_525 = arith.index_cast %parallel_loop3A_515 : i32 to index
        %parallel_loop3A_526 = arith.constant 16 : index
        %parallel_loop3A_527 = tpu.vector_load %arg10[%parallel_loop3A_525, %parallel_loop3A_526] {strides = array<i32>} : memref<1280x32xf32, #tpu.memory_space<vmem>>, vector<16xf32>,
        tpu.vector_store %arg10[%parallel_loop3A_525, %parallel_loop3A_526], %parallel_loop3A_524 {strides = array<i32>} : memref<1280x32xf32, #tpu.memory_space<vmem>>, vector<16xf32>,
        %parallel_loop3A_528 = vector.extract_strided_slice %parallel_loop3A_397 {offsets = [8], sizes = [1], strides = [1]} : vector<16xi32> to vector<1xi32>
        %parallel_loop3A_529 = vector.extract %parallel_loop3A_528[0] : i32 from vector<1xi32>
        %parallel_loop3A_530 = arith.constant 8 : i32
        %parallel_loop3A_531 = arith.addi %parallel_loop3A_399, %parallel_loop3A_530 : i32
        %parallel_loop3A_532 = arith.index_cast %parallel_loop3A_529 : i32 to index
        %parallel_loop3A_533 = arith.constant 0 : index
        %parallel_loop3A_534 = tpu.vector_load %arg7[%parallel_loop3A_532, %parallel_loop3A_533] {strides = array<i32>} : memref<257x32xf32, #tpu.memory_space<vmem>>, vector<16xf32>,
        %parallel_loop3A_535 = arith.index_cast %parallel_loop3A_531 : i32 to index
        %parallel_loop3A_536 = arith.constant 0 : index
        %parallel_loop3A_537 = tpu.vector_load %arg10[%parallel_loop3A_535, %parallel_loop3A_536] {strides = array<i32>} : memref<1280x32xf32, #tpu.memory_space<vmem>>, vector<16xf32>,
        tpu.vector_store %arg10[%parallel_loop3A_535, %parallel_loop3A_536], %parallel_loop3A_534 {strides = array<i32>} : memref<1280x32xf32, #tpu.memory_space<vmem>>, vector<16xf32>,
        %parallel_loop3A_538 = arith.index_cast %parallel_loop3A_529 : i32 to index
        %parallel_loop3A_539 = arith.constant 16 : index
        %parallel_loop3A_540 = tpu.vector_load %arg7[%parallel_loop3A_538, %parallel_loop3A_539] {strides = array<i32>} : memref<257x32xf32, #tpu.memory_space<vmem>>, vector<16xf32>,
        %parallel_loop3A_541 = arith.index_cast %parallel_loop3A_531 : i32 to index
        %parallel_loop3A_542 = arith.constant 16 : index
        %parallel_loop3A_543 = tpu.vector_load %arg10[%parallel_loop3A_541, %parallel_loop3A_542] {strides = array<i32>} : memref<1280x32xf32, #tpu.memory_space<vmem>>, vector<16xf32>,
        tpu.vector_store %arg10[%parallel_loop3A_541, %parallel_loop3A_542], %parallel_loop3A_540 {strides = array<i32>} : memref<1280x32xf32, #tpu.memory_space<vmem>>, vector<16xf32>,
        %parallel_loop3A_544 = vector.extract_strided_slice %parallel_loop3A_397 {offsets = [9], sizes = [1], strides = [1]} : vector<16xi32> to vector<1xi32>
        %parallel_loop3A_545 = vector.extract %parallel_loop3A_544[0] : i32 from vector<1xi32>
        %parallel_loop3A_546 = arith.constant 9 : i32
        %parallel_loop3A_547 = arith.addi %parallel_loop3A_399, %parallel_loop3A_546 : i32
        %parallel_loop3A_548 = arith.index_cast %parallel_loop3A_545 : i32 to index
        %parallel_loop3A_549 = arith.constant 0 : index
        %parallel_loop3A_550 = tpu.vector_load %arg7[%parallel_loop3A_548, %parallel_loop3A_549] {strides = array<i32>} : memref<257x32xf32, #tpu.memory_space<vmem>>, vector<16xf32>,
        %parallel_loop3A_551 = arith.index_cast %parallel_loop3A_547 : i32 to index
        %parallel_loop3A_552 = arith.constant 0 : index
        %parallel_loop3A_553 = tpu.vector_load %arg10[%parallel_loop3A_551, %parallel_loop3A_552] {strides = array<i32>} : memref<1280x32xf32, #tpu.memory_space<vmem>>, vector<16xf32>,
        tpu.vector_store %arg10[%parallel_loop3A_551, %parallel_loop3A_552], %parallel_loop3A_550 {strides = array<i32>} : memref<1280x32xf32, #tpu.memory_space<vmem>>, vector<16xf32>,
        %parallel_loop3A_554 = arith.index_cast %parallel_loop3A_545 : i32 to index
        %parallel_loop3A_555 = arith.constant 16 : index
        %parallel_loop3A_556 = tpu.vector_load %arg7[%parallel_loop3A_554, %parallel_loop3A_555] {strides = array<i32>} : memref<257x32xf32, #tpu.memory_space<vmem>>, vector<16xf32>,
        %parallel_loop3A_557 = arith.index_cast %parallel_loop3A_547 : i32 to index
        %parallel_loop3A_558 = arith.constant 16 : index
        %parallel_loop3A_559 = tpu.vector_load %arg10[%parallel_loop3A_557, %parallel_loop3A_558] {strides = array<i32>} : memref<1280x32xf32, #tpu.memory_space<vmem>>, vector<16xf32>,
        tpu.vector_store %arg10[%parallel_loop3A_557, %parallel_loop3A_558], %parallel_loop3A_556 {strides = array<i32>} : memref<1280x32xf32, #tpu.memory_space<vmem>>, vector<16xf32>,
        %parallel_loop3A_560 = vector.extract_strided_slice %parallel_loop3A_397 {offsets = [10], sizes = [1], strides = [1]} : vector<16xi32> to vector<1xi32>
        %parallel_loop3A_561 = vector.extract %parallel_loop3A_560[0] : i32 from vector<1xi32>
        %parallel_loop3A_562 = arith.constant 10 : i32
        %parallel_loop3A_563 = arith.addi %parallel_loop3A_399, %parallel_loop3A_562 : i32
        %parallel_loop3A_564 = arith.index_cast %parallel_loop3A_561 : i32 to index
        %parallel_loop3A_565 = arith.constant 0 : index
        %parallel_loop3A_566 = tpu.vector_load %arg7[%parallel_loop3A_564, %parallel_loop3A_565] {strides = array<i32>} : memref<257x32xf32, #tpu.memory_space<vmem>>, vector<16xf32>,
        %parallel_loop3A_567 = arith.index_cast %parallel_loop3A_563 : i32 to index
        %parallel_loop3A_568 = arith.constant 0 : index
        %parallel_loop3A_569 = tpu.vector_load %arg10[%parallel_loop3A_567, %parallel_loop3A_568] {strides = array<i32>} : memref<1280x32xf32, #tpu.memory_space<vmem>>, vector<16xf32>,
        tpu.vector_store %arg10[%parallel_loop3A_567, %parallel_loop3A_568], %parallel_loop3A_566 {strides = array<i32>} : memref<1280x32xf32, #tpu.memory_space<vmem>>, vector<16xf32>,
        %parallel_loop3A_570 = arith.index_cast %parallel_loop3A_561 : i32 to index
        %parallel_loop3A_571 = arith.constant 16 : index
        %parallel_loop3A_572 = tpu.vector_load %arg7[%parallel_loop3A_570, %parallel_loop3A_571] {strides = array<i32>} : memref<257x32xf32, #tpu.memory_space<vmem>>, vector<16xf32>,
        %parallel_loop3A_573 = arith.index_cast %parallel_loop3A_563 : i32 to index
        %parallel_loop3A_574 = arith.constant 16 : index
        %parallel_loop3A_575 = tpu.vector_load %arg10[%parallel_loop3A_573, %parallel_loop3A_574] {strides = array<i32>} : memref<1280x32xf32, #tpu.memory_space<vmem>>, vector<16xf32>,
        tpu.vector_store %arg10[%parallel_loop3A_573, %parallel_loop3A_574], %parallel_loop3A_572 {strides = array<i32>} : memref<1280x32xf32, #tpu.memory_space<vmem>>, vector<16xf32>,
        %parallel_loop3A_576 = vector.extract_strided_slice %parallel_loop3A_397 {offsets = [11], sizes = [1], strides = [1]} : vector<16xi32> to vector<1xi32>
        %parallel_loop3A_577 = vector.extract %parallel_loop3A_576[0] : i32 from vector<1xi32>
        %parallel_loop3A_578 = arith.constant 11 : i32
        %parallel_loop3A_579 = arith.addi %parallel_loop3A_399, %parallel_loop3A_578 : i32
        %parallel_loop3A_580 = arith.index_cast %parallel_loop3A_577 : i32 to index
        %parallel_loop3A_581 = arith.constant 0 : index
        %parallel_loop3A_582 = tpu.vector_load %arg7[%parallel_loop3A_580, %parallel_loop3A_581] {strides = array<i32>} : memref<257x32xf32, #tpu.memory_space<vmem>>, vector<16xf32>,
        %parallel_loop3A_583 = arith.index_cast %parallel_loop3A_579 : i32 to index
        %parallel_loop3A_584 = arith.constant 0 : index
        %parallel_loop3A_585 = tpu.vector_load %arg10[%parallel_loop3A_583, %parallel_loop3A_584] {strides = array<i32>} : memref<1280x32xf32, #tpu.memory_space<vmem>>, vector<16xf32>,
        tpu.vector_store %arg10[%parallel_loop3A_583, %parallel_loop3A_584], %parallel_loop3A_582 {strides = array<i32>} : memref<1280x32xf32, #tpu.memory_space<vmem>>, vector<16xf32>,
        %parallel_loop3A_586 = arith.index_cast %parallel_loop3A_577 : i32 to index
        %parallel_loop3A_587 = arith.constant 16 : index
        %parallel_loop3A_588 = tpu.vector_load %arg7[%parallel_loop3A_586, %parallel_loop3A_587] {strides = array<i32>} : memref<257x32xf32, #tpu.memory_space<vmem>>, vector<16xf32>,
        %parallel_loop3A_589 = arith.index_cast %parallel_loop3A_579 : i32 to index
        %parallel_loop3A_590 = arith.constant 16 : index
        %parallel_loop3A_591 = tpu.vector_load %arg10[%parallel_loop3A_589, %parallel_loop3A_590] {strides = array<i32>} : memref<1280x32xf32, #tpu.memory_space<vmem>>, vector<16xf32>,
        tpu.vector_store %arg10[%parallel_loop3A_589, %parallel_loop3A_590], %parallel_loop3A_588 {strides = array<i32>} : memref<1280x32xf32, #tpu.memory_space<vmem>>, vector<16xf32>,
        %parallel_loop3A_592 = vector.extract_strided_slice %parallel_loop3A_397 {offsets = [12], sizes = [1], strides = [1]} : vector<16xi32> to vector<1xi32>
        %parallel_loop3A_593 = vector.extract %parallel_loop3A_592[0] : i32 from vector<1xi32>
        %parallel_loop3A_594 = arith.constant 12 : i32
        %parallel_loop3A_595 = arith.addi %parallel_loop3A_399, %parallel_loop3A_594 : i32
        %parallel_loop3A_596 = arith.index_cast %parallel_loop3A_593 : i32 to index
        %parallel_loop3A_597 = arith.constant 0 : index
        %parallel_loop3A_598 = tpu.vector_load %arg7[%parallel_loop3A_596, %parallel_loop3A_597] {strides = array<i32>} : memref<257x32xf32, #tpu.memory_space<vmem>>, vector<16xf32>,
        %parallel_loop3A_599 = arith.index_cast %parallel_loop3A_595 : i32 to index
        %parallel_loop3A_600 = arith.constant 0 : index
        %parallel_loop3A_601 = tpu.vector_load %arg10[%parallel_loop3A_599, %parallel_loop3A_600] {strides = array<i32>} : memref<1280x32xf32, #tpu.memory_space<vmem>>, vector<16xf32>,
        tpu.vector_store %arg10[%parallel_loop3A_599, %parallel_loop3A_600], %parallel_loop3A_598 {strides = array<i32>} : memref<1280x32xf32, #tpu.memory_space<vmem>>, vector<16xf32>,
        %parallel_loop3A_602 = arith.index_cast %parallel_loop3A_593 : i32 to index
        %parallel_loop3A_603 = arith.constant 16 : index
        %parallel_loop3A_604 = tpu.vector_load %arg7[%parallel_loop3A_602, %parallel_loop3A_603] {strides = array<i32>} : memref<257x32xf32, #tpu.memory_space<vmem>>, vector<16xf32>,
        %parallel_loop3A_605 = arith.index_cast %parallel_loop3A_595 : i32 to index
        %parallel_loop3A_606 = arith.constant 16 : index
        %parallel_loop3A_607 = tpu.vector_load %arg10[%parallel_loop3A_605, %parallel_loop3A_606] {strides = array<i32>} : memref<1280x32xf32, #tpu.memory_space<vmem>>, vector<16xf32>,
        tpu.vector_store %arg10[%parallel_loop3A_605, %parallel_loop3A_606], %parallel_loop3A_604 {strides = array<i32>} : memref<1280x32xf32, #tpu.memory_space<vmem>>, vector<16xf32>,
        %parallel_loop3A_608 = vector.extract_strided_slice %parallel_loop3A_397 {offsets = [13], sizes = [1], strides = [1]} : vector<16xi32> to vector<1xi32>
        %parallel_loop3A_609 = vector.extract %parallel_loop3A_608[0] : i32 from vector<1xi32>
        %parallel_loop3A_610 = arith.constant 13 : i32
        %parallel_loop3A_611 = arith.addi %parallel_loop3A_399, %parallel_loop3A_610 : i32
        %parallel_loop3A_612 = arith.index_cast %parallel_loop3A_609 : i32 to index
        %parallel_loop3A_613 = arith.constant 0 : index
        %parallel_loop3A_614 = tpu.vector_load %arg7[%parallel_loop3A_612, %parallel_loop3A_613] {strides = array<i32>} : memref<257x32xf32, #tpu.memory_space<vmem>>, vector<16xf32>,
        %parallel_loop3A_615 = arith.index_cast %parallel_loop3A_611 : i32 to index
        %parallel_loop3A_616 = arith.constant 0 : index
        %parallel_loop3A_617 = tpu.vector_load %arg10[%parallel_loop3A_615, %parallel_loop3A_616] {strides = array<i32>} : memref<1280x32xf32, #tpu.memory_space<vmem>>, vector<16xf32>,
        tpu.vector_store %arg10[%parallel_loop3A_615, %parallel_loop3A_616], %parallel_loop3A_614 {strides = array<i32>} : memref<1280x32xf32, #tpu.memory_space<vmem>>, vector<16xf32>,
        %parallel_loop3A_618 = arith.index_cast %parallel_loop3A_609 : i32 to index
        %parallel_loop3A_619 = arith.constant 16 : index
        %parallel_loop3A_620 = tpu.vector_load %arg7[%parallel_loop3A_618, %parallel_loop3A_619] {strides = array<i32>} : memref<257x32xf32, #tpu.memory_space<vmem>>, vector<16xf32>,
        %parallel_loop3A_621 = arith.index_cast %parallel_loop3A_611 : i32 to index
        %parallel_loop3A_622 = arith.constant 16 : index
        %parallel_loop3A_623 = tpu.vector_load %arg10[%parallel_loop3A_621, %parallel_loop3A_622] {strides = array<i32>} : memref<1280x32xf32, #tpu.memory_space<vmem>>, vector<16xf32>,
        tpu.vector_store %arg10[%parallel_loop3A_621, %parallel_loop3A_622], %parallel_loop3A_620 {strides = array<i32>} : memref<1280x32xf32, #tpu.memory_space<vmem>>, vector<16xf32>,
        %parallel_loop3A_624 = vector.extract_strided_slice %parallel_loop3A_397 {offsets = [14], sizes = [1], strides = [1]} : vector<16xi32> to vector<1xi32>
        %parallel_loop3A_625 = vector.extract %parallel_loop3A_624[0] : i32 from vector<1xi32>
        %parallel_loop3A_626 = arith.constant 14 : i32
        %parallel_loop3A_627 = arith.addi %parallel_loop3A_399, %parallel_loop3A_626 : i32
        %parallel_loop3A_628 = arith.index_cast %parallel_loop3A_625 : i32 to index
        %parallel_loop3A_629 = arith.constant 0 : index
        %parallel_loop3A_630 = tpu.vector_load %arg7[%parallel_loop3A_628, %parallel_loop3A_629] {strides = array<i32>} : memref<257x32xf32, #tpu.memory_space<vmem>>, vector<16xf32>,
        %parallel_loop3A_631 = arith.index_cast %parallel_loop3A_627 : i32 to index
        %parallel_loop3A_632 = arith.constant 0 : index
        %parallel_loop3A_633 = tpu.vector_load %arg10[%parallel_loop3A_631, %parallel_loop3A_632] {strides = array<i32>} : memref<1280x32xf32, #tpu.memory_space<vmem>>, vector<16xf32>,
        tpu.vector_store %arg10[%parallel_loop3A_631, %parallel_loop3A_632], %parallel_loop3A_630 {strides = array<i32>} : memref<1280x32xf32, #tpu.memory_space<vmem>>, vector<16xf32>,
        %parallel_loop3A_634 = arith.index_cast %parallel_loop3A_625 : i32 to index
        %parallel_loop3A_635 = arith.constant 16 : index
        %parallel_loop3A_636 = tpu.vector_load %arg7[%parallel_loop3A_634, %parallel_loop3A_635] {strides = array<i32>} : memref<257x32xf32, #tpu.memory_space<vmem>>, vector<16xf32>,
        %parallel_loop3A_637 = arith.index_cast %parallel_loop3A_627 : i32 to index
        %parallel_loop3A_638 = arith.constant 16 : index
        %parallel_loop3A_639 = tpu.vector_load %arg10[%parallel_loop3A_637, %parallel_loop3A_638] {strides = array<i32>} : memref<1280x32xf32, #tpu.memory_space<vmem>>, vector<16xf32>,
        tpu.vector_store %arg10[%parallel_loop3A_637, %parallel_loop3A_638], %parallel_loop3A_636 {strides = array<i32>} : memref<1280x32xf32, #tpu.memory_space<vmem>>, vector<16xf32>,
        %parallel_loop3A_640 = vector.extract_strided_slice %parallel_loop3A_397 {offsets = [15], sizes = [1], strides = [1]} : vector<16xi32> to vector<1xi32>
        %parallel_loop3A_641 = vector.extract %parallel_loop3A_640[0] : i32 from vector<1xi32>
        %parallel_loop3A_642 = arith.constant 15 : i32
        %parallel_loop3A_643 = arith.addi %parallel_loop3A_399, %parallel_loop3A_642 : i32
        %parallel_loop3A_644 = arith.index_cast %parallel_loop3A_641 : i32 to index
        %parallel_loop3A_645 = arith.constant 0 : index
        %parallel_loop3A_646 = tpu.vector_load %arg7[%parallel_loop3A_644, %parallel_loop3A_645] {strides = array<i32>} : memref<257x32xf32, #tpu.memory_space<vmem>>, vector<16xf32>,
        %parallel_loop3A_647 = arith.index_cast %parallel_loop3A_643 : i32 to index
        %parallel_loop3A_648 = arith.constant 0 : index
        %parallel_loop3A_649 = tpu.vector_load %arg10[%parallel_loop3A_647, %parallel_loop3A_648] {strides = array<i32>} : memref<1280x32xf32, #tpu.memory_space<vmem>>, vector<16xf32>,
        tpu.vector_store %arg10[%parallel_loop3A_647, %parallel_loop3A_648], %parallel_loop3A_646 {strides = array<i32>} : memref<1280x32xf32, #tpu.memory_space<vmem>>, vector<16xf32>,
        %parallel_loop3A_650 = arith.index_cast %parallel_loop3A_641 : i32 to index
        %parallel_loop3A_651 = arith.constant 16 : index
        %parallel_loop3A_652 = tpu.vector_load %arg7[%parallel_loop3A_650, %parallel_loop3A_651] {strides = array<i32>} : memref<257x32xf32, #tpu.memory_space<vmem>>, vector<16xf32>,
        %parallel_loop3A_653 = arith.index_cast %parallel_loop3A_643 : i32 to index
        %parallel_loop3A_654 = arith.constant 16 : index
        %parallel_loop3A_655 = tpu.vector_load %arg10[%parallel_loop3A_653, %parallel_loop3A_654] {strides = array<i32>} : memref<1280x32xf32, #tpu.memory_space<vmem>>, vector<16xf32>,
        tpu.vector_store %arg10[%parallel_loop3A_653, %parallel_loop3A_654], %parallel_loop3A_652 {strides = array<i32>} : memref<1280x32xf32, #tpu.memory_space<vmem>>, vector<16xf32>,
      } {sc.loop_unroll_factor = 1 : i64, sc.parallel_access}
      %dma_start3A_237 = arith.constant 0 : i32
      %dma_start3A_238 = arith.constant 10 : i32
      %dma_start3A_239 = arith.constant 0 : i32
      %dma_start3A_240 = tpu.memref_slice %arg10[%dma_start3A_237, %dma_start3A_239] : memref<1280x32xf32, #tpu.memory_space<vmem>> -> memref<128x32xf32, #tpu.memory_space<vmem>>
      %dma_start3A_241 = arith.constant 0 : i32
      %dma_start3A_242 = tpu.memref_slice %arg8[%dma_start3A_238, %dma_start3A_241] : memref<20x128xi32, #tpu.memory_space<vmem>> -> memref<1x128xi32, #tpu.memory_space<vmem>>
      %dma_start3A_243 = tpu.memref_squeeze %dma_start3A_242 : memref<1x128xi32, #tpu.memory_space<vmem>> -> memref<128xi32, #tpu.memory_space<vmem>>
      %dma_start3A_244 = arith.constant 0 : i32
      %dma_start3A_245 = arith.constant 0 : i32
      %dma_start3A_246 = tpu.memref_slice %arg4[%add3A_61, %dma_start3A_244, %dma_start3A_245] : memref<1024x2500x32xf32, #tpu.memory_space<hbm>> -> memref<1x2500x32xf32, #tpu.memory_space<hbm>>
      %dma_start3A_247 = tpu.memref_squeeze %dma_start3A_246 : memref<1x2500x32xf32, #tpu.memory_space<hbm>> -> memref<2500x32xf32, #tpu.memory_space<hbm>>
      %dma_start3A_248 = arith.constant 0 : i32
      %dma_start3A_249 = arith.constant 0 : i32
      %dma_start3A_250 = tpu.memref_slice %dma_start3A_247[%dma_start3A_248, %dma_start3A_249] : memref<2500x32xf32, #tpu.memory_space<hbm>> -> memref<2500x32xf32, #tpu.memory_space<hbm>>
      tpu.enqueue_indirect_dma source(%dma_start3A_240 : memref<128x32xf32, #tpu.memory_space<vmem>>) target(%dma_start3A_250 : memref<2500x32xf32, #tpu.memory_space<hbm>>) offsets(%dma_start3A_243 : memref<128xi32, #tpu.memory_space<vmem>>) semaphore(%arg11 : memref<!tpu.dma_semaphore, #tpu.memory_space<semaphore_mem>>)
      %dma_start3A_251 = arith.constant 128 : i32
      %dma_start3A_252 = arith.constant 11 : i32
      %dma_start3A_253 = arith.constant 0 : i32
      %dma_start3A_254 = tpu.memref_slice %arg10[%dma_start3A_251, %dma_start3A_253] : memref<1280x32xf32, #tpu.memory_space<vmem>> -> memref<128x32xf32, #tpu.memory_space<vmem>>
      %dma_start3A_255 = arith.constant 0 : i32
      %dma_start3A_256 = tpu.memref_slice %arg8[%dma_start3A_252, %dma_start3A_255] : memref<20x128xi32, #tpu.memory_space<vmem>> -> memref<1x128xi32, #tpu.memory_space<vmem>>
      %dma_start3A_257 = tpu.memref_squeeze %dma_start3A_256 : memref<1x128xi32, #tpu.memory_space<vmem>> -> memref<128xi32, #tpu.memory_space<vmem>>
      %dma_start3A_258 = arith.constant 0 : i32
      %dma_start3A_259 = arith.constant 0 : i32
      %dma_start3A_260 = tpu.memref_slice %arg4[%add3A_61, %dma_start3A_258, %dma_start3A_259] : memref<1024x2500x32xf32, #tpu.memory_space<hbm>> -> memref<1x2500x32xf32, #tpu.memory_space<hbm>>
      %dma_start3A_261 = tpu.memref_squeeze %dma_start3A_260 : memref<1x2500x32xf32, #tpu.memory_space<hbm>> -> memref<2500x32xf32, #tpu.memory_space<hbm>>
      %dma_start3A_262 = arith.constant 0 : i32
      %dma_start3A_263 = arith.constant 0 : i32
      %dma_start3A_264 = tpu.memref_slice %dma_start3A_261[%dma_start3A_262, %dma_start3A_263] : memref<2500x32xf32, #tpu.memory_space<hbm>> -> memref<2500x32xf32, #tpu.memory_space<hbm>>
      tpu.enqueue_indirect_dma source(%dma_start3A_254 : memref<128x32xf32, #tpu.memory_space<vmem>>) target(%dma_start3A_264 : memref<2500x32xf32, #tpu.memory_space<hbm>>) offsets(%dma_start3A_257 : memref<128xi32, #tpu.memory_space<vmem>>) semaphore(%arg11 : memref<!tpu.dma_semaphore, #tpu.memory_space<semaphore_mem>>)
      %dma_start3A_265 = arith.constant 256 : i32
      %dma_start3A_266 = arith.constant 12 : i32
      %dma_start3A_267 = arith.constant 0 : i32
      %dma_start3A_268 = tpu.memref_slice %arg10[%dma_start3A_265, %dma_start3A_267] : memref<1280x32xf32, #tpu.memory_space<vmem>> -> memref<128x32xf32, #tpu.memory_space<vmem>>
      %dma_start3A_269 = arith.constant 0 : i32
      %dma_start3A_270 = tpu.memref_slice %arg8[%dma_start3A_266, %dma_start3A_269] : memref<20x128xi32, #tpu.memory_space<vmem>> -> memref<1x128xi32, #tpu.memory_space<vmem>>
      %dma_start3A_271 = tpu.memref_squeeze %dma_start3A_270 : memref<1x128xi32, #tpu.memory_space<vmem>> -> memref<128xi32, #tpu.memory_space<vmem>>
      %dma_start3A_272 = arith.constant 0 : i32
      %dma_start3A_273 = arith.constant 0 : i32
      %dma_start3A_274 = tpu.memref_slice %arg4[%add3A_61, %dma_start3A_272, %dma_start3A_273] : memref<1024x2500x32xf32, #tpu.memory_space<hbm>> -> memref<1x2500x32xf32, #tpu.memory_space<hbm>>
      %dma_start3A_275 = tpu.memref_squeeze %dma_start3A_274 : memref<1x2500x32xf32, #tpu.memory_space<hbm>> -> memref<2500x32xf32, #tpu.memory_space<hbm>>
      %dma_start3A_276 = arith.constant 0 : i32
      %dma_start3A_277 = arith.constant 0 : i32
      %dma_start3A_278 = tpu.memref_slice %dma_start3A_275[%dma_start3A_276, %dma_start3A_277] : memref<2500x32xf32, #tpu.memory_space<hbm>> -> memref<2500x32xf32, #tpu.memory_space<hbm>>
      tpu.enqueue_indirect_dma source(%dma_start3A_268 : memref<128x32xf32, #tpu.memory_space<vmem>>) target(%dma_start3A_278 : memref<2500x32xf32, #tpu.memory_space<hbm>>) offsets(%dma_start3A_271 : memref<128xi32, #tpu.memory_space<vmem>>) semaphore(%arg11 : memref<!tpu.dma_semaphore, #tpu.memory_space<semaphore_mem>>)
      %dma_start3A_279 = arith.constant 384 : i32
      %dma_start3A_280 = arith.constant 13 : i32
      %dma_start3A_281 = arith.constant 0 : i32
      %dma_start3A_282 = tpu.memref_slice %arg10[%dma_start3A_279, %dma_start3A_281] : memref<1280x32xf32, #tpu.memory_space<vmem>> -> memref<128x32xf32, #tpu.memory_space<vmem>>
      %dma_start3A_283 = arith.constant 0 : i32
      %dma_start3A_284 = tpu.memref_slice %arg8[%dma_start3A_280, %dma_start3A_283] : memref<20x128xi32, #tpu.memory_space<vmem>> -> memref<1x128xi32, #tpu.memory_space<vmem>>
      %dma_start3A_285 = tpu.memref_squeeze %dma_start3A_284 : memref<1x128xi32, #tpu.memory_space<vmem>> -> memref<128xi32, #tpu.memory_space<vmem>>
      %dma_start3A_286 = arith.constant 0 : i32
      %dma_start3A_287 = arith.constant 0 : i32
      %dma_start3A_288 = tpu.memref_slice %arg4[%add3A_61, %dma_start3A_286, %dma_start3A_287] : memref<1024x2500x32xf32, #tpu.memory_space<hbm>> -> memref<1x2500x32xf32, #tpu.memory_space<hbm>>
      %dma_start3A_289 = tpu.memref_squeeze %dma_start3A_288 : memref<1x2500x32xf32, #tpu.memory_space<hbm>> -> memref<2500x32xf32, #tpu.memory_space<hbm>>
      %dma_start3A_290 = arith.constant 0 : i32
      %dma_start3A_291 = arith.constant 0 : i32
      %dma_start3A_292 = tpu.memref_slice %dma_start3A_289[%dma_start3A_290, %dma_start3A_291] : memref<2500x32xf32, #tpu.memory_space<hbm>> -> memref<2500x32xf32, #tpu.memory_space<hbm>>
      tpu.enqueue_indirect_dma source(%dma_start3A_282 : memref<128x32xf32, #tpu.memory_space<vmem>>) target(%dma_start3A_292 : memref<2500x32xf32, #tpu.memory_space<hbm>>) offsets(%dma_start3A_285 : memref<128xi32, #tpu.memory_space<vmem>>) semaphore(%arg11 : memref<!tpu.dma_semaphore, #tpu.memory_space<semaphore_mem>>)
      %dma_start3A_293 = arith.constant 512 : i32
      %dma_start3A_294 = arith.constant 14 : i32
      %dma_start3A_295 = arith.constant 0 : i32
      %dma_start3A_296 = tpu.memref_slice %arg10[%dma_start3A_293, %dma_start3A_295] : memref<1280x32xf32, #tpu.memory_space<vmem>> -> memref<128x32xf32, #tpu.memory_space<vmem>>
      %dma_start3A_297 = arith.constant 0 : i32
      %dma_start3A_298 = tpu.memref_slice %arg8[%dma_start3A_294, %dma_start3A_297] : memref<20x128xi32, #tpu.memory_space<vmem>> -> memref<1x128xi32, #tpu.memory_space<vmem>>
      %dma_start3A_299 = tpu.memref_squeeze %dma_start3A_298 : memref<1x128xi32, #tpu.memory_space<vmem>> -> memref<128xi32, #tpu.memory_space<vmem>>
      %dma_start3A_300 = arith.constant 0 : i32
      %dma_start3A_301 = arith.constant 0 : i32
      %dma_start3A_302 = tpu.memref_slice %arg4[%add3A_61, %dma_start3A_300, %dma_start3A_301] : memref<1024x2500x32xf32, #tpu.memory_space<hbm>> -> memref<1x2500x32xf32, #tpu.memory_space<hbm>>
      %dma_start3A_303 = tpu.memref_squeeze %dma_start3A_302 : memref<1x2500x32xf32, #tpu.memory_space<hbm>> -> memref<2500x32xf32, #tpu.memory_space<hbm>>
      %dma_start3A_304 = arith.constant 0 : i32
      %dma_start3A_305 = arith.constant 0 : i32
      %dma_start3A_306 = tpu.memref_slice %dma_start3A_303[%dma_start3A_304, %dma_start3A_305] : memref<2500x32xf32, #tpu.memory_space<hbm>> -> memref<2500x32xf32, #tpu.memory_space<hbm>>
      tpu.enqueue_indirect_dma source(%dma_start3A_296 : memref<128x32xf32, #tpu.memory_space<vmem>>) target(%dma_start3A_306 : memref<2500x32xf32, #tpu.memory_space<hbm>>) offsets(%dma_start3A_299 : memref<128xi32, #tpu.memory_space<vmem>>) semaphore(%arg11 : memref<!tpu.dma_semaphore, #tpu.memory_space<semaphore_mem>>)
      %dma_start3A_307 = arith.constant 640 : i32
      %dma_start3A_308 = arith.constant 15 : i32
      %dma_start3A_309 = arith.constant 0 : i32
      %dma_start3A_310 = tpu.memref_slice %arg10[%dma_start3A_307, %dma_start3A_309] : memref<1280x32xf32, #tpu.memory_space<vmem>> -> memref<128x32xf32, #tpu.memory_space<vmem>>
      %dma_start3A_311 = arith.constant 0 : i32
      %dma_start3A_312 = tpu.memref_slice %arg8[%dma_start3A_308, %dma_start3A_311] : memref<20x128xi32, #tpu.memory_space<vmem>> -> memref<1x128xi32, #tpu.memory_space<vmem>>
      %dma_start3A_313 = tpu.memref_squeeze %dma_start3A_312 : memref<1x128xi32, #tpu.memory_space<vmem>> -> memref<128xi32, #tpu.memory_space<vmem>>
      %dma_start3A_314 = arith.constant 0 : i32
      %dma_start3A_315 = arith.constant 0 : i32
      %dma_start3A_316 = tpu.memref_slice %arg4[%add3A_61, %dma_start3A_314, %dma_start3A_315] : memref<1024x2500x32xf32, #tpu.memory_space<hbm>> -> memref<1x2500x32xf32, #tpu.memory_space<hbm>>
      %dma_start3A_317 = tpu.memref_squeeze %dma_start3A_316 : memref<1x2500x32xf32, #tpu.memory_space<hbm>> -> memref<2500x32xf32, #tpu.memory_space<hbm>>
      %dma_start3A_318 = arith.constant 0 : i32
      %dma_start3A_319 = arith.constant 0 : i32
      %dma_start3A_320 = tpu.memref_slice %dma_start3A_317[%dma_start3A_318, %dma_start3A_319] : memref<2500x32xf32, #tpu.memory_space<hbm>> -> memref<2500x32xf32, #tpu.memory_space<hbm>>
      tpu.enqueue_indirect_dma source(%dma_start3A_310 : memref<128x32xf32, #tpu.memory_space<vmem>>) target(%dma_start3A_320 : memref<2500x32xf32, #tpu.memory_space<hbm>>) offsets(%dma_start3A_313 : memref<128xi32, #tpu.memory_space<vmem>>) semaphore(%arg11 : memref<!tpu.dma_semaphore, #tpu.memory_space<semaphore_mem>>)
      %dma_start3A_321 = arith.constant 768 : i32
      %dma_start3A_322 = arith.constant 16 : i32
      %dma_start3A_323 = arith.constant 0 : i32
      %dma_start3A_324 = tpu.memref_slice %arg10[%dma_start3A_321, %dma_start3A_323] : memref<1280x32xf32, #tpu.memory_space<vmem>> -> memref<128x32xf32, #tpu.memory_space<vmem>>
      %dma_start3A_325 = arith.constant 0 : i32
      %dma_start3A_326 = tpu.memref_slice %arg8[%dma_start3A_322, %dma_start3A_325] : memref<20x128xi32, #tpu.memory_space<vmem>> -> memref<1x128xi32, #tpu.memory_space<vmem>>
      %dma_start3A_327 = tpu.memref_squeeze %dma_start3A_326 : memref<1x128xi32, #tpu.memory_space<vmem>> -> memref<128xi32, #tpu.memory_space<vmem>>
      %dma_start3A_328 = arith.constant 0 : i32
      %dma_start3A_329 = arith.constant 0 : i32
      %dma_start3A_330 = tpu.memref_slice %arg4[%add3A_61, %dma_start3A_328, %dma_start3A_329] : memref<1024x2500x32xf32, #tpu.memory_space<hbm>> -> memref<1x2500x32xf32, #tpu.memory_space<hbm>>
      %dma_start3A_331 = tpu.memref_squeeze %dma_start3A_330 : memref<1x2500x32xf32, #tpu.memory_space<hbm>> -> memref<2500x32xf32, #tpu.memory_space<hbm>>
      %dma_start3A_332 = arith.constant 0 : i32
      %dma_start3A_333 = arith.constant 0 : i32
      %dma_start3A_334 = tpu.memref_slice %dma_start3A_331[%dma_start3A_332, %dma_start3A_333] : memref<2500x32xf32, #tpu.memory_space<hbm>> -> memref<2500x32xf32, #tpu.memory_space<hbm>>
      tpu.enqueue_indirect_dma source(%dma_start3A_324 : memref<128x32xf32, #tpu.memory_space<vmem>>) target(%dma_start3A_334 : memref<2500x32xf32, #tpu.memory_space<hbm>>) offsets(%dma_start3A_327 : memref<128xi32, #tpu.memory_space<vmem>>) semaphore(%arg11 : memref<!tpu.dma_semaphore, #tpu.memory_space<semaphore_mem>>)
      %dma_start3A_335 = arith.constant 896 : i32
      %dma_start3A_336 = arith.constant 17 : i32
      %dma_start3A_337 = arith.constant 0 : i32
      %dma_start3A_338 = tpu.memref_slice %arg10[%dma_start3A_335, %dma_start3A_337] : memref<1280x32xf32, #tpu.memory_space<vmem>> -> memref<128x32xf32, #tpu.memory_space<vmem>>
      %dma_start3A_339 = arith.constant 0 : i32
      %dma_start3A_340 = tpu.memref_slice %arg8[%dma_start3A_336, %dma_start3A_339] : memref<20x128xi32, #tpu.memory_space<vmem>> -> memref<1x128xi32, #tpu.memory_space<vmem>>
      %dma_start3A_341 = tpu.memref_squeeze %dma_start3A_340 : memref<1x128xi32, #tpu.memory_space<vmem>> -> memref<128xi32, #tpu.memory_space<vmem>>
      %dma_start3A_342 = arith.constant 0 : i32
      %dma_start3A_343 = arith.constant 0 : i32
      %dma_start3A_344 = tpu.memref_slice %arg4[%add3A_61, %dma_start3A_342, %dma_start3A_343] : memref<1024x2500x32xf32, #tpu.memory_space<hbm>> -> memref<1x2500x32xf32, #tpu.memory_space<hbm>>
      %dma_start3A_345 = tpu.memref_squeeze %dma_start3A_344 : memref<1x2500x32xf32, #tpu.memory_space<hbm>> -> memref<2500x32xf32, #tpu.memory_space<hbm>>
      %dma_start3A_346 = arith.constant 0 : i32
      %dma_start3A_347 = arith.constant 0 : i32
      %dma_start3A_348 = tpu.memref_slice %dma_start3A_345[%dma_start3A_346, %dma_start3A_347] : memref<2500x32xf32, #tpu.memory_space<hbm>> -> memref<2500x32xf32, #tpu.memory_space<hbm>>
      tpu.enqueue_indirect_dma source(%dma_start3A_338 : memref<128x32xf32, #tpu.memory_space<vmem>>) target(%dma_start3A_348 : memref<2500x32xf32, #tpu.memory_space<hbm>>) offsets(%dma_start3A_341 : memref<128xi32, #tpu.memory_space<vmem>>) semaphore(%arg11 : memref<!tpu.dma_semaphore, #tpu.memory_space<semaphore_mem>>)
      %dma_start3A_349 = arith.constant 1024 : i32
      %dma_start3A_350 = arith.constant 18 : i32
      %dma_start3A_351 = arith.constant 0 : i32
      %dma_start3A_352 = tpu.memref_slice %arg10[%dma_start3A_349, %dma_start3A_351] : memref<1280x32xf32, #tpu.memory_space<vmem>> -> memref<128x32xf32, #tpu.memory_space<vmem>>
      %dma_start3A_353 = arith.constant 0 : i32
      %dma_start3A_354 = tpu.memref_slice %arg8[%dma_start3A_350, %dma_start3A_353] : memref<20x128xi32, #tpu.memory_space<vmem>> -> memref<1x128xi32, #tpu.memory_space<vmem>>
      %dma_start3A_355 = tpu.memref_squeeze %dma_start3A_354 : memref<1x128xi32, #tpu.memory_space<vmem>> -> memref<128xi32, #tpu.memory_space<vmem>>
      %dma_start3A_356 = arith.constant 0 : i32
      %dma_start3A_357 = arith.constant 0 : i32
      %dma_start3A_358 = tpu.memref_slice %arg4[%add3A_61, %dma_start3A_356, %dma_start3A_357] : memref<1024x2500x32xf32, #tpu.memory_space<hbm>> -> memref<1x2500x32xf32, #tpu.memory_space<hbm>>
      %dma_start3A_359 = tpu.memref_squeeze %dma_start3A_358 : memref<1x2500x32xf32, #tpu.memory_space<hbm>> -> memref<2500x32xf32, #tpu.memory_space<hbm>>
      %dma_start3A_360 = arith.constant 0 : i32
      %dma_start3A_361 = arith.constant 0 : i32
      %dma_start3A_362 = tpu.memref_slice %dma_start3A_359[%dma_start3A_360, %dma_start3A_361] : memref<2500x32xf32, #tpu.memory_space<hbm>> -> memref<2500x32xf32, #tpu.memory_space<hbm>>
      tpu.enqueue_indirect_dma source(%dma_start3A_352 : memref<128x32xf32, #tpu.memory_space<vmem>>) target(%dma_start3A_362 : memref<2500x32xf32, #tpu.memory_space<hbm>>) offsets(%dma_start3A_355 : memref<128xi32, #tpu.memory_space<vmem>>) semaphore(%arg11 : memref<!tpu.dma_semaphore, #tpu.memory_space<semaphore_mem>>)
      %dma_start3A_363 = arith.constant 1152 : i32
      %dma_start3A_364 = arith.constant 19 : i32
      %dma_start3A_365 = arith.constant 0 : i32
      %dma_start3A_366 = tpu.memref_slice %arg10[%dma_start3A_363, %dma_start3A_365] : memref<1280x32xf32, #tpu.memory_space<vmem>> -> memref<128x32xf32, #tpu.memory_space<vmem>>
      %dma_start3A_367 = arith.constant 0 : i32
      %dma_start3A_368 = tpu.memref_slice %arg8[%dma_start3A_364, %dma_start3A_367] : memref<20x128xi32, #tpu.memory_space<vmem>> -> memref<1x128xi32, #tpu.memory_space<vmem>>
      %dma_start3A_369 = tpu.memref_squeeze %dma_start3A_368 : memref<1x128xi32, #tpu.memory_space<vmem>> -> memref<128xi32, #tpu.memory_space<vmem>>
      %dma_start3A_370 = arith.constant 0 : i32
      %dma_start3A_371 = arith.constant 0 : i32
      %dma_start3A_372 = tpu.memref_slice %arg4[%add3A_61, %dma_start3A_370, %dma_start3A_371] : memref<1024x2500x32xf32, #tpu.memory_space<hbm>> -> memref<1x2500x32xf32, #tpu.memory_space<hbm>>
      %dma_start3A_373 = tpu.memref_squeeze %dma_start3A_372 : memref<1x2500x32xf32, #tpu.memory_space<hbm>> -> memref<2500x32xf32, #tpu.memory_space<hbm>>
      %dma_start3A_374 = arith.constant 0 : i32
      %dma_start3A_375 = arith.constant 0 : i32
      %dma_start3A_376 = tpu.memref_slice %dma_start3A_373[%dma_start3A_374, %dma_start3A_375] : memref<2500x32xf32, #tpu.memory_space<hbm>> -> memref<2500x32xf32, #tpu.memory_space<hbm>>
      tpu.enqueue_indirect_dma source(%dma_start3A_366 : memref<128x32xf32, #tpu.memory_space<vmem>>) target(%dma_start3A_376 : memref<2500x32xf32, #tpu.memory_space<hbm>>) offsets(%dma_start3A_369 : memref<128xi32, #tpu.memory_space<vmem>>) semaphore(%arg11 : memref<!tpu.dma_semaphore, #tpu.memory_space<semaphore_mem>>)
    }
    %dma_wait3A = arith.constant 0 : i32
    %dma_wait3A_43 = arith.constant 0 : i32
    %dma_wait3A_44 = arith.constant 0 : i32
    %dma_wait3A_45 = tpu.memref_slice %arg4[%dma_wait3A, %dma_wait3A_43, %dma_wait3A_44] : memref<1024x2500x32xf32, #tpu.memory_space<hbm>> -> memref<1x1280x32xf32, #tpu.memory_space<hbm>>
    %dma_wait3A_46 = tpu.memref_squeeze %dma_wait3A_45 : memref<1x1280x32xf32, #tpu.memory_space<hbm>> -> memref<1280x32xf32, #tpu.memory_space<hbm>>
    %dma_wait3A_47 = arith.constant 0 : i32
    %dma_wait3A_48 = tpu.memref_slice %arg4[%dma_wait3A, %dma_wait3A_43, %dma_wait3A_47] : memref<1024x2500x32xf32, #tpu.memory_space<hbm>> -> memref<1x1280x32xf32, #tpu.memory_space<hbm>>
    %dma_wait3A_49 = tpu.memref_squeeze %dma_wait3A_48 : memref<1x1280x32xf32, #tpu.memory_space<hbm>> -> memref<1280x32xf32, #tpu.memory_space<hbm>>
    tpu.wait_dma2 semaphore(%arg11 : memref<!tpu.dma_semaphore, #tpu.memory_space<semaphore_mem>>) src(%arg9 : memref<1280x32xf32, #tpu.memory_space<vmem>>) dst(%dma_wait3A_49 : memref<1280x32xf32, #tpu.memory_space<hbm>>)
    %dma_wait3A_50 = arith.constant 0 : i32
    %dma_wait3A_51 = arith.constant 0 : i32
    %dma_wait3A_52 = arith.constant 0 : i32
    %dma_wait3A_53 = tpu.memref_slice %arg4[%dma_wait3A_50, %dma_wait3A_51, %dma_wait3A_52] : memref<1024x2500x32xf32, #tpu.memory_space<hbm>> -> memref<1x1280x32xf32, #tpu.memory_space<hbm>>
    %dma_wait3A_54 = tpu.memref_squeeze %dma_wait3A_53 : memref<1x1280x32xf32, #tpu.memory_space<hbm>> -> memref<1280x32xf32, #tpu.memory_space<hbm>>
    %dma_wait3A_55 = arith.constant 0 : i32
    %dma_wait3A_56 = tpu.memref_slice %arg4[%dma_wait3A_50, %dma_wait3A_51, %dma_wait3A_55] : memref<1024x2500x32xf32, #tpu.memory_space<hbm>> -> memref<1x1280x32xf32, #tpu.memory_space<hbm>>
    %dma_wait3A_57 = tpu.memref_squeeze %dma_wait3A_56 : memref<1x1280x32xf32, #tpu.memory_space<hbm>> -> memref<1280x32xf32, #tpu.memory_space<hbm>>
    tpu.wait_dma2 semaphore(%arg11 : memref<!tpu.dma_semaphore, #tpu.memory_space<semaphore_mem>>) src(%arg10 : memref<1280x32xf32, #tpu.memory_space<vmem>>) dst(%dma_wait3A_57 : memref<1280x32xf32, #tpu.memory_space<hbm>>)
    return
  }
}

</mosaic_0001>

<sc_bundles>
// kernel: _run.3.cloned.1.call-start
scs
__scs_entry_jumppad:
0x0: {  	(pc) =	sbr.rel $0x88, $3  }
0x1: {  	(tag) =	ssettag $0x0;
	lr =	simm.s32 $0x1  }
0x2: {  	[smem:$0x3F9F] =	sst lr;
	_ =	strace $0xD0000000  }
0x3: {  	_ = 	snop  }
0x4: {  	_ = 	snop  }
0x5: {  	_ = 	snop  }
0x6: {  	_ = 	snop  }
0x7: {  	_ = 	snop  }
__scs_overlays_trampoline_lowered:
0x8: {  	[smem:$0x3FAE] =	sst s0  }
0x9: {  	[smem:$0x3FAF] =	sst s1  }
0xa: {  	[smem:$0x3FB0] =	sst s2  }
0xb: {  	[smem:$0x3FB1] =	sst s3  }
0xc: {  	[smem:$0x3FB2] =	sst s4  }
0xd: {  	[smem:$0x3FB3] =	sst s5  }
0xe: {  	[smem:$0x3FB4] =	sst s6  }
0xf: {  	[smem:$0x3FB5] =	sst s7  }
0x10: {  	[smem:$0x3FB6] =	sst s8  }
0x11: {  	[smem:$0x3FB7] =	sst s9;
	s0 =	simm.s32 @!p0 $0x0  }
0x12: {  	s1 =	sld [smem:$0x3F9D];
	s0 =	simm.s32 @p0 $0x1  }
0x13: {  	[smem:$0x3FB8] =	sst s0;
	s0 =	simm.s32 @!p1 $0x0  }
0x14: {  	s2 =	sld [smem:$0x3F9C];
	s0 =	simm.s32 @p1 $0x1  }
0x15: {  	[smem:$0x3FB9] =	sst s0;
	s0 =	simm.s32 @!p2 $0x0  }
0x16: {  	s3 =	sld [smem:$0x3FDB];
	s0 =	simm.s32 @p2 $0x1  }
0x17: {  	s4 =	simm.s32 $0x1BF5;
	[smem:$0x3FBB] =	sst s0  }
0x18: {  	s0 =	sld [smem:$0x3F9E];
	_ =	swait.ge [sflag:s4], $0x0  }
0x19: {  	s7 =	sld [smem:$0x3F9F]  }
0x1a: {  	s8 =	sadd.s32 $0xFFFFE003, lr  }
0x1b: {  	s9 =	sadd.s32 $0xFFFFFEF7, lr;
	s5 =	simm.s32 $0xFFFFFFFF;
	p2 =	slt.u32 s8, $0xFFFFF086  }
0x1c: {  	p1 =	slt.u32 s9, $0xF7A;
	s5 =	simm.s32 @!p2 $0x0  }
0x1d: {  	s5 =	simm.s32 @p1 $0x1;
	p0 =	seq.s32 s7, s2  }
0x1e: {  	s7 =	smul.u32 @!p0 $0xF7A, s2;
	p2 =	seq.s32 @!p0 s5, $0x0  }
0x1f: {  	s9 =	smul.u32 $0xF7A, s1;
	s8 =	simm.s32 @!p0 $0x1BF5;
	p2 =	por !p2, p0  }
0x20: {  	[sflag:s8] =	ssyncset.s32 @!p0 $0xFFFFF086;
	s6 =	sadd.s32 @!p0 s3, s7;
	s7 =	simm.s32 @!p0 $0x108  }
0x21: {  	s3 =	sadd.s32 s3, s9;
	s6 =	sadd.s32 @!p0 $0x88, s6;
	s7 =	simm.s32 @p2 $0x1082  }
0x22: {  	[simem:s7], [sflag:s8] =	dma.local @!p0 [hbm:s6], $0xF7A  }
0x23: {  	s9 =	sor.u32 $0xD0000000, s2;
	s6 =	simm.s32 $0x108;
	_ =	swait.ge @!p0 [sflag:s8], $0x0  }
0x24: {  	s3 =	sadd.s32 $0x88, s3;
	s6 =	simm.s32 @!p1 $0x1082;
	[sflag:s4] =	ssyncset.s32 $0xFFFFF086  }
0x25: {  	[simem:s6], [sflag:s4] =	dma.local [hbm:s3], $0xF7A  }
0x26: {  	[smem:$0x3F9F] =	sst s1;
	(tag) =	ssettag s2;
	_ =	strace s9  }
0x27: {  	s1 =	sld [smem:$0x3FAF]  }
0x28: {  	s2 =	sld [smem:$0x3FB0]  }
0x29: {  	s4 =	sld [smem:$0x3FB2]  }
0x2a: {  	p0 =	seq.s32 s5, $0x0;
	s5 =	sld [smem:$0x3FB3]  }
0x2b: {  	s6 =	sld [smem:$0x3FB4]  }
0x2c: {  	s7 =	sld [smem:$0x3FB5]  }
0x2d: {  	s3 =	simm.s32 $0x108;
	s8 =	sld [smem:$0x3FB6]  }
0x2e: {  	s3 =	simm.s32 @!p0 $0x1082;
	s9 =	sld [smem:$0x3FB7]  }
0x2f: {  	lr =	sadd.s32 s0, s3;
	s0 =	sld [smem:$0x3FAE]  }
0x30: {  	s3 =	sld [smem:$0x3FB1]  }
0x31: {  	[smem:$0x3FBA] =	sst s10  }
0x32: {  	s10 =	sld [smem:$0x3FB8];
	_ =	sdelay $0x3  }
0x33: {  	p0 =	seq.s32 s10, $0x1;
	s10 =	sld [smem:$0x3FBA];
	_ =	sdelay $0x3  }
0x34: {  	[smem:$0x3FBA] =	sst s10  }
0x35: {  	s10 =	sld [smem:$0x3FB9];
	_ =	sdelay $0x3  }
0x36: {  	p1 =	seq.s32 s10, $0x1;
	s10 =	sld [smem:$0x3FBA];
	_ =	sdelay $0x3  }
0x37: {  	[smem:$0x3FBA] =	sst s10  }
0x38: {  	s10 =	sld [smem:$0x3FBB]  }
0x39: {  	_ = 	snop;
	(pc) =	sbr.ind lr, $3  }
0x3a: {  	_ = 	snop  }
0x3b: {  	_ = 	snop  }
0x3c: {  	p2 =	seq.s32 s10, $0x1;
	s10 =	sld [smem:$0x3FBA]  }
0x3d: {  	_ =	shalt  }
0x3e: {  	_ =	shalt  }
0x3f: {  	_ =	shalt  }
0x40: {  	_ =	shalt  }
0x41: {  	_ =	shalt  }
0x42: {  	_ =	shalt  }
0x43: {  	_ =	shalt  }
0x44: {  	_ =	shalt  }
0x45: {  	_ =	shalt  }
0x46: {  	_ =	shalt  }
0x47: {  	_ =	shalt  }
0x48: {  	_ =	shalt  }
0x49: {  	_ =	shalt  }
0x4a: {  	_ =	shalt  }
0x4b: {  	_ =	shalt  }
0x4c: {  	_ =	shalt  }
0x4d: {  	_ =	shalt  }
0x4e: {  	_ =	shalt  }
0x4f: {  	_ =	shalt  }
0x50: {  	_ =	shalt  }
0x51: {  	_ =	shalt  }
0x52: {  	_ =	shalt  }
0x53: {  	_ =	shalt  }
0x54: {  	_ =	shalt  }
0x55: {  	_ =	shalt  }
0x56: {  	_ =	shalt  }
0x57: {  	_ =	shalt  }
0x58: {  	_ =	shalt  }
0x59: {  	_ =	shalt  }
0x5a: {  	_ =	shalt  }
0x5b: {  	_ =	shalt  }
0x5c: {  	_ =	shalt  }
0x5d: {  	_ =	shalt  }
0x5e: {  	_ =	shalt  }
0x5f: {  	_ =	shalt  }
0x60: {  	_ =	shalt  }
0x61: {  	_ =	shalt  }
0x62: {  	_ =	shalt  }
0x63: {  	_ =	shalt  }
0x64: {  	_ =	shalt  }
0x65: {  	_ =	shalt  }
0x66: {  	_ =	shalt  }
0x67: {  	_ =	shalt  }
0x68: {  	_ =	shalt  }
0x69: {  	_ =	shalt  }
0x6a: {  	_ =	shalt  }
0x6b: {  	_ =	shalt  }
0x6c: {  	_ =	shalt  }
0x6d: {  	_ =	shalt  }
0x6e: {  	_ =	shalt  }
0x6f: {  	_ =	shalt  }
0x70: {  	_ =	shalt  }
0x71: {  	_ =	shalt  }
0x72: {  	_ =	shalt  }
0x73: {  	_ =	shalt  }
0x74: {  	_ =	shalt  }
0x75: {  	_ =	shalt  }
0x76: {  	_ =	shalt  }
0x77: {  	_ =	shalt  }
0x78: {  	_ =	shalt  }
0x79: {  	_ =	shalt  }
0x7a: {  	_ =	shalt  }
0x7b: {  	_ =	shalt  }
0x7c: {  	_ =	shalt  }
0x7d: {  	_ =	shalt  }
0x7e: {  	_ =	shalt  }
0x7f: {  	_ =	shalt  }
0x80: {  	_ =	shalt  }
0x81: {  	_ =	shalt  }
0x82: {  	_ =	shalt  }
0x83: {  	_ =	shalt  }
0x84: {  	_ =	shalt  }
0x85: {  	_ =	shalt  }
0x86: {  	_ =	shalt  }
0x87: {  	_ =	shalt  }
.Lfunc_end0:
.L_simem_size_0:
called_computation.1_lowered:
.L_overlay_start_0:
0x88: {  	s2 =	sld [smem:$0x3FD9]  }
0x89: {  	s3 =	sld [smem:$0x3FFE];
	_ =	sdelay $0x1  }
0x8a: {  	s1 =	srdreg.scid  }
0x8b: {  	s0 =	sand.u32 $0x1, s1  }
0x8c: {  	s17 =	sshll.u32 s0, $0xA;
	s2 =	sadd.s32 s3, s2  }
0x8d: {  	s2 =	sadd.s32 s2, s17  }
0x8e: {  	[smem:$0x3FC6] =	sst s2  }
0x8f: {  	_ = 	snop  }
0x90: {  	s2 =	sld [smem:$0x3FD0];
	(tm) =	ssettm $0x1  }
0x91: {  	s18 =	sld [smem:$0x3FFB];
	_ =	sdelay $0x3  }
0x92: {  	_ =	strace s18  }
0x93: {  	s3 =	sld [smem:$0x3FFC];
	_ =	sdelay $0x3  }
0x94: {  	_ =	strace s3  }
0x95: {  	s3 =	sld [smem:$0x3FFD];
	_ =	sdelay $0x3  }
0x96: {  	_ =	strace s3  }
0x97: {  	_ =	strace $0x8FFFFFFF  }
0x98: {  	s19 =	sld [smem:$0x3FDB];
	_ =	sdelay $0x1  }
0x99: {  	s4 =	simm.s32 $_scs_section_size  }
0x9a: {  	s5 =	simm.s32 $_size__tile_overlayer_lowered;
	s6 =	simm.s32 $_tile_overlayer_lowered  }
0x9b: {  	s22 =	simm.s32 $0x1BFF;
	s21 =	sshll.u32 s6, $0x1;
	s3 =	sadd.s32 s4, s19  }
0x9c: {  	s7 =	simm.s32 $0x0;
	s20 =	sshll.u32 s5, $0x1;
	s5 =	sadd.s32 s21, s3  }
0x9d: {  	[timem:s7], [sflag:s22] =	dma.local [hbm:s5], s20  }
0x9e: {  	_ =	swait.ge [sflag:s22], s20  }
0x9f: {  	s4 =	ssub.s32 $0x0, s20;
	[sflag:s22] =	ssyncset.done $0x0  }
0xa0: {  	[sflag:s22] =	ssyncadd.s32 s4;
	_ =	sdelay $0x1  }
0xa1: {  	s23 =	simm.s32 $0x1B8B  }
0xa2: {  	_ =	swait.ge [sflag:s23], $0x1  }
0xa3: {  	[sflag:s23] =	ssyncset.done $0x0  }
0xa4: {  	s25 =	simm.s32 $0x1B8E;
	s24 =	sld [smem:$0x3FFE];
	[sflag:s23] =	ssyncadd.s32 $0xFFFFFFFF  }
0xa5: {  	s26 =	simm.s32 $execute0_lowered;
	[smem:$0x3FD2] =	sst s25  }
0xa6: {  	s5 =	sshll.u32 s26, $0x1;
	_ =	strace $0x80000046;
	[dreg:$0x1] =	wrdreg $0xFFFFFFFF  }
0xa7: {  	s28 =	simm.s32 $_size_execute0_lowered;
	s3 =	sadd.s32 s3, s5;
	[dreg:$0x0] =	wrdreg $0x0  }
0xa8: {  	s5 =	sshll.u32 s28, $0x1;
	[dreg:$0x2] =	wrdreg s3  }
0xa9: {  	[dreg:$0x3] =	wrdreg s5  }
0xaa: {  	[dreg:$0x4] =	wrdreg $0xC0  }
0xab: {  	_ =	task [dreg:s7], $0x5FFFF  }
0xac: {  	[dreg:$0x1] =	wrdreg $0xFFFFFFFF  }
0xad: {  	[dreg:$0x0] =	wrdreg $0x60  }
0xae: {  	[dreg:$0x2] =	wrdreg s24  }
0xaf: {  	[dreg:$0x3] =	wrdreg s2  }
0xb0: {  	[dreg:$0x4] =	wrdreg $0x9  }
0xb1: {  	_ =	task.clear_ibuf [dreg:s7], $0x5FFFF;
	_ =	strace $0x90000046  }
0xb2: {  	s29 =	simm.s32 $0x9;
	_ =	strace $0x80000048  }
0xb3: {  	_ =	swait.ge [sflag:s29], $0x1  }
0xb4: {  	[sflag:s29] =	ssyncadd.s32 $0xFFFFFFFF  }
0xb5: {  	_ =	strace $0x90000048  }
0xb6: {  	_ =	sfence  }
0xb7: {  	s30 =	sld [smem:$0x0];
	_ =	sdelay $0x2  }
0xb8: {  	s31 =	sshll.u32 s1, $0xD;
	s1 =	sshrl.u32 s1, $0x2  }
0xb9: {  	s3 =	sand.u32 $0x4000, s31;
	s1 =	sadd.s32 s1, s30  }
0xba: {  	s0 =	sor.u32 s3, s0;
	s1 =	sshll.u32 s1, $0x11  }
0xbb: {  	s0 =	sor.u32 s1, s0  }
0xbc: {  	s0 =	sadd.s32 $0x8F2B, s0  }
0xbd: {  	[sflag:s0] =	ssyncadd.remote.s32 $0x1  }
0xbe: {  	_ =	sfence.sel $0xFFFF  }
0xbf: {  	[dreg:$0x0] =	wrdreg $0xFFFFFFFF;
	(pc) =	sbr.abs _section_cstart, $3  }
0xc0: {  	[dreg:$0x1] =	wrdreg $0xFFFFFFFF  }
0xc1: {  	_ =	task.clear_ibuf [dreg:s7], $0x2FFFF;
	_ =	strace $0x9FFFFFFF  }
0xc2: {  	(tm) =	ssettm $0x7FFFFFFF  }
0xc3: {  	_ =	shalt  }
tec
execute0_lowered:
.L_overlay_start_1:
0x0: {  	(tag) =	ssettag $0x1  }
0x1: {  	s1 =	srdreg.scid  }
0x2: {  	s0 =	rddreg [dreg:$0x0];
	s2 =	stileid.u32;
	s1 =	sand.u32 $0x1, s1  }
0x3: {  	s3 =	simm.s32 $0x0;
	s2 =	sshll.u32 s2, $0x6;
	s4 =	sshll.u32 s1, $0x5  }
0x4: {  	[smem:$0x7FF] =	sst s3;
	s1 =	ssub.s32 $0x2, s1;
	s2 =	sor.u32 s4, s2  }
0x5: {  	s29 =	sshrl.u32 s1, $0x1;
	[dreg:$0x3] =	wrdreg s2;
	s2 =	sshll.u32 s2, $0x3  }
0x6: {  	s1 =	ssub.s32 s1, s29;
	s2 =	sadd.s32 s2, s0;
	s0 =	sadd.s32 $0x800, s0  }
0x7: {  	_ =	strace $0x80000047;
	s31 =	smax.u32 s1, $0x1;
	[dreg:$0x4] =	wrdreg s0  }
0x8: {  	s16 =	simm.s32 $0x80;
	s30 =	sadd.s32 $0xE00, s2;
	[dreg:$0x6] =	wrdreg s31  }
0x9: {  	v0 =	vlaneseq.u32;
	v1 =	vimm.s32 $0x0;
	s23 =	simm.s32 $0x0;
	s2 =	simm.s32 $0x0;
	[dreg:$0x5] =	wrdreg s30  }
.LBB2_1:
0xa: {  	[dreg:$0x7] =	wrdreg s2  }
0xb: {  	s0 =	rddreg [dreg:$0x4];
	s1 =	simm.s32 $0x1200;
	s26 =	simm.s32 $0x2  }
0xc: {  	[tilespmem:s1], [sflag:$0x2] =	stream.linear.gather [hbm4b:s0+s3], $0x2020, $0x38;
	[tilespmem:$0x17C20] =	vst v63  }
0xd: {  	_ =	swait.ge [sflag:s26], $0x2020  }
0xe: {  	[sflag:s26] =	ssyncset.done $0x0  }
0xf: {  	s28 =	rddreg [dreg:$0x5];
	[sflag:s26] =	ssyncadd.s32 $0xFFFFDFE0  }
0x10: {  	[tilespmem:s3], [sflag:$0x2] =	stream.linear.gather [hbm4b:s28+s3], $0x800, $0x38;
	[tilespmem:$0x17C20] =	vst v63  }
0x11: {  	v2 =	vor.u32 s3, v0;
	s29 =	sand.u32 $0x3E00, s3;
	s30 =	sand.u32 $0x70, s3;
	_ =	swait.ge [sflag:s26], $0x800  }
0x12: {  	vm0 =	vlt.s32 v2, $0x9C3;
	s31 =	sshrl.u32 s29, $0x2;
	s0 =	simm.s32 $0x40;
	[sflag:s26] =	ssyncset.done $0x0  }
0x13: {  	s1 =	simm.s32 $0x0;
	v2 =	vnsel vm0, $0x9C3, v2;
	s2 =	sor.u32 s30, s31;
	[sflag:s26] =	ssyncadd.s32 $0xFFFFF800  }
.LBB2_2:
0x14: {  	p0 =	sne.s32 s0, $0x27C0  }
0x15: {  	[tilespmem:s2+$0x3220] =	vst v2;
	s1 =	sadd.s32 $0x10, s1;
	s2 =	smov.u32 s0;
	s0 =	sadd.s32 $0x40, s0  }
.Ltmp0:
0x16: {  	(pc) =	sbr.rel @p0 .LBB2_2-.Ltmp0, $4  }
0x17: {  	_ = 	snop  }
0x18: {  	v2 =	vor.u32 s1, v0;
	s2 =	sand.u32 $0x3E00, s2  }
0x19: {  	s4 =	sand.u32 $0x70, s1;
	vm0 =	vlt.s32 v2, $0x9C3;
	s2 =	sshrl.u32 s2, $0x2  }
0x1a: {  	v2 =	vnsel vm0, $0x9C3, v2;
	s2 =	sor.u32 s4, s2  }
0x1b: {  	[tilespmem:s2+$0x3220] =	vst v2;
	s7 =	simm.s32 $0x0  }
.LBB2_4:
0x1c: {  	v4 =	vor.u32 s23, v0  }
0x1d: {  	vm0 =	vlt.s32 v4, $0x9C3  }
0x1e: {  	v2 =	vnsel vm0, $0x9C3, v4  }
0x1f: {  	v3 =	vmulhi.u32 $0x51EB851F, v2;
	_ =	sdelay $0x1  }
0x20: {  	s0 =	simm.s32 $0x10;
	v3 =	vshrl.u32 v3, $0x4  }
0x21: {  	v7 =	vor.u32 s0, v0;
	v5 =	vmul.u32 $0xFFFFFFCE, v3  }
0x22: {  	s1 =	sshll.u32 s7, $0x6;
	vm0 =	vlt.s32 v7, $0x9C3  }
0x23: {  	v8 =	vand.u32 $0x78, v3;
	v5 =	vadd.s32 v2, v5;
	v2 =	vmov s1  }
0x24: {  	v3 =	vand.u32 $0x7, v3;
	v6 =	vand.u32 $0xFFFFFFF8, v5;
	v8 =	vadd.s32 v2, v8  }
0x25: {  	v5 =	vand.u32 $0x7, v5;
	v6 =	vadd.s32 v2, v6;
	v3 =	vor.u32 v3, v8  }
0x26: {  	v5 =	vor.u32 v5, v6;
	v6 =	vnsel vm0, $0x9C3, v7  }
0x27: {  	v8 =	vmulhi.u32 $0x51EB851F, v6;
	_ =	sdelay $0x1  }
0x28: {  	v8 =	vshrl.u32 v8, $0x4  }
0x29: {  	v9 =	vmul.u32 $0xFFFFFFCE, v8;
	v10 =	vld.idx.msk [tilespmem:v3+s3+$0x0], $0xffff  }
0x2a: {  	v5 =	vld.idx.msk [tilespmem:v5+s3+$0x0], $0xffff  }
0x2b: {  	s30 =	simm.s32 $0x20;
	vm1 =	vlt.u32 v4, $0x9C4;
	v6 =	vadd.s32 v6, v9  }
0x2c: {  	v3 =	vor.u32 s30, v0;
	v4 =	vand.u32 $0x78, v8;
	v9 =	vand.u32 $0xFFFFFFF8, v6  }
0x2d: {  	v8 =	vand.u32 $0x7, v8;
	v6 =	vand.u32 $0x7, v6;
	v9 =	vadd.s32 v2, v9  }
0x2e: {  	vm0 =	vlt.s32 v3, $0x9C3;
	v4 =	vadd.s32 v2, v4;
	v6 =	vor.u32 v6, v9  }
0x2f: {  	v11 =	vnsel vm0, $0x9C3, v3;
	v13 =	vor.u32 v8, v4;
	v9 =	vsub.s32 v10, v5  }
0x30: {  	v12 =	vmulhi.u32 $0x51EB851F, v11;
	vm0 =	vne.s32 v10, v5;
	v4 =	vsub.s32 $0x0, v9  }
0x31: {  	s0 =	simm.s32 $0x800;
	vm0 =	vmand vm1, vm0;
	v4 =	vmin.u32 v9, v4  }
0x32: {  	v8 =	vshrl.u32 v12, $0x4;
	v5 =	vimm.s32 $0x7FFFFFFF;
	v9 =	vnsel vm0, $0x7FFFFFFF, v4;
	[tilespmem:s0+$0x0] =	vst v4  }
0x33: {  	v10 =	vmul.u32 $0xFFFFFFCE, v8;
	vm0 =	vlt.s32 v5, v9;
	v6 =	vld.idx.msk [tilespmem:v6+s3+$0x0], $0xffff  }
0x34: {  	v5 =	vsel vm0, v5, v9;
	vm0 =	vlt.u32 v7, $0x9C4;
	v7 =	vld.idx.msk [tilespmem:v13+s3+$0x0], $0xffff  }
0x35: {  	s31 =	simm.s32 $0x30;
	v10 =	vadd.s32 v11, v10  }
0x36: {  	v4 =	vor.u32 s31, v0;
	v11 =	vand.u32 $0xFFFFFFF8, v10;
	v10 =	vand.u32 $0x7, v10  }
0x37: {  	s1 =	simm.s32 $0x40;
	vm1 =	vlt.s32 v4, $0x9C3;
	v11 =	vadd.s32 v2, v11;
	v9 =	vand.u32 $0x78, v8  }
.LBB2_5:
0x38: {  	p0 =	sne.s32 s1, $0x9F0;
	v8 =	vand.u32 $0x7, v8;
	v9 =	vadd.s32 v2, v9;
	v10 =	vor.u32 v10, v11  }
0x39: {  	vm2 =	vne.s32 v7, v6;
	v9 =	vor.u32 v8, v9;
	v8 =	vsub.s32 v7, v6  }
0x3a: {  	v11 =	vnsel vm1, $0x9C3, v4;
	vm0 =	vmand vm0, vm2;
	v6 =	vsub.s32 $0x0, v8  }
0x3b: {  	s0 =	sadd.s32 $0x10, s0;
	v7 =	vmulhi.u32 $0x51EB851F, v11;
	v6 =	vmin.u32 v8, v6  }
0x3c: {  	v12 =	vnsel vm0, $0x7FFFFFFF, v6;
	[tilespmem:s0+$0x0] =	vst v6  }
0x3d: {  	v8 =	vshrl.u32 v7, $0x4;
	v6 =	vld.idx.msk [tilespmem:v10+s3+$0x0], $0xffff;
	vm0 =	vlt.s32 v5, v12  }
.Ltmp1:
0x3e: {  	v10 =	vmul.u32 $0xFFFFFFCE, v8;
	v7 =	vld.idx.msk [tilespmem:v9+s3+$0x0], $0xffff;
	v5 =	vsel vm0, v5, v12;
	(pc) =	sbr.rel @p0 .LBB2_5-.Ltmp1, $4  }
0x3f: {  	_ = 	snop  }
0x40: {  	v9 =	vor.u32 s1, v0;
	v10 =	vadd.s32 v11, v10  }
0x41: {  	vm0 =	vlt.u32 v3, $0x9C4;
	v3 =	vmovc v4;
	vm1 =	vlt.s32 v9, $0x9C3;
	v4 =	vmovc v9;
	v11 =	vand.u32 $0xFFFFFFF8, v10  }
0x42: {  	s1 =	sadd.s32 $0x10, s1;
	v9 =	vand.u32 $0x78, v8;
	v10 =	vand.u32 $0x7, v10;
	v11 =	vadd.s32 v2, v11  }
0x43: {  	v8 =	vand.u32 $0x7, v8;
	v9 =	vadd.s32 v2, v9;
	v10 =	vor.u32 v10, v11  }
0x44: {  	v11 =	vnsel vm1, $0x9C3, v4;
	v8 =	vor.u32 v8, v9;
	v9 =	vsub.s32 v7, v6  }
0x45: {  	v13 =	vmulhi.u32 $0x51EB851F, v11;
	v12 =	vsub.s32 $0x0, v9  }
0x46: {  	s0 =	sadd.s32 $0x10, s0;
	v9 =	vmin.u32 v9, v12  }
0x47: {  	v12 =	vshrl.u32 v13, $0x4;
	[tilespmem:s0+$0x0] =	vst v9  }
0x48: {  	v13 =	vmul.u32 $0xFFFFFFCE, v12;
	v10 =	vld.idx.msk [tilespmem:v10+s3+$0x0], $0xffff  }
0x49: {  	v8 =	vld.idx.msk [tilespmem:v8+s3+$0x0], $0xffff  }
0x4a: {  	v11 =	vadd.s32 v11, v13  }
0x4b: {  	v13 =	vand.u32 $0xFFFFFFF8, v11  }
0x4c: {  	v14 =	vand.u32 $0x78, v12;
	v11 =	vand.u32 $0x7, v11;
	v13 =	vadd.s32 v2, v13  }
0x4d: {  	v12 =	vand.u32 $0x7, v12;
	v2 =	vadd.s32 v2, v14;
	v11 =	vor.u32 v11, v13  }
0x4e: {  	v2 =	vor.u32 v12, v2;
	v12 =	vsub.s32 v8, v10  }
0x4f: {  	v13 =	vsub.s32 $0x0, v12  }
0x50: {  	s0 =	sadd.s32 $0x10, s0;
	v12 =	vmin.u32 v12, v13  }
0x51: {  	[tilespmem:s0+$0x0] =	vst v12  }
0x52: {  	v11 =	vld.idx.msk [tilespmem:v11+s3+$0x0], $0xffff  }
0x53: {  	v2 =	vld.idx.msk [tilespmem:v2+s3+$0x0], $0xffff  }
0x54: {  	vm7 =	vne.s32 v7, v6  }
0x55: {  	vm0 =	vmand vm0, vm7  }
0x56: {  	vm8 =	vlt.u32 v3, $0x9C4;
	v6 =	vnsel vm0, $0x7FFFFFFF, v9  }
0x57: {  	vm10 =	vlt.u32 v4, $0x9C4;
	vm2 =	vlt.s32 v5, v6;
	vm9 =	vne.s32 v8, v10  }
0x58: {  	v3 =	vsel vm2, v5, v6;
	vm0 =	vmand vm8, vm9;
	v6 =	vsub.s32 v2, v11  }
0x59: {  	v5 =	vnsel vm0, $0x7FFFFFFF, v12;
	vm11 =	vne.s32 v2, v11;
	v2 =	vsub.s32 $0x0, v6  }
0x5a: {  	vm2 =	vlt.s32 v3, v5;
	vm0 =	vmand vm10, vm11;
	v4 =	vmin.u32 v6, v2  }
0x5b: {  	v2 =	vsel vm2, v3, v5;
	v3 =	vnsel vm0, $0x7FFFFFFF, v4  }
0x5c: {  	vm0 =	vlt.s32 v2, v3  }
0x5d: {  	v2 =	vsel vm0, v2, v3  }
0x5e: {  	v2 =	vxor.u32 $0x80000000, v2  }
0x5f: {  	(xrf0) =	vmin.scan.msk.u32 $0xffff, v2;
	_ =	sdelay $0x5  }
0x60: {  	v2, _, _ =	vpop (xrf0)  }
0x61: {  	(v2sf) =	vpush v2, $0xF;
	_ =	sdelay $0xe  }
0x62: {  	s1 =	spop (v2sf)  }
0x63: {  	s1 =	sxor.u32 $0x80000000, s1  }
0x64: {  	v2 =	vmov s1  }
0x65: {  	v3 =	vcvt.s32.f32 v2;
	_ =	sdelay $0x1  }
0x66: {  	(erf) = vrcp.f32 v3;
	_ =	sdelay $0x7  }
0x67: {  	p0 =	seq.s32 s7, $0x0;
	s0 =	sadd.s32 $0x10, s0  }
0x68: {  	[tilespmem:s0+$0x0] =	vst v4;
	s0 =	simm.s32 @!p0 $0x1;
	v3 =	vpop (erf)  }
0x69: {  	_ =	swait.ge @!p0 [sflag:s0], $0xA000  }
0x6a: {  	[sflag:s0] =	ssyncset.done @!p0 $0x0  }
0x6b: {  	s24 =	simm.s32 $0x0;
	[sflag:s0] =	ssyncadd.s32 @!p0 $0xFFFF6000  }
0x6c: {  	v4 =	vld [tilespmem:s24+$0x800];
	_ =	sdelay $0x4  }
0x6d: {  	v5 =	vcvt.s32.f32 v4;
	_ =	sdelay $0x1  }
0x6e: {  	v5 =	vmul.f32 v5, v3;
	_ =	sdelay $0x1  }
0x6f: {  	v5 =	vtrunc.f32 v5  }
0x70: {  	v5 =	vcvt.f32.s32 v5;
	_ =	sdelay $0x1  }
0x71: {  	vm12 =	vlt.s32 v5, $0x101  }
0x72: {  	v5 =	vnsel vm12, $0x101, v5  }
0x73: {  	v6 =	vadd.s32 $0x1, v5  }
0x74: {  	v6 =	vmul.u32 v2, v6;
	_ =	sdelay $0x1  }
0x75: {  	vm13 =	vle.s32 v6, v4  }
0x76: {  	v6 =	vsel vm13, $0x1, v1  }
0x77: {  	v5 =	vadd.s32 v6, v5  }
0x78: {  	v6 =	vmul.u32 v2, v5;
	_ =	sdelay $0x1  }
0x79: {  	vm14 =	vgt.s32 v6, v4  }
0x7a: {  	v4 =	vsel vm14, $0xFFFFFFFF, v1  }
0x7b: {  	v4 =	vadd.s32 v4, v5  }
0x7c: {  	vm15 =	vlt.s32 v4, $0x100  }
0x7d: {  	v4 =	vnsel vm15, $0x100, v4  }
0x7e: {  	v4 =	vshll.u32 v4, $0x7  }
0x7f: {  	v9 =	vshra.s32 v4, $0x2  }
0x80: {  	(v2sf) =	vpush v9, $0x0;
	_ =	sdelay $0x2  }
0x81: {  	s25 =	simm.s32 $0x10  }
0x82: {  	v4 =	vld [tilespmem:s25+$0x800];
	_ =	sdelay $0x4  }
0x83: {  	v5 =	vcvt.s32.f32 v4;
	_ =	sdelay $0x1  }
0x84: {  	v5 =	vmul.f32 v5, v3  }
0x85: {  	(v2sf) =	vpush v9, $0x1  }
0x86: {  	v5 =	vtrunc.f32 v5  }
0x87: {  	v5 =	vcvt.f32.s32 v5  }
0x88: {  	s26 =	spop (v2sf)  }
0x89: {  	vm4 =	vlt.s32 v5, $0x101;
	v6 =	vld [tilespmem:s26+$0x1200]  }
0x8a: {  	v5 =	vnsel vm4, $0x101, v5  }
0x8b: {  	v7 =	vadd.s32 $0x1, v5  }
0x8c: {  	v7 =	vmul.u32 v2, v7  }
0x8d: {  	s0 =	simm.s32 $0x3D20  }
0x8e: {  	vm5 =	vle.s32 v7, v4;
	[tilespmem:s0+$0xFFFFFF00] =	vst v6  }
0x8f: {  	v6 =	vsel vm5, $0x1, v1;
	v7 =	vld [tilespmem:s26+$0x1210]  }
0x90: {  	v5 =	vadd.s32 v6, v5  }
0x91: {  	(v2sf) =	vpush v9, $0x2;
	v6 =	vmul.u32 v2, v5;
	_ =	sdelay $0x1  }
0x92: {  	vm6 =	vgt.s32 v6, v4  }
0x93: {  	s2 =	spop (v2sf);
	v4 =	vsel vm6, $0xFFFFFFFF, v1;
	[tilespmem:s0+$0xFFFFFF10] =	vst v7  }
0x94: {  	v4 =	vadd.s32 v4, v5;
	v5 =	vld [tilespmem:s2+$0x1200]  }
0x95: {  	vm7 =	vlt.s32 v4, $0x100  }
0x96: {  	v4 =	vnsel vm7, $0x100, v4  }
0x97: {  	v4 =	vshll.u32 v4, $0x7  }
0x98: {  	v8 =	vshra.s32 v4, $0x2  }
0x99: {  	(v2sf) =	vpush v8, $0x0;
	[tilespmem:s0+$0xFFFFFF20] =	vst v5  }
0x9a: {  	v4 =	vld [tilespmem:s2+$0x1210]  }
0x9b: {  	s4 =	simm.s32 $0x20  }
0x9c: {  	v5 =	vld [tilespmem:s4+$0x800];
	(v2sf) =	vpush v9, $0x3;
	_ =	sdelay $0x2  }
0x9d: {  	s5 =	spop (v2sf);
	[tilespmem:s0+$0xFFFFFF30] =	vst v4  }
0x9e: {  	v4 =	vld [tilespmem:s5+$0x1200]  }
0x9f: {  	v6 =	vcvt.s32.f32 v5;
	_ =	sdelay $0x1  }
0xa0: {  	v6 =	vmul.f32 v6, v3;
	_ =	sdelay $0x1  }
0xa1: {  	(v2sf) =	vpush v8, $0x1;
	[tilespmem:s0+$0xFFFFFF40] =	vst v4;
	v4 =	vtrunc.f32 v6  }
0xa2: {  	v6 =	vld [tilespmem:s5+$0x1210];
	v4 =	vcvt.f32.s32 v4;
	_ =	sdelay $0x1  }
0xa3: {  	(v2sf) =	vpush v9, $0x4;
	s6 =	spop (v2sf);
	vm8 =	vlt.s32 v4, $0x101  }
0xa4: {  	v7 =	vld [tilespmem:s6+$0x1200];
	v4 =	vnsel vm8, $0x101, v4  }
0xa5: {  	v10 =	vadd.s32 $0x1, v4  }
0xa6: {  	s2 =	spop (v2sf);
	[tilespmem:s0+$0xFFFFFF50] =	vst v6;
	v6 =	vmul.u32 v2, v10  }
0xa7: {  	v10 =	vld [tilespmem:s2+$0x1200]  }
0xa8: {  	s28 =	simm.s32 $0x3F20;
	vm9 =	vle.s32 v6, v5  }
0xa9: {  	[tilespmem:s28+$0xFFFFFF00] =	vst v7;
	v6 =	vsel vm9, $0x1, v1  }
0xaa: {  	v7 =	vld [tilespmem:s6+$0x1210];
	v4 =	vadd.s32 v6, v4  }
0xab: {  	v6 =	vmul.u32 v2, v4  }
0xac: {  	(v2sf) =	vpush v8, $0x2;
	[tilespmem:s0+$0xFFFFFF60] =	vst v10  }
0xad: {  	v10 =	vld [tilespmem:s2+$0x1210];
	vm10 =	vgt.s32 v6, v5  }
0xae: {  	v5 =	vsel vm10, $0xFFFFFFFF, v1  }
0xaf: {  	(v2sf) =	vpush v9, $0x5;
	s8 =	spop (v2sf);
	[tilespmem:s28+$0xFFFFFF10] =	vst v7;
	v4 =	vadd.s32 v5, v4  }
0xb0: {  	v5 =	vld [tilespmem:s8+$0x1200];
	vm11 =	vlt.s32 v4, $0x100  }
0xb1: {  	v4 =	vnsel vm11, $0x100, v4  }
0xb2: {  	s9 =	spop (v2sf);
	[tilespmem:s0+$0xFFFFFF70] =	vst v10;
	v4 =	vshll.u32 v4, $0x7  }
0xb3: {  	v7 =	vld [tilespmem:s9+$0x1200];
	v6 =	vshra.s32 v4, $0x2  }
0xb4: {  	(v2sf) =	vpush v6, $0x0  }
0xb5: {  	[tilespmem:s28+$0xFFFFFF20] =	vst v5  }
0xb6: {  	v4 =	vld [tilespmem:s8+$0x1210]  }
0xb7: {  	s10 =	simm.s32 $0x30  }
0xb8: {  	v5 =	vld [tilespmem:s10+$0x800];
	[tilespmem:s0+$0xFFFFFF80] =	vst v7  }
0xb9: {  	(v2sf) =	vpush v8, $0x3;
	v7 =	vld [tilespmem:s9+$0x1210];
	_ =	sdelay $0x1  }
0xba: {  	s11 =	spop (v2sf);
	(v2sf) =	vpush v9, $0x6;
	[tilespmem:s28+$0xFFFFFF30] =	vst v4  }
0xbb: {  	v4 =	vld [tilespmem:s11+$0x1200]  }
0xbc: {  	v10 =	vcvt.s32.f32 v5  }
0xbd: {  	s12 =	spop (v2sf);
	[tilespmem:s0+$0xFFFFFF90] =	vst v7  }
0xbe: {  	v7 =	vmul.f32 v10, v3;
	v10 =	vld [tilespmem:s12+$0x1200]  }
0xbf: {  	(v2sf) =	vpush v6, $0x1  }
0xc0: {  	[tilespmem:s28+$0xFFFFFF40] =	vst v4;
	v4 =	vtrunc.f32 v7  }
0xc1: {  	v7 =	vld [tilespmem:s11+$0x1210];
	v4 =	vcvt.f32.s32 v4  }
0xc2: {  	s13 =	spop (v2sf)  }
0xc3: {  	vm12 =	vlt.s32 v4, $0x101;
	v11 =	vld [tilespmem:s13+$0x1200];
	[tilespmem:s0+$0xFFFFFFA0] =	vst v10  }
0xc4: {  	(v2sf) =	vpush v8, $0x4;
	v4 =	vnsel vm12, $0x101, v4;
	v10 =	vld [tilespmem:s12+$0x1210]  }
0xc5: {  	v12 =	vadd.s32 $0x1, v4  }
0xc6: {  	(v2sf) =	vpush v9, $0x7;
	[tilespmem:s28+$0xFFFFFF50] =	vst v7;
	v7 =	vmul.u32 v2, v12  }
0xc7: {  	s25 =	simm.s32 $0x4120;
	s14 =	spop (v2sf)  }
0xc8: {  	v12 =	vld [tilespmem:s14+$0x1200];
	vm13 =	vle.s32 v7, v5;
	[tilespmem:s25+$0xFFFFFF00] =	vst v11  }
0xc9: {  	s15 =	spop (v2sf);
	v7 =	vsel vm13, $0x1, v1;
	v11 =	vld [tilespmem:s13+$0x1210];
	[tilespmem:s0+$0xFFFFFFB0] =	vst v10  }
0xca: {  	v4 =	vadd.s32 v7, v4;
	v7 =	vld [tilespmem:s15+$0x1200]  }
0xcb: {  	(v2sf) =	vpush v6, $0x2;
	v10 =	vmul.u32 v2, v4;
	_ =	sdelay $0x1  }
0xcc: {  	[tilespmem:s28+$0xFFFFFF60] =	vst v12;
	vm14 =	vgt.s32 v10, v5  }
0xcd: {  	s17 =	spop (v2sf);
	v12 =	vld [tilespmem:s14+$0x1210];
	v5 =	vsel vm14, $0xFFFFFFFF, v1;
	[tilespmem:s25+$0xFFFFFF10] =	vst v11  }
0xce: {  	(v2sf) =	vpush v8, $0x5;
	v4 =	vadd.s32 v5, v4;
	v5 =	vld [tilespmem:s17+$0x1200];
	[tilespmem:s0+$0xFFFFFFC0] =	vst v7  }
0xcf: {  	vm15 =	vlt.s32 v4, $0x100;
	v7 =	vld [tilespmem:s15+$0x1210]  }
0xd0: {  	v4 =	vnsel vm15, $0x100, v4  }
0xd1: {  	(v2sf) =	vpush v9, $0x8;
	v4 =	vshll.u32 v4, $0x7  }
0xd2: {  	s18 =	spop (v2sf);
	[tilespmem:s28+$0xFFFFFF70] =	vst v12;
	v4 =	vshra.s32 v4, $0x2  }
0xd3: {  	v10 =	vld [tilespmem:s18+$0x1200];
	(v2sf) =	vpush v4, $0x0;
	[tilespmem:s25+$0xFFFFFF20] =	vst v5  }
0xd4: {  	s19 =	spop (v2sf);
	v5 =	vld [tilespmem:s17+$0x1210];
	[tilespmem:s0+$0xFFFFFFD0] =	vst v7  }
0xd5: {  	v7 =	vld [tilespmem:s19+$0x1200]  }
0xd6: {  	s4 =	simm.s32 $0x40;
	(v2sf) =	vpush v6, $0x3  }
0xd7: {  	v11 =	vld [tilespmem:s4+$0x800]  }
0xd8: {  	[tilespmem:s28+$0xFFFFFF80] =	vst v10  }
0xd9: {  	s20 =	spop (v2sf);
	v10 =	vld [tilespmem:s18+$0x1210];
	[tilespmem:s25+$0xFFFFFF30] =	vst v5  }
0xda: {  	v5 =	vld [tilespmem:s20+$0x1200];
	[tilespmem:s0+$0xFFFFFFE0] =	vst v7  }
0xdb: {  	(v2sf) =	vpush v8, $0x6;
	v7 =	vld [tilespmem:s19+$0x1210]  }
0xdc: {  	v12 =	vcvt.s32.f32 v11  }
0xdd: {  	s21 =	spop (v2sf);
	(v2sf) =	vpush v9, $0x9  }
0xde: {  	[tilespmem:s28+$0xFFFFFF90] =	vst v10;
	v10 =	vmul.f32 v12, v3  }
0xdf: {  	(v2sf) =	vpush v4, $0x1;
	v12 =	vld [tilespmem:s21+$0x1200];
	[tilespmem:s25+$0xFFFFFF40] =	vst v5  }
0xe0: {  	s22 =	spop (v2sf);
	v5 =	vtrunc.f32 v10;
	v10 =	vld [tilespmem:s20+$0x1210];
	[tilespmem:s0+$0xFFFFFFF0] =	vst v7  }
0xe1: {  	v5 =	vcvt.f32.s32 v5;
	v7 =	vld [tilespmem:s22+$0x1200]  }
0xe2: {  	(v2sf) =	vpush v6, $0x4;
	s24 =	spop (v2sf)  }
0xe3: {  	vm4 =	vlt.s32 v5, $0x101;
	v13 =	vld [tilespmem:s24+$0x1200]  }
0xe4: {  	[tilespmem:s28+$0xFFFFFFA0] =	vst v12;
	v5 =	vnsel vm4, $0x101, v5  }
0xe5: {  	s26 =	spop (v2sf);
	v12 =	vld [tilespmem:s21+$0x1210];
	v14 =	vadd.s32 $0x1, v5;
	[tilespmem:s25+$0xFFFFFF50] =	vst v10  }
0xe6: {  	v10 =	vmul.u32 v2, v14;
	v14 =	vld [tilespmem:s26+$0x1200];
	[tilespmem:s0+$0x0] =	vst v7  }
0xe7: {  	s29 =	simm.s32 $0x4320;
	(v2sf) =	vpush v8, $0x7;
	v7 =	vld [tilespmem:s22+$0x1210]  }
0xe8: {  	vm5 =	vle.s32 v10, v11;
	[tilespmem:s29+$0xFFFFFF00] =	vst v13  }
0xe9: {  	(v2sf) =	vpush v9, $0xA;
	v10 =	vsel vm5, $0x1, v1;
	v13 =	vld [tilespmem:s24+$0x1210]  }
0xea: {  	s4 =	spop (v2sf);
	[tilespmem:s28+$0xFFFFFFB0] =	vst v12;
	v5 =	vadd.s32 v10, v5  }
0xeb: {  	(v2sf) =	vpush v4, $0x2;
	v10 =	vld [tilespmem:s4+$0x1200];
	v12 =	vmul.u32 v2, v5;
	[tilespmem:s25+$0xFFFFFF60] =	vst v14  }
0xec: {  	s5 =	spop (v2sf);
	v14 =	vld [tilespmem:s26+$0x1210];
	[tilespmem:s0+$0x10] =	vst v7  }
0xed: {  	vm6 =	vgt.s32 v12, v11;
	v7 =	vld [tilespmem:s5+$0x1200]  }
0xee: {  	s6 =	spop (v2sf);
	v11 =	vsel vm6, $0xFFFFFFFF, v1;
	[tilespmem:s29+$0xFFFFFF10] =	vst v13  }
0xef: {  	(v2sf) =	vpush v6, $0x5;
	v5 =	vadd.s32 v11, v5;
	v11 =	vld [tilespmem:s6+$0x1200]  }
0xf0: {  	[tilespmem:s28+$0xFFFFFFC0] =	vst v10  }
0xf1: {  	s8 =	spop (v2sf);
	vm7 =	vlt.s32 v5, $0x100;
	v10 =	vld [tilespmem:s4+$0x1210];
	[tilespmem:s25+$0xFFFFFF70] =	vst v14  }
0xf2: {  	v5 =	vnsel vm7, $0x100, v5;
	v12 =	vld [tilespmem:s8+$0x1200];
	[tilespmem:s0+$0x20] =	vst v7  }
0xf3: {  	v5 =	vshll.u32 v5, $0x7;
	v7 =	vld [tilespmem:s5+$0x1210]  }
0xf4: {  	(v2sf) =	vpush v8, $0x8;
	v5 =	vshra.s32 v5, $0x2;
	[tilespmem:s29+$0xFFFFFF20] =	vst v11  }
0xf5: {  	s10 =	simm.s32 $0x50;
	(v2sf) =	vpush v5, $0x0;
	v11 =	vld [tilespmem:s6+$0x1210]  }
0xf6: {  	v13 =	vld [tilespmem:s10+$0x800];
	s9 =	spop (v2sf);
	[tilespmem:s28+$0xFFFFFFD0] =	vst v10  }
0xf7: {  	(v2sf) =	vpush v9, $0xB;
	v10 =	vld [tilespmem:s9+$0x1200];
	[tilespmem:s25+$0xFFFFFF80] =	vst v12  }
0xf8: {  	s11 =	spop (v2sf);
	v12 =	vld [tilespmem:s8+$0x1210];
	[tilespmem:s0+$0x30] =	vst v7  }
0xf9: {  	(v2sf) =	vpush v4, $0x3;
	v7 =	vld [tilespmem:s11+$0x1200]  }
0xfa: {  	s12 =	spop (v2sf);
	[tilespmem:s29+$0xFFFFFF30] =	vst v11  }
0xfb: {  	v11 =	vld [tilespmem:s12+$0x1200]  }
0xfc: {  	v14 =	vcvt.s32.f32 v13;
	(v2sf) =	vpush v6, $0x6;
	[tilespmem:s28+$0xFFFFFFE0] =	vst v10  }
0xfd: {  	[tilespmem:s25+$0xFFFFFF90] =	vst v12  }
0xfe: {  	s13 =	spop (v2sf);
	v10 =	vld [tilespmem:s9+$0x1210];
	[tilespmem:s0+$0x40] =	vst v7;
	v7 =	vmul.f32 v14, v3  }
0xff: {  	v12 =	vld [tilespmem:s13+$0x1200]  }
0x100: {  	(v2sf) =	vpush v8, $0x9;
	v14 =	vld [tilespmem:s11+$0x1210];
	[tilespmem:s29+$0xFFFFFF40] =	vst v11;
	v7 =	vtrunc.f32 v7  }
0x101: {  	(v2sf) =	vpush v5, $0x1;
	v11 =	vld [tilespmem:s12+$0x1210];
	v7 =	vcvt.f32.s32 v7;
	_ =	sdelay $0x1  }
0x102: {  	s14 =	spop (v2sf);
	(v2sf) =	vpush v9, $0xC;
	[tilespmem:s28+$0xFFFFFFF0] =	vst v10;
	vm8 =	vlt.s32 v7, $0x101  }
0x103: {  	v10 =	vld [tilespmem:s14+$0x1200];
	s15 =	spop (v2sf);
	[tilespmem:s25+$0xFFFFFFA0] =	vst v12;
	v7 =	vnsel vm8, $0x101, v7  }
0x104: {  	(v2sf) =	vpush v4, $0x4;
	v15 =	vld [tilespmem:s15+$0x1200];
	[tilespmem:s0+$0x50] =	vst v14;
	v14 =	vadd.s32 $0x1, v7  }
0x105: {  	s17 =	spop (v2sf);
	v12 =	vld [tilespmem:s13+$0x1210];
	[tilespmem:s29+$0xFFFFFF50] =	vst v11;
	v11 =	vmul.u32 v2, v14  }
0x106: {  	v16 =	vld [tilespmem:s17+$0x1200]  }
0x107: {  	(v2sf) =	vpush v6, $0x7;
	s5 =	spop (v2sf);
	vm9 =	vle.s32 v11, v13  }
0x108: {  	s26 =	simm.s32 $0x4520;
	v14 =	vld [tilespmem:s5+$0x1200];
	[tilespmem:s28+$0x0] =	vst v10;
	v11 =	vsel vm9, $0x1, v1  }
0x109: {  	v10 =	vld [tilespmem:s14+$0x1210];
	[tilespmem:s26+$0xFFFFFF00] =	vst v15;
	v7 =	vadd.s32 v11, v7  }
0x10a: {  	s18 =	spop (v2sf);
	v15 =	vld [tilespmem:s15+$0x1210];
	[tilespmem:s25+$0xFFFFFFB0] =	vst v12;
	v12 =	vmul.u32 v2, v7  }
0x10b: {  	(v2sf) =	vpush v8, $0xA;
	v11 =	vld [tilespmem:s18+$0x1200];
	[tilespmem:s0+$0x60] =	vst v16  }
0x10c: {  	(v2sf) =	vpush v5, $0x2;
	v16 =	vld [tilespmem:s17+$0x1210];
	vm10 =	vgt.s32 v12, v13  }
0x10d: {  	[tilespmem:s29+$0xFFFFFF60] =	vst v14;
	v12 =	vsel vm10, $0xFFFFFFFF, v1  }
0x10e: {  	s19 =	spop (v2sf);
	(v2sf) =	vpush v9, $0xD;
	v14 =	vld [tilespmem:s5+$0x1210];
	[tilespmem:s28+$0x10] =	vst v10;
	v7 =	vadd.s32 v12, v7  }
0x10f: {  	s20 =	spop (v2sf);
	v10 =	vld [tilespmem:s19+$0x1200];
	[tilespmem:s26+$0xFFFFFF10] =	vst v15;
	vm11 =	vlt.s32 v7, $0x100  }
0x110: {  	(v2sf) =	vpush v4, $0x5;
	v12 =	vld [tilespmem:s20+$0x1200];
	[tilespmem:s25+$0xFFFFFFC0] =	vst v11;
	v7 =	vnsel vm11, $0x100, v7  }
0x111: {  	s21 =	spop (v2sf);
	v11 =	vld [tilespmem:s18+$0x1210];
	[tilespmem:s0+$0x70] =	vst v16;
	v7 =	vshll.u32 v7, $0x7  }
0x112: {  	(v2sf) =	vpush v6, $0x8;
	v13 =	vld [tilespmem:s21+$0x1200];
	v7 =	vshra.s32 v7, $0x2  }
0x113: {  	[tilespmem:s29+$0xFFFFFF70] =	vst v14;
	s22 =	spop (v2sf);
	(v2sf) =	vpush v7, $0x0  }
0x114: {  	v14 =	vld [tilespmem:s22+$0x1200];
	[tilespmem:s28+$0x20] =	vst v10  }
0x115: {  	v10 =	vld [tilespmem:s19+$0x1210];
	[tilespmem:s26+$0xFFFFFF20] =	vst v12  }
0x116: {  	s24 =	spop (v2sf);
	v12 =	vld [tilespmem:s20+$0x1210];
	[tilespmem:s25+$0xFFFFFFD0] =	vst v11  }
0x117: {  	(v2sf) =	vpush v8, $0xB;
	v11 =	vld [tilespmem:s24+$0x1200];
	[tilespmem:s0+$0x80] =	vst v13  }
0x118: {  	s6 =	simm.s32 $0x60;
	(v2sf) =	vpush v5, $0x3;
	v13 =	vld [tilespmem:s21+$0x1210]  }
0x119: {  	v15 =	vld [tilespmem:s6+$0x800];
	[tilespmem:s29+$0xFFFFFF80] =	vst v14  }
0x11a: {  	s8 =	spop (v2sf);
	(v2sf) =	vpush v9, $0xE;
	v14 =	vld [tilespmem:s22+$0x1210];
	[tilespmem:s28+$0x30] =	vst v10  }
0x11b: {  	s9 =	spop (v2sf);
	v16 =	vld [tilespmem:s8+$0x1200];
	[tilespmem:s26+$0xFFFFFF30] =	vst v12  }
0x11c: {  	(v2sf) =	vpush v4, $0x6;
	v12 =	vld [tilespmem:s9+$0x1200];
	[tilespmem:s25+$0xFFFFFFE0] =	vst v11  }
0x11d: {  	s10 =	spop (v2sf);
	v11 =	vld [tilespmem:s24+$0x1210];
	[tilespmem:s0+$0x90] =	vst v13  }
0x11e: {  	v13 =	vld [tilespmem:s10+$0x1200]  }
0x11f: {  	s12 =	spop (v2sf);
	(v2sf) =	vpush v6, $0x9;
	[tilespmem:s29+$0xFFFFFF90] =	vst v14  }
0x120: {  	(v2sf) =	vpush v7, $0x1;
	v14 =	vcvt.s32.f32 v15;
	[tilespmem:s28+$0x40] =	vst v16;
	v16 =	vld [tilespmem:s12+$0x1200]  }
0x121: {  	s13 =	spop (v2sf);
	(v2sf) =	vpush v8, $0xC;
	[tilespmem:s26+$0xFFFFFF40] =	vst v12;
	v12 =	vld [tilespmem:s8+$0x1210]  }
0x122: {  	v14 =	vmul.f32 v14, v3;
	v17 =	vld [tilespmem:s9+$0x1210];
	[tilespmem:s25+$0xFFFFFFF0] =	vst v11;
	s14 =	spop (v2sf);
	(v2sf) =	vpush v5, $0x4  }
0x123: {  	v11 =	vld [tilespmem:s13+$0x1200];
	[tilespmem:s0+$0xA0] =	vst v13  }
0x124: {  	v13 =	vtrunc.f32 v14;
	v14 =	vld [tilespmem:s10+$0x1210]  }
0x125: {  	v13 =	vcvt.f32.s32 v13;
	[tilespmem:s29+$0xFFFFFFA0] =	vst v16;
	v18 =	vld [tilespmem:s14+$0x1200]  }
0x126: {  	v16 =	vld [tilespmem:s12+$0x1210];
	s15 =	spop (v2sf);
	[tilespmem:s28+$0x50] =	vst v12  }
0x127: {  	(v2sf) =	vpush v9, $0xF;
	vm12 =	vlt.s32 v13, $0x101;
	s17 =	spop (v2sf);
	[tilespmem:s26+$0xFFFFFF50] =	vst v17;
	v9 =	vld [tilespmem:s15+$0x1200]  }
0x128: {  	v12 =	vnsel vm12, $0x101, v13;
	v13 =	vld [tilespmem:s17+$0x1200];
	[tilespmem:s25+$0x0] =	vst v11  }
0x129: {  	s30 =	simm.s32 $0x4720;
	s18 =	spop (v2sf);
	v11 =	vadd.s32 $0x1, v12;
	v17 =	vld [tilespmem:s13+$0x1210];
	[tilespmem:s0+$0xB0] =	vst v14  }
0x12a: {  	(v2sf) =	vpush v4, $0x7;
	v11 =	vmul.u32 v2, v11;
	[tilespmem:s30+$0xFFFFFF00] =	vst v18;
	v14 =	vld [tilespmem:s18+$0x1200]  }
0x12b: {  	s19 =	spop (v2sf);
	[tilespmem:s29+$0xFFFFFFB0] =	vst v16;
	v18 =	vld [tilespmem:s14+$0x1210]  }
0x12c: {  	vm13 =	vle.s32 v11, v15;
	v11 =	vld [tilespmem:s19+$0x1200];
	[tilespmem:s28+$0x60] =	vst v9  }
0x12d: {  	(v2sf) =	vpush v6, $0xA;
	v9 =	vsel vm13, $0x1, v1;
	[tilespmem:s26+$0xFFFFFF60] =	vst v13;
	v13 =	vld [tilespmem:s15+$0x1210]  }
0x12e: {  	s20 =	spop (v2sf);
	v9 =	vadd.s32 v9, v12;
	v12 =	vld [tilespmem:s17+$0x1210];
	[tilespmem:s25+$0x10] =	vst v17  }
0x12f: {  	(v2sf) =	vpush v7, $0x2;
	s21 =	spop (v2sf);
	v16 =	vmul.u32 v2, v9;
	v17 =	vld [tilespmem:s20+$0x1200];
	[tilespmem:s0+$0xC0] =	vst v14  }
0x130: {  	s22 =	spop (v2sf);
	[tilespmem:s30+$0xFFFFFF10] =	vst v18;
	v14 =	vld [tilespmem:s18+$0x1210]  }
0x131: {  	vm14 =	vgt.s32 v16, v15;
	[tilespmem:s29+$0xFFFFFFC0] =	vst v11;
	v15 =	vld [tilespmem:s21+$0x1200];
	s6 =	spop (v2sf);
	(v2sf) =	vpush v8, $0xD  }
0x132: {  	v11 =	vsel vm14, $0xFFFFFFFF, v1;
	v16 =	vld [tilespmem:s19+$0x1210];
	[tilespmem:s28+$0x70] =	vst v13  }
0x133: {  	v9 =	vadd.s32 v11, v9;
	[tilespmem:s26+$0xFFFFFF70] =	vst v12;
	v11 =	vld [tilespmem:s22+$0x1200];
	(v2sf) =	vpush v5, $0x5  }
0x134: {  	vm15 =	vlt.s32 v9, $0x100;
	v12 =	vld [tilespmem:s6+$0x1200];
	[tilespmem:s25+$0x20] =	vst v17  }
0x135: {  	v9 =	vnsel vm15, $0x100, v9;
	v17 =	vld [tilespmem:s20+$0x1210];
	[tilespmem:s0+$0xD0] =	vst v14  }
0x136: {  	s11 =	simm.s32 $0x70;
	s4 =	spop (v2sf);
	v9 =	vshll.u32 v9, $0x7;
	(v2sf) =	vpush v4, $0x8;
	[tilespmem:s30+$0xFFFFFF20] =	vst v15  }
0x137: {  	v10 =	vld [tilespmem:s11+$0x800];
	v9 =	vshra.s32 v9, $0x2;
	[tilespmem:s29+$0xFFFFFFD0] =	vst v16  }
0x138: {  	v63 =	vld [tilespmem:s4+$0x1200];
	(v2sf) =	vpush v9, $0x0;
	[tilespmem:s28+$0x80] =	vst v11  }
0x139: {  	s5 =	spop (v2sf);
	v15 =	vld [tilespmem:s21+$0x1210];
	[tilespmem:s26+$0xFFFFFF80] =	vst v12  }
0x13a: {  	v14 =	vld [tilespmem:s5+$0x1200];
	(v2sf) =	vpush v6, $0xB;
	[tilespmem:s25+$0x30] =	vst v17  }
0x13b: {  	v12 =	vld [tilespmem:s22+$0x1210];
	(v2sf) =	vpush v7, $0x3;
	s24 =	rddreg [dreg:$0x3]  }
0x13c: {  	s2 =	spop (v2sf);
	v13 =	vld [tilespmem:s6+$0x1210];
	[dreg:$0x8] =	wrdreg s7  }
0x13d: {  	s1 =	simm.s32 $0x200;
	(v2sf) =	vpush v8, $0xE;
	s31 =	sadd.s32 s24, s7;
	v11 =	vld [tilespmem:s2+$0x1200];
	[tilespmem:s0+$0xE0] =	vst v63  }
.LBB2_7:
0x13e: {  	p1 =	sne.s32 s1, $0x13C0;
	[tilespmem:s30+$0xFFFFFF30] =	vst v15;
	s6 =	spop (v2sf);
	v15 =	vld [tilespmem:s4+$0x1210]  }
0x13f: {  	v16 =	vld [tilespmem:s6+$0x1200];
	(v2sf) =	vpush v5, $0x6;
	[tilespmem:s29+$0xFFFFFFE0] =	vst v14  }
0x140: {  	v14 =	vld [tilespmem:s5+$0x1210];
	[tilespmem:s28+$0x90] =	vst v12;
	s4 =	spop (v2sf)  }
0x141: {  	s5 =	sshra.s32 s1, $0x2;
	v12 =	vcvt.s32.f32 v10;
	[tilespmem:s26+$0xFFFFFF90] =	vst v13;
	v13 =	vld [tilespmem:s4+$0x1200]  }
0x142: {  	v17 =	vld [tilespmem:s5+$0x800];
	s5 =	spop (v2sf);
	(v2sf) =	vpush v4, $0x9;
	[tilespmem:s25+$0x40] =	vst v11  }
0x143: {  	v11 =	vmul.f32 v12, v3;
	v12 =	vld [tilespmem:s5+$0x1200];
	[tilespmem:s0+$0xF0] =	vst v15;
	s0 =	smov.u32 s28;
	s28 =	smov.u32 s25;
	s25 =	smov.u32 s29  }
0x144: {  	s29 =	smov.u32 s26;
	s26 =	smov.u32 s30;
	(v2sf) =	vpush v9, $0x1;
	[tilespmem:s30+$0xFFFFFF40] =	vst v16;
	v15 =	vld [tilespmem:s2+$0x1210]  }
0x145: {  	v11 =	vtrunc.f32 v11;
	v16 =	vld [tilespmem:s6+$0x1210];
	[tilespmem:s25+$0xFFFFFFF0] =	vst v14;
	s2 =	spop (v2sf)  }
0x146: {  	v11 =	vcvt.f32.s32 v11;
	v14 =	vld [tilespmem:s2+$0x1200];
	(v2sf) =	vpush v6, $0xC;
	[tilespmem:s0+$0xA0] =	vst v13  }
0x147: {  	s6 =	spop (v2sf);
	(v2sf) =	vpush v7, $0x4;
	v13 =	vld [tilespmem:s4+$0x1210]  }
0x148: {  	vm0 =	vlt.s32 v11, $0x101;
	v18 =	vld [tilespmem:s6+$0x1200];
	[tilespmem:s29+$0xFFFFFFA0] =	vst v12  }
0x149: {  	v11 =	vnsel vm0, $0x101, v11;
	v12 =	vld [tilespmem:s5+$0x1210];
	[tilespmem:s28+$0x50] =	vst v15;
	s4 =	spop (v2sf);
	(v2sf) =	vpush v8, $0xF;
	v8 =	vmovc v6;
	v6 =	vmovc v4;
	v4 =	vmov v5  }
0x14a: {  	v15 =	vadd.s32 $0x1, v11;
	v5 =	vmov v7;
	v7 =	vmov v9;
	[tilespmem:s30+$0xFFFFFF50] =	vst v16;
	s5 =	spop (v2sf);
	v16 =	vld [tilespmem:s4+$0x1200]  }
0x14b: {  	v9 =	vmul.u32 v2, v15;
	v15 =	vld [tilespmem:s5+$0x1200];
	(v2sf) =	vpush v4, $0x7;
	[tilespmem:s25+$0x0] =	vst v14  }
0x14c: {  	s30 =	sadd.s32 $0x200, s30;
	v14 =	vld [tilespmem:s2+$0x1210];
	[tilespmem:s0+$0xB0] =	vst v13;
	s2 =	spop (v2sf)  }
0x14d: {  	vm0 =	vle.s32 v9, v10;
	[tilespmem:s30+$0xFFFFFF00] =	vst v18;
	v9 =	vld [tilespmem:s2+$0x1200]  }
0x14e: {  	v13 =	vsel vm0, $0x1, v1;
	v18 =	vld [tilespmem:s6+$0x1210];
	[tilespmem:s29+$0xFFFFFFB0] =	vst v12;
	s6 =	spop (v2sf);
	(v2sf) =	vpush v6, $0xA  }
0x14f: {  	v11 =	vadd.s32 v13, v11;
	v12 =	vld [tilespmem:s6+$0x1200];
	[tilespmem:s28+$0x60] =	vst v16  }
0x150: {  	v13 =	vmul.u32 v2, v11;
	(v2sf) =	vpush v7, $0x2;
	[tilespmem:s26+$0xFFFFFF60] =	vst v15;
	v15 =	vld [tilespmem:s4+$0x1210]  }
0x151: {  	v16 =	vld [tilespmem:s5+$0x1210];
	[tilespmem:s25+$0x10] =	vst v14;
	s4 =	spop (v2sf)  }
0x152: {  	vm0 =	vgt.s32 v13, v10;
	v10 =	vmov v17;
	v13 =	vld [tilespmem:s4+$0x1200];
	(v2sf) =	vpush v8, $0xD;
	[tilespmem:s0+$0xC0] =	vst v9  }
0x153: {  	v9 =	vsel vm0, $0xFFFFFFFF, v1;
	[tilespmem:s30+$0xFFFFFF10] =	vst v18;
	s5 =	spop (v2sf);
	v14 =	vld [tilespmem:s2+$0x1210]  }
0x154: {  	v9 =	vadd.s32 v9, v11;
	v11 =	vld [tilespmem:s5+$0x1200];
	(v2sf) =	vpush v5, $0x5;
	[tilespmem:s29+$0xFFFFFFC0] =	vst v12  }
0x155: {  	vm0 =	vlt.s32 v9, $0x100;
	v12 =	vld [tilespmem:s6+$0x1210];
	[tilespmem:s28+$0x70] =	vst v15;
	s2 =	spop (v2sf)  }
0x156: {  	v9 =	vnsel vm0, $0x100, v9;
	[tilespmem:s26+$0xFFFFFF70] =	vst v16;
	s6 =	spop (v2sf);
	v16 =	vld [tilespmem:s2+$0x1200]  }
0x157: {  	v9 =	vshll.u32 v9, $0x7;
	v17 =	vld [tilespmem:s6+$0x1200];
	(v2sf) =	vpush v4, $0x8;
	[tilespmem:s25+$0x20] =	vst v13  }
0x158: {  	v9 =	vshra.s32 v9, $0x2;
	v18 =	vld [tilespmem:s4+$0x1210];
	[tilespmem:s0+$0xD0] =	vst v14;
	s4 =	spop (v2sf)  }
0x159: {  	(v2sf) =	vpush v9, $0x0;
	[tilespmem:s30+$0xFFFFFF20] =	vst v11;
	v19 =	vld [tilespmem:s4+$0x1200]  }
.Ltmp2:
0x15a: {  	v15 =	vld [tilespmem:s5+$0x1210];
	[tilespmem:s29+$0xFFFFFFD0] =	vst v12;
	s5 =	spop (v2sf);
	(pc) =	sbr.rel @p1 .LBB2_7-.Ltmp2, $4  }
0x15b: {  	v14 =	vld [tilespmem:s5+$0x1200];
	(v2sf) =	vpush v6, $0xB;
	[tilespmem:s28+$0x80] =	vst v16  }
0x15c: {  	(v2sf) =	vpush v7, $0x3;
	[tilespmem:s26+$0xFFFFFF80] =	vst v17;
	v12 =	vld [tilespmem:s2+$0x1210]  }
0x15d: {  	v13 =	vld [tilespmem:s6+$0x1210];
	[tilespmem:s25+$0x30] =	vst v18;
	s2 =	spop (v2sf)  }
0x15e: {  	s1 =	sadd.s32 $0x40, s1;
	v11 =	vld [tilespmem:s2+$0x1200];
	(v2sf) =	vpush v8, $0xE;
	[tilespmem:s0+$0xE0] =	vst v19  }
0x15f: {  	_ = 	snop  }
0x160: {  	[tilespmem:s30+$0xFFFFFF30] =	vst v15;
	s1 =	spop (v2sf);
	v15 =	vcvt.s32.f32 v10  }
0x161: {  	v16 =	vld [tilespmem:s1+$0x1200];
	[tilespmem:s29+$0xFFFFFFE0] =	vst v14  }
0x162: {  	(v2sf) =	vpush v5, $0x6;
	v14 =	vld [tilespmem:s5+$0x1210];
	v15 =	vmul.f32 v15, v3;
	_ =	sdelay $0x1  }
0x163: {  	s21 =	spop (v2sf);
	(v2sf) =	vpush v4, $0x9;
	v15 =	vtrunc.f32 v15  }
0x164: {  	[tilespmem:s26+$0xFFFFFF90] =	vst v13;
	(v2sf) =	vpush v9, $0x1;
	s6 =	spop (v2sf);
	v13 =	vcvt.f32.s32 v15  }
0x165: {  	v15 =	vld [tilespmem:s6+$0x1200];
	[tilespmem:s30+$0xFFFFFF40] =	vst v16  }
0x166: {  	v16 =	vld [tilespmem:s1+$0x1210];
	[tilespmem:s29+$0xFFFFFFF0] =	vst v14;
	s8 =	spop (v2sf);
	vm0 =	vlt.s32 v13, $0x101  }
0x167: {  	(v2sf) =	vpush v6, $0xC;
	v14 =	vld [tilespmem:s8+$0x1200];
	v13 =	vnsel vm0, $0x101, v13;
	s9 =	spop (v2sf)  }
0x168: {  	[tilespmem:s28+$0x90] =	vst v12;
	(v2sf) =	vpush v7, $0x4;
	v18 =	vadd.s32 $0x1, v13;
	v17 =	vld [tilespmem:s9+$0x1200]  }
0x169: {  	[tilespmem:s25+$0x40] =	vst v11;
	v18 =	vmul.u32 v2, v18  }
0x16a: {  	v11 =	vld [tilespmem:s21+$0x1200];
	[tilespmem:s26+$0xFFFFFFA0] =	vst v15;
	s7 =	spop (v2sf)  }
0x16b: {  	v15 =	vld [tilespmem:s6+$0x1210];
	[tilespmem:s30+$0xFFFFFF50] =	vst v16;
	s22 =	spop (v2sf);
	vm9 =	vle.s32 v18, v10  }
0x16c: {  	s1 =	sadd.s32 $0x200, s30;
	(v2sf) =	vpush v8, $0xF;
	v8 =	vld [tilespmem:s22+$0x1200];
	[tilespmem:s29+$0x0] =	vst v14;
	v14 =	vsel vm9, $0x1, v1  }
0x16d: {  	(v2sf) =	vpush v5, $0x7;
	v16 =	vld [tilespmem:s8+$0x1210];
	v13 =	vadd.s32 v14, v13;
	[tilespmem:s1+$0xFFFFFF00] =	vst v17  }
0x16e: {  	v14 =	vmul.u32 v2, v13;
	v12 =	vld [tilespmem:s9+$0x1210]  }
0x16f: {  	[tilespmem:s28+$0xA0] =	vst v11;
	s24 =	spop (v2sf);
	(v2sf) =	vpush v4, $0xA  }
0x170: {  	v11 =	vld [tilespmem:s21+$0x1210];
	s11 =	spop (v2sf);
	(v2sf) =	vpush v9, $0x2;
	[tilespmem:s26+$0xFFFFFFB0] =	vst v15;
	vm10 =	vgt.s32 v14, v10  }
0x171: {  	v10 =	vld [tilespmem:s11+$0x1200];
	[tilespmem:s30+$0xFFFFFF60] =	vst v8;
	v8 =	vsel vm10, $0xFFFFFFFF, v1  }
0x172: {  	s12 =	spop (v2sf);
	v14 =	vld [tilespmem:s22+$0x1210];
	[tilespmem:s29+$0x10] =	vst v16;
	v8 =	vadd.s32 v8, v13  }
0x173: {  	(v2sf) =	vpush v6, $0xD;
	s10 =	spop (v2sf);
	v13 =	vld [tilespmem:s12+$0x1200];
	vm11 =	vlt.s32 v8, $0x100;
	[tilespmem:s1+$0xFFFFFF10] =	vst v12  }
0x174: {  	(v2sf) =	vpush v7, $0x5;
	v8 =	vnsel vm11, $0x100, v8;
	v12 =	vld [tilespmem:s10+$0x1200]  }
0x175: {  	v17 =	vld [tilespmem:s4+$0x1210];
	[tilespmem:s28+$0xB0] =	vst v11;
	v8 =	vshll.u32 v8, $0x7  }
0x176: {  	v15 =	vld [tilespmem:s2+$0x1210];
	[tilespmem:s26+$0xFFFFFFC0] =	vst v10;
	s13 =	spop (v2sf);
	(v2sf) =	vpush v5, $0x8;
	v8 =	vshra.s32 v8, $0x2  }
0x177: {  	v10 =	vld [tilespmem:s11+$0x1210];
	[tilespmem:s30+$0xFFFFFF70] =	vst v14;
	s14 =	spop (v2sf);
	(v2sf) =	vpush v8, $0x0  }
0x178: {  	v14 =	vld [tilespmem:s14+$0x1200];
	[tilespmem:s29+$0x20] =	vst v13  }
0x179: {  	v13 =	vld [tilespmem:s12+$0x1210];
	[tilespmem:s1+$0xFFFFFF20] =	vst v12  }
0x17a: {  	[tilespmem:s0+$0xF0] =	vst v17;
	v12 =	vld [tilespmem:s10+$0x1210]  }
0x17b: {  	v11 =	vld [tilespmem:s24+$0x1200];
	[tilespmem:s25+$0x50] =	vst v15;
	(v2sf) =	vpush v4, $0xB;
	s5 =	spop (v2sf)  }
0x17c: {  	v15 =	vld [tilespmem:s7+$0x1200];
	s15 =	spop (v2sf);
	(v2sf) =	vpush v9, $0x3;
	[tilespmem:s26+$0xFFFFFFD0] =	vst v10  }
0x17d: {  	v10 =	vld [tilespmem:s15+$0x1200];
	[tilespmem:s30+$0xFFFFFF80] =	vst v14  }
0x17e: {  	s17 =	spop (v2sf);
	v14 =	vld [tilespmem:s14+$0x1210];
	[tilespmem:s29+$0x30] =	vst v13  }
0x17f: {  	(v2sf) =	vpush v6, $0xE;
	s18 =	spop (v2sf);
	v13 =	vld [tilespmem:s17+$0x1200];
	[tilespmem:s1+$0xFFFFFF30] =	vst v12  }
0x180: {  	[tilespmem:s28+$0xC0] =	vst v11;
	(v2sf) =	vpush v7, $0x6;
	v12 =	vld [tilespmem:s18+$0x1200]  }
0x181: {  	v11 =	vld [tilespmem:s24+$0x1210];
	[tilespmem:s25+$0x60] =	vst v15  }
0x182: {  	v15 =	vld [tilespmem:s7+$0x1210];
	s2 =	spop (v2sf);
	(v2sf) =	vpush v5, $0x9;
	[tilespmem:s26+$0xFFFFFFE0] =	vst v10  }
0x183: {  	s19 =	spop (v2sf);
	(v2sf) =	vpush v8, $0x1;
	v10 =	vld [tilespmem:s15+$0x1210];
	[tilespmem:s30+$0xFFFFFF90] =	vst v14  }
0x184: {  	[tilespmem:s29+$0x40] =	vst v13;
	v13 =	vld [tilespmem:s19+$0x1200]  }
0x185: {  	s20 =	spop (v2sf);
	[tilespmem:s1+$0xFFFFFF40] =	vst v12;
	v12 =	vld [tilespmem:s17+$0x1210]  }
0x186: {  	[tilespmem:s28+$0xD0] =	vst v11;
	s21 =	spop (v2sf);
	v14 =	vld [tilespmem:s18+$0x1210]  }
0x187: {  	[tilespmem:s25+$0x70] =	vst v15;
	(v2sf) =	vpush v4, $0xC;
	v11 =	vld [tilespmem:s21+$0x1200]  }
0x188: {  	v15 =	vld [tilespmem:s13+$0x1200];
	(v2sf) =	vpush v9, $0x4;
	[tilespmem:s26+$0xFFFFFFF0] =	vst v10  }
0x189: {  	v10 =	vld [tilespmem:s20+$0x1200];
	[tilespmem:s30+$0xFFFFFFA0] =	vst v13  }
0x18a: {  	s22 =	spop (v2sf);
	v13 =	vld [tilespmem:s19+$0x1210];
	[tilespmem:s29+$0x50] =	vst v12  }
0x18b: {  	s0 =	sadd.s32 $0x200, s1;
	(v2sf) =	vpush v6, $0xF;
	s24 =	spop (v2sf);
	[tilespmem:s1+$0xFFFFFF50] =	vst v14;
	v6 =	vld [tilespmem:s22+$0x1200]  }
0x18c: {  	(v2sf) =	vpush v7, $0x7;
	[tilespmem:s0+$0xFFFFFF00] =	vst v11;
	v12 =	vld [tilespmem:s24+$0x1200]  }
0x18d: {  	[tilespmem:s25+$0x80] =	vst v15;
	v11 =	vld [tilespmem:s21+$0x1210]  }
0x18e: {  	s4 =	spop (v2sf);
	(v2sf) =	vpush v5, $0xA;
	v14 =	vld [tilespmem:s5+$0x1200];
	[tilespmem:s26+$0x0] =	vst v10  }
0x18f: {  	s8 =	spop (v2sf);
	(v2sf) =	vpush v8, $0x2;
	v10 =	vld [tilespmem:s20+$0x1210];
	[tilespmem:s30+$0xFFFFFFB0] =	vst v13  }
0x190: {  	v13 =	vld [tilespmem:s8+$0x1200];
	[tilespmem:s29+$0x60] =	vst v6  }
0x191: {  	s11 =	spop (v2sf);
	[tilespmem:s1+$0xFFFFFF60] =	vst v12;
	v6 =	vld [tilespmem:s22+$0x1210]  }
0x192: {  	s12 =	spop (v2sf);
	[tilespmem:s0+$0xFFFFFF10] =	vst v11;
	v12 =	vld [tilespmem:s24+$0x1210]  }
0x193: {  	(v2sf) =	vpush v4, $0xD;
	[tilespmem:s28+$0xE0] =	vst v14;
	v11 =	vld [tilespmem:s12+$0x1200]  }
0x194: {  	(v2sf) =	vpush v9, $0x5;
	v14 =	vld [tilespmem:s13+$0x1210];
	[tilespmem:s26+$0x10] =	vst v10  }
0x195: {  	v10 =	vld [tilespmem:s11+$0x1200];
	[tilespmem:s30+$0xFFFFFFC0] =	vst v13  }
0x196: {  	s13 =	spop (v2sf);
	v13 =	vld [tilespmem:s8+$0x1210];
	[tilespmem:s29+$0x70] =	vst v6  }
0x197: {  	s14 =	spop (v2sf);
	[tilespmem:s1+$0xFFFFFF70] =	vst v12;
	v6 =	vld [tilespmem:s13+$0x1200]  }
0x198: {  	(v2sf) =	vpush v7, $0x8;
	[tilespmem:s0+$0xFFFFFF20] =	vst v11;
	v12 =	vld [tilespmem:s14+$0x1200]  }
0x199: {  	[tilespmem:s25+$0x90] =	vst v14;
	v11 =	vld [tilespmem:s12+$0x1210]  }
0x19a: {  	v14 =	vld [tilespmem:s5+$0x1210];
	s5 =	spop (v2sf);
	(v2sf) =	vpush v5, $0xB;
	[tilespmem:s26+$0x20] =	vst v10  }
0x19b: {  	s15 =	spop (v2sf);
	(v2sf) =	vpush v8, $0x3;
	v10 =	vld [tilespmem:s11+$0x1210];
	[tilespmem:s30+$0xFFFFFFD0] =	vst v13  }
0x19c: {  	v13 =	vld [tilespmem:s15+$0x1200];
	[tilespmem:s29+$0x80] =	vst v6  }
0x19d: {  	s17 =	spop (v2sf);
	[tilespmem:s1+$0xFFFFFF80] =	vst v12;
	v6 =	vld [tilespmem:s13+$0x1210]  }
0x19e: {  	s18 =	spop (v2sf);
	[tilespmem:s0+$0xFFFFFF30] =	vst v11;
	v12 =	vld [tilespmem:s14+$0x1210]  }
0x19f: {  	(v2sf) =	vpush v4, $0xE;
	[tilespmem:s28+$0xF0] =	vst v14;
	v11 =	vld [tilespmem:s18+$0x1200]  }
0x1a0: {  	v14 =	vld [tilespmem:s2+$0x1200];
	(v2sf) =	vpush v9, $0x6;
	[tilespmem:s26+$0x30] =	vst v10  }
0x1a1: {  	v10 =	vld [tilespmem:s17+$0x1200];
	[tilespmem:s30+$0xFFFFFFE0] =	vst v13  }
0x1a2: {  	s19 =	spop (v2sf);
	v13 =	vld [tilespmem:s15+$0x1210];
	[tilespmem:s29+$0x90] =	vst v6  }
0x1a3: {  	s20 =	spop (v2sf);
	[tilespmem:s1+$0xFFFFFF90] =	vst v12;
	v6 =	vld [tilespmem:s19+$0x1200]  }
0x1a4: {  	(v2sf) =	vpush v7, $0x9;
	[tilespmem:s0+$0xFFFFFF40] =	vst v11;
	v12 =	vld [tilespmem:s20+$0x1200]  }
0x1a5: {  	[tilespmem:s25+$0xA0] =	vst v14;
	v11 =	vld [tilespmem:s18+$0x1210]  }
0x1a6: {  	(v2sf) =	vpush v5, $0xC;
	v14 =	vld [tilespmem:s2+$0x1210];
	[tilespmem:s26+$0x40] =	vst v10  }
0x1a7: {  	s21 =	spop (v2sf);
	(v2sf) =	vpush v8, $0x4;
	v10 =	vld [tilespmem:s17+$0x1210];
	[tilespmem:s30+$0xFFFFFFF0] =	vst v13  }
0x1a8: {  	v13 =	vld [tilespmem:s21+$0x1200];
	[tilespmem:s29+$0xA0] =	vst v6  }
0x1a9: {  	s22 =	spop (v2sf);
	v6 =	vld [tilespmem:s19+$0x1210];
	[tilespmem:s1+$0xFFFFFFA0] =	vst v12  }
0x1aa: {  	s24 =	spop (v2sf);
	[tilespmem:s0+$0xFFFFFF50] =	vst v11;
	v12 =	vld [tilespmem:s20+$0x1210]  }
0x1ab: {  	(v2sf) =	vpush v4, $0xF;
	[tilespmem:s25+$0xB0] =	vst v14;
	v4 =	vld [tilespmem:s24+$0x1200]  }
0x1ac: {  	(v2sf) =	vpush v9, $0x7;
	v11 =	vld [tilespmem:s4+$0x1200];
	[tilespmem:s26+$0x50] =	vst v10  }
0x1ad: {  	v10 =	vld [tilespmem:s22+$0x1200];
	[tilespmem:s30+$0x0] =	vst v13  }
0x1ae: {  	s8 =	spop (v2sf);
	v13 =	vld [tilespmem:s21+$0x1210];
	[tilespmem:s29+$0xB0] =	vst v6  }
0x1af: {  	s9 =	spop (v2sf);
	v6 =	vld [tilespmem:s8+$0x1200];
	[tilespmem:s1+$0xFFFFFFB0] =	vst v12  }
0x1b0: {  	(v2sf) =	vpush v7, $0xA;
	[tilespmem:s0+$0xFFFFFF60] =	vst v4;
	v12 =	vld [tilespmem:s9+$0x1200]  }
0x1b1: {  	[tilespmem:s25+$0xC0] =	vst v11;
	v4 =	vld [tilespmem:s24+$0x1210]  }
0x1b2: {  	(v2sf) =	vpush v5, $0xD;
	v11 =	vld [tilespmem:s4+$0x1210];
	[tilespmem:s26+$0x60] =	vst v10  }
0x1b3: {  	s10 =	spop (v2sf);
	(v2sf) =	vpush v8, $0x5;
	v10 =	vld [tilespmem:s22+$0x1210];
	[tilespmem:s30+$0x10] =	vst v13  }
0x1b4: {  	v13 =	vld [tilespmem:s10+$0x1200];
	[tilespmem:s29+$0xC0] =	vst v6  }
0x1b5: {  	s11 =	spop (v2sf);
	v6 =	vld [tilespmem:s8+$0x1210];
	[tilespmem:s1+$0xFFFFFFC0] =	vst v12  }
0x1b6: {  	s12 =	spop (v2sf);
	[tilespmem:s0+$0xFFFFFF70] =	vst v4;
	v12 =	vld [tilespmem:s9+$0x1210]  }
0x1b7: {  	[tilespmem:s25+$0xD0] =	vst v11;
	v4 =	vld [tilespmem:s12+$0x1200]  }
0x1b8: {  	v11 =	vld [tilespmem:s5+$0x1200];
	[tilespmem:s26+$0x70] =	vst v10  }
0x1b9: {  	v10 =	vld [tilespmem:s11+$0x1200];
	[tilespmem:s30+$0x20] =	vst v13  }
0x1ba: {  	s13 =	spop (v2sf);
	v13 =	vld [tilespmem:s10+$0x1210];
	[tilespmem:s29+$0xD0] =	vst v6  }
0x1bb: {  	s14 =	spop (v2sf);
	v6 =	vld [tilespmem:s13+$0x1200];
	[tilespmem:s1+$0xFFFFFFD0] =	vst v12  }
0x1bc: {  	(v2sf) =	vpush v9, $0x8;
	[tilespmem:s0+$0xFFFFFF80] =	vst v4;
	v12 =	vld [tilespmem:s14+$0x1200]  }
0x1bd: {  	(v2sf) =	vpush v7, $0xB;
	[tilespmem:s25+$0xE0] =	vst v11;
	v4 =	vld [tilespmem:s12+$0x1210]  }
0x1be: {  	(v2sf) =	vpush v5, $0xE;
	v11 =	vld [tilespmem:s5+$0x1210];
	[tilespmem:s26+$0x80] =	vst v10  }
0x1bf: {  	s15 =	spop (v2sf);
	(v2sf) =	vpush v8, $0x6;
	v10 =	vld [tilespmem:s11+$0x1210];
	[tilespmem:s30+$0x30] =	vst v13  }
0x1c0: {  	v13 =	vld [tilespmem:s15+$0x1200];
	[tilespmem:s29+$0xE0] =	vst v6  }
0x1c1: {  	s4 =	spop (v2sf);
	v6 =	vld [tilespmem:s13+$0x1210];
	[tilespmem:s1+$0xFFFFFFE0] =	vst v12  }
0x1c2: {  	s17 =	spop (v2sf);
	[tilespmem:s0+$0xFFFFFF90] =	vst v4;
	v12 =	vld [tilespmem:s14+$0x1210]  }
0x1c3: {  	[tilespmem:s25+$0xF0] =	vst v11;
	v4 =	vld [tilespmem:s17+$0x1200]  }
0x1c4: {  	[tilespmem:s26+$0x90] =	vst v10  }
0x1c5: {  	[tilespmem:s30+$0x40] =	vst v13  }
0x1c6: {  	[tilespmem:s29+$0xF0] =	vst v6  }
0x1c7: {  	v10 =	vld [tilespmem:s4+$0x1200];
	[tilespmem:s1+$0xFFFFFFF0] =	vst v12  }
0x1c8: {  	(v2sf) =	vpush v9, $0x9;
	v6 =	vld [tilespmem:s15+$0x1210];
	[tilespmem:s0+$0xFFFFFFA0] =	vst v4  }
0x1c9: {  	(v2sf) =	vpush v7, $0xC;
	v4 =	vld [tilespmem:s17+$0x1210]  }
0x1ca: {  	(v2sf) =	vpush v5, $0xF  }
0x1cb: {  	s18 =	spop (v2sf);
	(v2sf) =	vpush v8, $0x7  }
0x1cc: {  	s19 =	spop (v2sf)  }
0x1cd: {  	s5 =	spop (v2sf)  }
0x1ce: {  	s20 =	spop (v2sf);
	[tilespmem:s0+$0xFFFFFFB0] =	vst v4  }
0x1cf: {  	v4 =	vld [tilespmem:s20+$0x1200];
	_ =	sdelay $0x4  }
0x1d0: {  	[tilespmem:s0+$0xFFFFFFC0] =	vst v4  }
0x1d1: {  	(v2sf) =	vpush v9, $0xA;
	v4 =	vld [tilespmem:s20+$0x1210]  }
0x1d2: {  	(v2sf) =	vpush v7, $0xD  }
0x1d3: {  	s11 =	spop (v2sf);
	(v2sf) =	vpush v8, $0x8  }
0x1d4: {  	s21 =	spop (v2sf)  }
0x1d5: {  	s2 =	spop (v2sf)  }
0x1d6: {  	[tilespmem:s0+$0xFFFFFFD0] =	vst v4;
	s22 =	spop (v2sf)  }
0x1d7: {  	v4 =	vld [tilespmem:s22+$0x1200];
	_ =	sdelay $0x4  }
0x1d8: {  	[tilespmem:s0+$0xFFFFFFE0] =	vst v4  }
0x1d9: {  	(v2sf) =	vpush v9, $0xB;
	v4 =	vld [tilespmem:s22+$0x1210]  }
0x1da: {  	(v2sf) =	vpush v7, $0xE  }
0x1db: {  	(v2sf) =	vpush v8, $0x9  }
0x1dc: {  	s12 =	spop (v2sf)  }
0x1dd: {  	s8 =	spop (v2sf)  }
0x1de: {  	v5 =	vld [tilespmem:s18+$0x1200];
	s24 =	spop (v2sf);
	[tilespmem:s0+$0xFFFFFFF0] =	vst v4  }
0x1df: {  	v4 =	vld [tilespmem:s24+$0x1200];
	_ =	sdelay $0x3  }
0x1e0: {  	[tilespmem:s1+$0x0] =	vst v5  }
0x1e1: {  	v5 =	vld [tilespmem:s18+$0x1210];
	[tilespmem:s0+$0x0] =	vst v4  }
0x1e2: {  	(v2sf) =	vpush v9, $0xC;
	v4 =	vld [tilespmem:s24+$0x1210]  }
0x1e3: {  	(v2sf) =	vpush v7, $0xF  }
0x1e4: {  	(v2sf) =	vpush v8, $0xA  }
0x1e5: {  	s13 =	spop (v2sf)  }
0x1e6: {  	[tilespmem:s1+$0x10] =	vst v5;
	s7 =	spop (v2sf)  }
0x1e7: {  	v5 =	vld [tilespmem:s11+$0x1200];
	s25 =	spop (v2sf);
	[tilespmem:s0+$0x10] =	vst v4  }
0x1e8: {  	v4 =	vld [tilespmem:s25+$0x1200];
	_ =	sdelay $0x3  }
0x1e9: {  	[tilespmem:s1+$0x20] =	vst v5  }
0x1ea: {  	v5 =	vld [tilespmem:s11+$0x1210];
	[tilespmem:s0+$0x20] =	vst v4  }
0x1eb: {  	v4 =	vld [tilespmem:s25+$0x1210]  }
0x1ec: {  	(v2sf) =	vpush v9, $0xD  }
0x1ed: {  	(v2sf) =	vpush v8, $0xB  }
0x1ee: {  	s6 =	spop (v2sf)  }
0x1ef: {  	[tilespmem:s1+$0x30] =	vst v5;
	s15 =	spop (v2sf)  }
0x1f0: {  	v5 =	vld [tilespmem:s12+$0x1200];
	s14 =	spop (v2sf);
	[tilespmem:s0+$0x30] =	vst v4  }
0x1f1: {  	v4 =	vld [tilespmem:s14+$0x1200];
	_ =	sdelay $0x3  }
0x1f2: {  	[tilespmem:s1+$0x40] =	vst v5  }
0x1f3: {  	v5 =	vld [tilespmem:s12+$0x1210];
	[tilespmem:s0+$0x40] =	vst v4  }
0x1f4: {  	v4 =	vld [tilespmem:s14+$0x1210]  }
0x1f5: {  	(v2sf) =	vpush v9, $0xE  }
0x1f6: {  	(v2sf) =	vpush v8, $0xC  }
0x1f7: {  	[tilespmem:s30+$0x50] =	vst v6  }
0x1f8: {  	v6 =	vld [tilespmem:s19+$0x1200];
	[tilespmem:s1+$0x50] =	vst v5;
	s17 =	spop (v2sf)  }
0x1f9: {  	v5 =	vld [tilespmem:s13+$0x1200];
	s18 =	spop (v2sf);
	[tilespmem:s0+$0x50] =	vst v4  }
0x1fa: {  	v4 =	vld [tilespmem:s18+$0x1200];
	_ =	sdelay $0x2  }
0x1fb: {  	[tilespmem:s30+$0x60] =	vst v6  }
0x1fc: {  	v6 =	vld [tilespmem:s19+$0x1210];
	[tilespmem:s1+$0x60] =	vst v5  }
0x1fd: {  	v5 =	vld [tilespmem:s13+$0x1210];
	[tilespmem:s0+$0x60] =	vst v4  }
0x1fe: {  	v4 =	vld [tilespmem:s18+$0x1210]  }
0x1ff: {  	(v2sf) =	vpush v9, $0xF  }
0x200: {  	(v2sf) =	vpush v8, $0xD  }
0x201: {  	[tilespmem:s30+$0x70] =	vst v6  }
0x202: {  	v6 =	vld [tilespmem:s21+$0x1200];
	[tilespmem:s1+$0x70] =	vst v5;
	s19 =	spop (v2sf)  }
0x203: {  	v5 =	vld [tilespmem:s6+$0x1200];
	s20 =	spop (v2sf);
	[tilespmem:s0+$0x70] =	vst v4  }
0x204: {  	v4 =	vld [tilespmem:s20+$0x1200];
	_ =	sdelay $0x2  }
0x205: {  	[tilespmem:s30+$0x80] =	vst v6  }
0x206: {  	v6 =	vld [tilespmem:s21+$0x1210];
	[tilespmem:s1+$0x80] =	vst v5  }
0x207: {  	v5 =	vld [tilespmem:s6+$0x1210];
	[tilespmem:s0+$0x80] =	vst v4  }
0x208: {  	v4 =	vld [tilespmem:s20+$0x1210];
	_ =	sdelay $0x1  }
0x209: {  	(v2sf) =	vpush v8, $0xE  }
0x20a: {  	[tilespmem:s30+$0x90] =	vst v6  }
0x20b: {  	v6 =	vld [tilespmem:s8+$0x1200];
	s21 =	spop (v2sf);
	[tilespmem:s1+$0x90] =	vst v5  }
0x20c: {  	s22 =	spop (v2sf);
	v5 =	vld [tilespmem:s17+$0x1200];
	[tilespmem:s0+$0x90] =	vst v4  }
0x20d: {  	v4 =	vld [tilespmem:s22+$0x1200];
	_ =	sdelay $0x1  }
0x20e: {  	[tilespmem:s26+$0xA0] =	vst v10  }
0x20f: {  	v7 =	vld [tilespmem:s4+$0x1210];
	[tilespmem:s30+$0xA0] =	vst v6  }
0x210: {  	v6 =	vld [tilespmem:s8+$0x1210];
	[tilespmem:s1+$0xA0] =	vst v5  }
0x211: {  	v5 =	vld [tilespmem:s17+$0x1210];
	[tilespmem:s0+$0xA0] =	vst v4  }
0x212: {  	v4 =	vld [tilespmem:s22+$0x1210];
	_ =	sdelay $0x1  }
0x213: {  	[tilespmem:s26+$0xB0] =	vst v7;
	(v2sf) =	vpush v8, $0xF  }
0x214: {  	v7 =	vld [tilespmem:s5+$0x1200];
	[tilespmem:s30+$0xB0] =	vst v6  }
0x215: {  	v6 =	vld [tilespmem:s7+$0x1200];
	[tilespmem:s1+$0xB0] =	vst v5  }
0x216: {  	s24 =	spop (v2sf);
	v5 =	vld [tilespmem:s19+$0x1200];
	[tilespmem:s0+$0xB0] =	vst v4  }
0x217: {  	v4 =	vld [tilespmem:s24+$0x1200];
	_ =	sdelay $0x1  }
0x218: {  	[tilespmem:s26+$0xC0] =	vst v7  }
0x219: {  	v7 =	vld [tilespmem:s5+$0x1210];
	[tilespmem:s30+$0xC0] =	vst v6  }
0x21a: {  	v6 =	vld [tilespmem:s7+$0x1210];
	[tilespmem:s1+$0xC0] =	vst v5  }
0x21b: {  	v5 =	vld [tilespmem:s19+$0x1210];
	[tilespmem:s0+$0xC0] =	vst v4  }
0x21c: {  	v4 =	vld [tilespmem:s24+$0x1210];
	_ =	sdelay $0x1  }
0x21d: {  	[tilespmem:s26+$0xD0] =	vst v7  }
0x21e: {  	v7 =	vld [tilespmem:s2+$0x1200];
	[tilespmem:s30+$0xD0] =	vst v6  }
0x21f: {  	v6 =	vld [tilespmem:s15+$0x1200];
	[tilespmem:s1+$0xD0] =	vst v5  }
0x220: {  	s25 =	spop (v2sf);
	v5 =	vld [tilespmem:s21+$0x1200];
	[tilespmem:s0+$0xD0] =	vst v4  }
0x221: {  	v4 =	vld [tilespmem:s25+$0x1200];
	_ =	sdelay $0x1  }
0x222: {  	[tilespmem:s26+$0xE0] =	vst v7  }
0x223: {  	v7 =	vld [tilespmem:s2+$0x1210];
	[tilespmem:s30+$0xE0] =	vst v6  }
0x224: {  	v6 =	vld [tilespmem:s15+$0x1210];
	[tilespmem:s1+$0xE0] =	vst v5  }
0x225: {  	v5 =	vld [tilespmem:s21+$0x1210];
	[tilespmem:s0+$0xE0] =	vst v4  }
0x226: {  	v4 =	vld [tilespmem:s25+$0x1210];
	_ =	sdelay $0x1  }
0x227: {  	[tilespmem:s26+$0xF0] =	vst v7  }
0x228: {  	s4 =	smul.u32 $0x2710, s31;
	[tilespmem:s30+$0xF0] =	vst v6  }
0x229: {  	s5 =	rddreg [dreg:$0x1];
	[tilespmem:s1+$0xF0] =	vst v5  }
0x22a: {  	s7 =	simm.s32 $0x3C20;
	s6 =	simm.s32 $0x3220;
	s15 =	sadd.s32 s5, s4;
	[tilespmem:s0+$0xF0] =	vst v4  }
0x22b: {  	[hbm4b:s15+s16] =	stream.indirect.scatter [tilespmem:s7], [sflag:$0x1], $0x20, s6, s16, $0xb8;
	[tilespmem:$0x17C20] =	vst v63  }
0x22c: {  	s9 =	simm.s32 $0x4C20;
	s8 =	simm.s32 $0x32A0  }
0x22d: {  	[hbm4b:s15+s16] =	stream.indirect.scatter [tilespmem:s9], [sflag:$0x1], $0x20, s8, s16, $0xb8;
	[tilespmem:$0x17C20] =	vst v63  }
0x22e: {  	s10 =	simm.s32 $0x3320;
	s11 =	simm.s32 $0x5C20  }
0x22f: {  	[hbm4b:s15+s16] =	stream.indirect.scatter [tilespmem:s11], [sflag:$0x1], $0x20, s10, s16, $0xb8;
	[tilespmem:$0x17C20] =	vst v63  }
0x230: {  	s12 =	simm.s32 $0x33A0;
	s13 =	simm.s32 $0x6C20  }
0x231: {  	[hbm4b:s15+s16] =	stream.indirect.scatter [tilespmem:s13], [sflag:$0x1], $0x20, s12, s16, $0xb8;
	[tilespmem:$0x17C20] =	vst v63  }
0x232: {  	s14 =	simm.s32 $0x3420;
	s17 =	simm.s32 $0x7C20  }
0x233: {  	[hbm4b:s15+s16] =	stream.indirect.scatter [tilespmem:s17], [sflag:$0x1], $0x20, s14, s16, $0xb8;
	[tilespmem:$0x17C20] =	vst v63  }
0x234: {  	s18 =	simm.s32 $0x34A0;
	s19 =	simm.s32 $0x8C20  }
0x235: {  	[hbm4b:s15+s16] =	stream.indirect.scatter [tilespmem:s19], [sflag:$0x1], $0x20, s18, s16, $0xb8;
	[tilespmem:$0x17C20] =	vst v63  }
0x236: {  	s20 =	simm.s32 $0x3520;
	s21 =	simm.s32 $0x9C20  }
0x237: {  	[hbm4b:s15+s16] =	stream.indirect.scatter [tilespmem:s21], [sflag:$0x1], $0x20, s20, s16, $0xb8;
	[tilespmem:$0x17C20] =	vst v63  }
0x238: {  	s22 =	simm.s32 $0x35A0;
	s24 =	simm.s32 $0xAC20  }
0x239: {  	[hbm4b:s15+s16] =	stream.indirect.scatter [tilespmem:s24], [sflag:$0x1], $0x20, s22, s16, $0xb8;
	[tilespmem:$0x17C20] =	vst v63  }
0x23a: {  	s26 =	simm.s32 $0xBC20;
	s25 =	simm.s32 $0x3620  }
0x23b: {  	[hbm4b:s15+s16] =	stream.indirect.scatter [tilespmem:s26], [sflag:$0x1], $0x20, s25, s16, $0xb8;
	[tilespmem:$0x17C20] =	vst v63  }
0x23c: {  	s2 =	simm.s32 $0x36A0;
	s4 =	simm.s32 $0xCC20;
	s0 =	simm.s32 @!p0 $0x1  }
0x23d: {  	[hbm4b:s15+s16] =	stream.indirect.scatter [tilespmem:s4], [sflag:$0x1], $0x20, s2, s16, $0xb8;
	[tilespmem:$0x17C20] =	vst v63  }
0x23e: {  	_ =	swait.ge @!p0 [sflag:s0], $0xA000  }
0x23f: {  	[sflag:s0] =	ssyncset.done @!p0 $0x0  }
0x240: {  	s5 =	simm.s32 $0x0;
	[sflag:s0] =	ssyncadd.s32 @!p0 $0xFFFF6000  }
0x241: {  	v4 =	vld [tilespmem:s5+$0xD00];
	_ =	sdelay $0x4  }
0x242: {  	v5 =	vcvt.s32.f32 v4;
	_ =	sdelay $0x1  }
0x243: {  	v5 =	vmul.f32 v5, v3;
	_ =	sdelay $0x1  }
0x244: {  	v5 =	vtrunc.f32 v5  }
0x245: {  	v5 =	vcvt.f32.s32 v5;
	_ =	sdelay $0x1  }
0x246: {  	vm12 =	vlt.s32 v5, $0x101  }
0x247: {  	v5 =	vnsel vm12, $0x101, v5  }
0x248: {  	v6 =	vadd.s32 $0x1, v5  }
0x249: {  	v6 =	vmul.u32 v2, v6;
	_ =	sdelay $0x1  }
0x24a: {  	vm13 =	vle.s32 v6, v4  }
0x24b: {  	v6 =	vsel vm13, $0x1, v1  }
0x24c: {  	v5 =	vadd.s32 v6, v5  }
0x24d: {  	v6 =	vmul.u32 v2, v5;
	_ =	sdelay $0x1  }
0x24e: {  	vm14 =	vgt.s32 v6, v4  }
0x24f: {  	v4 =	vsel vm14, $0xFFFFFFFF, v1  }
0x250: {  	v4 =	vadd.s32 v4, v5  }
0x251: {  	vm15 =	vlt.s32 v4, $0x100  }
0x252: {  	v4 =	vnsel vm15, $0x100, v4  }
0x253: {  	v4 =	vshll.u32 v4, $0x7  }
0x254: {  	v9 =	vshra.s32 v4, $0x2  }
0x255: {  	(v2sf) =	vpush v9, $0x0;
	_ =	sdelay $0x2  }
0x256: {  	s6 =	simm.s32 $0x10  }
0x257: {  	v4 =	vld [tilespmem:s6+$0xD00];
	_ =	sdelay $0x4  }
0x258: {  	v5 =	vcvt.s32.f32 v4;
	_ =	sdelay $0x1  }
0x259: {  	v5 =	vmul.f32 v5, v3  }
0x25a: {  	(v2sf) =	vpush v9, $0x1  }
0x25b: {  	v5 =	vtrunc.f32 v5  }
0x25c: {  	v5 =	vcvt.f32.s32 v5  }
0x25d: {  	s7 =	spop (v2sf)  }
0x25e: {  	vm4 =	vlt.s32 v5, $0x101;
	v6 =	vld [tilespmem:s7+$0x1200]  }
0x25f: {  	v5 =	vnsel vm4, $0x101, v5  }
0x260: {  	v7 =	vadd.s32 $0x1, v5  }
0x261: {  	v7 =	vmul.u32 v2, v7  }
0x262: {  	s30 =	simm.s32 $0xDD20  }
0x263: {  	vm5 =	vle.s32 v7, v4;
	[tilespmem:s30+$0xFFFFFF00] =	vst v6  }
0x264: {  	v6 =	vsel vm5, $0x1, v1;
	v7 =	vld [tilespmem:s7+$0x1210]  }
0x265: {  	v5 =	vadd.s32 v6, v5  }
0x266: {  	(v2sf) =	vpush v9, $0x2;
	v6 =	vmul.u32 v2, v5;
	_ =	sdelay $0x1  }
0x267: {  	vm6 =	vgt.s32 v6, v4  }
0x268: {  	s8 =	spop (v2sf);
	v4 =	vsel vm6, $0xFFFFFFFF, v1;
	[tilespmem:s30+$0xFFFFFF10] =	vst v7  }
0x269: {  	v4 =	vadd.s32 v4, v5;
	v6 =	vld [tilespmem:s8+$0x1200]  }
0x26a: {  	vm7 =	vlt.s32 v4, $0x100  }
0x26b: {  	v4 =	vnsel vm7, $0x100, v4  }
0x26c: {  	v4 =	vshll.u32 v4, $0x7  }
0x26d: {  	v5 =	vshra.s32 v4, $0x2  }
0x26e: {  	(v2sf) =	vpush v5, $0x0;
	[tilespmem:s30+$0xFFFFFF20] =	vst v6  }
0x26f: {  	v4 =	vld [tilespmem:s8+$0x1210]  }
0x270: {  	s9 =	simm.s32 $0x20  }
0x271: {  	v6 =	vld [tilespmem:s9+$0xD00];
	(v2sf) =	vpush v9, $0x3;
	_ =	sdelay $0x2  }
0x272: {  	s10 =	spop (v2sf);
	[tilespmem:s30+$0xFFFFFF30] =	vst v4  }
0x273: {  	v4 =	vld [tilespmem:s10+$0x1200]  }
0x274: {  	v7 =	vcvt.s32.f32 v6;
	_ =	sdelay $0x1  }
0x275: {  	v7 =	vmul.f32 v7, v3;
	_ =	sdelay $0x1  }
0x276: {  	(v2sf) =	vpush v5, $0x1;
	[tilespmem:s30+$0xFFFFFF40] =	vst v4;
	v4 =	vtrunc.f32 v7  }
0x277: {  	v7 =	vld [tilespmem:s10+$0x1210];
	v4 =	vcvt.f32.s32 v4;
	_ =	sdelay $0x1  }
0x278: {  	(v2sf) =	vpush v9, $0x4;
	s11 =	spop (v2sf);
	vm8 =	vlt.s32 v4, $0x101  }
0x279: {  	v8 =	vld [tilespmem:s11+$0x1200];
	v4 =	vnsel vm8, $0x101, v4  }
0x27a: {  	v10 =	vadd.s32 $0x1, v4  }
0x27b: {  	s12 =	spop (v2sf);
	[tilespmem:s30+$0xFFFFFF50] =	vst v7;
	v7 =	vmul.u32 v2, v10  }
0x27c: {  	v10 =	vld [tilespmem:s12+$0x1200]  }
0x27d: {  	s28 =	simm.s32 $0xDF20;
	vm9 =	vle.s32 v7, v6  }
0x27e: {  	[tilespmem:s28+$0xFFFFFF00] =	vst v8;
	v7 =	vsel vm9, $0x1, v1  }
0x27f: {  	v8 =	vld [tilespmem:s11+$0x1210];
	v4 =	vadd.s32 v7, v4  }
0x280: {  	v7 =	vmul.u32 v2, v4  }
0x281: {  	(v2sf) =	vpush v5, $0x2;
	[tilespmem:s30+$0xFFFFFF60] =	vst v10  }
0x282: {  	v10 =	vld [tilespmem:s12+$0x1210];
	vm10 =	vgt.s32 v7, v6  }
0x283: {  	v6 =	vsel vm10, $0xFFFFFFFF, v1  }
0x284: {  	(v2sf) =	vpush v9, $0x5;
	s13 =	spop (v2sf);
	[tilespmem:s28+$0xFFFFFF10] =	vst v8;
	v4 =	vadd.s32 v6, v4  }
0x285: {  	v6 =	vld [tilespmem:s13+$0x1200];
	vm11 =	vlt.s32 v4, $0x100  }
0x286: {  	v4 =	vnsel vm11, $0x100, v4  }
0x287: {  	s14 =	spop (v2sf);
	[tilespmem:s30+$0xFFFFFF70] =	vst v10;
	v4 =	vshll.u32 v4, $0x7  }
0x288: {  	v7 =	vld [tilespmem:s14+$0x1200];
	v4 =	vshra.s32 v4, $0x2  }
0x289: {  	(v2sf) =	vpush v4, $0x0  }
0x28a: {  	[tilespmem:s28+$0xFFFFFF20] =	vst v6  }
0x28b: {  	v6 =	vld [tilespmem:s13+$0x1210]  }
0x28c: {  	s16 =	simm.s32 $0x30  }
0x28d: {  	v8 =	vld [tilespmem:s16+$0xD00];
	(v2sf) =	vpush v5, $0x3;
	[tilespmem:s30+$0xFFFFFF80] =	vst v7  }
0x28e: {  	v7 =	vld [tilespmem:s14+$0x1210];
	_ =	sdelay $0x1  }
0x28f: {  	s17 =	spop (v2sf);
	(v2sf) =	vpush v9, $0x6;
	[tilespmem:s28+$0xFFFFFF30] =	vst v6  }
0x290: {  	v6 =	vld [tilespmem:s17+$0x1200]  }
0x291: {  	v10 =	vcvt.s32.f32 v8  }
0x292: {  	s18 =	spop (v2sf);
	[tilespmem:s30+$0xFFFFFF90] =	vst v7  }
0x293: {  	v7 =	vmul.f32 v10, v3;
	v10 =	vld [tilespmem:s18+$0x1200]  }
0x294: {  	(v2sf) =	vpush v4, $0x1  }
0x295: {  	[tilespmem:s28+$0xFFFFFF40] =	vst v6;
	v6 =	vtrunc.f32 v7  }
0x296: {  	v7 =	vld [tilespmem:s17+$0x1210];
	v6 =	vcvt.f32.s32 v6  }
0x297: {  	s19 =	spop (v2sf)  }
0x298: {  	(v2sf) =	vpush v5, $0x4;
	vm12 =	vlt.s32 v6, $0x101;
	v11 =	vld [tilespmem:s19+$0x1200];
	[tilespmem:s30+$0xFFFFFFA0] =	vst v10  }
0x299: {  	v6 =	vnsel vm12, $0x101, v6;
	v10 =	vld [tilespmem:s18+$0x1210]  }
0x29a: {  	v12 =	vadd.s32 $0x1, v6  }
0x29b: {  	(v2sf) =	vpush v9, $0x7;
	s20 =	spop (v2sf);
	[tilespmem:s28+$0xFFFFFF50] =	vst v7;
	v7 =	vmul.u32 v2, v12  }
0x29c: {  	s26 =	simm.s32 $0xE120;
	v12 =	vld [tilespmem:s20+$0x1200]  }
0x29d: {  	vm13 =	vle.s32 v7, v8;
	[tilespmem:s26+$0xFFFFFF00] =	vst v11  }
0x29e: {  	s21 =	spop (v2sf);
	v7 =	vsel vm13, $0x1, v1;
	v11 =	vld [tilespmem:s19+$0x1210];
	[tilespmem:s30+$0xFFFFFFB0] =	vst v10  }
0x29f: {  	v6 =	vadd.s32 v7, v6;
	v7 =	vld [tilespmem:s21+$0x1200]  }
0x2a0: {  	(v2sf) =	vpush v4, $0x2;
	v10 =	vmul.u32 v2, v6  }
0x2a1: {  	[tilespmem:s28+$0xFFFFFF60] =	vst v12  }
0x2a2: {  	v12 =	vld [tilespmem:s20+$0x1210];
	vm14 =	vgt.s32 v10, v8  }
0x2a3: {  	s22 =	spop (v2sf);
	v8 =	vsel vm14, $0xFFFFFFFF, v1;
	[tilespmem:s26+$0xFFFFFF10] =	vst v11  }
0x2a4: {  	(v2sf) =	vpush v5, $0x5;
	v6 =	vadd.s32 v8, v6;
	v8 =	vld [tilespmem:s22+$0x1200];
	[tilespmem:s30+$0xFFFFFFC0] =	vst v7  }
0x2a5: {  	vm15 =	vlt.s32 v6, $0x100;
	v7 =	vld [tilespmem:s21+$0x1210]  }
0x2a6: {  	v6 =	vnsel vm15, $0x100, v6  }
0x2a7: {  	(v2sf) =	vpush v9, $0x8;
	s24 =	spop (v2sf);
	[tilespmem:s28+$0xFFFFFF70] =	vst v12;
	v6 =	vshll.u32 v6, $0x7  }
0x2a8: {  	v10 =	vld [tilespmem:s24+$0x1200];
	v6 =	vshra.s32 v6, $0x2  }
0x2a9: {  	(v2sf) =	vpush v6, $0x0;
	[tilespmem:s26+$0xFFFFFF20] =	vst v8  }
0x2aa: {  	s25 =	spop (v2sf);
	v8 =	vld [tilespmem:s22+$0x1210];
	[tilespmem:s30+$0xFFFFFFD0] =	vst v7  }
0x2ab: {  	s4 =	simm.s32 $0x40;
	v7 =	vld [tilespmem:s25+$0x1200]  }
0x2ac: {  	v11 =	vld [tilespmem:s4+$0xD00];
	(v2sf) =	vpush v4, $0x3  }
0x2ad: {  	[tilespmem:s28+$0xFFFFFF80] =	vst v10  }
0x2ae: {  	v10 =	vld [tilespmem:s24+$0x1210]  }
0x2af: {  	s5 =	spop (v2sf);
	[tilespmem:s26+$0xFFFFFF30] =	vst v8  }
0x2b0: {  	(v2sf) =	vpush v5, $0x6;
	v8 =	vld [tilespmem:s5+$0x1200];
	[tilespmem:s30+$0xFFFFFFE0] =	vst v7  }
0x2b1: {  	v12 =	vcvt.s32.f32 v11;
	v7 =	vld [tilespmem:s25+$0x1210];
	_ =	sdelay $0x1  }
0x2b2: {  	s6 =	spop (v2sf);
	(v2sf) =	vpush v9, $0x9;
	[tilespmem:s28+$0xFFFFFF90] =	vst v10;
	v10 =	vmul.f32 v12, v3  }
0x2b3: {  	v12 =	vld [tilespmem:s6+$0x1200]  }
0x2b4: {  	(v2sf) =	vpush v6, $0x1;
	[tilespmem:s26+$0xFFFFFF40] =	vst v8;
	v8 =	vtrunc.f32 v10  }
0x2b5: {  	s7 =	spop (v2sf);
	v10 =	vld [tilespmem:s5+$0x1210];
	[tilespmem:s30+$0xFFFFFFF0] =	vst v7;
	v7 =	vcvt.f32.s32 v8  }
0x2b6: {  	v8 =	vld [tilespmem:s7+$0x1200]  }
0x2b7: {  	s8 =	spop (v2sf);
	(v2sf) =	vpush v4, $0x4;
	vm4 =	vlt.s32 v7, $0x101  }
0x2b8: {  	v13 =	vld [tilespmem:s8+$0x1200];
	[tilespmem:s28+$0xFFFFFFA0] =	vst v12;
	v7 =	vnsel vm4, $0x101, v7  }
0x2b9: {  	v12 =	vld [tilespmem:s6+$0x1210];
	v14 =	vadd.s32 $0x1, v7  }
0x2ba: {  	s9 =	spop (v2sf);
	[tilespmem:s26+$0xFFFFFF50] =	vst v10;
	v10 =	vmul.u32 v2, v14  }
0x2bb: {  	(v2sf) =	vpush v5, $0x7;
	v14 =	vld [tilespmem:s9+$0x1200];
	[tilespmem:s30+$0x0] =	vst v8  }
0x2bc: {  	s29 =	simm.s32 $0xE320;
	v8 =	vld [tilespmem:s7+$0x1210];
	vm5 =	vle.s32 v10, v11  }
0x2bd: {  	[tilespmem:s29+$0xFFFFFF00] =	vst v13;
	v10 =	vsel vm5, $0x1, v1  }
0x2be: {  	s10 =	spop (v2sf);
	(v2sf) =	vpush v9, $0xA;
	v13 =	vld [tilespmem:s8+$0x1210];
	[tilespmem:s28+$0xFFFFFFB0] =	vst v12;
	v7 =	vadd.s32 v10, v7  }
0x2bf: {  	v10 =	vld [tilespmem:s10+$0x1200];
	v12 =	vmul.u32 v2, v7  }
0x2c0: {  	(v2sf) =	vpush v6, $0x2;
	[tilespmem:s26+$0xFFFFFF60] =	vst v14  }
0x2c1: {  	s11 =	spop (v2sf);
	v14 =	vld [tilespmem:s9+$0x1210];
	[tilespmem:s30+$0x10] =	vst v8;
	vm6 =	vgt.s32 v12, v11  }
0x2c2: {  	v8 =	vld [tilespmem:s11+$0x1200];
	v11 =	vsel vm6, $0xFFFFFFFF, v1  }
0x2c3: {  	s12 =	spop (v2sf);
	(v2sf) =	vpush v4, $0x5;
	[tilespmem:s29+$0xFFFFFF10] =	vst v13;
	v7 =	vadd.s32 v11, v7  }
0x2c4: {  	v11 =	vld [tilespmem:s12+$0x1200];
	[tilespmem:s28+$0xFFFFFFC0] =	vst v10;
	vm7 =	vlt.s32 v7, $0x100  }
0x2c5: {  	v10 =	vld [tilespmem:s10+$0x1210];
	v7 =	vnsel vm7, $0x100, v7  }
0x2c6: {  	s13 =	spop (v2sf);
	[tilespmem:s26+$0xFFFFFF70] =	vst v14;
	v7 =	vshll.u32 v7, $0x7  }
0x2c7: {  	(v2sf) =	vpush v5, $0x8;
	v12 =	vld [tilespmem:s13+$0x1200];
	[tilespmem:s30+$0x20] =	vst v8;
	v7 =	vshra.s32 v7, $0x2  }
0x2c8: {  	v8 =	vld [tilespmem:s11+$0x1210];
	(v2sf) =	vpush v7, $0x0  }
0x2c9: {  	[tilespmem:s29+$0xFFFFFF20] =	vst v11  }
0x2ca: {  	s14 =	spop (v2sf);
	v11 =	vld [tilespmem:s12+$0x1210];
	[tilespmem:s28+$0xFFFFFFD0] =	vst v10;
	(v2sf) =	vpush v9, $0xB  }
0x2cb: {  	s16 =	simm.s32 $0x50;
	v10 =	vld [tilespmem:s14+$0x1200]  }
0x2cc: {  	v13 =	vld [tilespmem:s16+$0xD00];
	(v2sf) =	vpush v6, $0x3;
	[tilespmem:s26+$0xFFFFFF80] =	vst v12  }
0x2cd: {  	s17 =	spop (v2sf);
	v12 =	vld [tilespmem:s13+$0x1210];
	[tilespmem:s30+$0x30] =	vst v8  }
0x2ce: {  	v8 =	vld [tilespmem:s17+$0x1200]  }
0x2cf: {  	s18 =	spop (v2sf);
	(v2sf) =	vpush v4, $0x6;
	[tilespmem:s29+$0xFFFFFF30] =	vst v11  }
0x2d0: {  	v11 =	vld [tilespmem:s18+$0x1200];
	[tilespmem:s28+$0xFFFFFFE0] =	vst v10  }
0x2d1: {  	v14 =	vcvt.s32.f32 v13;
	v10 =	vld [tilespmem:s14+$0x1210]  }
0x2d2: {  	s19 =	spop (v2sf);
	[tilespmem:s26+$0xFFFFFF90] =	vst v12  }
0x2d3: {  	(v2sf) =	vpush v5, $0x9;
	[tilespmem:s30+$0x40] =	vst v8;
	v8 =	vmul.f32 v14, v3;
	v12 =	vld [tilespmem:s19+$0x1200]  }
0x2d4: {  	(v2sf) =	vpush v7, $0x1;
	v14 =	vld [tilespmem:s17+$0x1210]  }
0x2d5: {  	[tilespmem:s29+$0xFFFFFF40] =	vst v11;
	v8 =	vtrunc.f32 v8  }
0x2d6: {  	s20 =	spop (v2sf);
	(v2sf) =	vpush v9, $0xC;
	v11 =	vld [tilespmem:s18+$0x1210];
	[tilespmem:s28+$0xFFFFFFF0] =	vst v10;
	v8 =	vcvt.f32.s32 v8  }
0x2d7: {  	v10 =	vld [tilespmem:s20+$0x1200];
	s21 =	spop (v2sf)  }
0x2d8: {  	(v2sf) =	vpush v6, $0x4;
	vm8 =	vlt.s32 v8, $0x101;
	v15 =	vld [tilespmem:s21+$0x1200];
	[tilespmem:s26+$0xFFFFFFA0] =	vst v12  }
0x2d9: {  	s22 =	spop (v2sf);
	v8 =	vnsel vm8, $0x101, v8;
	v12 =	vld [tilespmem:s19+$0x1210];
	[tilespmem:s30+$0x50] =	vst v14  }
0x2da: {  	v14 =	vadd.s32 $0x1, v8;
	v16 =	vld [tilespmem:s22+$0x1200]  }
0x2db: {  	s24 =	spop (v2sf);
	(v2sf) =	vpush v4, $0x7;
	[tilespmem:s29+$0xFFFFFF50] =	vst v11;
	v11 =	vmul.u32 v2, v14  }
0x2dc: {  	s31 =	simm.s32 $0xE520;
	v14 =	vld [tilespmem:s24+$0x1200];
	[tilespmem:s28+$0x0] =	vst v10  }
0x2dd: {  	v10 =	vld [tilespmem:s20+$0x1210];
	vm9 =	vle.s32 v11, v13;
	[tilespmem:s31+$0xFFFFFF00] =	vst v15  }
0x2de: {  	s25 =	spop (v2sf);
	v11 =	vsel vm9, $0x1, v1;
	v15 =	vld [tilespmem:s21+$0x1210];
	[tilespmem:s26+$0xFFFFFFB0] =	vst v12  }
0x2df: {  	(v2sf) =	vpush v5, $0xA;
	v8 =	vadd.s32 v11, v8;
	v11 =	vld [tilespmem:s25+$0x1200];
	[tilespmem:s30+$0x60] =	vst v16  }
0x2e0: {  	(v2sf) =	vpush v7, $0x2;
	v12 =	vmul.u32 v2, v8;
	v16 =	vld [tilespmem:s22+$0x1210]  }
0x2e1: {  	[tilespmem:s29+$0xFFFFFF60] =	vst v14  }
0x2e2: {  	s2 =	spop (v2sf);
	(v2sf) =	vpush v9, $0xD;
	v14 =	vld [tilespmem:s24+$0x1210];
	[tilespmem:s28+$0x10] =	vst v10;
	vm10 =	vgt.s32 v12, v13  }
0x2e3: {  	s4 =	spop (v2sf);
	v10 =	vld [tilespmem:s2+$0x1200];
	v12 =	vsel vm10, $0xFFFFFFFF, v1;
	[tilespmem:s31+$0xFFFFFF10] =	vst v15  }
0x2e4: {  	(v2sf) =	vpush v6, $0x5;
	v8 =	vadd.s32 v12, v8;
	v12 =	vld [tilespmem:s4+$0x1200];
	[tilespmem:s26+$0xFFFFFFC0] =	vst v11  }
0x2e5: {  	s5 =	spop (v2sf);
	vm11 =	vlt.s32 v8, $0x100;
	v11 =	vld [tilespmem:s25+$0x1210];
	[tilespmem:s30+$0x70] =	vst v16  }
0x2e6: {  	v8 =	vnsel vm11, $0x100, v8;
	v13 =	vld [tilespmem:s5+$0x1200]  }
0x2e7: {  	(v2sf) =	vpush v4, $0x8;
	[tilespmem:s29+$0xFFFFFF70] =	vst v14;
	s6 =	spop (v2sf);
	v8 =	vshll.u32 v8, $0x7  }
0x2e8: {  	v14 =	vld [tilespmem:s6+$0x1200];
	[tilespmem:s28+$0x20] =	vst v10;
	v8 =	vshra.s32 v8, $0x2  }
0x2e9: {  	v10 =	vld [tilespmem:s2+$0x1210];
	(v2sf) =	vpush v8, $0x0;
	[tilespmem:s31+$0xFFFFFF20] =	vst v12  }
0x2ea: {  	s7 =	spop (v2sf);
	v12 =	vld [tilespmem:s4+$0x1210];
	[tilespmem:s26+$0xFFFFFFD0] =	vst v11  }
0x2eb: {  	(v2sf) =	vpush v5, $0xB;
	v11 =	vld [tilespmem:s7+$0x1200];
	[tilespmem:s30+$0x80] =	vst v13  }
0x2ec: {  	s8 =	simm.s32 $0x60;
	(v2sf) =	vpush v7, $0x3;
	v13 =	vld [tilespmem:s5+$0x1210]  }
0x2ed: {  	v15 =	vld [tilespmem:s8+$0xD00];
	[tilespmem:s29+$0xFFFFFF80] =	vst v14  }
0x2ee: {  	s9 =	spop (v2sf);
	(v2sf) =	vpush v9, $0xE;
	v14 =	vld [tilespmem:s6+$0x1210];
	[tilespmem:s28+$0x30] =	vst v10  }
0x2ef: {  	s10 =	spop (v2sf);
	v16 =	vld [tilespmem:s9+$0x1200];
	[tilespmem:s31+$0xFFFFFF30] =	vst v12  }
0x2f0: {  	(v2sf) =	vpush v6, $0x6;
	v12 =	vld [tilespmem:s10+$0x1200];
	[tilespmem:s26+$0xFFFFFFE0] =	vst v11  }
0x2f1: {  	s11 =	spop (v2sf);
	v11 =	vld [tilespmem:s7+$0x1210];
	[tilespmem:s30+$0x90] =	vst v13  }
0x2f2: {  	v13 =	vld [tilespmem:s11+$0x1200]  }
0x2f3: {  	s13 =	spop (v2sf);
	(v2sf) =	vpush v4, $0x9;
	[tilespmem:s29+$0xFFFFFF90] =	vst v14;
	v14 =	vcvt.s32.f32 v15  }
0x2f4: {  	[tilespmem:s28+$0x40] =	vst v16;
	v16 =	vld [tilespmem:s13+$0x1200]  }
0x2f5: {  	v14 =	vmul.f32 v14, v3;
	[tilespmem:s31+$0xFFFFFF40] =	vst v12;
	v12 =	vld [tilespmem:s9+$0x1210]  }
0x2f6: {  	s14 =	spop (v2sf);
	(v2sf) =	vpush v8, $0x1;
	v17 =	vld [tilespmem:s10+$0x1210];
	[tilespmem:s26+$0xFFFFFFF0] =	vst v11  }
0x2f7: {  	v11 =	vld [tilespmem:s14+$0x1200];
	[tilespmem:s30+$0xA0] =	vst v13;
	v13 =	vtrunc.f32 v14  }
0x2f8: {  	(v2sf) =	vpush v5, $0xC;
	s16 =	spop (v2sf);
	v14 =	vld [tilespmem:s11+$0x1210];
	v13 =	vcvt.f32.s32 v13  }
0x2f9: {  	(v2sf) =	vpush v7, $0x4;
	[tilespmem:s29+$0xFFFFFFA0] =	vst v16;
	v62 =	vld [tilespmem:s16+$0x1200]  }
0x2fa: {  	v16 =	vld [tilespmem:s13+$0x1210];
	s17 =	spop (v2sf);
	[tilespmem:s28+$0x50] =	vst v12;
	vm12 =	vlt.s32 v13, $0x101  }
0x2fb: {  	(v2sf) =	vpush v9, $0xF;
	s18 =	spop (v2sf);
	[tilespmem:s31+$0xFFFFFF50] =	vst v17;
	v9 =	vld [tilespmem:s17+$0x1200];
	v12 =	vnsel vm12, $0x101, v13  }
0x2fc: {  	v13 =	vld [tilespmem:s18+$0x1200];
	[tilespmem:s26+$0x0] =	vst v11;
	v11 =	vadd.s32 $0x1, v12  }
0x2fd: {  	s0 =	simm.s32 $0xE720;
	(v2sf) =	vpush v6, $0x7;
	s19 =	spop (v2sf);
	v17 =	vld [tilespmem:s14+$0x1210];
	[tilespmem:s30+$0xB0] =	vst v14;
	v11 =	vmul.u32 v2, v11  }
0x2fe: {  	[tilespmem:s0+$0xFFFFFF00] =	vst v62;
	v14 =	vld [tilespmem:s19+$0x1200]  }
0x2ff: {  	s20 =	spop (v2sf);
	[tilespmem:s29+$0xFFFFFFB0] =	vst v16;
	v18 =	vld [tilespmem:s16+$0x1210];
	vm13 =	vle.s32 v11, v15  }
0x300: {  	s12 =	simm.s32 $0x70;
	(v2sf) =	vpush v4, $0xA;
	v11 =	vld [tilespmem:s20+$0x1200];
	[tilespmem:s28+$0x60] =	vst v9;
	v9 =	vsel vm13, $0x1, v1  }
0x301: {  	v10 =	vld [tilespmem:s12+$0xD00];
	[tilespmem:s31+$0xFFFFFF60] =	vst v13;
	v9 =	vadd.s32 v9, v12  }
0x302: {  	s21 =	spop (v2sf);
	(v2sf) =	vpush v8, $0x2;
	v13 =	vld [tilespmem:s17+$0x1210];
	[tilespmem:s26+$0x10] =	vst v17;
	v16 =	vmul.u32 v2, v9  }
0x303: {  	v12 =	vld [tilespmem:s18+$0x1210];
	[tilespmem:s30+$0xC0] =	vst v14  }
0x304: {  	(v2sf) =	vpush v5, $0xD;
	v17 =	vld [tilespmem:s21+$0x1200];
	[tilespmem:s0+$0xFFFFFF10] =	vst v18;
	vm14 =	vgt.s32 v16, v15  }
0x305: {  	s22 =	spop (v2sf);
	v14 =	vld [tilespmem:s19+$0x1210];
	[tilespmem:s29+$0xFFFFFFC0] =	vst v11;
	v11 =	vsel vm14, $0xFFFFFFFF, v1  }
0x306: {  	(v2sf) =	vpush v7, $0x5;
	v15 =	vld [tilespmem:s22+$0x1200];
	v9 =	vadd.s32 v11, v9  }
0x307: {  	s24 =	spop (v2sf);
	v16 =	vld [tilespmem:s20+$0x1210];
	[tilespmem:s28+$0x70] =	vst v13;
	vm15 =	vlt.s32 v9, $0x100  }
0x308: {  	[tilespmem:s31+$0xFFFFFF70] =	vst v12;
	s25 =	spop (v2sf);
	v11 =	vld [tilespmem:s24+$0x1200];
	v9 =	vnsel vm15, $0x100, v9  }
0x309: {  	(v2sf) =	vpush v6, $0x8;
	v12 =	vld [tilespmem:s25+$0x1200];
	[tilespmem:s26+$0x20] =	vst v17;
	v9 =	vshll.u32 v9, $0x7  }
0x30a: {  	v17 =	vld [tilespmem:s21+$0x1210];
	[tilespmem:s30+$0xD0] =	vst v14;
	s21 =	spop (v2sf);
	v9 =	vshra.s32 v9, $0x2  }
0x30b: {  	[tilespmem:s0+$0xFFFFFF20] =	vst v15;
	v63 =	vld [tilespmem:s21+$0x1200];
	(v2sf) =	vpush v9, $0x0  }
0x30c: {  	[tilespmem:s29+$0xFFFFFFD0] =	vst v16;
	s18 =	spop (v2sf);
	v15 =	vld [tilespmem:s22+$0x1210]  }
0x30d: {  	v13 =	vld [tilespmem:s18+$0x1200];
	[tilespmem:s28+$0x80] =	vst v11;
	(v2sf) =	vpush v4, $0xB  }
0x30e: {  	[tilespmem:s31+$0xFFFFFF80] =	vst v12;
	v12 =	vld [tilespmem:s24+$0x1210];
	(v2sf) =	vpush v8, $0x3  }
0x30f: {  	s13 =	spop (v2sf);
	v14 =	vld [tilespmem:s25+$0x1210];
	[tilespmem:s26+$0x30] =	vst v17  }
0x310: {  	s1 =	simm.s32 $0x200;
	(v2sf) =	vpush v5, $0xE;
	v11 =	vld [tilespmem:s13+$0x1200];
	[tilespmem:s30+$0xE0] =	vst v63  }
.LBB2_9:
0x311: {  	p0 =	sne.s32 s1, $0x13C0;
	[tilespmem:s0+$0xFFFFFF30] =	vst v15;
	s2 =	spop (v2sf);
	v15 =	vld [tilespmem:s21+$0x1210]  }
0x312: {  	v16 =	vld [tilespmem:s2+$0x1200];
	(v2sf) =	vpush v7, $0x6;
	[tilespmem:s29+$0xFFFFFFE0] =	vst v13  }
0x313: {  	v13 =	vld [tilespmem:s18+$0x1210];
	[tilespmem:s28+$0x90] =	vst v12;
	s4 =	spop (v2sf)  }
0x314: {  	s5 =	sshra.s32 s1, $0x2;
	v12 =	vcvt.s32.f32 v10;
	[tilespmem:s31+$0xFFFFFF90] =	vst v14;
	v14 =	vld [tilespmem:s4+$0x1200]  }
0x315: {  	v17 =	vld [tilespmem:s5+$0xD00];
	s5 =	spop (v2sf);
	(v2sf) =	vpush v6, $0x9;
	[tilespmem:s26+$0x40] =	vst v11  }
0x316: {  	v11 =	vmul.f32 v12, v3;
	v12 =	vld [tilespmem:s5+$0x1200];
	[tilespmem:s30+$0xF0] =	vst v15;
	s30 =	smov.u32 s28;
	s28 =	smov.u32 s26;
	s26 =	smov.u32 s29  }
0x317: {  	s29 =	smov.u32 s31;
	s31 =	smov.u32 s0;
	(v2sf) =	vpush v9, $0x1;
	[tilespmem:s0+$0xFFFFFF40] =	vst v16;
	v15 =	vld [tilespmem:s13+$0x1210]  }
0x318: {  	v11 =	vtrunc.f32 v11;
	v16 =	vld [tilespmem:s2+$0x1210];
	[tilespmem:s26+$0xFFFFFFF0] =	vst v13;
	s2 =	spop (v2sf)  }
0x319: {  	v11 =	vcvt.f32.s32 v11;
	v13 =	vld [tilespmem:s2+$0x1200];
	(v2sf) =	vpush v4, $0xC;
	[tilespmem:s30+$0xA0] =	vst v14  }
0x31a: {  	s6 =	spop (v2sf);
	(v2sf) =	vpush v8, $0x4;
	v14 =	vld [tilespmem:s4+$0x1210]  }
0x31b: {  	vm0 =	vlt.s32 v11, $0x101;
	v18 =	vld [tilespmem:s6+$0x1200];
	[tilespmem:s29+$0xFFFFFFA0] =	vst v12  }
0x31c: {  	v11 =	vnsel vm0, $0x101, v11;
	v12 =	vld [tilespmem:s5+$0x1210];
	[tilespmem:s28+$0x50] =	vst v15;
	s4 =	spop (v2sf);
	(v2sf) =	vpush v5, $0xF;
	v5 =	vmovc v4;
	v4 =	vmovc v6;
	v6 =	vmov v7  }
0x31d: {  	v15 =	vadd.s32 $0x1, v11;
	v7 =	vmov v8;
	v8 =	vmov v9;
	[tilespmem:s0+$0xFFFFFF50] =	vst v16;
	s5 =	spop (v2sf);
	v16 =	vld [tilespmem:s4+$0x1200]  }
0x31e: {  	v9 =	vmul.u32 v2, v15;
	v15 =	vld [tilespmem:s5+$0x1200];
	(v2sf) =	vpush v6, $0x7;
	[tilespmem:s26+$0x0] =	vst v13  }
0x31f: {  	s0 =	sadd.s32 $0x200, s0;
	v13 =	vld [tilespmem:s2+$0x1210];
	[tilespmem:s30+$0xB0] =	vst v14;
	s2 =	spop (v2sf)  }
0x320: {  	vm0 =	vle.s32 v9, v10;
	[tilespmem:s0+$0xFFFFFF00] =	vst v18;
	v9 =	vld [tilespmem:s2+$0x1200]  }
0x321: {  	v14 =	vsel vm0, $0x1, v1;
	v18 =	vld [tilespmem:s6+$0x1210];
	[tilespmem:s29+$0xFFFFFFB0] =	vst v12;
	s6 =	spop (v2sf);
	(v2sf) =	vpush v4, $0xA  }
0x322: {  	v11 =	vadd.s32 v14, v11;
	v12 =	vld [tilespmem:s6+$0x1200];
	[tilespmem:s28+$0x60] =	vst v16  }
0x323: {  	v14 =	vmul.u32 v2, v11;
	(v2sf) =	vpush v8, $0x2;
	[tilespmem:s31+$0xFFFFFF60] =	vst v15;
	v15 =	vld [tilespmem:s4+$0x1210]  }
0x324: {  	v16 =	vld [tilespmem:s5+$0x1210];
	[tilespmem:s26+$0x10] =	vst v13;
	s4 =	spop (v2sf)  }
0x325: {  	vm0 =	vgt.s32 v14, v10;
	v10 =	vmov v17;
	v13 =	vld [tilespmem:s4+$0x1200];
	(v2sf) =	vpush v5, $0xD;
	[tilespmem:s30+$0xC0] =	vst v9  }
0x326: {  	v9 =	vsel vm0, $0xFFFFFFFF, v1;
	[tilespmem:s0+$0xFFFFFF10] =	vst v18;
	s5 =	spop (v2sf);
	v14 =	vld [tilespmem:s2+$0x1210]  }
0x327: {  	v9 =	vadd.s32 v9, v11;
	v11 =	vld [tilespmem:s5+$0x1200];
	(v2sf) =	vpush v7, $0x5;
	[tilespmem:s29+$0xFFFFFFC0] =	vst v12  }
0x328: {  	vm0 =	vlt.s32 v9, $0x100;
	v12 =	vld [tilespmem:s6+$0x1210];
	[tilespmem:s28+$0x70] =	vst v15;
	s2 =	spop (v2sf)  }
0x329: {  	v9 =	vnsel vm0, $0x100, v9;
	[tilespmem:s31+$0xFFFFFF70] =	vst v16;
	s6 =	spop (v2sf);
	v16 =	vld [tilespmem:s2+$0x1200]  }
0x32a: {  	v9 =	vshll.u32 v9, $0x7;
	v17 =	vld [tilespmem:s6+$0x1200];
	(v2sf) =	vpush v6, $0x8;
	[tilespmem:s26+$0x20] =	vst v13  }
0x32b: {  	v9 =	vshra.s32 v9, $0x2;
	v18 =	vld [tilespmem:s4+$0x1210];
	[tilespmem:s30+$0xD0] =	vst v14;
	s21 =	spop (v2sf)  }
0x32c: {  	(v2sf) =	vpush v9, $0x0;
	[tilespmem:s0+$0xFFFFFF20] =	vst v11;
	v19 =	vld [tilespmem:s21+$0x1200]  }
.Ltmp3:
0x32d: {  	v15 =	vld [tilespmem:s5+$0x1210];
	[tilespmem:s29+$0xFFFFFFD0] =	vst v12;
	s18 =	spop (v2sf);
	(pc) =	sbr.rel @p0 .LBB2_9-.Ltmp3, $4  }
0x32e: {  	v13 =	vld [tilespmem:s18+$0x1200];
	(v2sf) =	vpush v4, $0xB;
	[tilespmem:s28+$0x80] =	vst v16  }
0x32f: {  	(v2sf) =	vpush v8, $0x3;
	[tilespmem:s31+$0xFFFFFF80] =	vst v17;
	v12 =	vld [tilespmem:s2+$0x1210]  }
0x330: {  	v14 =	vld [tilespmem:s6+$0x1210];
	[tilespmem:s26+$0x30] =	vst v18;
	s13 =	spop (v2sf)  }
0x331: {  	s1 =	sadd.s32 $0x40, s1;
	v11 =	vld [tilespmem:s13+$0x1200];
	(v2sf) =	vpush v5, $0xE;
	[tilespmem:s30+$0xE0] =	vst v19  }
0x332: {  	v16 =	vcvt.s32.f32 v10;
	_ =	sdelay $0x1  }
0x333: {  	v3 =	vmul.f32 v16, v3;
	_ =	sdelay $0x1  }
0x334: {  	v3 =	vtrunc.f32 v3  }
0x335: {  	v3 =	vcvt.f32.s32 v3;
	_ =	sdelay $0x1  }
0x336: {  	vm0 =	vlt.s32 v3, $0x101  }
0x337: {  	v3 =	vnsel vm0, $0x101, v3  }
0x338: {  	v41 =	vadd.s32 $0x1, v3  }
0x339: {  	v16 =	vmul.u32 v2, v41;
	_ =	sdelay $0x1  }
0x33a: {  	(v2sf) =	vpush v7, $0x6;
	vm13 =	vle.s32 v16, v10  }
0x33b: {  	(v2sf) =	vpush v6, $0x9;
	v16 =	vsel vm13, $0x1, v1  }
0x33c: {  	(v2sf) =	vpush v9, $0x1;
	v3 =	vadd.s32 v16, v3  }
0x33d: {  	(v2sf) =	vpush v4, $0xC;
	v2 =	vmul.u32 v2, v3  }
0x33e: {  	(v2sf) =	vpush v8, $0x4  }
0x33f: {  	(v2sf) =	vpush v5, $0xF;
	vm14 =	vgt.s32 v2, v10  }
0x340: {  	(v2sf) =	vpush v7, $0x7;
	v2 =	vsel vm14, $0xFFFFFFFF, v1  }
0x341: {  	s2 =	spop (v2sf);
	(v2sf) =	vpush v6, $0xA;
	v2 =	vadd.s32 v2, v3  }
0x342: {  	s1 =	spop (v2sf);
	(v2sf) =	vpush v9, $0x2;
	vm15 =	vlt.s32 v2, $0x100  }
0x343: {  	s7 =	spop (v2sf);
	(v2sf) =	vpush v4, $0xD;
	v2 =	vnsel vm15, $0x100, v2  }
0x344: {  	s8 =	spop (v2sf);
	(v2sf) =	vpush v8, $0x5;
	v2 =	vshll.u32 v2, $0x7  }
0x345: {  	s11 =	spop (v2sf);
	(v2sf) =	vpush v7, $0x8;
	v2 =	vshra.s32 v2, $0x2  }
0x346: {  	s9 =	spop (v2sf);
	(v2sf) =	vpush v2, $0x0  }
0x347: {  	s4 =	spop (v2sf)  }
0x348: {  	s10 =	spop (v2sf)  }
0x349: {  	s5 =	spop (v2sf)  }
0x34a: {  	s12 =	spop (v2sf)  }
0x34b: {  	[dreg:$0x16] =	wrdreg s12;
	s12 =	spop (v2sf)  }
0x34c: {  	s14 =	spop (v2sf)  }
0x34d: {  	[dreg:$0x15] =	wrdreg s9;
	s9 =	spop (v2sf);
	(v2sf) =	vpush v6, $0xB  }
0x34e: {  	[dreg:$0x1a] =	wrdreg s1;
	s16 =	spop (v2sf);
	(v2sf) =	vpush v9, $0x3  }
0x34f: {  	[dreg:$0x19] =	wrdreg s8;
	s6 =	spop (v2sf);
	(v2sf) =	vpush v4, $0xE  }
0x350: {  	[dreg:$0x14] =	wrdreg s10;
	s17 =	spop (v2sf);
	(v2sf) =	vpush v8, $0x6  }
0x351: {  	[dreg:$0xd] =	wrdreg s14;
	s14 =	spop (v2sf);
	(v2sf) =	vpush v7, $0x9  }
0x352: {  	[dreg:$0xc] =	wrdreg s16;
	s19 =	spop (v2sf);
	(v2sf) =	vpush v2, $0x1  }
0x353: {  	[dreg:$0xb] =	wrdreg s19;
	s19 =	spop (v2sf)  }
0x354: {  	[dreg:$0x13] =	wrdreg s17;
	s10 =	spop (v2sf)  }
0x355: {  	v3 =	vld [tilespmem:s11+$0x1200];
	s16 =	spop (v2sf)  }
0x356: {  	v42 =	vld [tilespmem:s16+$0x1200];
	_ =	sdelay $0x1  }
0x357: {  	(v2sf) =	vpush v6, $0xC  }
0x358: {  	s1 =	sadd.s32 $0x200, s0;
	(v2sf) =	vpush v9, $0x4  }
0x359: {  	s8 =	sadd.s32 $0x200, s1;
	[tilespmem:s1+$0xFFFFFF00] =	vst v3;
	(v2sf) =	vpush v4, $0xF  }
0x35a: {  	v3 =	vld [tilespmem:s11+$0x1210];
	[tilespmem:s8+$0xFFFFFF00] =	vst v42  }
0x35b: {  	s20 =	spop (v2sf);
	v43 =	vld [tilespmem:s16+$0x1210]  }
0x35c: {  	s16 =	spop (v2sf)  }
0x35d: {  	(v2sf) =	vpush v8, $0x7;
	[dreg:$0x12] =	wrdreg s20;
	s22 =	spop (v2sf)  }
0x35e: {  	(v2sf) =	vpush v7, $0xA;
	[dreg:$0xa] =	wrdreg s22;
	s20 =	spop (v2sf)  }
0x35f: {  	(v2sf) =	vpush v2, $0x2;
	[tilespmem:s1+$0xFFFFFF10] =	vst v3;
	s11 =	spop (v2sf)  }
0x360: {  	v3 =	vld [tilespmem:s12+$0x1200];
	s17 =	spop (v2sf);
	[tilespmem:s8+$0xFFFFFF10] =	vst v43  }
0x361: {  	v4 =	vld [tilespmem:s17+$0x1200];
	_ =	sdelay $0x3  }
0x362: {  	(v2sf) =	vpush v6, $0xD;
	[tilespmem:s1+$0xFFFFFF20] =	vst v3  }
0x363: {  	s24 =	spop (v2sf);
	v3 =	vld [tilespmem:s12+$0x1210];
	[tilespmem:s8+$0xFFFFFF20] =	vst v4  }
0x364: {  	v4 =	vld [tilespmem:s17+$0x1210];
	s17 =	spop (v2sf)  }
0x365: {  	(v2sf) =	vpush v9, $0x5;
	[dreg:$0x11] =	wrdreg s24;
	s25 =	spop (v2sf)  }
0x366: {  	(v2sf) =	vpush v8, $0x8;
	[dreg:$0x9] =	wrdreg s25  }
0x367: {  	(v2sf) =	vpush v7, $0xB;
	[tilespmem:s0+$0xFFFFFF30] =	vst v15  }
0x368: {  	(v2sf) =	vpush v2, $0x3;
	[tilespmem:s1+$0xFFFFFF30] =	vst v3;
	v44 =	vld [tilespmem:s2+$0x1200]  }
0x369: {  	s25 =	spop (v2sf);
	v3 =	vld [tilespmem:s14+$0x1200]  }
0x36a: {  	s12 =	spop (v2sf)  }
0x36b: {  	s22 =	spop (v2sf);
	[tilespmem:s8+$0xFFFFFF30] =	vst v4  }
0x36c: {  	v4 =	vld [tilespmem:s22+$0x1200]  }
0x36d: {  	[tilespmem:s0+$0xFFFFFF40] =	vst v44  }
0x36e: {  	(v2sf) =	vpush v6, $0xE;
	[tilespmem:s1+$0xFFFFFF40] =	vst v3;
	v5 =	vld [tilespmem:s2+$0x1210]  }
0x36f: {  	(v2sf) =	vpush v9, $0x6;
	v3 =	vld [tilespmem:s14+$0x1210]  }
0x370: {  	(v2sf) =	vpush v8, $0x9  }
0x371: {  	(v2sf) =	vpush v7, $0xC;
	s14 =	spop (v2sf);
	[tilespmem:s8+$0xFFFFFF40] =	vst v4  }
0x372: {  	v4 =	vld [tilespmem:s22+$0x1210];
	[dreg:$0x10] =	wrdreg s14  }
0x373: {  	[tilespmem:s0+$0xFFFFFF50] =	vst v5  }
0x374: {  	(v2sf) =	vpush v2, $0x4;
	s22 =	spop (v2sf);
	[tilespmem:s1+$0xFFFFFF50] =	vst v3;
	v5 =	vld [tilespmem:s4+$0x1200]  }
0x375: {  	s2 =	spop (v2sf);
	v3 =	vld [tilespmem:s16+$0x1200]  }
0x376: {  	s14 =	spop (v2sf)  }
0x377: {  	s24 =	spop (v2sf);
	[tilespmem:s8+$0xFFFFFF50] =	vst v4  }
0x378: {  	v4 =	vld [tilespmem:s24+$0x1200]  }
0x379: {  	[tilespmem:s0+$0xFFFFFF60] =	vst v5  }
0x37a: {  	(v2sf) =	vpush v6, $0xF;
	[tilespmem:s1+$0xFFFFFF60] =	vst v3;
	v5 =	vld [tilespmem:s4+$0x1210]  }
0x37b: {  	v3 =	vld [tilespmem:s16+$0x1210]  }
0x37c: {  	(v2sf) =	vpush v9, $0x7  }
0x37d: {  	(v2sf) =	vpush v8, $0xA;
	s16 =	spop (v2sf);
	[tilespmem:s8+$0xFFFFFF60] =	vst v4  }
0x37e: {  	(v2sf) =	vpush v7, $0xD;
	v4 =	vld [tilespmem:s24+$0x1210];
	[dreg:$0xf] =	wrdreg s16;
	s16 =	spop (v2sf)  }
0x37f: {  	s4 =	spop (v2sf);
	[tilespmem:s0+$0xFFFFFF70] =	vst v5  }
0x380: {  	(v2sf) =	vpush v2, $0x5;
	s24 =	spop (v2sf);
	[tilespmem:s1+$0xFFFFFF70] =	vst v3  }
0x381: {  	v5 =	vld [tilespmem:s9+$0x1200];
	[dreg:$0x18] =	wrdreg s24  }
0x382: {  	v3 =	vld [tilespmem:s17+$0x1200]  }
0x383: {  	s24 =	spop (v2sf);
	[tilespmem:s8+$0xFFFFFF70] =	vst v4  }
0x384: {  	v4 =	vld [tilespmem:s24+$0x1200];
	_ =	sdelay $0x1  }
0x385: {  	[tilespmem:s0+$0xFFFFFF80] =	vst v5  }
0x386: {  	v5 =	vld [tilespmem:s9+$0x1210];
	[tilespmem:s1+$0xFFFFFF80] =	vst v3  }
0x387: {  	v3 =	vld [tilespmem:s17+$0x1210]  }
0x388: {  	(v2sf) =	vpush v9, $0x8;
	[tilespmem:s8+$0xFFFFFF80] =	vst v4;
	s17 =	spop (v2sf)  }
0x389: {  	(v2sf) =	vpush v8, $0xB;
	v4 =	vld [tilespmem:s24+$0x1210];
	[dreg:$0xe] =	wrdreg s17  }
0x38a: {  	(v2sf) =	vpush v7, $0xE;
	s17 =	spop (v2sf);
	[tilespmem:s31+$0xFFFFFF90] =	vst v14  }
0x38b: {  	(v2sf) =	vpush v2, $0x6;
	s9 =	spop (v2sf);
	v45 =	vld [tilespmem:s7+$0x1200];
	[tilespmem:s0+$0xFFFFFF90] =	vst v5  }
0x38c: {  	s24 =	spop (v2sf);
	[tilespmem:s1+$0xFFFFFF90] =	vst v3  }
0x38d: {  	v5 =	vld [tilespmem:s19+$0x1200];
	[dreg:$0x17] =	wrdreg s24  }
0x38e: {  	s24 =	spop (v2sf);
	v3 =	vld [tilespmem:s22+$0x1200];
	[tilespmem:s8+$0xFFFFFF90] =	vst v4  }
0x38f: {  	v4 =	vld [tilespmem:s24+$0x1200]  }
0x390: {  	[tilespmem:s31+$0xFFFFFFA0] =	vst v45  }
0x391: {  	v6 =	vld [tilespmem:s7+$0x1210]  }
0x392: {  	[tilespmem:s0+$0xFFFFFFA0] =	vst v5  }
0x393: {  	v5 =	vld [tilespmem:s19+$0x1210];
	[tilespmem:s1+$0xFFFFFFA0] =	vst v3  }
0x394: {  	(v2sf) =	vpush v9, $0x9;
	v3 =	vld [tilespmem:s22+$0x1210];
	[tilespmem:s8+$0xFFFFFFA0] =	vst v4  }
0x395: {  	(v2sf) =	vpush v8, $0xC;
	v4 =	vld [tilespmem:s24+$0x1210]  }
0x396: {  	(v2sf) =	vpush v7, $0xF;
	[tilespmem:s31+$0xFFFFFFB0] =	vst v6  }
0x397: {  	(v2sf) =	vpush v2, $0x7;
	s22 =	spop (v2sf);
	v6 =	vld [tilespmem:s5+$0x1200]  }
0x398: {  	s7 =	spop (v2sf);
	[tilespmem:s0+$0xFFFFFFB0] =	vst v5  }
0x399: {  	s19 =	spop (v2sf);
	v5 =	vld [tilespmem:s20+$0x1200];
	[tilespmem:s1+$0xFFFFFFB0] =	vst v3  }
0x39a: {  	s24 =	spop (v2sf);
	v3 =	vld [tilespmem:s16+$0x1200];
	[tilespmem:s8+$0xFFFFFFB0] =	vst v4  }
0x39b: {  	[tilespmem:s29+$0xFFFFFFE0] =	vst v13;
	v4 =	vld [tilespmem:s24+$0x1200]  }
0x39c: {  	[tilespmem:s31+$0xFFFFFFC0] =	vst v6  }
0x39d: {  	[tilespmem:s28+$0x90] =	vst v12;
	v6 =	vld [tilespmem:s5+$0x1210]  }
0x39e: {  	v46 =	vld [tilespmem:s21+$0x1210];
	[tilespmem:s0+$0xFFFFFFC0] =	vst v5  }
0x39f: {  	v5 =	vld [tilespmem:s20+$0x1210];
	[tilespmem:s1+$0xFFFFFFC0] =	vst v3  }
0x3a0: {  	v3 =	vld [tilespmem:s16+$0x1210];
	[tilespmem:s8+$0xFFFFFFC0] =	vst v4  }
0x3a1: {  	[tilespmem:s26+$0x40] =	vst v11;
	(v2sf) =	vpush v9, $0xA;
	v4 =	vld [tilespmem:s24+$0x1210]  }
0x3a2: {  	(v2sf) =	vpush v8, $0xD;
	[tilespmem:s31+$0xFFFFFFD0] =	vst v6  }
0x3a3: {  	[tilespmem:s30+$0xF0] =	vst v46;
	(v2sf) =	vpush v2, $0x8;
	s20 =	spop (v2sf);
	v6 =	vld [tilespmem:s6+$0x1200]  }
0x3a4: {  	v47 =	vld [tilespmem:s18+$0x1210];
	s30 =	spop (v2sf);
	[tilespmem:s0+$0xFFFFFFD0] =	vst v5  }
0x3a5: {  	s21 =	spop (v2sf);
	v5 =	vld [tilespmem:s25+$0x1200];
	[tilespmem:s1+$0xFFFFFFD0] =	vst v3  }
0x3a6: {  	s24 =	spop (v2sf);
	v3 =	vld [tilespmem:s17+$0x1200];
	[tilespmem:s8+$0xFFFFFFD0] =	vst v4  }
0x3a7: {  	v4 =	vld [tilespmem:s24+$0x1200];
	s16 =	rddreg [dreg:$0x1a]  }
0x3a8: {  	[tilespmem:s31+$0xFFFFFFE0] =	vst v6;
	v48 =	vld [tilespmem:s16+$0x1200]  }
0x3a9: {  	[tilespmem:s29+$0xFFFFFFF0] =	vst v47;
	v6 =	vld [tilespmem:s6+$0x1210]  }
0x3aa: {  	v49 =	vld [tilespmem:s13+$0x1210];
	[tilespmem:s0+$0xFFFFFFE0] =	vst v5  }
0x3ab: {  	v5 =	vld [tilespmem:s25+$0x1210];
	[tilespmem:s1+$0xFFFFFFE0] =	vst v3  }
0x3ac: {  	v3 =	vld [tilespmem:s17+$0x1210];
	[tilespmem:s8+$0xFFFFFFE0] =	vst v4  }
0x3ad: {  	v4 =	vld [tilespmem:s24+$0x1210];
	[tilespmem:s28+$0xA0] =	vst v48  }
0x3ae: {  	(v2sf) =	vpush v9, $0xB;
	s18 =	rddreg [dreg:$0x19];
	[tilespmem:s31+$0xFFFFFFF0] =	vst v6;
	v51 =	vld [tilespmem:s16+$0x1210]  }
0x3af: {  	(v2sf) =	vpush v8, $0xE;
	[tilespmem:s26+$0x50] =	vst v49;
	v50 =	vld [tilespmem:s18+$0x1200]  }
0x3b0: {  	(v2sf) =	vpush v2, $0x9;
	s13 =	spop (v2sf);
	v6 =	vld [tilespmem:s10+$0x1200];
	[tilespmem:s0+$0xFFFFFFF0] =	vst v5  }
0x3b1: {  	s5 =	spop (v2sf);
	v5 =	vld [tilespmem:s2+$0x1200];
	[tilespmem:s1+$0xFFFFFFF0] =	vst v3  }
0x3b2: {  	s24 =	spop (v2sf);
	v3 =	vld [tilespmem:s22+$0x1200];
	[tilespmem:s8+$0xFFFFFFF0] =	vst v4  }
0x3b3: {  	v4 =	vld [tilespmem:s24+$0x1200];
	[tilespmem:s28+$0xB0] =	vst v51  }
0x3b4: {  	[tilespmem:s29+$0x0] =	vst v50  }
0x3b5: {  	[tilespmem:s31+$0x0] =	vst v6;
	v10 =	vld [tilespmem:s18+$0x1210]  }
0x3b6: {  	v6 =	vld [tilespmem:s10+$0x1210];
	[tilespmem:s0+$0x0] =	vst v5  }
0x3b7: {  	v5 =	vld [tilespmem:s2+$0x1210];
	[tilespmem:s1+$0x0] =	vst v3  }
0x3b8: {  	v3 =	vld [tilespmem:s22+$0x1210];
	[tilespmem:s8+$0x0] =	vst v4  }
0x3b9: {  	v4 =	vld [tilespmem:s24+$0x1210];
	s25 =	rddreg [dreg:$0x15]  }
0x3ba: {  	v52 =	vld [tilespmem:s25+$0x1200];
	[tilespmem:s29+$0x10] =	vst v10  }
0x3bb: {  	(v2sf) =	vpush v9, $0xC;
	s2 =	rddreg [dreg:$0x16];
	[tilespmem:s31+$0x10] =	vst v6  }
0x3bc: {  	(v2sf) =	vpush v8, $0xF;
	[tilespmem:s0+$0x10] =	vst v5;
	v53 =	vld [tilespmem:s2+$0x1200]  }
0x3bd: {  	(v2sf) =	vpush v2, $0xA;
	s10 =	spop (v2sf);
	v6 =	vld [tilespmem:s11+$0x1200];
	[tilespmem:s1+$0x10] =	vst v3  }
0x3be: {  	s6 =	spop (v2sf);
	v5 =	vld [tilespmem:s4+$0x1200];
	[tilespmem:s8+$0x10] =	vst v4  }
0x3bf: {  	s16 =	spop (v2sf);
	v3 =	vld [tilespmem:s20+$0x1200];
	[tilespmem:s26+$0x60] =	vst v52  }
0x3c0: {  	v4 =	vld [tilespmem:s16+$0x1200];
	s22 =	rddreg [dreg:$0x14]  }
0x3c1: {  	v54 =	vld [tilespmem:s22+$0x1200];
	[tilespmem:s29+$0x20] =	vst v53  }
0x3c2: {  	[tilespmem:s31+$0x20] =	vst v6;
	v8 =	vld [tilespmem:s2+$0x1210]  }
0x3c3: {  	[tilespmem:s0+$0x20] =	vst v5;
	v6 =	vld [tilespmem:s11+$0x1210]  }
0x3c4: {  	v5 =	vld [tilespmem:s4+$0x1210];
	[tilespmem:s1+$0x20] =	vst v3  }
0x3c5: {  	v55 =	vld [tilespmem:s25+$0x1210];
	[tilespmem:s8+$0x20] =	vst v4  }
0x3c6: {  	v3 =	vld [tilespmem:s20+$0x1210];
	[tilespmem:s28+$0xC0] =	vst v54  }
0x3c7: {  	v4 =	vld [tilespmem:s16+$0x1210];
	[tilespmem:s29+$0x30] =	vst v8  }
0x3c8: {  	v56 =	vld [tilespmem:s22+$0x1210];
	s24 =	rddreg [dreg:$0x13];
	[tilespmem:s31+$0x30] =	vst v6  }
0x3c9: {  	(v2sf) =	vpush v9, $0xD;
	[tilespmem:s0+$0x30] =	vst v5;
	v8 =	vld [tilespmem:s24+$0x1200]  }
0x3ca: {  	(v2sf) =	vpush v2, $0xB;
	s4 =	spop (v2sf);
	[tilespmem:s26+$0x70] =	vst v55;
	v6 =	vld [tilespmem:s12+$0x1200]  }
0x3cb: {  	s2 =	spop (v2sf);
	v5 =	vld [tilespmem:s9+$0x1200];
	[tilespmem:s1+$0x30] =	vst v3  }
0x3cc: {  	s25 =	spop (v2sf);
	v3 =	vld [tilespmem:s13+$0x1200];
	[tilespmem:s8+$0x30] =	vst v4  }
0x3cd: {  	v4 =	vld [tilespmem:s25+$0x1200];
	[tilespmem:s28+$0xD0] =	vst v56  }
0x3ce: {  	[tilespmem:s29+$0x40] =	vst v8  }
0x3cf: {  	[tilespmem:s31+$0x40] =	vst v6;
	v8 =	vld [tilespmem:s24+$0x1210]  }
0x3d0: {  	[tilespmem:s0+$0x40] =	vst v5;
	v6 =	vld [tilespmem:s12+$0x1210]  }
0x3d1: {  	v5 =	vld [tilespmem:s9+$0x1210];
	[tilespmem:s1+$0x40] =	vst v3  }
0x3d2: {  	v3 =	vld [tilespmem:s13+$0x1210];
	[tilespmem:s8+$0x40] =	vst v4  }
0x3d3: {  	v4 =	vld [tilespmem:s25+$0x1210];
	s12 =	rddreg [dreg:$0xd]  }
0x3d4: {  	v57 =	vld [tilespmem:s12+$0x1200];
	[tilespmem:s29+$0x50] =	vst v8  }
0x3d5: {  	s17 =	rddreg [dreg:$0x12];
	[tilespmem:s31+$0x50] =	vst v6  }
0x3d6: {  	[tilespmem:s0+$0x50] =	vst v5;
	v8 =	vld [tilespmem:s17+$0x1200]  }
0x3d7: {  	(v2sf) =	vpush v9, $0xE;
	[tilespmem:s1+$0x50] =	vst v3;
	v6 =	vld [tilespmem:s14+$0x1200]  }
0x3d8: {  	(v2sf) =	vpush v2, $0xC;
	s9 =	spop (v2sf);
	v5 =	vld [tilespmem:s7+$0x1200];
	[tilespmem:s8+$0x50] =	vst v4  }
0x3d9: {  	s18 =	spop (v2sf);
	v3 =	vld [tilespmem:s10+$0x1200];
	[tilespmem:s26+$0x80] =	vst v57  }
0x3da: {  	v4 =	vld [tilespmem:s18+$0x1200];
	s20 =	rddreg [dreg:$0xc]  }
0x3db: {  	v58 =	vld [tilespmem:s20+$0x1200];
	[tilespmem:s29+$0x60] =	vst v8  }
0x3dc: {  	[tilespmem:s31+$0x60] =	vst v6;
	v8 =	vld [tilespmem:s17+$0x1210]  }
0x3dd: {  	[tilespmem:s0+$0x60] =	vst v5;
	v6 =	vld [tilespmem:s14+$0x1210]  }
0x3de: {  	[tilespmem:s1+$0x60] =	vst v3  }
0x3df: {  	v5 =	vld [tilespmem:s7+$0x1210];
	[tilespmem:s8+$0x60] =	vst v4  }
0x3e0: {  	v3 =	vld [tilespmem:s10+$0x1210];
	[tilespmem:s28+$0xE0] =	vst v58  }
0x3e1: {  	v4 =	vld [tilespmem:s18+$0x1210];
	[tilespmem:s29+$0x70] =	vst v8  }
0x3e2: {  	v59 =	vld [tilespmem:s12+$0x1210];
	s22 =	rddreg [dreg:$0x11];
	[tilespmem:s31+$0x70] =	vst v6  }
0x3e3: {  	(v2sf) =	vpush v9, $0xF;
	v8 =	vld [tilespmem:s22+$0x1200];
	s24 =	rddreg [dreg:$0x18]  }
0x3e4: {  	(v2sf) =	vpush v2, $0xD;
	[tilespmem:s0+$0x70] =	vst v5;
	v6 =	vld [tilespmem:s24+$0x1200]  }
0x3e5: {  	v60 =	vld [tilespmem:s20+$0x1210];
	[tilespmem:s1+$0x70] =	vst v3  }
0x3e6: {  	s7 =	spop (v2sf);
	[tilespmem:s8+$0x70] =	vst v4;
	v5 =	vld [tilespmem:s30+$0x1200]  }
0x3e7: {  	s25 =	spop (v2sf);
	[tilespmem:s26+$0x90] =	vst v59;
	v3 =	vld [tilespmem:s4+$0x1200]  }
0x3e8: {  	v4 =	vld [tilespmem:s25+$0x1200];
	[tilespmem:s29+$0x80] =	vst v8  }
0x3e9: {  	v8 =	vld [tilespmem:s22+$0x1210];
	[tilespmem:s31+$0x80] =	vst v6  }
0x3ea: {  	[tilespmem:s28+$0xF0] =	vst v60;
	v6 =	vld [tilespmem:s24+$0x1210]  }
0x3eb: {  	[tilespmem:s0+$0x80] =	vst v5  }
0x3ec: {  	[tilespmem:s1+$0x80] =	vst v3;
	v5 =	vld [tilespmem:s30+$0x1210]  }
0x3ed: {  	[tilespmem:s8+$0x80] =	vst v4;
	v3 =	vld [tilespmem:s4+$0x1210]  }
0x3ee: {  	v4 =	vld [tilespmem:s25+$0x1210];
	s13 =	rddreg [dreg:$0xb];
	[tilespmem:s29+$0x90] =	vst v8  }
0x3ef: {  	v61 =	vld [tilespmem:s13+$0x1200];
	s14 =	rddreg [dreg:$0x10];
	[tilespmem:s31+$0x90] =	vst v6  }
0x3f0: {  	v8 =	vld [tilespmem:s14+$0x1200];
	s16 =	rddreg [dreg:$0x17]  }
0x3f1: {  	(v2sf) =	vpush v2, $0xE;
	[tilespmem:s0+$0x90] =	vst v5;
	v6 =	vld [tilespmem:s16+$0x1200]  }
0x3f2: {  	s17 =	spop (v2sf);
	[tilespmem:s1+$0x90] =	vst v3;
	v5 =	vld [tilespmem:s5+$0x1200]  }
0x3f3: {  	s18 =	spop (v2sf);
	[tilespmem:s8+$0x90] =	vst v4;
	v3 =	vld [tilespmem:s9+$0x1200]  }
0x3f4: {  	[tilespmem:s26+$0xA0] =	vst v61;
	v4 =	vld [tilespmem:s18+$0x1200]  }
0x3f5: {  	v7 =	vld [tilespmem:s13+$0x1210];
	[tilespmem:s29+$0xA0] =	vst v8  }
0x3f6: {  	v8 =	vld [tilespmem:s14+$0x1210];
	[tilespmem:s31+$0xA0] =	vst v6  }
0x3f7: {  	[tilespmem:s0+$0xA0] =	vst v5  }
0x3f8: {  	[tilespmem:s1+$0xA0] =	vst v3;
	v6 =	vld [tilespmem:s16+$0x1210]  }
0x3f9: {  	[tilespmem:s8+$0xA0] =	vst v4;
	v5 =	vld [tilespmem:s5+$0x1210]  }
0x3fa: {  	[tilespmem:s26+$0xB0] =	vst v7;
	v3 =	vld [tilespmem:s9+$0x1210]  }
0x3fb: {  	v4 =	vld [tilespmem:s18+$0x1210];
	s20 =	rddreg [dreg:$0xa];
	[tilespmem:s29+$0xB0] =	vst v8  }
0x3fc: {  	v7 =	vld [tilespmem:s20+$0x1200];
	s22 =	rddreg [dreg:$0xf]  }
0x3fd: {  	[tilespmem:s31+$0xB0] =	vst v6;
	v8 =	vld [tilespmem:s22+$0x1200]  }
0x3fe: {  	(v2sf) =	vpush v2, $0xF;
	[tilespmem:s0+$0xB0] =	vst v5;
	v2 =	vld [tilespmem:s19+$0x1200]  }
0x3ff: {  	[tilespmem:s1+$0xB0] =	vst v3;
	v5 =	vld [tilespmem:s6+$0x1200]  }
0x400: {  	s24 =	spop (v2sf);
	[tilespmem:s8+$0xB0] =	vst v4;
	v3 =	vld [tilespmem:s7+$0x1200]  }
0x401: {  	[tilespmem:s26+$0xC0] =	vst v7;
	v4 =	vld [tilespmem:s24+$0x1200]  }
0x402: {  	v62 =	vld [tilespmem:s20+$0x1210];
	[tilespmem:s29+$0xC0] =	vst v8  }
0x403: {  	[tilespmem:s31+$0xC0] =	vst v2;
	v63 =	vld [tilespmem:s22+$0x1210]  }
0x404: {  	[tilespmem:s0+$0xC0] =	vst v5  }
0x405: {  	[tilespmem:s1+$0xC0] =	vst v3;
	v2 =	vld [tilespmem:s19+$0x1210]  }
0x406: {  	[tilespmem:s8+$0xC0] =	vst v4;
	v5 =	vld [tilespmem:s6+$0x1210]  }
0x407: {  	v3 =	vld [tilespmem:s7+$0x1210];
	[tilespmem:s26+$0xD0] =	vst v62  }
0x408: {  	v4 =	vld [tilespmem:s24+$0x1210];
	s25 =	rddreg [dreg:$0x9];
	[tilespmem:s29+$0xD0] =	vst v63  }
0x409: {  	v6 =	vld [tilespmem:s25+$0x1200];
	s28 =	rddreg [dreg:$0xe]  }
0x40a: {  	[tilespmem:s31+$0xD0] =	vst v2;
	v7 =	vld [tilespmem:s28+$0x1200]  }
0x40b: {  	[tilespmem:s0+$0xD0] =	vst v5;
	v2 =	vld [tilespmem:s21+$0x1200]  }
0x40c: {  	[tilespmem:s1+$0xD0] =	vst v3;
	v5 =	vld [tilespmem:s2+$0x1200]  }
0x40d: {  	s30 =	spop (v2sf);
	[tilespmem:s8+$0xD0] =	vst v4;
	v3 =	vld [tilespmem:s17+$0x1200]  }
0x40e: {  	[tilespmem:s26+$0xE0] =	vst v6;
	v4 =	vld [tilespmem:s30+$0x1200]  }
0x40f: {  	v6 =	vld [tilespmem:s25+$0x1210];
	[tilespmem:s29+$0xE0] =	vst v7  }
0x410: {  	[tilespmem:s31+$0xE0] =	vst v2;
	v7 =	vld [tilespmem:s28+$0x1210]  }
0x411: {  	[tilespmem:s0+$0xE0] =	vst v5;
	v2 =	vld [tilespmem:s21+$0x1210]  }
0x412: {  	[tilespmem:s1+$0xE0] =	vst v3;
	v5 =	vld [tilespmem:s2+$0x1210]  }
0x413: {  	[tilespmem:s8+$0xE0] =	vst v4;
	v3 =	vld [tilespmem:s17+$0x1210]  }
0x414: {  	[tilespmem:s26+$0xF0] =	vst v6;
	v4 =	vld [tilespmem:s30+$0x1210]  }
0x415: {  	[tilespmem:s29+$0xF0] =	vst v7  }
0x416: {  	[tilespmem:s31+$0xF0] =	vst v2  }
0x417: {  	[tilespmem:s0+$0xF0] =	vst v5  }
0x418: {  	[tilespmem:s1+$0xF0] =	vst v3  }
0x419: {  	s16 =	simm.s32 $0x80;
	s7 =	simm.s32 $0x3720;
	[tilespmem:s8+$0xF0] =	vst v4;
	s8 =	simm.s32 $0xDC20  }
0x41a: {  	[hbm4b:s15+s16] =	stream.indirect.scatter [tilespmem:s8], [sflag:$0x1], $0x20, s7, s16, $0xb8;
	[tilespmem:$0x17C20] =	vst v63  }
0x41b: {  	s10 =	simm.s32 $0xEC20;
	s9 =	simm.s32 $0x37A0  }
0x41c: {  	[hbm4b:s15+s16] =	stream.indirect.scatter [tilespmem:s10], [sflag:$0x1], $0x20, s9, s16, $0xb8;
	[tilespmem:$0x17C20] =	vst v63  }
0x41d: {  	s11 =	simm.s32 $0x3820;
	s12 =	simm.s32 $0xFC20  }
0x41e: {  	[hbm4b:s15+s16] =	stream.indirect.scatter [tilespmem:s12], [sflag:$0x1], $0x20, s11, s16, $0xb8;
	[tilespmem:$0x17C20] =	vst v63  }
0x41f: {  	s13 =	simm.s32 $0x38A0;
	s14 =	simm.s32 $0x10C20  }
0x420: {  	[hbm4b:s15+s16] =	stream.indirect.scatter [tilespmem:s14], [sflag:$0x1], $0x20, s13, s16, $0xb8;
	[tilespmem:$0x17C20] =	vst v63  }
0x421: {  	s18 =	simm.s32 $0x11C20;
	s17 =	simm.s32 $0x3920  }
0x422: {  	[hbm4b:s15+s16] =	stream.indirect.scatter [tilespmem:s18], [sflag:$0x1], $0x20, s17, s16, $0xb8;
	[tilespmem:$0x17C20] =	vst v63  }
0x423: {  	s20 =	simm.s32 $0x12C20;
	s19 =	simm.s32 $0x39A0;
	s31 =	rddreg [dreg:$0x8]  }
0x424: {  	[hbm4b:s15+s16] =	stream.indirect.scatter [tilespmem:s20], [sflag:$0x1], $0x20, s19, s16, $0xb8;
	[tilespmem:$0x17C20] =	vst v63  }
0x425: {  	s22 =	simm.s32 $0x13C20;
	s21 =	simm.s32 $0x3A20;
	s7 =	sadd.s32 $0x1, s31  }
0x426: {  	[hbm4b:s15+s16] =	stream.indirect.scatter [tilespmem:s22], [sflag:$0x1], $0x20, s21, s16, $0xb8;
	[tilespmem:$0x17C20] =	vst v63  }
0x427: {  	s24 =	simm.s32 $0x3AA0;
	s25 =	simm.s32 $0x14C20;
	p0 =	sne.s32 s7, $0x20  }
0x428: {  	[hbm4b:s15+s16] =	stream.indirect.scatter [tilespmem:s25], [sflag:$0x1], $0x20, s24, s16, $0xb8;
	[tilespmem:$0x17C20] =	vst v63  }
.Ltmp4:
0x429: {  	_ = 	snop;
	(pc) =	sbr.rel @p0 .LBB2_4-.Ltmp4, $4  }
0x42a: {  	s26 =	simm.s32 $0x3B20;
	s28 =	simm.s32 $0x15C20  }
0x42b: {  	[hbm4b:s15+s16] =	stream.indirect.scatter [tilespmem:s28], [sflag:$0x1], $0x20, s26, s16, $0xb8;
	[tilespmem:$0x17C20] =	vst v63  }
0x42c: {  	s30 =	simm.s32 $0x16C20;
	s29 =	simm.s32 $0x3BA0  }
0x42d: {  	[hbm4b:s15+s16] =	stream.indirect.scatter [tilespmem:s30], [sflag:$0x1], $0x20, s29, s16, $0xb8;
	[tilespmem:$0x17C20] =	vst v63  }
0x42e: {  	s1 =	simm.s32 $0x1  }
0x42f: {  	_ =	swait.ge [sflag:s1], $0xA000  }
0x430: {  	[sflag:s1] =	ssyncset.done $0x0  }
0x431: {  	[sflag:s1] =	ssyncadd.s32 $0xFFFF6000  }
0x432: {  	_ =	swait.ge [sflag:s1], $0xA000  }
0x433: {  	s2 =	rddreg [dreg:$0x7]  }
0x434: {  	s0 =	rddreg [dreg:$0x6];
	s2 =	sadd.s32 $0x1, s2  }
0x435: {  	p0 =	sne.s32 s2, s0  }
.Ltmp5:
0x436: {  	_ = 	snop;
	(pc) =	sbr.rel @p0 .LBB2_1-.Ltmp5, $3  }
0x437: {  	_ =	sdelay $0x1  }
0x438: {  	[sflag:s1] =	ssyncset.done $0x0  }
0x439: {  	[sflag:s1] =	ssyncadd.s32 $0xFFFF6000  }
0x43a: {  	_ =	sfence.sel $0x180000  }
0x43b: {  	[bflag:$0x0] =	sbarrier.arrive $0xFFFF  }
0x43c: {  	_ =	strace $0x90000047  }
0x43d: {  	s0 =	stileid.u32;
	[bflag:$0x2] =	sbarrier.arrive $0xFFFF  }
0x43e: {  	p0 =	sne.s32 s0, $0x0;
	s0 =	rddreg [dreg:$0x2]  }
0x43f: {  	s0 =	sadd.s32 @!p0 $0x100000, s0  }
0x440: {  	[sflag:s0] =	ssyncadd.tile.s32 @!p0 $0x1;
	_ =	shalt  }
.Lfunc_end2:
_tile_overlayer_lowered:
.L_overlay_start_2:
0x441: {  	(tag) =	ssettag $0x2  }
0x442: {  	s0 =	rddreg [dreg:$0x0];
	s2 =	stileid.u32  }
0x443: {  	s1 =	rddreg [dreg:$0x1];
	p0 =	sne.s32 s2, $0x0  }
0x444: {  	s3 =	rddreg [dreg:$0x2];
	[bflag:$0x3] =	sbarrier.arrive $0xFFFF;
	s2 =	simm.s32 @!p0 $0x1C02  }
0x445: {  	[timem:s3], [sflag:s2] =	dma.local @!p0 [hbm:s0], s1  }
0x446: {  	s0 =	simm.s32 @!p0 $0x2  }
0x447: {  	_ =	swait.ge @!p0 [sflag:s0], s1  }
0x448: {  	s1 =	ssub.s32 @!p0 $0x0, s1;
	[sflag:s0] =	ssyncset.done @!p0 $0x0  }
0x449: {  	[sflag:s0] =	ssyncadd.s32 @!p0 s1  }
0x44a: {  	[bflag:$0x3] =	sbarrier.arrive $0xFFFF  }
0x44b: {  	_ =	shalt  }

// kernel: sparse-core-data-format-call.cloned.1.call-start
scs
called_computation_lowered:
.L_overlay_start_0:
0x0: {  	s2 =	sld [smem:$0x3FD9]  }
0x1: {  	s3 =	sld [smem:$0x3FFE];
	_ =	sdelay $0x1  }
0x2: {  	s1 =	srdreg.scid  }
0x3: {  	s0 =	sand.u32 $0x1, s1  }
0x4: {  	s18 =	sshll.u32 s0, $0xA;
	s2 =	sadd.s32 s3, s2  }
0x5: {  	s2 =	sadd.s32 s2, s18  }
0x6: {  	[smem:$0x3FC6] =	sst s2  }
0x7: {  	_ = 	snop  }
0x8: {  	s2 =	sld [smem:$0x3FD0];
	(tm) =	ssettm $0x1  }
0x9: {  	s19 =	sld [smem:$0x3FFB];
	_ =	sdelay $0x3  }
0xa: {  	_ =	strace s19  }
0xb: {  	s3 =	sld [smem:$0x3FFC];
	_ =	sdelay $0x3  }
0xc: {  	_ =	strace s3  }
0xd: {  	s3 =	sld [smem:$0x3FFD];
	_ =	sdelay $0x3  }
0xe: {  	_ =	strace s3  }
0xf: {  	_ =	strace $0x8FFFFFFF  }
0x10: {  	s20 =	sld [smem:$0x3FDB];
	_ =	sdelay $0x1  }
0x11: {  	s4 =	simm.s32 $_scs_section_size  }
0x12: {  	s5 =	simm.s32 $_size__tile_overlayer_lowered;
	s6 =	simm.s32 $_tile_overlayer_lowered  }
0x13: {  	s23 =	simm.s32 $0x1BFF;
	s22 =	sshll.u32 s6, $0x1;
	s3 =	sadd.s32 s4, s20  }
0x14: {  	s7 =	simm.s32 $0x0;
	s21 =	sshll.u32 s5, $0x1;
	s5 =	sadd.s32 s22, s3  }
0x15: {  	[timem:s7], [sflag:s23] =	dma.local [hbm:s5], s21  }
0x16: {  	_ =	swait.ge [sflag:s23], s21  }
0x17: {  	s4 =	ssub.s32 $0x0, s21;
	[sflag:s23] =	ssyncset.done $0x0  }
0x18: {  	[sflag:s23] =	ssyncadd.s32 s4;
	_ =	sdelay $0x1  }
0x19: {  	s24 =	simm.s32 $0x1B8B  }
0x1a: {  	_ =	swait.ge [sflag:s24], $0x1  }
0x1b: {  	[sflag:s24] =	ssyncset.done $0x0  }
0x1c: {  	s26 =	simm.s32 $0x1B8E;
	s25 =	sld [smem:$0x3FFE];
	[sflag:s24] =	ssyncadd.s32 $0xFFFFFFFF  }
0x1d: {  	s27 =	simm.s32 $execute0_lowered;
	[smem:$0x3FD2] =	sst s26  }
0x1e: {  	s5 =	sshll.u32 s27, $0x1;
	_ =	strace $0x80000049;
	[dreg:$0x1] =	wrdreg $0xFFFFFFFF  }
0x1f: {  	s28 =	simm.s32 $_size_execute0_lowered;
	s3 =	sadd.s32 s3, s5;
	[dreg:$0x0] =	wrdreg $0x0  }
0x20: {  	s5 =	sshll.u32 s28, $0x1;
	[dreg:$0x2] =	wrdreg s3  }
0x21: {  	[dreg:$0x3] =	wrdreg s5  }
0x22: {  	[dreg:$0x4] =	wrdreg $0xC0  }
0x23: {  	_ =	task [dreg:s7], $0x5FFFF  }
0x24: {  	[dreg:$0x1] =	wrdreg $0xFFFFFFFF  }
0x25: {  	[dreg:$0x0] =	wrdreg $0x60  }
0x26: {  	[dreg:$0x2] =	wrdreg s25  }
0x27: {  	[dreg:$0x3] =	wrdreg s2  }
0x28: {  	[dreg:$0x4] =	wrdreg $0x9  }
0x29: {  	_ =	task.clear_ibuf [dreg:s7], $0x5FFFF;
	_ =	strace $0x90000049  }
0x2a: {  	s29 =	simm.s32 $0x9;
	_ =	strace $0x8000004B  }
0x2b: {  	_ =	swait.ge [sflag:s29], $0x1  }
0x2c: {  	[sflag:s29] =	ssyncadd.s32 $0xFFFFFFFF  }
0x2d: {  	_ =	strace $0x9000004B  }
0x2e: {  	_ =	sfence  }
0x2f: {  	s30 =	sld [smem:$0x0];
	_ =	sdelay $0x2  }
0x30: {  	s31 =	sshll.u32 s1, $0xD;
	s1 =	sshrl.u32 s1, $0x2  }
0x31: {  	s3 =	sand.u32 $0x4000, s31;
	s1 =	sadd.s32 s1, s30  }
0x32: {  	s0 =	sor.u32 s3, s0;
	s1 =	sshll.u32 s1, $0x11  }
0x33: {  	s0 =	sor.u32 s1, s0  }
0x34: {  	s0 =	sadd.s32 $0x8F2B, s0  }
0x35: {  	[sflag:s0] =	ssyncadd.remote.s32 $0x1  }
0x36: {  	_ =	sfence.sel $0xFFFF  }
0x37: {  	[dreg:$0x0] =	wrdreg $0xFFFFFFFF;
	(pc) =	sbr.abs _section_cstart, $3  }
0x38: {  	[dreg:$0x1] =	wrdreg $0xFFFFFFFF  }
0x39: {  	_ =	task.clear_ibuf [dreg:s7], $0x2FFFF;
	_ =	strace $0x9FFFFFFF  }
0x3a: {  	(tm) =	ssettm $0x7FFFFFFF  }
0x3b: {  	_ =	shalt  }
tec
execute0_lowered:
.L_overlay_start_1:
0x0: {  	(tag) =	ssettag $0x1  }
0x1: {  	s0 =	stileid.u32;
	s6 =	rddreg [dreg:$0x0]  }
0x2: {  	s2 =	rddreg [dreg:$0x1];
	s5 =	srdreg.scid  }
0x3: {  	s31 =	simm.s32 $0x2;
	s13 =	simm.s32 $0x0;
	s1 =	sshll.u32 s0, $0x7  }
0x4: {  	s14 =	simm.s32 $0x0;
	s12 =	simm.s32 $0x0;
	s3 =	sand.u32 $0x380, s1  }
0x5: {  	s5 =	sshll.u32 s5, $0x4;
	s6 =	sadd.s32 $0x800, s6;
	s4 =	ssub.s32 $0x400, s3  }
0x6: {  	s1 =	rddreg [dreg:$0x2];
	_ =	strace $0x8000004A;
	s7 =	sand.u32 $0x380, s4  }
0x7: {  	s5 =	sand.u32 $0x10, s5;
	p0 =	sne.s32 s7, $0x0;
	s7 =	simm.s32 $0x1  }
.Ltmp0:
0x8: {  	s8 =	sshrl.u32 s4, $0xA;
	s7 =	simm.s32 @!p0 $0x0;
	(pc) =	sbr.rel .LBB1_1-.Ltmp0, $4  }
0x9: {  	s9 =	sor.u32 s0, s5;
	s4 =	simm.s32 $0x1;
	s30 =	sadd.s32 s7, s8  }
0xa: {  	s11 =	smov.u32 s3;
	[sflag:s4] =	ssyncpa.u1 $0x0;
	s5 =	smul.u32 $0x271, s30  }
0xb: {  	[sflag:s31] =	ssyncpa.u1 $0x0;
	p0 =	por $0x0, $0x0;
	s7 =	sshrl.u32 s9, $0x3  }
0xc: {  	s9 =	simm.s32 $0x2000;
	s10 =	smov.u32 s7;
	s8 =	sadd.s32 $0x1, s5  }
.LBB1_4:
0xd: {  	s16 =	sand.u32 $0xF80, s14;
	s13 =	sshll.u32 s13, $0xC  }
0xe: {  	s18 =	sshrl.u32 s14, $0x3;
	s31 =	sand.u32 $0x7, s14;
	s16 =	sadd.s32 s2, s16  }
0xf: {  	s18 =	sand.u32 $0xF, s18;
	s14 =	sshll.u32 s31, $0x12;
	s13 =	sadd.s32 s13, s16  }
0x10: {  	[tilespmem:s17+$0x0 ss:$0x81] =	vst.msk $0xffff, v0;
	s14 =	sor.u32 $0x400, s14;
	s13 =	sadd.s32 s18, s13  }
0x11: {  	[hbm4b:s13+s14] =	stream.strided.scatter [tilespmem:s15], [sflag:$0x2], $0x1000, s9, s14, $0x20;
	[tilespmem:$0x4040] =	vst v63  }
.LBB1_5:
0x12: {  	s15 =	sadd.s32 $0x4, s10  }
0x13: {  	s13 =	sadd.s32 $0x400, s11;
	s17 =	smov.u32 s11;
	p2 =	sgt.s32 s15, $0x9C3  }
0x14: {  	s17 =	smov.u32 @p2 s13  }
0x15: {  	s15 =	smov.u32 @p2 s7;
	p2 =	sgt.s32 s17, $0x3FF  }
0x16: {  	s17 =	smov.u32 @p2 s3;
	p2 =	sne.s32 s12, s8  }
.Ltmp1:
0x17: {  	p1 =	slt.u32 s12, $0x2;
	(pc) =	sbr.rel @!p2 .LBB1_6-.Ltmp1, $4  }
0x18: {  	s16 =	simm.s32 @!p1 $0x2  }
0x19: {  	s14 =	smov.u32 s11;
	p0 =	por !p0, !p0;
	_ =	swait.ge @!p1 [sflag:s16], $0x1000  }
0x1a: {  	s13 =	smov.u32 s10;
	[sflag:s16] =	ssyncset.done @!p1 $0x0;
	s10 =	smov.u32 s15  }
0x1b: {  	s12 =	sadd.s32 $0x1, s12;
	[sflag:s16] =	ssyncadd.s32 @!p1 $0xFFFFF000;
	s11 =	smov.u32 s17  }
.LBB1_1:
0x1c: {  	p1 =	sge.u32 s12, s5  }
0x1d: {  	s15 =	sand.u32 @!p1 $0x1FFFFFF, s10  }
0x1e: {  	s16 =	smulhi.u32 @!p1 $0x1A2C2A9, s15;
	_ =	sdelay $0x1  }
0x1f: {  	s16 =	sshrl.u32 @!p1 s16, $0x4  }
0x20: {  	s16 =	smul.u32 @!p1 $0x9C8, s16  }
0x21: {  	s17 =	sxor.u32 @!p1 $0xFFFFFFFF, s12;
	s18 =	smul.u32 @!p1 $0x9C80, s11  }
0x22: {  	s31 =	sadd.s32 $0xFFFFFFFF, s12;
	s17 =	sshll.u32 @!p1 s17, $0xC;
	s15 =	ssub.s32 @!p1 s15, s16  }
0x23: {  	s16 =	sand.u32 @!p1 $0x1000, s17;
	s17 =	sadd.s32 @!p1 s6, s18;
	s15 =	sshll.u32 @!p1 s15, $0x4  }
0x24: {  	s18 =	simm.s32 @!p1 $0x4E400;
	s15 =	sadd.s32 @!p1 s15, s17;
	s17 =	simm.s32 @!p1 $0x20  }
0x25: {  	[tilespmem:s16], [sflag:$0x1] =	stream.strided.gather @!p1 [hbm4b:s15+s17], $0x1000, s18, s17, $0x38;
	[tilespmem:$0x4040] =	vst v63  }
0x26: {  	p1 =	sge.u32 s31, s5  }
.Ltmp2:
0x27: {  	_ = 	snop;
	(pc) =	sbr.rel @p1 .LBB1_5-.Ltmp2, $1  }
0x28: {  	_ =	sdelay $0x3  }
0x29: {  	s15 =	simm.s32 $0x1  }
0x2a: {  	_ =	swait.ge [sflag:s4], $0x1000;
	s15 =	simm.s32 @!p0 $0x0  }
0x2b: {  	[sflag:s4] =	ssyncset.done $0x0;
	s16 =	sshll.u32 s15, $0xC  }
0x2c: {  	[sflag:s4] =	ssyncadd.s32 $0xFFFFF000;
	s19 =	sor.u32 $0x10, s16  }
0x2d: {  	s15 =	smul.u32 $0x4080, s15;
	v1 =	vld [tilespmem:s19+$0x0]  }
0x2e: {  	s30 =	sand.u32 $0x1, s12;
	v0 =	vld [tilespmem:s19+$0xFFFFFFF0]  }
0x2f: {  	s17 =	smul.u32 $0x4080, s30;
	s15 =	sshrl.u32 s15, $0x2  }
0x30: {  	s16 =	sor.u32 $0x2000, s15  }
0x31: {  	s31 =	sshrl.u32 s17, $0x2;
	s17 =	sadd.s32 $0x0, s16  }
0x32: {  	s18 =	simm.s32 $0x4;
	s19 =	sadd.s32 $0x20, s19;
	s15 =	sor.u32 $0x2000, s31;
	[tilespmem:s17+$0x810 ss:$0x81] =	vst.msk $0xffff, v1  }
.LBB1_3:
0x33: {  	v1 =	vld [tilespmem:s19+$0x0];
	p1 =	sne.s32 s18, $0x1FC;
	[tilespmem:s17+$0x0 ss:$0x81] =	vst.msk $0xffff, v0;
	s17 =	smov.u32 s18;
	s18 =	sadd.s32 $0x4, s18  }
.Ltmp3:
0x34: {  	v0 =	vld [tilespmem:s19+$0xFFFFFFF0];
	(pc) =	sbr.rel @p1 .LBB1_3-.Ltmp3, $4  }
0x35: {  	_ = 	snop  }
0x36: {  	s17 =	sshra.s32 s17, $0x2  }
0x37: {  	s17 =	sadd.s32 s17, s16  }
0x38: {  	s19 =	sadd.s32 $0x20, s19;
	[tilespmem:s17+$0x810 ss:$0x81] =	vst.msk $0xffff, v1  }
.Ltmp4:
0x39: {  	_ = 	snop;
	(pc) =	sbr.rel .LBB1_4-.Ltmp4, $1  }
0x3a: {  	_ =	sdelay $0x3  }
.LBB1_6:
0x3b: {  	_ =	sfence.sel $0x180000  }
0x3c: {  	s2 =	simm.s32 $0x1;
	[bflag:$0x0] =	sbarrier.arrive $0xFFFF  }
0x3d: {  	s31 =	simm.s32 $0x2;
	[sflag:s2] =	ssyncpa.u1 $0x1  }
0x3e: {  	[sflag:s31] =	ssyncpa.u1 $0x1  }
0x3f: {  	p0 =	sne.s32 s0, $0x0;
	_ =	strace $0x9000004A  }
0x40: {  	s0 =	sadd.s32 @!p0 $0x100000, s1;
	[bflag:$0x2] =	sbarrier.arrive $0xFFFF  }
0x41: {  	[sflag:s0] =	ssyncadd.tile.s32 @!p0 $0x1;
	_ =	shalt  }
.Lfunc_end1:
_tile_overlayer_lowered:
.L_overlay_start_2:
0x42: {  	(tag) =	ssettag $0x2  }
0x43: {  	s0 =	rddreg [dreg:$0x0];
	s2 =	stileid.u32  }
0x44: {  	s1 =	rddreg [dreg:$0x1];
	p0 =	sne.s32 s2, $0x0  }
0x45: {  	s3 =	rddreg [dreg:$0x2];
	[bflag:$0x3] =	sbarrier.arrive $0xFFFF;
	s2 =	simm.s32 @!p0 $0x1C01  }
0x46: {  	[timem:s3], [sflag:s2] =	dma.local @!p0 [hbm:s0], s1  }
0x47: {  	s0 =	simm.s32 @!p0 $0x1  }
0x48: {  	_ =	swait.ge @!p0 [sflag:s0], s1  }
0x49: {  	s1 =	ssub.s32 @!p0 $0x0, s1;
	[sflag:s0] =	ssyncset.done @!p0 $0x0  }
0x4a: {  	[sflag:s0] =	ssyncadd.s32 @!p0 s1  }
0x4b: {  	[bflag:$0x3] =	sbarrier.arrive $0xFFFF  }
0x4c: {  	_ =	shalt  }

</sc_bundles>
